<compile_context>
chip_gen: v7x
topology: tpu7x:2x2x1
jax: 0.10.2.dev20260603
libtpu: 0.0.44.dev20260713+nightly
codegen_flags: <defaults>
</compile_context>

<pallas_src>
import functools

import jax
import jax.numpy as jnp
from jax.experimental import pallas as pl
from jax.experimental.pallas import tpu as pltpu
from jax.experimental.pallas import tpu_sc as plsc

EMB = 32
N_FIELDS = 4
WIN = 1024


def kernel(x, T0, T1, T2, T3):
    F, B, S = x.shape
    x = x.astype(jnp.int32)

    xt = jnp.transpose(x, (0, 2, 1))

    mesh = plsc.VectorSubcoreMesh(
        core_axis_name="core", subcore_axis_name="subcore"
    )

    @functools.partial(
        pl.kernel,
        out_type=jax.ShapeDtypeStruct((B, S, N_FIELDS * EMB), jnp.float32),
        mesh=mesh,
        compiler_params=pltpu.CompilerParams(use_tc_tiling_on_sc=False),
    )
    def sc_gather(x_hbm, t0, t1, t2, t3, out_hbm):
        tabs = [t0, t1, t2, t3]
        for f in range(N_FIELDS):
            table = tabs[f]

            def body(i_vmem, o_vmem, table=table):
                pltpu.sync_copy(table.at[i_vmem.at[0, 0]], o_vmem.at[:, 0])

            nj = B // WIN
            pltpu.emit_pipeline(
                body,
                grid=(S * nj,),
                in_specs=[
                    pl.BlockSpec(
                        (1, 1, WIN),
                        index_map=lambda i, f=f: (f, i // nj, i % nj),
                    )
                ],
                out_specs=[
                    pl.BlockSpec(
                        (WIN, 1, EMB),
                        index_map=lambda i, f=f: (i % nj, i // nj, f),
                    )
                ],
                core_axis_name=("core", "subcore"),
                dimension_semantics=(pltpu.PARALLEL,),
            )(x_hbm, out_hbm)

    out = sc_gather(xt, T0, T1, T2, T3)
    return out

# --- scband reference (transcript-rebuilt; emitter-appended) ---
"""Pipeline reference for scband-cascade-embedding-43800076485153 (READ-ONLY COPY).

The authoritative reference and input builder live on the scoring server;
editing this copy changes nothing except your own understanding.
"""

import jax, jax.numpy as jnp
import numpy as np

VOCAB = 100000
EMB_DIM = 32
N_FIELDS = 4
BATCH = 4096
SEQ = 200

def setup_inputs(seed: int = 0) -> dict:
    key = jax.random.key(seed)
    keys = jax.random.split(key, N_FIELDS + 1)
    x = jax.random.randint(keys[0], (N_FIELDS, BATCH, SEQ), 0, VOCAB)
    inp = {"x": x}
    for i in range(N_FIELDS):
        inp[f"T{i}"] = jax.random.normal(keys[i + 1], (VOCAB, EMB_DIM), dtype=jnp.float32) * 0.02
    return inp

def reference(x, T0, T1, T2, T3):
    # CascadeEmbedding.forward: zip(x, embeddings) iterates over leading dim of x;
    # each field i is embedded via its own table, results concatenated on dim=2.
    tables = [T0, T1, T2, T3]
    embs = [jnp.take(tables[i], x[i], axis=0) for i in range(len(tables))]
    return jnp.concatenate(embs, axis=2)

if __name__ == "__main__":
    import jax
    _d = setup_inputs()
    print(jax.jit(kernel)(*tuple(_d.values())))

</pallas_src>

<mosaic_0001>
#map = affine_map<(d0, d1) -> (0, 0, 0)>
#map1 = affine_map<(d0, d1) -> (0, 0)>
module attributes {stable_mosaic.version = 14 : i64} {
  func.func @sc_gather(%arg0: i32, %arg1: i32, %arg2: memref<4x200x4096xi32, #tpu.memory_space<hbm>>, %arg3: memref<100000x32xf32, #tpu.memory_space<hbm>>, %arg4: memref<100000x32xf32, #tpu.memory_space<hbm>>, %arg5: memref<100000x32xf32, #tpu.memory_space<hbm>>, %arg6: memref<100000x32xf32, #tpu.memory_space<hbm>>, %arg7: memref<4096x200x128xf32, #tpu.memory_space<hbm>>) attributes {dimension_semantics = [#tpu.dimension_semantics<core_parallel>, #tpu.dimension_semantics<subcore_parallel>], iteration_bounds = array<i64: 2, 16>, scalar_prefetch = 0 : i64, scratch_operands = 0 : i64, tpu.core_type = #tpu.core_type<sc_vector_subcore>, window_params = [{transform_indices = #map}, {transform_indices = #map1}, {transform_indices = #map1}, {transform_indices = #map1}, {transform_indices = #map1}, {transform_indices = #map}]} {
    %mul3A = arith.constant 1 : i32
    %mul3A_0 = arith.muli %arg1, %mul3A : i32
    %add3A = arith.constant 0 : i32
    %add3A_1 = arith.addi %add3A, %mul3A_0 : i32
    %mul3A_2 = arith.constant 16 : i32
    %mul3A_3 = arith.muli %arg0, %mul3A_2 : i32
    %add3A_4 = arith.addi %add3A_1, %mul3A_3 : i32
    %mul3A_5 = arith.constant 25 : i32
    %mul3A_6 = arith.muli %add3A_4, %mul3A_5 : i32
    "tpu.region"() ({
      %run_scoped3A = memref.alloca() : memref<2x1x1x1024xi32, #tpu.memory_space<vmem>>
      %run_scoped3A_34 = tpu.sem_alloc : memref<2x!tpu.dma_semaphore, #tpu.memory_space<semaphore_mem>>
      %run_scoped3A_35 = memref.alloca() : memref<2x1024x1x32xf32, #tpu.memory_space<vmem>>
      %run_scoped3A_36 = tpu.sem_alloc : memref<2x!tpu.dma_semaphore, #tpu.memory_space<semaphore_mem>>
      %add3A_37 = arith.constant 0 : i32
      %add3A_38 = arith.addi %add3A_37, %mul3A_6 : i32
      %select_n3A = arith.constant true
      %select_n3A_39 = arith.constant 0 : i32
      %select_n3A_40 = arith.constant -1 : i32
      %select_n3A_41 = arith.select %select_n3A, %select_n3A_40, %select_n3A_39 : i32
      %eq3A = arith.constant -1 : i32
      %eq3A_42 = arith.cmpi eq, %select_n3A_41, %eq3A : i32
      %select_n3A_43 = arith.constant 24 : i32
      %select_n3A_44 = arith.select %eq3A_42, %select_n3A_43, %select_n3A_41 : i32
      %add3A_45 = arith.addi %select_n3A_44, %mul3A_6 : i32
      %select_n3A_46 = arith.constant true
      %select_n3A_47 = arith.constant 0 : i32
      %select_n3A_48 = arith.constant 1 : i32
      %select_n3A_49 = arith.select %select_n3A_46, %select_n3A_48, %select_n3A_47 : i32
      %eq3A_50 = arith.constant 25 : i32
      %eq3A_51 = arith.cmpi eq, %select_n3A_49, %eq3A_50 : i32
      %select_n3A_52 = arith.constant 0 : i32
      %select_n3A_53 = arith.select %eq3A_51, %select_n3A_52, %select_n3A_49 : i32
      %add3A_54 = arith.addi %select_n3A_53, %mul3A_6 : i32
      %add3A_55 = arith.constant 1 : i32
      %add3A_56 = arith.addi %select_n3A_53, %add3A_55 : i32
      %select_n3A_57 = arith.constant true
      %select_n3A_58 = arith.select %select_n3A_57, %add3A_56, %select_n3A_53 : i32
      %eq3A_59 = arith.constant 25 : i32
      %eq3A_60 = arith.cmpi eq, %select_n3A_58, %eq3A_59 : i32
      %select_n3A_61 = arith.constant 0 : i32
      %select_n3A_62 = arith.select %eq3A_60, %select_n3A_61, %select_n3A_58 : i32
      %add3A_63 = arith.addi %select_n3A_62, %mul3A_6 : i32
      "tpu.trace_start"() <{level = 10 : i32, message = "ep_initialize_0"}> : () -> ()
      %rem3A = arith.constant 0 : i32
      %rem3A_64 = arith.constant 2 : i32
      %rem3A_65 = arith.remui %rem3A, %rem3A_64 : i32
      %jit3A = arith.constant 4 : i32
      %div3A = arith.divsi %add3A_38, %jit3A : i32
      %sign3A = arith.constant 0 : i32
      %sign3A_66 = arith.cmpi sgt, %add3A_38, %sign3A : i32
      %sign3A_67 = arith.extui %sign3A_66 : i1 to i32
      %sign3A_68 = arith.constant 0 : i32
      %sign3A_69 = arith.cmpi slt, %add3A_38, %sign3A_68 : i32
      %sign3A_70 = arith.extui %sign3A_69 : i1 to i32
      %sign3A_71 = arith.subi %sign3A_67, %sign3A_70 : i32
      %sign3A_72 = arith.constant 0 : i32
      %sign3A_73 = arith.cmpi sgt, %jit3A, %sign3A_72 : i32
      %sign3A_74 = arith.extui %sign3A_73 : i1 to i32
      %sign3A_75 = arith.constant 0 : i32
      %sign3A_76 = arith.cmpi slt, %jit3A, %sign3A_75 : i32
      %sign3A_77 = arith.extui %sign3A_76 : i1 to i32
      %sign3A_78 = arith.subi %sign3A_74, %sign3A_77 : i32
      %ne3A = arith.cmpi ne, %sign3A_71, %sign3A_78 : i32
      %rem3A_79 = arith.remsi %add3A_38, %jit3A : i32
      %ne3A_80 = arith.constant 0 : i32
      %ne3A_81 = arith.cmpi ne, %rem3A_79, %ne3A_80 : i32
      %and3A = arith.andi %ne3A, %ne3A_81 : i1
      %sub3A = arith.constant 1 : i32
      %sub3A_82 = arith.subi %div3A, %sub3A : i32
      %select_n3A_83 = arith.select %and3A, %sub3A_82, %div3A : i32
      %jit3A_84 = arith.constant 4 : i32
      %eq3A_85 = arith.constant 0 : i32
      %eq3A_86 = arith.cmpi eq, %jit3A_84, %eq3A_85 : i32
      %jit3A_87 = arith.constant 1 : i32
      %select_n3A_88 = arith.select %eq3A_86, %jit3A_87, %jit3A_84 : i32
      %rem3A_89 = arith.remsi %add3A_38, %select_n3A_88 : i32
      %ne3A_90 = arith.constant 0 : i32
      %ne3A_91 = arith.cmpi ne, %rem3A_89, %ne3A_90 : i32
      %lt3A = arith.constant 0 : i32
      %lt3A_92 = arith.cmpi slt, %rem3A_89, %lt3A : i32
      %lt3A_93 = arith.constant 0 : i32
      %lt3A_94 = arith.cmpi slt, %select_n3A_88, %lt3A_93 : i32
      %ne3A_95 = arith.xori %lt3A_92, %lt3A_94 : i1
      %and3A_96 = arith.andi %ne3A_95, %ne3A_91 : i1
      %add3A_97 = arith.addi %rem3A_89, %select_n3A_88 : i32
      %select_n3A_98 = arith.select %and3A_96, %add3A_97, %rem3A_89 : i32
      %mul3A_99 = arith.constant 1 : i32
      %mul3A_100 = arith.muli %mul3A_99, %select_n3A_83 : i32
      %mul3A_101 = arith.constant 1024 : i32
      %mul3A_102 = arith.muli %mul3A_101, %select_n3A_98 : i32
      %dma_start3A = arith.constant 0 : i32
      %dma_start3A_103 = arith.constant 0 : i32
      %dma_start3A_104 = arith.constant 0 : i32
      %dma_start3A_105 = tpu.memref_slice %run_scoped3A[%rem3A_65, %dma_start3A, %dma_start3A_103, %dma_start3A_104] : memref<2x1x1x1024xi32, #tpu.memory_space<vmem>> -> memref<1x1x1x1024xi32, #tpu.memory_space<vmem>>
      %dma_start3A_106 = tpu.memref_squeeze %dma_start3A_105 : memref<1x1x1x1024xi32, #tpu.memory_space<vmem>> -> memref<1x1x1024xi32, #tpu.memory_space<vmem>>
      %dma_start3A_107 = arith.constant 0 : i32
      %dma_start3A_108 = tpu.memref_slice %arg2[%dma_start3A_107, %mul3A_100, %mul3A_102] : memref<4x200x4096xi32, #tpu.memory_space<hbm>> -> memref<1x1x1024xi32, #tpu.memory_space<hbm>>
      %dma_start3A_109 = tpu.memref_slice %run_scoped3A_34[%rem3A_65] : memref<2x!tpu.dma_semaphore, #tpu.memory_space<semaphore_mem>> -> memref<1x!tpu.dma_semaphore, #tpu.memory_space<semaphore_mem>>
      %dma_start3A_110 = tpu.memref_squeeze %dma_start3A_109 : memref<1x!tpu.dma_semaphore, #tpu.memory_space<semaphore_mem>> -> memref<!tpu.dma_semaphore, #tpu.memory_space<semaphore_mem>>
      %dma_start3A_111 = arith.constant 0 : i32
      %dma_start3A_112 = arith.constant 0 : i32
      %dma_start3A_113 = arith.constant 0 : i32
      %dma_start3A_114 = tpu.memref_slice %run_scoped3A[%rem3A_65, %dma_start3A_111, %dma_start3A_112, %dma_start3A_113] : memref<2x1x1x1024xi32, #tpu.memory_space<vmem>> -> memref<1x1x1x1024xi32, #tpu.memory_space<vmem>>
      %dma_start3A_115 = tpu.memref_squeeze %dma_start3A_114 : memref<1x1x1x1024xi32, #tpu.memory_space<vmem>> -> memref<1x1x1024xi32, #tpu.memory_space<vmem>>
      %dma_start3A_116 = arith.constant 0 : i32
      %dma_start3A_117 = tpu.memref_slice %arg2[%dma_start3A_116, %mul3A_100, %mul3A_102] : memref<4x200x4096xi32, #tpu.memory_space<hbm>> -> memref<1x1x1024xi32, #tpu.memory_space<hbm>>
      tpu.enqueue_dma source(%dma_start3A_117 : memref<1x1x1024xi32, #tpu.memory_space<hbm>>) target(%dma_start3A_115 : memref<1x1x1024xi32, #tpu.memory_space<vmem>>) target_semaphore(%dma_start3A_110 : memref<!tpu.dma_semaphore, #tpu.memory_space<semaphore_mem>>)
      %add3A_118 = arith.constant 0 : i32
      %add3A_119 = arith.constant 1 : i32
      %add3A_120 = arith.addi %add3A_118, %add3A_119 : i32
      %select_n3A_121 = arith.constant true
      %select_n3A_122 = arith.constant 0 : i32
      %select_n3A_123 = arith.select %select_n3A_121, %add3A_120, %select_n3A_122 : i32
      "tpu.trace_stop"() : () -> ()
      %scan3A = arith.constant 0 : i32
      %scan3A_124 = arith.constant 0 : i32
      %scan3A_125 = arith.constant 0 : i32
      %scan3A_126 = arith.constant 0 : i32
      %scan3A_127 = arith.constant 0 : i32
      %scan3A_128 = arith.constant 25 : i32
      %scan3A_129 = arith.addi %scan3A_127, %scan3A_128 : i32
      %scan3A_130 = arith.constant 1 : i32
      %scan3A_131:5 = scf.for %scan3A_230 = %scan3A_127 to %scan3A_129 step %scan3A_130 iter_args(%scan3A_231 = %select_n3A_123, %scan3A_232 = %scan3A, %scan3A_233 = %scan3A_124, %scan3A_234 = %scan3A_125, %scan3A_235 = %scan3A_126) -> (i32, i32, i32, i32, i32)  : i32 {
        %eq3A_236 = arith.constant 0 : i32
        %eq3A_237 = arith.cmpi eq, %scan3A_230, %eq3A_236 : i32
        %eq3A_238 = arith.constant 24 : i32
        %eq3A_239 = arith.cmpi eq, %scan3A_230, %eq3A_238 : i32
        %add3A_240 = arith.addi %scan3A_235, %mul3A_6 : i32
        %sub3A_241 = arith.constant 1 : i32
        %sub3A_242 = arith.subi %scan3A_235, %sub3A_241 : i32
        %select_n3A_243 = arith.constant true
        %select_n3A_244 = arith.select %select_n3A_243, %sub3A_242, %scan3A_235 : i32
        %eq3A_245 = arith.constant -1 : i32
        %eq3A_246 = arith.cmpi eq, %select_n3A_244, %eq3A_245 : i32
        %select_n3A_247 = arith.constant 24 : i32
        %select_n3A_248 = arith.select %eq3A_246, %select_n3A_247, %select_n3A_244 : i32
        %add3A_249 = arith.addi %select_n3A_248, %mul3A_6 : i32
        %add3A_250 = arith.constant 1 : i32
        %add3A_251 = arith.addi %scan3A_235, %add3A_250 : i32
        %select_n3A_252 = arith.constant true
        %select_n3A_253 = arith.select %select_n3A_252, %add3A_251, %scan3A_235 : i32
        %eq3A_254 = arith.constant 25 : i32
        %eq3A_255 = arith.cmpi eq, %select_n3A_253, %eq3A_254 : i32
        %select_n3A_256 = arith.constant 0 : i32
        %select_n3A_257 = arith.select %eq3A_255, %select_n3A_256, %select_n3A_253 : i32
        %add3A_258 = arith.addi %select_n3A_257, %mul3A_6 : i32
        %add3A_259 = arith.constant 1 : i32
        %add3A_260 = arith.addi %select_n3A_257, %add3A_259 : i32
        %select_n3A_261 = arith.constant true
        %select_n3A_262 = arith.select %select_n3A_261, %add3A_260, %select_n3A_257 : i32
        %eq3A_263 = arith.constant 25 : i32
        %eq3A_264 = arith.cmpi eq, %select_n3A_262, %eq3A_263 : i32
        %select_n3A_265 = arith.constant 0 : i32
        %select_n3A_266 = arith.select %eq3A_264, %select_n3A_265, %select_n3A_262 : i32
        %add3A_267 = arith.addi %select_n3A_266, %mul3A_6 : i32
        %jit3A_268 = arith.constant 4 : i32
        %div3A_269 = arith.divsi %add3A_240, %jit3A_268 : i32
        %sign3A_270 = arith.constant 0 : i32
        %sign3A_271 = arith.cmpi sgt, %add3A_240, %sign3A_270 : i32
        %sign3A_272 = arith.extui %sign3A_271 : i1 to i32
        %sign3A_273 = arith.constant 0 : i32
        %sign3A_274 = arith.cmpi slt, %add3A_240, %sign3A_273 : i32
        %sign3A_275 = arith.extui %sign3A_274 : i1 to i32
        %sign3A_276 = arith.subi %sign3A_272, %sign3A_275 : i32
        %sign3A_277 = arith.constant 0 : i32
        %sign3A_278 = arith.cmpi sgt, %jit3A_268, %sign3A_277 : i32
        %sign3A_279 = arith.extui %sign3A_278 : i1 to i32
        %sign3A_280 = arith.constant 0 : i32
        %sign3A_281 = arith.cmpi slt, %jit3A_268, %sign3A_280 : i32
        %sign3A_282 = arith.extui %sign3A_281 : i1 to i32
        %sign3A_283 = arith.subi %sign3A_279, %sign3A_282 : i32
        %ne3A_284 = arith.cmpi ne, %sign3A_276, %sign3A_283 : i32
        %rem3A_285 = arith.remsi %add3A_240, %jit3A_268 : i32
        %ne3A_286 = arith.constant 0 : i32
        %ne3A_287 = arith.cmpi ne, %rem3A_285, %ne3A_286 : i32
        %and3A_288 = arith.andi %ne3A_284, %ne3A_287 : i1
        %sub3A_289 = arith.constant 1 : i32
        %sub3A_290 = arith.subi %div3A_269, %sub3A_289 : i32
        %select_n3A_291 = arith.select %and3A_288, %sub3A_290, %div3A_269 : i32
        %jit3A_292 = arith.constant 4 : i32
        %eq3A_293 = arith.constant 0 : i32
        %eq3A_294 = arith.cmpi eq, %jit3A_292, %eq3A_293 : i32
        %jit3A_295 = arith.constant 1 : i32
        %select_n3A_296 = arith.select %eq3A_294, %jit3A_295, %jit3A_292 : i32
        %rem3A_297 = arith.remsi %add3A_240, %select_n3A_296 : i32
        %ne3A_298 = arith.constant 0 : i32
        %ne3A_299 = arith.cmpi ne, %rem3A_297, %ne3A_298 : i32
        %lt3A_300 = arith.constant 0 : i32
        %lt3A_301 = arith.cmpi slt, %rem3A_297, %lt3A_300 : i32
        %lt3A_302 = arith.constant 0 : i32
        %lt3A_303 = arith.cmpi slt, %select_n3A_296, %lt3A_302 : i32
        %ne3A_304 = arith.xori %lt3A_301, %lt3A_303 : i1
        %and3A_305 = arith.andi %ne3A_304, %ne3A_299 : i1
        %add3A_306 = arith.addi %rem3A_297, %select_n3A_296 : i32
        %select_n3A_307 = arith.select %and3A_305, %add3A_306, %rem3A_297 : i32
        %jit3A_308 = arith.constant 4 : i32
        %div3A_309 = arith.divsi %add3A_258, %jit3A_308 : i32
        %sign3A_310 = arith.constant 0 : i32
        %sign3A_311 = arith.cmpi sgt, %add3A_258, %sign3A_310 : i32
        %sign3A_312 = arith.extui %sign3A_311 : i1 to i32
        %sign3A_313 = arith.constant 0 : i32
        %sign3A_314 = arith.cmpi slt, %add3A_258, %sign3A_313 : i32
        %sign3A_315 = arith.extui %sign3A_314 : i1 to i32
        %sign3A_316 = arith.subi %sign3A_312, %sign3A_315 : i32
        %sign3A_317 = arith.constant 0 : i32
        %sign3A_318 = arith.cmpi sgt, %jit3A_308, %sign3A_317 : i32
        %sign3A_319 = arith.extui %sign3A_318 : i1 to i32
        %sign3A_320 = arith.constant 0 : i32
        %sign3A_321 = arith.cmpi slt, %jit3A_308, %sign3A_320 : i32
        %sign3A_322 = arith.extui %sign3A_321 : i1 to i32
        %sign3A_323 = arith.subi %sign3A_319, %sign3A_322 : i32
        %ne3A_324 = arith.cmpi ne, %sign3A_316, %sign3A_323 : i32
        %rem3A_325 = arith.remsi %add3A_258, %jit3A_308 : i32
        %ne3A_326 = arith.constant 0 : i32
        %ne3A_327 = arith.cmpi ne, %rem3A_325, %ne3A_326 : i32
        %and3A_328 = arith.andi %ne3A_324, %ne3A_327 : i1
        %sub3A_329 = arith.constant 1 : i32
        %sub3A_330 = arith.subi %div3A_309, %sub3A_329 : i32
        %select_n3A_331 = arith.select %and3A_328, %sub3A_330, %div3A_309 : i32
        %jit3A_332 = arith.constant 4 : i32
        %eq3A_333 = arith.constant 0 : i32
        %eq3A_334 = arith.cmpi eq, %jit3A_332, %eq3A_333 : i32
        %jit3A_335 = arith.constant 1 : i32
        %select_n3A_336 = arith.select %eq3A_334, %jit3A_335, %jit3A_332 : i32
        %rem3A_337 = arith.remsi %add3A_258, %select_n3A_336 : i32
        %ne3A_338 = arith.constant 0 : i32
        %ne3A_339 = arith.cmpi ne, %rem3A_337, %ne3A_338 : i32
        %lt3A_340 = arith.constant 0 : i32
        %lt3A_341 = arith.cmpi slt, %rem3A_337, %lt3A_340 : i32
        %lt3A_342 = arith.constant 0 : i32
        %lt3A_343 = arith.cmpi slt, %select_n3A_336, %lt3A_342 : i32
        %ne3A_344 = arith.xori %lt3A_341, %lt3A_343 : i1
        %and3A_345 = arith.andi %ne3A_344, %ne3A_339 : i1
        %add3A_346 = arith.addi %rem3A_337, %select_n3A_336 : i32
        %select_n3A_347 = arith.select %and3A_345, %add3A_346, %rem3A_337 : i32
        %ne3A_348 = arith.cmpi ne, %select_n3A_291, %select_n3A_331 : i32
        %ne3A_349 = arith.cmpi ne, %select_n3A_307, %select_n3A_347 : i32
        %or3A = arith.constant false
        %or3A_350 = arith.ori %or3A, %ne3A_348 : i1
        %or3A_351 = arith.ori %or3A_350, %ne3A_349 : i1
        %ge3A = arith.constant 24 : i32
        %ge3A_352 = arith.cmpi sge, %scan3A_230, %ge3A : i32
        %not3A = arith.constant true
        %not3A_353 = arith.xori %ge3A_352, %not3A : i1
        %and3A_354 = arith.andi %or3A_351, %not3A_353 : i1
        %convert_element_type3A = arith.extui %and3A_354 : i1 to i32
        %cond3A = arith.constant 0 : i32
        %cond3A_355 = arith.cmpi ne, %convert_element_type3A, %cond3A : i32
        scf.if %cond3A_355 {
          "tpu.trace_start"() <{level = 10 : i32, message = "ep_copy_in"}> : () -> ()
          %rem3A_1115 = arith.constant 2 : i32
          %rem3A_1116 = arith.remui %scan3A_231, %rem3A_1115 : i32
          %jit3A_1117 = arith.constant 4 : i32
          %div3A_1118 = arith.divsi %add3A_258, %jit3A_1117 : i32
          %sign3A_1119 = arith.constant 0 : i32
          %sign3A_1120 = arith.cmpi sgt, %add3A_258, %sign3A_1119 : i32
          %sign3A_1121 = arith.extui %sign3A_1120 : i1 to i32
          %sign3A_1122 = arith.constant 0 : i32
          %sign3A_1123 = arith.cmpi slt, %add3A_258, %sign3A_1122 : i32
          %sign3A_1124 = arith.extui %sign3A_1123 : i1 to i32
          %sign3A_1125 = arith.subi %sign3A_1121, %sign3A_1124 : i32
          %sign3A_1126 = arith.constant 0 : i32
          %sign3A_1127 = arith.cmpi sgt, %jit3A_1117, %sign3A_1126 : i32
          %sign3A_1128 = arith.extui %sign3A_1127 : i1 to i32
          %sign3A_1129 = arith.constant 0 : i32
          %sign3A_1130 = arith.cmpi slt, %jit3A_1117, %sign3A_1129 : i32
          %sign3A_1131 = arith.extui %sign3A_1130 : i1 to i32
          %sign3A_1132 = arith.subi %sign3A_1128, %sign3A_1131 : i32
          %ne3A_1133 = arith.cmpi ne, %sign3A_1125, %sign3A_1132 : i32
          %rem3A_1134 = arith.remsi %add3A_258, %jit3A_1117 : i32
          %ne3A_1135 = arith.constant 0 : i32
          %ne3A_1136 = arith.cmpi ne, %rem3A_1134, %ne3A_1135 : i32
          %and3A_1137 = arith.andi %ne3A_1133, %ne3A_1136 : i1
          %sub3A_1138 = arith.constant 1 : i32
          %sub3A_1139 = arith.subi %div3A_1118, %sub3A_1138 : i32
          %select_n3A_1140 = arith.select %and3A_1137, %sub3A_1139, %div3A_1118 : i32
          %jit3A_1141 = arith.constant 4 : i32
          %eq3A_1142 = arith.constant 0 : i32
          %eq3A_1143 = arith.cmpi eq, %jit3A_1141, %eq3A_1142 : i32
          %jit3A_1144 = arith.constant 1 : i32
          %select_n3A_1145 = arith.select %eq3A_1143, %jit3A_1144, %jit3A_1141 : i32
          %rem3A_1146 = arith.remsi %add3A_258, %select_n3A_1145 : i32
          %ne3A_1147 = arith.constant 0 : i32
          %ne3A_1148 = arith.cmpi ne, %rem3A_1146, %ne3A_1147 : i32
          %lt3A_1149 = arith.constant 0 : i32
          %lt3A_1150 = arith.cmpi slt, %rem3A_1146, %lt3A_1149 : i32
          %lt3A_1151 = arith.constant 0 : i32
          %lt3A_1152 = arith.cmpi slt, %select_n3A_1145, %lt3A_1151 : i32
          %ne3A_1153 = arith.xori %lt3A_1150, %lt3A_1152 : i1
          %and3A_1154 = arith.andi %ne3A_1153, %ne3A_1148 : i1
          %add3A_1155 = arith.addi %rem3A_1146, %select_n3A_1145 : i32
          %select_n3A_1156 = arith.select %and3A_1154, %add3A_1155, %rem3A_1146 : i32
          %mul3A_1157 = arith.constant 1 : i32
          %mul3A_1158 = arith.muli %mul3A_1157, %select_n3A_1140 : i32
          %mul3A_1159 = arith.constant 1024 : i32
          %mul3A_1160 = arith.muli %mul3A_1159, %select_n3A_1156 : i32
          %dma_start3A_1161 = arith.constant 0 : i32
          %dma_start3A_1162 = arith.constant 0 : i32
          %dma_start3A_1163 = arith.constant 0 : i32
          %dma_start3A_1164 = tpu.memref_slice %run_scoped3A[%rem3A_1116, %dma_start3A_1161, %dma_start3A_1162, %dma_start3A_1163] : memref<2x1x1x1024xi32, #tpu.memory_space<vmem>> -> memref<1x1x1x1024xi32, #tpu.memory_space<vmem>>
          %dma_start3A_1165 = tpu.memref_squeeze %dma_start3A_1164 : memref<1x1x1x1024xi32, #tpu.memory_space<vmem>> -> memref<1x1x1024xi32, #tpu.memory_space<vmem>>
          %dma_start3A_1166 = arith.constant 0 : i32
          %dma_start3A_1167 = tpu.memref_slice %arg2[%dma_start3A_1166, %mul3A_1158, %mul3A_1160] : memref<4x200x4096xi32, #tpu.memory_space<hbm>> -> memref<1x1x1024xi32, #tpu.memory_space<hbm>>
          %dma_start3A_1168 = tpu.memref_slice %run_scoped3A_34[%rem3A_1116] : memref<2x!tpu.dma_semaphore, #tpu.memory_space<semaphore_mem>> -> memref<1x!tpu.dma_semaphore, #tpu.memory_space<semaphore_mem>>
          %dma_start3A_1169 = tpu.memref_squeeze %dma_start3A_1168 : memref<1x!tpu.dma_semaphore, #tpu.memory_space<semaphore_mem>> -> memref<!tpu.dma_semaphore, #tpu.memory_space<semaphore_mem>>
          %dma_start3A_1170 = arith.constant 0 : i32
          %dma_start3A_1171 = arith.constant 0 : i32
          %dma_start3A_1172 = arith.constant 0 : i32
          %dma_start3A_1173 = tpu.memref_slice %run_scoped3A[%rem3A_1116, %dma_start3A_1170, %dma_start3A_1171, %dma_start3A_1172] : memref<2x1x1x1024xi32, #tpu.memory_space<vmem>> -> memref<1x1x1x1024xi32, #tpu.memory_space<vmem>>
          %dma_start3A_1174 = tpu.memref_squeeze %dma_start3A_1173 : memref<1x1x1x1024xi32, #tpu.memory_space<vmem>> -> memref<1x1x1024xi32, #tpu.memory_space<vmem>>
          %dma_start3A_1175 = arith.constant 0 : i32
          %dma_start3A_1176 = tpu.memref_slice %arg2[%dma_start3A_1175, %mul3A_1158, %mul3A_1160] : memref<4x200x4096xi32, #tpu.memory_space<hbm>> -> memref<1x1x1024xi32, #tpu.memory_space<hbm>>
          tpu.enqueue_dma source(%dma_start3A_1176 : memref<1x1x1024xi32, #tpu.memory_space<hbm>>) target(%dma_start3A_1174 : memref<1x1x1024xi32, #tpu.memory_space<vmem>>) target_semaphore(%dma_start3A_1169 : memref<!tpu.dma_semaphore, #tpu.memory_space<semaphore_mem>>)
          "tpu.trace_stop"() : () -> ()
        } else {
        }
        %and3A_356 = arith.constant true
        %and3A_357 = arith.andi %and3A_354, %and3A_356 : i1
        %add3A_358 = arith.constant 1 : i32
        %add3A_359 = arith.addi %scan3A_231, %add3A_358 : i32
        %select_n3A_360 = arith.select %and3A_357, %add3A_359, %scan3A_231 : i32
        %jit3A_361 = arith.constant 4 : i32
        %eq3A_362 = arith.constant 0 : i32
        %eq3A_363 = arith.cmpi eq, %jit3A_361, %eq3A_362 : i32
        %jit3A_364 = arith.constant 1 : i32
        %select_n3A_365 = arith.select %eq3A_363, %jit3A_364, %jit3A_361 : i32
        %rem3A_366 = arith.remsi %add3A_240, %select_n3A_365 : i32
        %ne3A_367 = arith.constant 0 : i32
        %ne3A_368 = arith.cmpi ne, %rem3A_366, %ne3A_367 : i32
        %lt3A_369 = arith.constant 0 : i32
        %lt3A_370 = arith.cmpi slt, %rem3A_366, %lt3A_369 : i32
        %lt3A_371 = arith.constant 0 : i32
        %lt3A_372 = arith.cmpi slt, %select_n3A_365, %lt3A_371 : i32
        %ne3A_373 = arith.xori %lt3A_370, %lt3A_372 : i1
        %and3A_374 = arith.andi %ne3A_373, %ne3A_368 : i1
        %add3A_375 = arith.addi %rem3A_366, %select_n3A_365 : i32
        %select_n3A_376 = arith.select %and3A_374, %add3A_375, %rem3A_366 : i32
        %jit3A_377 = arith.constant 4 : i32
        %div3A_378 = arith.divsi %add3A_240, %jit3A_377 : i32
        %sign3A_379 = arith.constant 0 : i32
        %sign3A_380 = arith.cmpi sgt, %add3A_240, %sign3A_379 : i32
        %sign3A_381 = arith.extui %sign3A_380 : i1 to i32
        %sign3A_382 = arith.constant 0 : i32
        %sign3A_383 = arith.cmpi slt, %add3A_240, %sign3A_382 : i32
        %sign3A_384 = arith.extui %sign3A_383 : i1 to i32
        %sign3A_385 = arith.subi %sign3A_381, %sign3A_384 : i32
        %sign3A_386 = arith.constant 0 : i32
        %sign3A_387 = arith.cmpi sgt, %jit3A_377, %sign3A_386 : i32
        %sign3A_388 = arith.extui %sign3A_387 : i1 to i32
        %sign3A_389 = arith.constant 0 : i32
        %sign3A_390 = arith.cmpi slt, %jit3A_377, %sign3A_389 : i32
        %sign3A_391 = arith.extui %sign3A_390 : i1 to i32
        %sign3A_392 = arith.subi %sign3A_388, %sign3A_391 : i32
        %ne3A_393 = arith.cmpi ne, %sign3A_385, %sign3A_392 : i32
        %rem3A_394 = arith.remsi %add3A_240, %jit3A_377 : i32
        %ne3A_395 = arith.constant 0 : i32
        %ne3A_396 = arith.cmpi ne, %rem3A_394, %ne3A_395 : i32
        %and3A_397 = arith.andi %ne3A_393, %ne3A_396 : i1
        %sub3A_398 = arith.constant 1 : i32
        %sub3A_399 = arith.subi %div3A_378, %sub3A_398 : i32
        %select_n3A_400 = arith.select %and3A_397, %sub3A_399, %div3A_378 : i32
        %jit3A_401 = arith.constant 4 : i32
        %eq3A_402 = arith.constant 0 : i32
        %eq3A_403 = arith.cmpi eq, %jit3A_401, %eq3A_402 : i32
        %jit3A_404 = arith.constant 1 : i32
        %select_n3A_405 = arith.select %eq3A_403, %jit3A_404, %jit3A_401 : i32
        %rem3A_406 = arith.remsi %add3A_258, %select_n3A_405 : i32
        %ne3A_407 = arith.constant 0 : i32
        %ne3A_408 = arith.cmpi ne, %rem3A_406, %ne3A_407 : i32
        %lt3A_409 = arith.constant 0 : i32
        %lt3A_410 = arith.cmpi slt, %rem3A_406, %lt3A_409 : i32
        %lt3A_411 = arith.constant 0 : i32
        %lt3A_412 = arith.cmpi slt, %select_n3A_405, %lt3A_411 : i32
        %ne3A_413 = arith.xori %lt3A_410, %lt3A_412 : i1
        %and3A_414 = arith.andi %ne3A_413, %ne3A_408 : i1
        %add3A_415 = arith.addi %rem3A_406, %select_n3A_405 : i32
        %select_n3A_416 = arith.select %and3A_414, %add3A_415, %rem3A_406 : i32
        %jit3A_417 = arith.constant 4 : i32
        %div3A_418 = arith.divsi %add3A_258, %jit3A_417 : i32
        %sign3A_419 = arith.constant 0 : i32
        %sign3A_420 = arith.cmpi sgt, %add3A_258, %sign3A_419 : i32
        %sign3A_421 = arith.extui %sign3A_420 : i1 to i32
        %sign3A_422 = arith.constant 0 : i32
        %sign3A_423 = arith.cmpi slt, %add3A_258, %sign3A_422 : i32
        %sign3A_424 = arith.extui %sign3A_423 : i1 to i32
        %sign3A_425 = arith.subi %sign3A_421, %sign3A_424 : i32
        %sign3A_426 = arith.constant 0 : i32
        %sign3A_427 = arith.cmpi sgt, %jit3A_417, %sign3A_426 : i32
        %sign3A_428 = arith.extui %sign3A_427 : i1 to i32
        %sign3A_429 = arith.constant 0 : i32
        %sign3A_430 = arith.cmpi slt, %jit3A_417, %sign3A_429 : i32
        %sign3A_431 = arith.extui %sign3A_430 : i1 to i32
        %sign3A_432 = arith.subi %sign3A_428, %sign3A_431 : i32
        %ne3A_433 = arith.cmpi ne, %sign3A_425, %sign3A_432 : i32
        %rem3A_434 = arith.remsi %add3A_258, %jit3A_417 : i32
        %ne3A_435 = arith.constant 0 : i32
        %ne3A_436 = arith.cmpi ne, %rem3A_434, %ne3A_435 : i32
        %and3A_437 = arith.andi %ne3A_433, %ne3A_436 : i1
        %sub3A_438 = arith.constant 1 : i32
        %sub3A_439 = arith.subi %div3A_418, %sub3A_438 : i32
        %select_n3A_440 = arith.select %and3A_437, %sub3A_439, %div3A_418 : i32
        %ne3A_441 = arith.cmpi ne, %select_n3A_376, %select_n3A_416 : i32
        %ne3A_442 = arith.cmpi ne, %select_n3A_400, %select_n3A_440 : i32
        %or3A_443 = arith.constant false
        %or3A_444 = arith.ori %or3A_443, %ne3A_441 : i1
        %or3A_445 = arith.ori %or3A_444, %ne3A_442 : i1
        %or3A_446 = arith.constant false
        %or3A_447 = arith.ori %or3A_445, %or3A_446 : i1
        %ge3A_448 = arith.constant 24 : i32
        %ge3A_449 = arith.cmpi sge, %scan3A_230, %ge3A_448 : i32
        %not3A_450 = arith.constant true
        %not3A_451 = arith.xori %ge3A_449, %not3A_450 : i1
        %and3A_452 = arith.andi %or3A_447, %not3A_451 : i1
        %jit3A_453 = arith.constant 4 : i32
        %div3A_454 = arith.divsi %add3A_240, %jit3A_453 : i32
        %sign3A_455 = arith.constant 0 : i32
        %sign3A_456 = arith.cmpi sgt, %add3A_240, %sign3A_455 : i32
        %sign3A_457 = arith.extui %sign3A_456 : i1 to i32
        %sign3A_458 = arith.constant 0 : i32
        %sign3A_459 = arith.cmpi slt, %add3A_240, %sign3A_458 : i32
        %sign3A_460 = arith.extui %sign3A_459 : i1 to i32
        %sign3A_461 = arith.subi %sign3A_457, %sign3A_460 : i32
        %sign3A_462 = arith.constant 0 : i32
        %sign3A_463 = arith.cmpi sgt, %jit3A_453, %sign3A_462 : i32
        %sign3A_464 = arith.extui %sign3A_463 : i1 to i32
        %sign3A_465 = arith.constant 0 : i32
        %sign3A_466 = arith.cmpi slt, %jit3A_453, %sign3A_465 : i32
        %sign3A_467 = arith.extui %sign3A_466 : i1 to i32
        %sign3A_468 = arith.subi %sign3A_464, %sign3A_467 : i32
        %ne3A_469 = arith.cmpi ne, %sign3A_461, %sign3A_468 : i32
        %rem3A_470 = arith.remsi %add3A_240, %jit3A_453 : i32
        %ne3A_471 = arith.constant 0 : i32
        %ne3A_472 = arith.cmpi ne, %rem3A_470, %ne3A_471 : i32
        %and3A_473 = arith.andi %ne3A_469, %ne3A_472 : i1
        %sub3A_474 = arith.constant 1 : i32
        %sub3A_475 = arith.subi %div3A_454, %sub3A_474 : i32
        %select_n3A_476 = arith.select %and3A_473, %sub3A_475, %div3A_454 : i32
        %jit3A_477 = arith.constant 4 : i32
        %eq3A_478 = arith.constant 0 : i32
        %eq3A_479 = arith.cmpi eq, %jit3A_477, %eq3A_478 : i32
        %jit3A_480 = arith.constant 1 : i32
        %select_n3A_481 = arith.select %eq3A_479, %jit3A_480, %jit3A_477 : i32
        %rem3A_482 = arith.remsi %add3A_240, %select_n3A_481 : i32
        %ne3A_483 = arith.constant 0 : i32
        %ne3A_484 = arith.cmpi ne, %rem3A_482, %ne3A_483 : i32
        %lt3A_485 = arith.constant 0 : i32
        %lt3A_486 = arith.cmpi slt, %rem3A_482, %lt3A_485 : i32
        %lt3A_487 = arith.constant 0 : i32
        %lt3A_488 = arith.cmpi slt, %select_n3A_481, %lt3A_487 : i32
        %ne3A_489 = arith.xori %lt3A_486, %lt3A_488 : i1
        %and3A_490 = arith.andi %ne3A_489, %ne3A_484 : i1
        %add3A_491 = arith.addi %rem3A_482, %select_n3A_481 : i32
        %select_n3A_492 = arith.select %and3A_490, %add3A_491, %rem3A_482 : i32
        %jit3A_493 = arith.constant 4 : i32
        %div3A_494 = arith.divsi %add3A_249, %jit3A_493 : i32
        %sign3A_495 = arith.constant 0 : i32
        %sign3A_496 = arith.cmpi sgt, %add3A_249, %sign3A_495 : i32
        %sign3A_497 = arith.extui %sign3A_496 : i1 to i32
        %sign3A_498 = arith.constant 0 : i32
        %sign3A_499 = arith.cmpi slt, %add3A_249, %sign3A_498 : i32
        %sign3A_500 = arith.extui %sign3A_499 : i1 to i32
        %sign3A_501 = arith.subi %sign3A_497, %sign3A_500 : i32
        %sign3A_502 = arith.constant 0 : i32
        %sign3A_503 = arith.cmpi sgt, %jit3A_493, %sign3A_502 : i32
        %sign3A_504 = arith.extui %sign3A_503 : i1 to i32
        %sign3A_505 = arith.constant 0 : i32
        %sign3A_506 = arith.cmpi slt, %jit3A_493, %sign3A_505 : i32
        %sign3A_507 = arith.extui %sign3A_506 : i1 to i32
        %sign3A_508 = arith.subi %sign3A_504, %sign3A_507 : i32
        %ne3A_509 = arith.cmpi ne, %sign3A_501, %sign3A_508 : i32
        %rem3A_510 = arith.remsi %add3A_249, %jit3A_493 : i32
        %ne3A_511 = arith.constant 0 : i32
        %ne3A_512 = arith.cmpi ne, %rem3A_510, %ne3A_511 : i32
        %and3A_513 = arith.andi %ne3A_509, %ne3A_512 : i1
        %sub3A_514 = arith.constant 1 : i32
        %sub3A_515 = arith.subi %div3A_494, %sub3A_514 : i32
        %select_n3A_516 = arith.select %and3A_513, %sub3A_515, %div3A_494 : i32
        %jit3A_517 = arith.constant 4 : i32
        %eq3A_518 = arith.constant 0 : i32
        %eq3A_519 = arith.cmpi eq, %jit3A_517, %eq3A_518 : i32
        %jit3A_520 = arith.constant 1 : i32
        %select_n3A_521 = arith.select %eq3A_519, %jit3A_520, %jit3A_517 : i32
        %rem3A_522 = arith.remsi %add3A_249, %select_n3A_521 : i32
        %ne3A_523 = arith.constant 0 : i32
        %ne3A_524 = arith.cmpi ne, %rem3A_522, %ne3A_523 : i32
        %lt3A_525 = arith.constant 0 : i32
        %lt3A_526 = arith.cmpi slt, %rem3A_522, %lt3A_525 : i32
        %lt3A_527 = arith.constant 0 : i32
        %lt3A_528 = arith.cmpi slt, %select_n3A_521, %lt3A_527 : i32
        %ne3A_529 = arith.xori %lt3A_526, %lt3A_528 : i1
        %and3A_530 = arith.andi %ne3A_529, %ne3A_524 : i1
        %add3A_531 = arith.addi %rem3A_522, %select_n3A_521 : i32
        %select_n3A_532 = arith.select %and3A_530, %add3A_531, %rem3A_522 : i32
        %ne3A_533 = arith.cmpi ne, %select_n3A_476, %select_n3A_516 : i32
        %ne3A_534 = arith.cmpi ne, %select_n3A_492, %select_n3A_532 : i32
        %or3A_535 = arith.constant false
        %or3A_536 = arith.ori %or3A_535, %ne3A_533 : i1
        %or3A_537 = arith.ori %or3A_536, %ne3A_534 : i1
        %or3A_538 = arith.ori %or3A_537, %eq3A_237 : i1
        %convert_element_type3A_539 = arith.extui %or3A_538 : i1 to i32
        %cond3A_540 = arith.constant 0 : i32
        %cond3A_541 = arith.cmpi ne, %convert_element_type3A_539, %cond3A_540 : i32
        scf.if %cond3A_541 {
          %jit3A_1115 = arith.constant 4 : i32
          "tpu.trace_start"() <{level = 10 : i32, message = "ep_wait_in"}> : () -> ()
          %div3A_1116 = arith.divsi %add3A_240, %jit3A_1115 : i32
          %sign3A_1117 = arith.constant 0 : i32
          %sign3A_1118 = arith.cmpi sgt, %add3A_240, %sign3A_1117 : i32
          %sign3A_1119 = arith.extui %sign3A_1118 : i1 to i32
          %sign3A_1120 = arith.constant 0 : i32
          %sign3A_1121 = arith.cmpi slt, %add3A_240, %sign3A_1120 : i32
          %sign3A_1122 = arith.extui %sign3A_1121 : i1 to i32
          %sign3A_1123 = arith.subi %sign3A_1119, %sign3A_1122 : i32
          %sign3A_1124 = arith.constant 0 : i32
          %sign3A_1125 = arith.cmpi sgt, %jit3A_1115, %sign3A_1124 : i32
          %sign3A_1126 = arith.extui %sign3A_1125 : i1 to i32
          %sign3A_1127 = arith.constant 0 : i32
          %sign3A_1128 = arith.cmpi slt, %jit3A_1115, %sign3A_1127 : i32
          %sign3A_1129 = arith.extui %sign3A_1128 : i1 to i32
          %sign3A_1130 = arith.subi %sign3A_1126, %sign3A_1129 : i32
          %ne3A_1131 = arith.cmpi ne, %sign3A_1123, %sign3A_1130 : i32
          %rem3A_1132 = arith.remsi %add3A_240, %jit3A_1115 : i32
          %ne3A_1133 = arith.constant 0 : i32
          %ne3A_1134 = arith.cmpi ne, %rem3A_1132, %ne3A_1133 : i32
          %and3A_1135 = arith.andi %ne3A_1131, %ne3A_1134 : i1
          %sub3A_1136 = arith.constant 1 : i32
          %sub3A_1137 = arith.subi %div3A_1116, %sub3A_1136 : i32
          %select_n3A_1138 = arith.select %and3A_1135, %sub3A_1137, %div3A_1116 : i32
          %jit3A_1139 = arith.constant 4 : i32
          %eq3A_1140 = arith.constant 0 : i32
          %eq3A_1141 = arith.cmpi eq, %jit3A_1139, %eq3A_1140 : i32
          %jit3A_1142 = arith.constant 1 : i32
          %select_n3A_1143 = arith.select %eq3A_1141, %jit3A_1142, %jit3A_1139 : i32
          %rem3A_1144 = arith.remsi %add3A_240, %select_n3A_1143 : i32
          %ne3A_1145 = arith.constant 0 : i32
          %ne3A_1146 = arith.cmpi ne, %rem3A_1144, %ne3A_1145 : i32
          %lt3A_1147 = arith.constant 0 : i32
          %lt3A_1148 = arith.cmpi slt, %rem3A_1144, %lt3A_1147 : i32
          %lt3A_1149 = arith.constant 0 : i32
          %lt3A_1150 = arith.cmpi slt, %select_n3A_1143, %lt3A_1149 : i32
          %ne3A_1151 = arith.xori %lt3A_1148, %lt3A_1150 : i1
          %and3A_1152 = arith.andi %ne3A_1151, %ne3A_1146 : i1
          %add3A_1153 = arith.addi %rem3A_1144, %select_n3A_1143 : i32
          %select_n3A_1154 = arith.select %and3A_1152, %add3A_1153, %rem3A_1144 : i32
          %mul3A_1155 = arith.constant 1 : i32
          %mul3A_1156 = arith.muli %mul3A_1155, %select_n3A_1138 : i32
          %mul3A_1157 = arith.constant 1024 : i32
          %mul3A_1158 = arith.muli %mul3A_1157, %select_n3A_1154 : i32
          %rem3A_1159 = arith.constant 2 : i32
          %rem3A_1160 = arith.remui %scan3A_232, %rem3A_1159 : i32
          %dma_wait3A_1161 = arith.constant 0 : i32
          %dma_wait3A_1162 = arith.constant 0 : i32
          %dma_wait3A_1163 = arith.constant 0 : i32
          %dma_wait3A_1164 = tpu.memref_slice %run_scoped3A[%rem3A_1160, %dma_wait3A_1161, %dma_wait3A_1162, %dma_wait3A_1163] : memref<2x1x1x1024xi32, #tpu.memory_space<vmem>> -> memref<1x1x1x1024xi32, #tpu.memory_space<vmem>>
          %dma_wait3A_1165 = tpu.memref_squeeze %dma_wait3A_1164 : memref<1x1x1x1024xi32, #tpu.memory_space<vmem>> -> memref<1x1x1024xi32, #tpu.memory_space<vmem>>
          %dma_wait3A_1166 = arith.constant 0 : i32
          %dma_wait3A_1167 = tpu.memref_slice %arg2[%dma_wait3A_1166, %mul3A_1156, %mul3A_1158] : memref<4x200x4096xi32, #tpu.memory_space<hbm>> -> memref<1x1x1024xi32, #tpu.memory_space<hbm>>
          %dma_wait3A_1168 = tpu.memref_slice %run_scoped3A_34[%rem3A_1160] : memref<2x!tpu.dma_semaphore, #tpu.memory_space<semaphore_mem>> -> memref<1x!tpu.dma_semaphore, #tpu.memory_space<semaphore_mem>>
          %dma_wait3A_1169 = tpu.memref_squeeze %dma_wait3A_1168 : memref<1x!tpu.dma_semaphore, #tpu.memory_space<semaphore_mem>> -> memref<!tpu.dma_semaphore, #tpu.memory_space<semaphore_mem>>
          %dma_wait3A_1170 = arith.constant 0 : i32
          %dma_wait3A_1171 = arith.constant 0 : i32
          %dma_wait3A_1172 = arith.constant 0 : i32
          %dma_wait3A_1173 = tpu.memref_slice %run_scoped3A[%rem3A_1160, %dma_wait3A_1170, %dma_wait3A_1171, %dma_wait3A_1172] : memref<2x1x1x1024xi32, #tpu.memory_space<vmem>> -> memref<1x1x1x1024xi32, #tpu.memory_space<vmem>>
          %dma_wait3A_1174 = tpu.memref_squeeze %dma_wait3A_1173 : memref<1x1x1x1024xi32, #tpu.memory_space<vmem>> -> memref<1x1x1024xi32, #tpu.memory_space<vmem>>
          %dma_wait3A_1175 = arith.constant 0 : i32
          %dma_wait3A_1176 = tpu.memref_slice %arg2[%dma_wait3A_1175, %mul3A_1156, %mul3A_1158] : memref<4x200x4096xi32, #tpu.memory_space<hbm>> -> memref<1x1x1024xi32, #tpu.memory_space<hbm>>
          tpu.wait_dma2 semaphore(%dma_wait3A_1169 : memref<!tpu.dma_semaphore, #tpu.memory_space<semaphore_mem>>) src(%dma_wait3A_1176 : memref<1x1x1024xi32, #tpu.memory_space<hbm>>) dst(%dma_wait3A_1174 : memref<1x1x1024xi32, #tpu.memory_space<vmem>>)
          "tpu.trace_stop"() : () -> ()
        } else {
        }
        %jit3A_542 = arith.constant 4 : i32
        %eq3A_543 = arith.constant 0 : i32
        %eq3A_544 = arith.cmpi eq, %jit3A_542, %eq3A_543 : i32
        %jit3A_545 = arith.constant 1 : i32
        %select_n3A_546 = arith.select %eq3A_544, %jit3A_545, %jit3A_542 : i32
        %rem3A_547 = arith.remsi %add3A_240, %select_n3A_546 : i32
        %ne3A_548 = arith.constant 0 : i32
        %ne3A_549 = arith.cmpi ne, %rem3A_547, %ne3A_548 : i32
        %lt3A_550 = arith.constant 0 : i32
        %lt3A_551 = arith.cmpi slt, %rem3A_547, %lt3A_550 : i32
        %lt3A_552 = arith.constant 0 : i32
        %lt3A_553 = arith.cmpi slt, %select_n3A_546, %lt3A_552 : i32
        %ne3A_554 = arith.xori %lt3A_551, %lt3A_553 : i1
        %and3A_555 = arith.andi %ne3A_554, %ne3A_549 : i1
        %add3A_556 = arith.addi %rem3A_547, %select_n3A_546 : i32
        %select_n3A_557 = arith.select %and3A_555, %add3A_556, %rem3A_547 : i32
        %jit3A_558 = arith.constant 4 : i32
        %div3A_559 = arith.divsi %add3A_240, %jit3A_558 : i32
        %sign3A_560 = arith.constant 0 : i32
        %sign3A_561 = arith.cmpi sgt, %add3A_240, %sign3A_560 : i32
        %sign3A_562 = arith.extui %sign3A_561 : i1 to i32
        %sign3A_563 = arith.constant 0 : i32
        %sign3A_564 = arith.cmpi slt, %add3A_240, %sign3A_563 : i32
        %sign3A_565 = arith.extui %sign3A_564 : i1 to i32
        %sign3A_566 = arith.subi %sign3A_562, %sign3A_565 : i32
        %sign3A_567 = arith.constant 0 : i32
        %sign3A_568 = arith.cmpi sgt, %jit3A_558, %sign3A_567 : i32
        %sign3A_569 = arith.extui %sign3A_568 : i1 to i32
        %sign3A_570 = arith.constant 0 : i32
        %sign3A_571 = arith.cmpi slt, %jit3A_558, %sign3A_570 : i32
        %sign3A_572 = arith.extui %sign3A_571 : i1 to i32
        %sign3A_573 = arith.subi %sign3A_569, %sign3A_572 : i32
        %ne3A_574 = arith.cmpi ne, %sign3A_566, %sign3A_573 : i32
        %rem3A_575 = arith.remsi %add3A_240, %jit3A_558 : i32
        %ne3A_576 = arith.constant 0 : i32
        %ne3A_577 = arith.cmpi ne, %rem3A_575, %ne3A_576 : i32
        %and3A_578 = arith.andi %ne3A_574, %ne3A_577 : i1
        %sub3A_579 = arith.constant 1 : i32
        %sub3A_580 = arith.subi %div3A_559, %sub3A_579 : i32
        %select_n3A_581 = arith.select %and3A_578, %sub3A_580, %div3A_559 : i32
        %jit3A_582 = arith.constant 4 : i32
        %eq3A_583 = arith.constant 0 : i32
        %eq3A_584 = arith.cmpi eq, %jit3A_582, %eq3A_583 : i32
        %jit3A_585 = arith.constant 1 : i32
        %select_n3A_586 = arith.select %eq3A_584, %jit3A_585, %jit3A_582 : i32
        %rem3A_587 = arith.remsi %add3A_249, %select_n3A_586 : i32
        %ne3A_588 = arith.constant 0 : i32
        %ne3A_589 = arith.cmpi ne, %rem3A_587, %ne3A_588 : i32
        %lt3A_590 = arith.constant 0 : i32
        %lt3A_591 = arith.cmpi slt, %rem3A_587, %lt3A_590 : i32
        %lt3A_592 = arith.constant 0 : i32
        %lt3A_593 = arith.cmpi slt, %select_n3A_586, %lt3A_592 : i32
        %ne3A_594 = arith.xori %lt3A_591, %lt3A_593 : i1
        %and3A_595 = arith.andi %ne3A_594, %ne3A_589 : i1
        %add3A_596 = arith.addi %rem3A_587, %select_n3A_586 : i32
        %select_n3A_597 = arith.select %and3A_595, %add3A_596, %rem3A_587 : i32
        %jit3A_598 = arith.constant 4 : i32
        %div3A_599 = arith.divsi %add3A_249, %jit3A_598 : i32
        %sign3A_600 = arith.constant 0 : i32
        %sign3A_601 = arith.cmpi sgt, %add3A_249, %sign3A_600 : i32
        %sign3A_602 = arith.extui %sign3A_601 : i1 to i32
        %sign3A_603 = arith.constant 0 : i32
        %sign3A_604 = arith.cmpi slt, %add3A_249, %sign3A_603 : i32
        %sign3A_605 = arith.extui %sign3A_604 : i1 to i32
        %sign3A_606 = arith.subi %sign3A_602, %sign3A_605 : i32
        %sign3A_607 = arith.constant 0 : i32
        %sign3A_608 = arith.cmpi sgt, %jit3A_598, %sign3A_607 : i32
        %sign3A_609 = arith.extui %sign3A_608 : i1 to i32
        %sign3A_610 = arith.constant 0 : i32
        %sign3A_611 = arith.cmpi slt, %jit3A_598, %sign3A_610 : i32
        %sign3A_612 = arith.extui %sign3A_611 : i1 to i32
        %sign3A_613 = arith.subi %sign3A_609, %sign3A_612 : i32
        %ne3A_614 = arith.cmpi ne, %sign3A_606, %sign3A_613 : i32
        %rem3A_615 = arith.remsi %add3A_249, %jit3A_598 : i32
        %ne3A_616 = arith.constant 0 : i32
        %ne3A_617 = arith.cmpi ne, %rem3A_615, %ne3A_616 : i32
        %and3A_618 = arith.andi %ne3A_614, %ne3A_617 : i1
        %sub3A_619 = arith.constant 1 : i32
        %sub3A_620 = arith.subi %div3A_599, %sub3A_619 : i32
        %select_n3A_621 = arith.select %and3A_618, %sub3A_620, %div3A_599 : i32
        %ne3A_622 = arith.cmpi ne, %select_n3A_557, %select_n3A_597 : i32
        %ne3A_623 = arith.cmpi ne, %select_n3A_581, %select_n3A_621 : i32
        %or3A_624 = arith.constant false
        %or3A_625 = arith.ori %or3A_624, %ne3A_622 : i1
        %or3A_626 = arith.ori %or3A_625, %ne3A_623 : i1
        %or3A_627 = arith.constant false
        %or3A_628 = arith.ori %or3A_626, %or3A_627 : i1
        %or3A_629 = arith.ori %or3A_628, %eq3A_237 : i1
        %convert_element_type3A_630 = arith.extui %or3A_629 : i1 to i32
        %cond3A_631 = arith.constant 0 : i32
        %cond3A_632 = arith.cmpi ne, %convert_element_type3A_630, %cond3A_631 : i32
        scf.if %cond3A_632 {
        } else {
        }
        %rem3A_633 = arith.constant 2 : i32
        %rem3A_634 = arith.remui %scan3A_232, %rem3A_633 : i32
        %rem3A_635 = arith.constant 2 : i32
        %rem3A_636 = arith.remui %scan3A_233, %rem3A_635 : i32
        %run_scoped3A_637 = arith.constant 0 : i32
        %run_scoped3A_638 = arith.constant 0 : i32
        %run_scoped3A_639 = arith.constant 0 : i32
        "tpu.trace_start"() <{level = 10 : i32, message = "ep_run_kernel"}> : () -> ()
        "tpu.region"() ({
          %run_scoped3A_1115 = tpu.sem_alloc : memref<!tpu.dma_semaphore, #tpu.memory_space<semaphore_mem>>
          %dma_start3A_1116 = arith.constant 0 : i32
          %dma_start3A_1117 = arith.constant 0 : i32
          %dma_start3A_1118 = arith.constant 0 : i32
          %dma_start3A_1119 = tpu.memref_slice %run_scoped3A_35[%rem3A_636, %dma_start3A_1116, %dma_start3A_1117, %dma_start3A_1118] : memref<2x1024x1x32xf32, #tpu.memory_space<vmem>> -> memref<1x1024x1x32xf32, #tpu.memory_space<vmem>>
          %dma_start3A_1120 = tpu.memref_squeeze %dma_start3A_1119 : memref<1x1024x1x32xf32, #tpu.memory_space<vmem>> -> memref<1024x1x32xf32, #tpu.memory_space<vmem>>
          %dma_start3A_1121 = arith.constant 0 : i32
          %dma_start3A_1122 = arith.constant 0 : i32
          %dma_start3A_1123 = tpu.memref_slice %dma_start3A_1120[%dma_start3A_1121, %run_scoped3A_639, %dma_start3A_1122] : memref<1024x1x32xf32, #tpu.memory_space<vmem>> -> memref<1024x1x32xf32, #tpu.memory_space<vmem>>
          %dma_start3A_1124 = tpu.memref_squeeze %dma_start3A_1123 : memref<1024x1x32xf32, #tpu.memory_space<vmem>> -> memref<1024x32xf32, #tpu.memory_space<vmem>>
          %dma_start3A_1125 = arith.constant 0 : i32
          %dma_start3A_1126 = arith.constant 0 : i32
          %dma_start3A_1127 = arith.constant 0 : i32
          %dma_start3A_1128 = tpu.memref_slice %run_scoped3A[%rem3A_634, %dma_start3A_1125, %dma_start3A_1126, %dma_start3A_1127] : memref<2x1x1x1024xi32, #tpu.memory_space<vmem>> -> memref<1x1x1x1024xi32, #tpu.memory_space<vmem>>
          %dma_start3A_1129 = tpu.memref_squeeze %dma_start3A_1128 : memref<1x1x1x1024xi32, #tpu.memory_space<vmem>> -> memref<1x1x1024xi32, #tpu.memory_space<vmem>>
          %dma_start3A_1130 = arith.constant 0 : i32
          %dma_start3A_1131 = tpu.memref_slice %dma_start3A_1129[%run_scoped3A_637, %run_scoped3A_638, %dma_start3A_1130] : memref<1x1x1024xi32, #tpu.memory_space<vmem>> -> memref<1x1x1024xi32, #tpu.memory_space<vmem>>
          %dma_start3A_1132 = tpu.memref_squeeze %dma_start3A_1131 : memref<1x1x1024xi32, #tpu.memory_space<vmem>> -> memref<1024xi32, #tpu.memory_space<vmem>>
          %dma_start3A_1133 = arith.constant 0 : i32
          %dma_start3A_1134 = arith.constant 0 : i32
          %dma_start3A_1135 = tpu.memref_slice %arg3[%dma_start3A_1133, %dma_start3A_1134] : memref<100000x32xf32, #tpu.memory_space<hbm>> -> memref<100000x32xf32, #tpu.memory_space<hbm>>
          tpu.enqueue_indirect_dma source(%dma_start3A_1135 : memref<100000x32xf32, #tpu.memory_space<hbm>>) target(%dma_start3A_1124 : memref<1024x32xf32, #tpu.memory_space<vmem>>) offsets(%dma_start3A_1132 : memref<1024xi32, #tpu.memory_space<vmem>>) semaphore(%run_scoped3A_1115 : memref<!tpu.dma_semaphore, #tpu.memory_space<semaphore_mem>>)
          %dma_wait3A_1136 = arith.constant 0 : i32
          %dma_wait3A_1137 = arith.constant 0 : i32
          %dma_wait3A_1138 = arith.constant 0 : i32
          %dma_wait3A_1139 = tpu.memref_slice %run_scoped3A_35[%rem3A_636, %dma_wait3A_1136, %dma_wait3A_1137, %dma_wait3A_1138] : memref<2x1024x1x32xf32, #tpu.memory_space<vmem>> -> memref<1x1024x1x32xf32, #tpu.memory_space<vmem>>
          %dma_wait3A_1140 = tpu.memref_squeeze %dma_wait3A_1139 : memref<1x1024x1x32xf32, #tpu.memory_space<vmem>> -> memref<1024x1x32xf32, #tpu.memory_space<vmem>>
          %dma_wait3A_1141 = arith.constant 0 : i32
          %dma_wait3A_1142 = arith.constant 0 : i32
          %dma_wait3A_1143 = tpu.memref_slice %dma_wait3A_1140[%dma_wait3A_1141, %run_scoped3A_639, %dma_wait3A_1142] : memref<1024x1x32xf32, #tpu.memory_space<vmem>> -> memref<1024x1x32xf32, #tpu.memory_space<vmem>>
          %dma_wait3A_1144 = tpu.memref_squeeze %dma_wait3A_1143 : memref<1024x1x32xf32, #tpu.memory_space<vmem>> -> memref<1024x32xf32, #tpu.memory_space<vmem>>
          %dma_wait3A_1145 = arith.constant 0 : i32
          %dma_wait3A_1146 = arith.constant 0 : i32
          %dma_wait3A_1147 = arith.constant 0 : i32
          %dma_wait3A_1148 = tpu.memref_slice %run_scoped3A[%rem3A_634, %dma_wait3A_1145, %dma_wait3A_1146, %dma_wait3A_1147] : memref<2x1x1x1024xi32, #tpu.memory_space<vmem>> -> memref<1x1x1x1024xi32, #tpu.memory_space<vmem>>
          %dma_wait3A_1149 = tpu.memref_squeeze %dma_wait3A_1148 : memref<1x1x1x1024xi32, #tpu.memory_space<vmem>> -> memref<1x1x1024xi32, #tpu.memory_space<vmem>>
          %dma_wait3A_1150 = arith.constant 0 : i32
          %dma_wait3A_1151 = tpu.memref_slice %dma_wait3A_1149[%run_scoped3A_637, %run_scoped3A_638, %dma_wait3A_1150] : memref<1x1x1024xi32, #tpu.memory_space<vmem>> -> memref<1x1x1024xi32, #tpu.memory_space<vmem>>
          %dma_wait3A_1152 = tpu.memref_squeeze %dma_wait3A_1151 : memref<1x1x1024xi32, #tpu.memory_space<vmem>> -> memref<1024xi32, #tpu.memory_space<vmem>>
          %dma_wait3A_1153 = arith.constant 0 : i32
          %dma_wait3A_1154 = arith.constant 0 : i32
          %dma_wait3A_1155 = tpu.memref_slice %arg3[%dma_wait3A_1153, %dma_wait3A_1154] : memref<100000x32xf32, #tpu.memory_space<hbm>> -> memref<100000x32xf32, #tpu.memory_space<hbm>>
          tpu.wait_indirect_dma semaphore(%run_scoped3A_1115 : memref<!tpu.dma_semaphore, #tpu.memory_space<semaphore_mem>>) src(%dma_wait3A_1155 : memref<100000x32xf32, #tpu.memory_space<hbm>>) dst(%dma_wait3A_1144 : memref<1024x32xf32, #tpu.memory_space<vmem>>)
          tpu.yield
        }) : () -> ()
        %jit3A_640 = arith.constant 4 : i32
        "tpu.trace_stop"() : () -> ()
        %div3A_641 = arith.divsi %add3A_240, %jit3A_640 : i32
        %sign3A_642 = arith.constant 0 : i32
        %sign3A_643 = arith.cmpi sgt, %add3A_240, %sign3A_642 : i32
        %sign3A_644 = arith.extui %sign3A_643 : i1 to i32
        %sign3A_645 = arith.constant 0 : i32
        %sign3A_646 = arith.cmpi slt, %add3A_240, %sign3A_645 : i32
        %sign3A_647 = arith.extui %sign3A_646 : i1 to i32
        %sign3A_648 = arith.subi %sign3A_644, %sign3A_647 : i32
        %sign3A_649 = arith.constant 0 : i32
        %sign3A_650 = arith.cmpi sgt, %jit3A_640, %sign3A_649 : i32
        %sign3A_651 = arith.extui %sign3A_650 : i1 to i32
        %sign3A_652 = arith.constant 0 : i32
        %sign3A_653 = arith.cmpi slt, %jit3A_640, %sign3A_652 : i32
        %sign3A_654 = arith.extui %sign3A_653 : i1 to i32
        %sign3A_655 = arith.subi %sign3A_651, %sign3A_654 : i32
        %ne3A_656 = arith.cmpi ne, %sign3A_648, %sign3A_655 : i32
        %rem3A_657 = arith.remsi %add3A_240, %jit3A_640 : i32
        %ne3A_658 = arith.constant 0 : i32
        %ne3A_659 = arith.cmpi ne, %rem3A_657, %ne3A_658 : i32
        %and3A_660 = arith.andi %ne3A_656, %ne3A_659 : i1
        %sub3A_661 = arith.constant 1 : i32
        %sub3A_662 = arith.subi %div3A_641, %sub3A_661 : i32
        %select_n3A_663 = arith.select %and3A_660, %sub3A_662, %div3A_641 : i32
        %jit3A_664 = arith.constant 4 : i32
        %eq3A_665 = arith.constant 0 : i32
        %eq3A_666 = arith.cmpi eq, %jit3A_664, %eq3A_665 : i32
        %jit3A_667 = arith.constant 1 : i32
        %select_n3A_668 = arith.select %eq3A_666, %jit3A_667, %jit3A_664 : i32
        %rem3A_669 = arith.remsi %add3A_240, %select_n3A_668 : i32
        %ne3A_670 = arith.constant 0 : i32
        %ne3A_671 = arith.cmpi ne, %rem3A_669, %ne3A_670 : i32
        %lt3A_672 = arith.constant 0 : i32
        %lt3A_673 = arith.cmpi slt, %rem3A_669, %lt3A_672 : i32
        %lt3A_674 = arith.constant 0 : i32
        %lt3A_675 = arith.cmpi slt, %select_n3A_668, %lt3A_674 : i32
        %ne3A_676 = arith.xori %lt3A_673, %lt3A_675 : i1
        %and3A_677 = arith.andi %ne3A_676, %ne3A_671 : i1
        %add3A_678 = arith.addi %rem3A_669, %select_n3A_668 : i32
        %select_n3A_679 = arith.select %and3A_677, %add3A_678, %rem3A_669 : i32
        %jit3A_680 = arith.constant 4 : i32
        %div3A_681 = arith.divsi %add3A_258, %jit3A_680 : i32
        %sign3A_682 = arith.constant 0 : i32
        %sign3A_683 = arith.cmpi sgt, %add3A_258, %sign3A_682 : i32
        %sign3A_684 = arith.extui %sign3A_683 : i1 to i32
        %sign3A_685 = arith.constant 0 : i32
        %sign3A_686 = arith.cmpi slt, %add3A_258, %sign3A_685 : i32
        %sign3A_687 = arith.extui %sign3A_686 : i1 to i32
        %sign3A_688 = arith.subi %sign3A_684, %sign3A_687 : i32
        %sign3A_689 = arith.constant 0 : i32
        %sign3A_690 = arith.cmpi sgt, %jit3A_680, %sign3A_689 : i32
        %sign3A_691 = arith.extui %sign3A_690 : i1 to i32
        %sign3A_692 = arith.constant 0 : i32
        %sign3A_693 = arith.cmpi slt, %jit3A_680, %sign3A_692 : i32
        %sign3A_694 = arith.extui %sign3A_693 : i1 to i32
        %sign3A_695 = arith.subi %sign3A_691, %sign3A_694 : i32
        %ne3A_696 = arith.cmpi ne, %sign3A_688, %sign3A_695 : i32
        %rem3A_697 = arith.remsi %add3A_258, %jit3A_680 : i32
        %ne3A_698 = arith.constant 0 : i32
        %ne3A_699 = arith.cmpi ne, %rem3A_697, %ne3A_698 : i32
        %and3A_700 = arith.andi %ne3A_696, %ne3A_699 : i1
        %sub3A_701 = arith.constant 1 : i32
        %sub3A_702 = arith.subi %div3A_681, %sub3A_701 : i32
        %select_n3A_703 = arith.select %and3A_700, %sub3A_702, %div3A_681 : i32
        %jit3A_704 = arith.constant 4 : i32
        %eq3A_705 = arith.constant 0 : i32
        %eq3A_706 = arith.cmpi eq, %jit3A_704, %eq3A_705 : i32
        %jit3A_707 = arith.constant 1 : i32
        %select_n3A_708 = arith.select %eq3A_706, %jit3A_707, %jit3A_704 : i32
        %rem3A_709 = arith.remsi %add3A_258, %select_n3A_708 : i32
        %ne3A_710 = arith.constant 0 : i32
        %ne3A_711 = arith.cmpi ne, %rem3A_709, %ne3A_710 : i32
        %lt3A_712 = arith.constant 0 : i32
        %lt3A_713 = arith.cmpi slt, %rem3A_709, %lt3A_712 : i32
        %lt3A_714 = arith.constant 0 : i32
        %lt3A_715 = arith.cmpi slt, %select_n3A_708, %lt3A_714 : i32
        %ne3A_716 = arith.xori %lt3A_713, %lt3A_715 : i1
        %and3A_717 = arith.andi %ne3A_716, %ne3A_711 : i1
        %add3A_718 = arith.addi %rem3A_709, %select_n3A_708 : i32
        %select_n3A_719 = arith.select %and3A_717, %add3A_718, %rem3A_709 : i32
        %ne3A_720 = arith.cmpi ne, %select_n3A_663, %select_n3A_703 : i32
        %ne3A_721 = arith.cmpi ne, %select_n3A_679, %select_n3A_719 : i32
        %or3A_722 = arith.constant false
        %or3A_723 = arith.ori %or3A_722, %ne3A_720 : i1
        %or3A_724 = arith.ori %or3A_723, %ne3A_721 : i1
        %or3A_725 = arith.ori %or3A_724, %eq3A_239 : i1
        %convert_element_type3A_726 = arith.extui %or3A_725 : i1 to i32
        %cond3A_727 = arith.constant 0 : i32
        %cond3A_728 = arith.cmpi ne, %convert_element_type3A_726, %cond3A_727 : i32
        scf.if %cond3A_728 {
        } else {
        }
        %and3A_729 = arith.constant false
        %and3A_730 = arith.andi %or3A_725, %and3A_729 : i1
        %jit3A_731 = arith.constant 4 : i32
        %eq3A_732 = arith.constant 0 : i32
        %eq3A_733 = arith.cmpi eq, %jit3A_731, %eq3A_732 : i32
        %jit3A_734 = arith.constant 1 : i32
        %select_n3A_735 = arith.select %eq3A_733, %jit3A_734, %jit3A_731 : i32
        %rem3A_736 = arith.remsi %add3A_240, %select_n3A_735 : i32
        %ne3A_737 = arith.constant 0 : i32
        %ne3A_738 = arith.cmpi ne, %rem3A_736, %ne3A_737 : i32
        %lt3A_739 = arith.constant 0 : i32
        %lt3A_740 = arith.cmpi slt, %rem3A_736, %lt3A_739 : i32
        %lt3A_741 = arith.constant 0 : i32
        %lt3A_742 = arith.cmpi slt, %select_n3A_735, %lt3A_741 : i32
        %ne3A_743 = arith.xori %lt3A_740, %lt3A_742 : i1
        %and3A_744 = arith.andi %ne3A_743, %ne3A_738 : i1
        %add3A_745 = arith.addi %rem3A_736, %select_n3A_735 : i32
        %select_n3A_746 = arith.select %and3A_744, %add3A_745, %rem3A_736 : i32
        %jit3A_747 = arith.constant 4 : i32
        %div3A_748 = arith.divsi %add3A_240, %jit3A_747 : i32
        %sign3A_749 = arith.constant 0 : i32
        %sign3A_750 = arith.cmpi sgt, %add3A_240, %sign3A_749 : i32
        %sign3A_751 = arith.extui %sign3A_750 : i1 to i32
        %sign3A_752 = arith.constant 0 : i32
        %sign3A_753 = arith.cmpi slt, %add3A_240, %sign3A_752 : i32
        %sign3A_754 = arith.extui %sign3A_753 : i1 to i32
        %sign3A_755 = arith.subi %sign3A_751, %sign3A_754 : i32
        %sign3A_756 = arith.constant 0 : i32
        %sign3A_757 = arith.cmpi sgt, %jit3A_747, %sign3A_756 : i32
        %sign3A_758 = arith.extui %sign3A_757 : i1 to i32
        %sign3A_759 = arith.constant 0 : i32
        %sign3A_760 = arith.cmpi slt, %jit3A_747, %sign3A_759 : i32
        %sign3A_761 = arith.extui %sign3A_760 : i1 to i32
        %sign3A_762 = arith.subi %sign3A_758, %sign3A_761 : i32
        %ne3A_763 = arith.cmpi ne, %sign3A_755, %sign3A_762 : i32
        %rem3A_764 = arith.remsi %add3A_240, %jit3A_747 : i32
        %ne3A_765 = arith.constant 0 : i32
        %ne3A_766 = arith.cmpi ne, %rem3A_764, %ne3A_765 : i32
        %and3A_767 = arith.andi %ne3A_763, %ne3A_766 : i1
        %sub3A_768 = arith.constant 1 : i32
        %sub3A_769 = arith.subi %div3A_748, %sub3A_768 : i32
        %select_n3A_770 = arith.select %and3A_767, %sub3A_769, %div3A_748 : i32
        %jit3A_771 = arith.constant 4 : i32
        %eq3A_772 = arith.constant 0 : i32
        %eq3A_773 = arith.cmpi eq, %jit3A_771, %eq3A_772 : i32
        %jit3A_774 = arith.constant 1 : i32
        %select_n3A_775 = arith.select %eq3A_773, %jit3A_774, %jit3A_771 : i32
        %rem3A_776 = arith.remsi %add3A_258, %select_n3A_775 : i32
        %ne3A_777 = arith.constant 0 : i32
        %ne3A_778 = arith.cmpi ne, %rem3A_776, %ne3A_777 : i32
        %lt3A_779 = arith.constant 0 : i32
        %lt3A_780 = arith.cmpi slt, %rem3A_776, %lt3A_779 : i32
        %lt3A_781 = arith.constant 0 : i32
        %lt3A_782 = arith.cmpi slt, %select_n3A_775, %lt3A_781 : i32
        %ne3A_783 = arith.xori %lt3A_780, %lt3A_782 : i1
        %and3A_784 = arith.andi %ne3A_783, %ne3A_778 : i1
        %add3A_785 = arith.addi %rem3A_776, %select_n3A_775 : i32
        %select_n3A_786 = arith.select %and3A_784, %add3A_785, %rem3A_776 : i32
        %jit3A_787 = arith.constant 4 : i32
        %div3A_788 = arith.divsi %add3A_258, %jit3A_787 : i32
        %sign3A_789 = arith.constant 0 : i32
        %sign3A_790 = arith.cmpi sgt, %add3A_258, %sign3A_789 : i32
        %sign3A_791 = arith.extui %sign3A_790 : i1 to i32
        %sign3A_792 = arith.constant 0 : i32
        %sign3A_793 = arith.cmpi slt, %add3A_258, %sign3A_792 : i32
        %sign3A_794 = arith.extui %sign3A_793 : i1 to i32
        %sign3A_795 = arith.subi %sign3A_791, %sign3A_794 : i32
        %sign3A_796 = arith.constant 0 : i32
        %sign3A_797 = arith.cmpi sgt, %jit3A_787, %sign3A_796 : i32
        %sign3A_798 = arith.extui %sign3A_797 : i1 to i32
        %sign3A_799 = arith.constant 0 : i32
        %sign3A_800 = arith.cmpi slt, %jit3A_787, %sign3A_799 : i32
        %sign3A_801 = arith.extui %sign3A_800 : i1 to i32
        %sign3A_802 = arith.subi %sign3A_798, %sign3A_801 : i32
        %ne3A_803 = arith.cmpi ne, %sign3A_795, %sign3A_802 : i32
        %rem3A_804 = arith.remsi %add3A_258, %jit3A_787 : i32
        %ne3A_805 = arith.constant 0 : i32
        %ne3A_806 = arith.cmpi ne, %rem3A_804, %ne3A_805 : i32
        %and3A_807 = arith.andi %ne3A_803, %ne3A_806 : i1
        %sub3A_808 = arith.constant 1 : i32
        %sub3A_809 = arith.subi %div3A_788, %sub3A_808 : i32
        %select_n3A_810 = arith.select %and3A_807, %sub3A_809, %div3A_788 : i32
        %ne3A_811 = arith.cmpi ne, %select_n3A_746, %select_n3A_786 : i32
        %ne3A_812 = arith.cmpi ne, %select_n3A_770, %select_n3A_810 : i32
        %or3A_813 = arith.constant false
        %or3A_814 = arith.ori %or3A_813, %ne3A_811 : i1
        %or3A_815 = arith.ori %or3A_814, %ne3A_812 : i1
        %or3A_816 = arith.constant false
        %or3A_817 = arith.ori %or3A_815, %or3A_816 : i1
        %or3A_818 = arith.ori %or3A_817, %eq3A_239 : i1
        %convert_element_type3A_819 = arith.extui %or3A_818 : i1 to i32
        %cond3A_820 = arith.constant 0 : i32
        %cond3A_821 = arith.cmpi ne, %convert_element_type3A_819, %cond3A_820 : i32
        scf.if %cond3A_821 {
          "tpu.trace_start"() <{level = 10 : i32, message = "ep_copy_out"}> : () -> ()
          %rem3A_1115 = arith.constant 2 : i32
          %rem3A_1116 = arith.remui %scan3A_233, %rem3A_1115 : i32
          %jit3A_1117 = arith.constant 4 : i32
          %eq3A_1118 = arith.constant 0 : i32
          %eq3A_1119 = arith.cmpi eq, %jit3A_1117, %eq3A_1118 : i32
          %jit3A_1120 = arith.constant 1 : i32
          %select_n3A_1121 = arith.select %eq3A_1119, %jit3A_1120, %jit3A_1117 : i32
          %rem3A_1122 = arith.remsi %add3A_240, %select_n3A_1121 : i32
          %ne3A_1123 = arith.constant 0 : i32
          %ne3A_1124 = arith.cmpi ne, %rem3A_1122, %ne3A_1123 : i32
          %lt3A_1125 = arith.constant 0 : i32
          %lt3A_1126 = arith.cmpi slt, %rem3A_1122, %lt3A_1125 : i32
          %lt3A_1127 = arith.constant 0 : i32
          %lt3A_1128 = arith.cmpi slt, %select_n3A_1121, %lt3A_1127 : i32
          %ne3A_1129 = arith.xori %lt3A_1126, %lt3A_1128 : i1
          %and3A_1130 = arith.andi %ne3A_1129, %ne3A_1124 : i1
          %add3A_1131 = arith.addi %rem3A_1122, %select_n3A_1121 : i32
          %select_n3A_1132 = arith.select %and3A_1130, %add3A_1131, %rem3A_1122 : i32
          %jit3A_1133 = arith.constant 4 : i32
          %div3A_1134 = arith.divsi %add3A_240, %jit3A_1133 : i32
          %sign3A_1135 = arith.constant 0 : i32
          %sign3A_1136 = arith.cmpi sgt, %add3A_240, %sign3A_1135 : i32
          %sign3A_1137 = arith.extui %sign3A_1136 : i1 to i32
          %sign3A_1138 = arith.constant 0 : i32
          %sign3A_1139 = arith.cmpi slt, %add3A_240, %sign3A_1138 : i32
          %sign3A_1140 = arith.extui %sign3A_1139 : i1 to i32
          %sign3A_1141 = arith.subi %sign3A_1137, %sign3A_1140 : i32
          %sign3A_1142 = arith.constant 0 : i32
          %sign3A_1143 = arith.cmpi sgt, %jit3A_1133, %sign3A_1142 : i32
          %sign3A_1144 = arith.extui %sign3A_1143 : i1 to i32
          %sign3A_1145 = arith.constant 0 : i32
          %sign3A_1146 = arith.cmpi slt, %jit3A_1133, %sign3A_1145 : i32
          %sign3A_1147 = arith.extui %sign3A_1146 : i1 to i32
          %sign3A_1148 = arith.subi %sign3A_1144, %sign3A_1147 : i32
          %ne3A_1149 = arith.cmpi ne, %sign3A_1141, %sign3A_1148 : i32
          %rem3A_1150 = arith.remsi %add3A_240, %jit3A_1133 : i32
          %ne3A_1151 = arith.constant 0 : i32
          %ne3A_1152 = arith.cmpi ne, %rem3A_1150, %ne3A_1151 : i32
          %and3A_1153 = arith.andi %ne3A_1149, %ne3A_1152 : i1
          %sub3A_1154 = arith.constant 1 : i32
          %sub3A_1155 = arith.subi %div3A_1134, %sub3A_1154 : i32
          %select_n3A_1156 = arith.select %and3A_1153, %sub3A_1155, %div3A_1134 : i32
          %mul3A_1157 = arith.constant 1024 : i32
          %mul3A_1158 = arith.muli %mul3A_1157, %select_n3A_1132 : i32
          %mul3A_1159 = arith.constant 1 : i32
          %mul3A_1160 = arith.muli %mul3A_1159, %select_n3A_1156 : i32
          %dma_start3A_1161 = arith.constant 0 : i32
          %dma_start3A_1162 = arith.constant 0 : i32
          %dma_start3A_1163 = arith.constant 0 : i32
          %dma_start3A_1164 = tpu.memref_slice %run_scoped3A_35[%rem3A_1116, %dma_start3A_1161, %dma_start3A_1162, %dma_start3A_1163] : memref<2x1024x1x32xf32, #tpu.memory_space<vmem>> -> memref<1x1024x1x32xf32, #tpu.memory_space<vmem>>
          %dma_start3A_1165 = tpu.memref_squeeze %dma_start3A_1164 : memref<1x1024x1x32xf32, #tpu.memory_space<vmem>> -> memref<1024x1x32xf32, #tpu.memory_space<vmem>>
          %dma_start3A_1166 = arith.constant 0 : i32
          %dma_start3A_1167 = tpu.memref_slice %arg7[%mul3A_1158, %mul3A_1160, %dma_start3A_1166] : memref<4096x200x128xf32, #tpu.memory_space<hbm>> -> memref<1024x1x32xf32, #tpu.memory_space<hbm>>
          %dma_start3A_1168 = tpu.memref_slice %run_scoped3A_36[%rem3A_1116] : memref<2x!tpu.dma_semaphore, #tpu.memory_space<semaphore_mem>> -> memref<1x!tpu.dma_semaphore, #tpu.memory_space<semaphore_mem>>
          %dma_start3A_1169 = tpu.memref_squeeze %dma_start3A_1168 : memref<1x!tpu.dma_semaphore, #tpu.memory_space<semaphore_mem>> -> memref<!tpu.dma_semaphore, #tpu.memory_space<semaphore_mem>>
          %dma_start3A_1170 = arith.constant 0 : i32
          %dma_start3A_1171 = tpu.memref_slice %arg7[%mul3A_1158, %mul3A_1160, %dma_start3A_1170] : memref<4096x200x128xf32, #tpu.memory_space<hbm>> -> memref<1024x1x32xf32, #tpu.memory_space<hbm>>
          %dma_start3A_1172 = arith.constant 0 : i32
          %dma_start3A_1173 = arith.constant 0 : i32
          %dma_start3A_1174 = arith.constant 0 : i32
          %dma_start3A_1175 = tpu.memref_slice %run_scoped3A_35[%rem3A_1116, %dma_start3A_1172, %dma_start3A_1173, %dma_start3A_1174] : memref<2x1024x1x32xf32, #tpu.memory_space<vmem>> -> memref<1x1024x1x32xf32, #tpu.memory_space<vmem>>
          %dma_start3A_1176 = tpu.memref_squeeze %dma_start3A_1175 : memref<1x1024x1x32xf32, #tpu.memory_space<vmem>> -> memref<1024x1x32xf32, #tpu.memory_space<vmem>>
          tpu.enqueue_dma source(%dma_start3A_1176 : memref<1024x1x32xf32, #tpu.memory_space<vmem>>) target(%dma_start3A_1171 : memref<1024x1x32xf32, #tpu.memory_space<hbm>>) target_semaphore(%dma_start3A_1169 : memref<!tpu.dma_semaphore, #tpu.memory_space<semaphore_mem>>)
          "tpu.trace_stop"() : () -> ()
        } else {
        }
        %and3A_822 = arith.constant true
        %and3A_823 = arith.andi %or3A_818, %and3A_822 : i1
        %add3A_824 = arith.constant 1 : i32
        %add3A_825 = arith.addi %scan3A_233, %add3A_824 : i32
        %select_n3A_826 = arith.select %and3A_823, %add3A_825, %scan3A_233 : i32
        %jit3A_827 = arith.constant 4 : i32
        %div3A_828 = arith.divsi %add3A_240, %jit3A_827 : i32
        %sign3A_829 = arith.constant 0 : i32
        %sign3A_830 = arith.cmpi sgt, %add3A_240, %sign3A_829 : i32
        %sign3A_831 = arith.extui %sign3A_830 : i1 to i32
        %sign3A_832 = arith.constant 0 : i32
        %sign3A_833 = arith.cmpi slt, %add3A_240, %sign3A_832 : i32
        %sign3A_834 = arith.extui %sign3A_833 : i1 to i32
        %sign3A_835 = arith.subi %sign3A_831, %sign3A_834 : i32
        %sign3A_836 = arith.constant 0 : i32
        %sign3A_837 = arith.cmpi sgt, %jit3A_827, %sign3A_836 : i32
        %sign3A_838 = arith.extui %sign3A_837 : i1 to i32
        %sign3A_839 = arith.constant 0 : i32
        %sign3A_840 = arith.cmpi slt, %jit3A_827, %sign3A_839 : i32
        %sign3A_841 = arith.extui %sign3A_840 : i1 to i32
        %sign3A_842 = arith.subi %sign3A_838, %sign3A_841 : i32
        %ne3A_843 = arith.cmpi ne, %sign3A_835, %sign3A_842 : i32
        %rem3A_844 = arith.remsi %add3A_240, %jit3A_827 : i32
        %ne3A_845 = arith.constant 0 : i32
        %ne3A_846 = arith.cmpi ne, %rem3A_844, %ne3A_845 : i32
        %and3A_847 = arith.andi %ne3A_843, %ne3A_846 : i1
        %sub3A_848 = arith.constant 1 : i32
        %sub3A_849 = arith.subi %div3A_828, %sub3A_848 : i32
        %select_n3A_850 = arith.select %and3A_847, %sub3A_849, %div3A_828 : i32
        %jit3A_851 = arith.constant 4 : i32
        %eq3A_852 = arith.constant 0 : i32
        %eq3A_853 = arith.cmpi eq, %jit3A_851, %eq3A_852 : i32
        %jit3A_854 = arith.constant 1 : i32
        %select_n3A_855 = arith.select %eq3A_853, %jit3A_854, %jit3A_851 : i32
        %rem3A_856 = arith.remsi %add3A_240, %select_n3A_855 : i32
        %ne3A_857 = arith.constant 0 : i32
        %ne3A_858 = arith.cmpi ne, %rem3A_856, %ne3A_857 : i32
        %lt3A_859 = arith.constant 0 : i32
        %lt3A_860 = arith.cmpi slt, %rem3A_856, %lt3A_859 : i32
        %lt3A_861 = arith.constant 0 : i32
        %lt3A_862 = arith.cmpi slt, %select_n3A_855, %lt3A_861 : i32
        %ne3A_863 = arith.xori %lt3A_860, %lt3A_862 : i1
        %and3A_864 = arith.andi %ne3A_863, %ne3A_858 : i1
        %add3A_865 = arith.addi %rem3A_856, %select_n3A_855 : i32
        %select_n3A_866 = arith.select %and3A_864, %add3A_865, %rem3A_856 : i32
        %jit3A_867 = arith.constant 4 : i32
        %div3A_868 = arith.divsi %add3A_249, %jit3A_867 : i32
        %sign3A_869 = arith.constant 0 : i32
        %sign3A_870 = arith.cmpi sgt, %add3A_249, %sign3A_869 : i32
        %sign3A_871 = arith.extui %sign3A_870 : i1 to i32
        %sign3A_872 = arith.constant 0 : i32
        %sign3A_873 = arith.cmpi slt, %add3A_249, %sign3A_872 : i32
        %sign3A_874 = arith.extui %sign3A_873 : i1 to i32
        %sign3A_875 = arith.subi %sign3A_871, %sign3A_874 : i32
        %sign3A_876 = arith.constant 0 : i32
        %sign3A_877 = arith.cmpi sgt, %jit3A_867, %sign3A_876 : i32
        %sign3A_878 = arith.extui %sign3A_877 : i1 to i32
        %sign3A_879 = arith.constant 0 : i32
        %sign3A_880 = arith.cmpi slt, %jit3A_867, %sign3A_879 : i32
        %sign3A_881 = arith.extui %sign3A_880 : i1 to i32
        %sign3A_882 = arith.subi %sign3A_878, %sign3A_881 : i32
        %ne3A_883 = arith.cmpi ne, %sign3A_875, %sign3A_882 : i32
        %rem3A_884 = arith.remsi %add3A_249, %jit3A_867 : i32
        %ne3A_885 = arith.constant 0 : i32
        %ne3A_886 = arith.cmpi ne, %rem3A_884, %ne3A_885 : i32
        %and3A_887 = arith.andi %ne3A_883, %ne3A_886 : i1
        %sub3A_888 = arith.constant 1 : i32
        %sub3A_889 = arith.subi %div3A_868, %sub3A_888 : i32
        %select_n3A_890 = arith.select %and3A_887, %sub3A_889, %div3A_868 : i32
        %jit3A_891 = arith.constant 4 : i32
        %eq3A_892 = arith.constant 0 : i32
        %eq3A_893 = arith.cmpi eq, %jit3A_891, %eq3A_892 : i32
        %jit3A_894 = arith.constant 1 : i32
        %select_n3A_895 = arith.select %eq3A_893, %jit3A_894, %jit3A_891 : i32
        %rem3A_896 = arith.remsi %add3A_249, %select_n3A_895 : i32
        %ne3A_897 = arith.constant 0 : i32
        %ne3A_898 = arith.cmpi ne, %rem3A_896, %ne3A_897 : i32
        %lt3A_899 = arith.constant 0 : i32
        %lt3A_900 = arith.cmpi slt, %rem3A_896, %lt3A_899 : i32
        %lt3A_901 = arith.constant 0 : i32
        %lt3A_902 = arith.cmpi slt, %select_n3A_895, %lt3A_901 : i32
        %ne3A_903 = arith.xori %lt3A_900, %lt3A_902 : i1
        %and3A_904 = arith.andi %ne3A_903, %ne3A_898 : i1
        %add3A_905 = arith.addi %rem3A_896, %select_n3A_895 : i32
        %select_n3A_906 = arith.select %and3A_904, %add3A_905, %rem3A_896 : i32
        %ne3A_907 = arith.cmpi ne, %select_n3A_850, %select_n3A_890 : i32
        %ne3A_908 = arith.cmpi ne, %select_n3A_866, %select_n3A_906 : i32
        %or3A_909 = arith.constant false
        %or3A_910 = arith.ori %or3A_909, %ne3A_907 : i1
        %or3A_911 = arith.ori %or3A_910, %ne3A_908 : i1
        %not3A_912 = arith.constant true
        %not3A_913 = arith.xori %eq3A_237, %not3A_912 : i1
        %and3A_914 = arith.andi %or3A_911, %not3A_913 : i1
        %convert_element_type3A_915 = arith.extui %and3A_914 : i1 to i32
        %cond3A_916 = arith.constant 0 : i32
        %cond3A_917 = arith.cmpi ne, %convert_element_type3A_915, %cond3A_916 : i32
        scf.if %cond3A_917 {
        } else {
        }
        %and3A_918 = arith.constant false
        %and3A_919 = arith.andi %and3A_914, %and3A_918 : i1
        %jit3A_920 = arith.constant 4 : i32
        %eq3A_921 = arith.constant 0 : i32
        %eq3A_922 = arith.cmpi eq, %jit3A_920, %eq3A_921 : i32
        %jit3A_923 = arith.constant 1 : i32
        %select_n3A_924 = arith.select %eq3A_922, %jit3A_923, %jit3A_920 : i32
        %rem3A_925 = arith.remsi %add3A_240, %select_n3A_924 : i32
        %ne3A_926 = arith.constant 0 : i32
        %ne3A_927 = arith.cmpi ne, %rem3A_925, %ne3A_926 : i32
        %lt3A_928 = arith.constant 0 : i32
        %lt3A_929 = arith.cmpi slt, %rem3A_925, %lt3A_928 : i32
        %lt3A_930 = arith.constant 0 : i32
        %lt3A_931 = arith.cmpi slt, %select_n3A_924, %lt3A_930 : i32
        %ne3A_932 = arith.xori %lt3A_929, %lt3A_931 : i1
        %and3A_933 = arith.andi %ne3A_932, %ne3A_927 : i1
        %add3A_934 = arith.addi %rem3A_925, %select_n3A_924 : i32
        %select_n3A_935 = arith.select %and3A_933, %add3A_934, %rem3A_925 : i32
        %jit3A_936 = arith.constant 4 : i32
        %div3A_937 = arith.divsi %add3A_240, %jit3A_936 : i32
        %sign3A_938 = arith.constant 0 : i32
        %sign3A_939 = arith.cmpi sgt, %add3A_240, %sign3A_938 : i32
        %sign3A_940 = arith.extui %sign3A_939 : i1 to i32
        %sign3A_941 = arith.constant 0 : i32
        %sign3A_942 = arith.cmpi slt, %add3A_240, %sign3A_941 : i32
        %sign3A_943 = arith.extui %sign3A_942 : i1 to i32
        %sign3A_944 = arith.subi %sign3A_940, %sign3A_943 : i32
        %sign3A_945 = arith.constant 0 : i32
        %sign3A_946 = arith.cmpi sgt, %jit3A_936, %sign3A_945 : i32
        %sign3A_947 = arith.extui %sign3A_946 : i1 to i32
        %sign3A_948 = arith.constant 0 : i32
        %sign3A_949 = arith.cmpi slt, %jit3A_936, %sign3A_948 : i32
        %sign3A_950 = arith.extui %sign3A_949 : i1 to i32
        %sign3A_951 = arith.subi %sign3A_947, %sign3A_950 : i32
        %ne3A_952 = arith.cmpi ne, %sign3A_944, %sign3A_951 : i32
        %rem3A_953 = arith.remsi %add3A_240, %jit3A_936 : i32
        %ne3A_954 = arith.constant 0 : i32
        %ne3A_955 = arith.cmpi ne, %rem3A_953, %ne3A_954 : i32
        %and3A_956 = arith.andi %ne3A_952, %ne3A_955 : i1
        %sub3A_957 = arith.constant 1 : i32
        %sub3A_958 = arith.subi %div3A_937, %sub3A_957 : i32
        %select_n3A_959 = arith.select %and3A_956, %sub3A_958, %div3A_937 : i32
        %jit3A_960 = arith.constant 4 : i32
        %eq3A_961 = arith.constant 0 : i32
        %eq3A_962 = arith.cmpi eq, %jit3A_960, %eq3A_961 : i32
        %jit3A_963 = arith.constant 1 : i32
        %select_n3A_964 = arith.select %eq3A_962, %jit3A_963, %jit3A_960 : i32
        %rem3A_965 = arith.remsi %add3A_249, %select_n3A_964 : i32
        %ne3A_966 = arith.constant 0 : i32
        %ne3A_967 = arith.cmpi ne, %rem3A_965, %ne3A_966 : i32
        %lt3A_968 = arith.constant 0 : i32
        %lt3A_969 = arith.cmpi slt, %rem3A_965, %lt3A_968 : i32
        %lt3A_970 = arith.constant 0 : i32
        %lt3A_971 = arith.cmpi slt, %select_n3A_964, %lt3A_970 : i32
        %ne3A_972 = arith.xori %lt3A_969, %lt3A_971 : i1
        %and3A_973 = arith.andi %ne3A_972, %ne3A_967 : i1
        %add3A_974 = arith.addi %rem3A_965, %select_n3A_964 : i32
        %select_n3A_975 = arith.select %and3A_973, %add3A_974, %rem3A_965 : i32
        %jit3A_976 = arith.constant 4 : i32
        %div3A_977 = arith.divsi %add3A_249, %jit3A_976 : i32
        %sign3A_978 = arith.constant 0 : i32
        %sign3A_979 = arith.cmpi sgt, %add3A_249, %sign3A_978 : i32
        %sign3A_980 = arith.extui %sign3A_979 : i1 to i32
        %sign3A_981 = arith.constant 0 : i32
        %sign3A_982 = arith.cmpi slt, %add3A_249, %sign3A_981 : i32
        %sign3A_983 = arith.extui %sign3A_982 : i1 to i32
        %sign3A_984 = arith.subi %sign3A_980, %sign3A_983 : i32
        %sign3A_985 = arith.constant 0 : i32
        %sign3A_986 = arith.cmpi sgt, %jit3A_976, %sign3A_985 : i32
        %sign3A_987 = arith.extui %sign3A_986 : i1 to i32
        %sign3A_988 = arith.constant 0 : i32
        %sign3A_989 = arith.cmpi slt, %jit3A_976, %sign3A_988 : i32
        %sign3A_990 = arith.extui %sign3A_989 : i1 to i32
        %sign3A_991 = arith.subi %sign3A_987, %sign3A_990 : i32
        %ne3A_992 = arith.cmpi ne, %sign3A_984, %sign3A_991 : i32
        %rem3A_993 = arith.remsi %add3A_249, %jit3A_976 : i32
        %ne3A_994 = arith.constant 0 : i32
        %ne3A_995 = arith.cmpi ne, %rem3A_993, %ne3A_994 : i32
        %and3A_996 = arith.andi %ne3A_992, %ne3A_995 : i1
        %sub3A_997 = arith.constant 1 : i32
        %sub3A_998 = arith.subi %div3A_977, %sub3A_997 : i32
        %select_n3A_999 = arith.select %and3A_996, %sub3A_998, %div3A_977 : i32
        %ne3A_1000 = arith.cmpi ne, %select_n3A_935, %select_n3A_975 : i32
        %ne3A_1001 = arith.cmpi ne, %select_n3A_959, %select_n3A_999 : i32
        %or3A_1002 = arith.constant false
        %or3A_1003 = arith.ori %or3A_1002, %ne3A_1000 : i1
        %or3A_1004 = arith.ori %or3A_1003, %ne3A_1001 : i1
        %or3A_1005 = arith.constant false
        %or3A_1006 = arith.ori %or3A_1004, %or3A_1005 : i1
        %not3A_1007 = arith.constant true
        %not3A_1008 = arith.xori %eq3A_237, %not3A_1007 : i1
        %and3A_1009 = arith.andi %or3A_1006, %not3A_1008 : i1
        %convert_element_type3A_1010 = arith.extui %and3A_1009 : i1 to i32
        %cond3A_1011 = arith.constant 0 : i32
        %cond3A_1012 = arith.cmpi ne, %convert_element_type3A_1010, %cond3A_1011 : i32
        scf.if %cond3A_1012 {
          "tpu.trace_start"() <{level = 10 : i32, message = "ep_wait_out"}> : () -> ()
          %rem3A_1115 = arith.constant 2 : i32
          %rem3A_1116 = arith.remui %scan3A_234, %rem3A_1115 : i32
          %jit3A_1117 = arith.constant 4 : i32
          %eq3A_1118 = arith.constant 0 : i32
          %eq3A_1119 = arith.cmpi eq, %jit3A_1117, %eq3A_1118 : i32
          %jit3A_1120 = arith.constant 1 : i32
          %select_n3A_1121 = arith.select %eq3A_1119, %jit3A_1120, %jit3A_1117 : i32
          %rem3A_1122 = arith.remsi %add3A_249, %select_n3A_1121 : i32
          %ne3A_1123 = arith.constant 0 : i32
          %ne3A_1124 = arith.cmpi ne, %rem3A_1122, %ne3A_1123 : i32
          %lt3A_1125 = arith.constant 0 : i32
          %lt3A_1126 = arith.cmpi slt, %rem3A_1122, %lt3A_1125 : i32
          %lt3A_1127 = arith.constant 0 : i32
          %lt3A_1128 = arith.cmpi slt, %select_n3A_1121, %lt3A_1127 : i32
          %ne3A_1129 = arith.xori %lt3A_1126, %lt3A_1128 : i1
          %and3A_1130 = arith.andi %ne3A_1129, %ne3A_1124 : i1
          %add3A_1131 = arith.addi %rem3A_1122, %select_n3A_1121 : i32
          %select_n3A_1132 = arith.select %and3A_1130, %add3A_1131, %rem3A_1122 : i32
          %jit3A_1133 = arith.constant 4 : i32
          %div3A_1134 = arith.divsi %add3A_249, %jit3A_1133 : i32
          %sign3A_1135 = arith.constant 0 : i32
          %sign3A_1136 = arith.cmpi sgt, %add3A_249, %sign3A_1135 : i32
          %sign3A_1137 = arith.extui %sign3A_1136 : i1 to i32
          %sign3A_1138 = arith.constant 0 : i32
          %sign3A_1139 = arith.cmpi slt, %add3A_249, %sign3A_1138 : i32
          %sign3A_1140 = arith.extui %sign3A_1139 : i1 to i32
          %sign3A_1141 = arith.subi %sign3A_1137, %sign3A_1140 : i32
          %sign3A_1142 = arith.constant 0 : i32
          %sign3A_1143 = arith.cmpi sgt, %jit3A_1133, %sign3A_1142 : i32
          %sign3A_1144 = arith.extui %sign3A_1143 : i1 to i32
          %sign3A_1145 = arith.constant 0 : i32
          %sign3A_1146 = arith.cmpi slt, %jit3A_1133, %sign3A_1145 : i32
          %sign3A_1147 = arith.extui %sign3A_1146 : i1 to i32
          %sign3A_1148 = arith.subi %sign3A_1144, %sign3A_1147 : i32
          %ne3A_1149 = arith.cmpi ne, %sign3A_1141, %sign3A_1148 : i32
          %rem3A_1150 = arith.remsi %add3A_249, %jit3A_1133 : i32
          %ne3A_1151 = arith.constant 0 : i32
          %ne3A_1152 = arith.cmpi ne, %rem3A_1150, %ne3A_1151 : i32
          %and3A_1153 = arith.andi %ne3A_1149, %ne3A_1152 : i1
          %sub3A_1154 = arith.constant 1 : i32
          %sub3A_1155 = arith.subi %div3A_1134, %sub3A_1154 : i32
          %select_n3A_1156 = arith.select %and3A_1153, %sub3A_1155, %div3A_1134 : i32
          %mul3A_1157 = arith.constant 1024 : i32
          %mul3A_1158 = arith.muli %mul3A_1157, %select_n3A_1132 : i32
          %mul3A_1159 = arith.constant 1 : i32
          %mul3A_1160 = arith.muli %mul3A_1159, %select_n3A_1156 : i32
          %dma_wait3A_1161 = arith.constant 0 : i32
          %dma_wait3A_1162 = arith.constant 0 : i32
          %dma_wait3A_1163 = arith.constant 0 : i32
          %dma_wait3A_1164 = tpu.memref_slice %run_scoped3A_35[%rem3A_1116, %dma_wait3A_1161, %dma_wait3A_1162, %dma_wait3A_1163] : memref<2x1024x1x32xf32, #tpu.memory_space<vmem>> -> memref<1x1024x1x32xf32, #tpu.memory_space<vmem>>
          %dma_wait3A_1165 = tpu.memref_squeeze %dma_wait3A_1164 : memref<1x1024x1x32xf32, #tpu.memory_space<vmem>> -> memref<1024x1x32xf32, #tpu.memory_space<vmem>>
          %dma_wait3A_1166 = arith.constant 0 : i32
          %dma_wait3A_1167 = tpu.memref_slice %arg7[%mul3A_1158, %mul3A_1160, %dma_wait3A_1166] : memref<4096x200x128xf32, #tpu.memory_space<hbm>> -> memref<1024x1x32xf32, #tpu.memory_space<hbm>>
          %dma_wait3A_1168 = tpu.memref_slice %run_scoped3A_36[%rem3A_1116] : memref<2x!tpu.dma_semaphore, #tpu.memory_space<semaphore_mem>> -> memref<1x!tpu.dma_semaphore, #tpu.memory_space<semaphore_mem>>
          %dma_wait3A_1169 = tpu.memref_squeeze %dma_wait3A_1168 : memref<1x!tpu.dma_semaphore, #tpu.memory_space<semaphore_mem>> -> memref<!tpu.dma_semaphore, #tpu.memory_space<semaphore_mem>>
          %dma_wait3A_1170 = arith.constant 0 : i32
          %dma_wait3A_1171 = tpu.memref_slice %arg7[%mul3A_1158, %mul3A_1160, %dma_wait3A_1170] : memref<4096x200x128xf32, #tpu.memory_space<hbm>> -> memref<1024x1x32xf32, #tpu.memory_space<hbm>>
          %dma_wait3A_1172 = arith.constant 0 : i32
          %dma_wait3A_1173 = arith.constant 0 : i32
          %dma_wait3A_1174 = arith.constant 0 : i32
          %dma_wait3A_1175 = tpu.memref_slice %run_scoped3A_35[%rem3A_1116, %dma_wait3A_1172, %dma_wait3A_1173, %dma_wait3A_1174] : memref<2x1024x1x32xf32, #tpu.memory_space<vmem>> -> memref<1x1024x1x32xf32, #tpu.memory_space<vmem>>
          %dma_wait3A_1176 = tpu.memref_squeeze %dma_wait3A_1175 : memref<1x1024x1x32xf32, #tpu.memory_space<vmem>> -> memref<1024x1x32xf32, #tpu.memory_space<vmem>>
          tpu.wait_dma2 semaphore(%dma_wait3A_1169 : memref<!tpu.dma_semaphore, #tpu.memory_space<semaphore_mem>>) src(%dma_wait3A_1176 : memref<1024x1x32xf32, #tpu.memory_space<vmem>>) dst(%dma_wait3A_1171 : memref<1024x1x32xf32, #tpu.memory_space<hbm>>)
          "tpu.trace_stop"() : () -> ()
        } else {
        }
        %and3A_1013 = arith.constant true
        %and3A_1014 = arith.andi %and3A_1009, %and3A_1013 : i1
        %add3A_1015 = arith.constant 1 : i32
        %add3A_1016 = arith.addi %scan3A_234, %add3A_1015 : i32
        %select_n3A_1017 = arith.select %and3A_1014, %add3A_1016, %scan3A_234 : i32
        %jit3A_1018 = arith.constant 4 : i32
        %div3A_1019 = arith.divsi %add3A_240, %jit3A_1018 : i32
        %sign3A_1020 = arith.constant 0 : i32
        %sign3A_1021 = arith.cmpi sgt, %add3A_240, %sign3A_1020 : i32
        %sign3A_1022 = arith.extui %sign3A_1021 : i1 to i32
        %sign3A_1023 = arith.constant 0 : i32
        %sign3A_1024 = arith.cmpi slt, %add3A_240, %sign3A_1023 : i32
        %sign3A_1025 = arith.extui %sign3A_1024 : i1 to i32
        %sign3A_1026 = arith.subi %sign3A_1022, %sign3A_1025 : i32
        %sign3A_1027 = arith.constant 0 : i32
        %sign3A_1028 = arith.cmpi sgt, %jit3A_1018, %sign3A_1027 : i32
        %sign3A_1029 = arith.extui %sign3A_1028 : i1 to i32
        %sign3A_1030 = arith.constant 0 : i32
        %sign3A_1031 = arith.cmpi slt, %jit3A_1018, %sign3A_1030 : i32
        %sign3A_1032 = arith.extui %sign3A_1031 : i1 to i32
        %sign3A_1033 = arith.subi %sign3A_1029, %sign3A_1032 : i32
        %ne3A_1034 = arith.cmpi ne, %sign3A_1026, %sign3A_1033 : i32
        %rem3A_1035 = arith.remsi %add3A_240, %jit3A_1018 : i32
        %ne3A_1036 = arith.constant 0 : i32
        %ne3A_1037 = arith.cmpi ne, %rem3A_1035, %ne3A_1036 : i32
        %and3A_1038 = arith.andi %ne3A_1034, %ne3A_1037 : i1
        %sub3A_1039 = arith.constant 1 : i32
        %sub3A_1040 = arith.subi %div3A_1019, %sub3A_1039 : i32
        %select_n3A_1041 = arith.select %and3A_1038, %sub3A_1040, %div3A_1019 : i32
        %jit3A_1042 = arith.constant 4 : i32
        %eq3A_1043 = arith.constant 0 : i32
        %eq3A_1044 = arith.cmpi eq, %jit3A_1042, %eq3A_1043 : i32
        %jit3A_1045 = arith.constant 1 : i32
        %select_n3A_1046 = arith.select %eq3A_1044, %jit3A_1045, %jit3A_1042 : i32
        %rem3A_1047 = arith.remsi %add3A_240, %select_n3A_1046 : i32
        %ne3A_1048 = arith.constant 0 : i32
        %ne3A_1049 = arith.cmpi ne, %rem3A_1047, %ne3A_1048 : i32
        %lt3A_1050 = arith.constant 0 : i32
        %lt3A_1051 = arith.cmpi slt, %rem3A_1047, %lt3A_1050 : i32
        %lt3A_1052 = arith.constant 0 : i32
        %lt3A_1053 = arith.cmpi slt, %select_n3A_1046, %lt3A_1052 : i32
        %ne3A_1054 = arith.xori %lt3A_1051, %lt3A_1053 : i1
        %and3A_1055 = arith.andi %ne3A_1054, %ne3A_1049 : i1
        %add3A_1056 = arith.addi %rem3A_1047, %select_n3A_1046 : i32
        %select_n3A_1057 = arith.select %and3A_1055, %add3A_1056, %rem3A_1047 : i32
        %jit3A_1058 = arith.constant 4 : i32
        %div3A_1059 = arith.divsi %add3A_258, %jit3A_1058 : i32
        %sign3A_1060 = arith.constant 0 : i32
        %sign3A_1061 = arith.cmpi sgt, %add3A_258, %sign3A_1060 : i32
        %sign3A_1062 = arith.extui %sign3A_1061 : i1 to i32
        %sign3A_1063 = arith.constant 0 : i32
        %sign3A_1064 = arith.cmpi slt, %add3A_258, %sign3A_1063 : i32
        %sign3A_1065 = arith.extui %sign3A_1064 : i1 to i32
        %sign3A_1066 = arith.subi %sign3A_1062, %sign3A_1065 : i32
        %sign3A_1067 = arith.constant 0 : i32
        %sign3A_1068 = arith.cmpi sgt, %jit3A_1058, %sign3A_1067 : i32
        %sign3A_1069 = arith.extui %sign3A_1068 : i1 to i32
        %sign3A_1070 = arith.constant 0 : i32
        %sign3A_1071 = arith.cmpi slt, %jit3A_1058, %sign3A_1070 : i32
        %sign3A_1072 = arith.extui %sign3A_1071 : i1 to i32
        %sign3A_1073 = arith.subi %sign3A_1069, %sign3A_1072 : i32
        %ne3A_1074 = arith.cmpi ne, %sign3A_1066, %sign3A_1073 : i32
        %rem3A_1075 = arith.remsi %add3A_258, %jit3A_1058 : i32
        %ne3A_1076 = arith.constant 0 : i32
        %ne3A_1077 = arith.cmpi ne, %rem3A_1075, %ne3A_1076 : i32
        %and3A_1078 = arith.andi %ne3A_1074, %ne3A_1077 : i1
        %sub3A_1079 = arith.constant 1 : i32
        %sub3A_1080 = arith.subi %div3A_1059, %sub3A_1079 : i32
        %select_n3A_1081 = arith.select %and3A_1078, %sub3A_1080, %div3A_1059 : i32
        %jit3A_1082 = arith.constant 4 : i32
        %eq3A_1083 = arith.constant 0 : i32
        %eq3A_1084 = arith.cmpi eq, %jit3A_1082, %eq3A_1083 : i32
        %jit3A_1085 = arith.constant 1 : i32
        %select_n3A_1086 = arith.select %eq3A_1084, %jit3A_1085, %jit3A_1082 : i32
        %rem3A_1087 = arith.remsi %add3A_258, %select_n3A_1086 : i32
        %ne3A_1088 = arith.constant 0 : i32
        %ne3A_1089 = arith.cmpi ne, %rem3A_1087, %ne3A_1088 : i32
        %lt3A_1090 = arith.constant 0 : i32
        %lt3A_1091 = arith.cmpi slt, %rem3A_1087, %lt3A_1090 : i32
        %lt3A_1092 = arith.constant 0 : i32
        %lt3A_1093 = arith.cmpi slt, %select_n3A_1086, %lt3A_1092 : i32
        %ne3A_1094 = arith.xori %lt3A_1091, %lt3A_1093 : i1
        %and3A_1095 = arith.andi %ne3A_1094, %ne3A_1089 : i1
        %add3A_1096 = arith.addi %rem3A_1087, %select_n3A_1086 : i32
        %select_n3A_1097 = arith.select %and3A_1095, %add3A_1096, %rem3A_1087 : i32
        %ne3A_1098 = arith.cmpi ne, %select_n3A_1041, %select_n3A_1081 : i32
        %ne3A_1099 = arith.cmpi ne, %select_n3A_1057, %select_n3A_1097 : i32
        %or3A_1100 = arith.constant false
        %or3A_1101 = arith.ori %or3A_1100, %ne3A_1098 : i1
        %or3A_1102 = arith.ori %or3A_1101, %ne3A_1099 : i1
        %or3A_1103 = arith.ori %or3A_1102, %eq3A_239 : i1
        %add3A_1104 = arith.constant 1 : i32
        %add3A_1105 = arith.addi %scan3A_232, %add3A_1104 : i32
        %select_n3A_1106 = arith.select %or3A_1103, %add3A_1105, %scan3A_232 : i32
        %add3A_1107 = arith.constant 1 : i32
        %add3A_1108 = arith.addi %scan3A_235, %add3A_1107 : i32
        %select_n3A_1109 = arith.constant true
        %select_n3A_1110 = arith.select %select_n3A_1109, %add3A_1108, %scan3A_235 : i32
        %eq3A_1111 = arith.constant 25 : i32
        %eq3A_1112 = arith.cmpi eq, %select_n3A_1110, %eq3A_1111 : i32
        %select_n3A_1113 = arith.constant 0 : i32
        %select_n3A_1114 = arith.select %eq3A_1112, %select_n3A_1113, %select_n3A_1110 : i32
        scf.yield %select_n3A_360, %select_n3A_1106, %select_n3A_826, %select_n3A_1017, %select_n3A_1114 : i32, i32, i32, i32, i32
      }
      %scan3A_132 = arith.constant 25 : i32
      %sub3A_133 = arith.constant 1 : i32
      %sub3A_134 = arith.subi %scan3A_131#4, %sub3A_133 : i32
      %select_n3A_135 = arith.constant true
      %select_n3A_136 = arith.select %select_n3A_135, %sub3A_134, %scan3A_131#4 : i32
      %eq3A_137 = arith.constant -1 : i32
      %eq3A_138 = arith.cmpi eq, %select_n3A_136, %eq3A_137 : i32
      %select_n3A_139 = arith.constant 24 : i32
      %select_n3A_140 = arith.select %eq3A_138, %select_n3A_139, %select_n3A_136 : i32
      %add3A_141 = arith.addi %select_n3A_140, %mul3A_6 : i32
      %sub3A_142 = arith.constant 1 : i32
      %sub3A_143 = arith.subi %select_n3A_140, %sub3A_142 : i32
      %select_n3A_144 = arith.constant true
      %select_n3A_145 = arith.select %select_n3A_144, %sub3A_143, %select_n3A_140 : i32
      %eq3A_146 = arith.constant -1 : i32
      %eq3A_147 = arith.cmpi eq, %select_n3A_145, %eq3A_146 : i32
      %select_n3A_148 = arith.constant 24 : i32
      %select_n3A_149 = arith.select %eq3A_147, %select_n3A_148, %select_n3A_145 : i32
      %add3A_150 = arith.addi %select_n3A_149, %mul3A_6 : i32
      %add3A_151 = arith.constant 1 : i32
      %add3A_152 = arith.addi %select_n3A_140, %add3A_151 : i32
      %select_n3A_153 = arith.constant true
      %select_n3A_154 = arith.select %select_n3A_153, %add3A_152, %select_n3A_140 : i32
      %eq3A_155 = arith.constant 25 : i32
      %eq3A_156 = arith.cmpi eq, %select_n3A_154, %eq3A_155 : i32
      %select_n3A_157 = arith.constant 0 : i32
      %select_n3A_158 = arith.select %eq3A_156, %select_n3A_157, %select_n3A_154 : i32
      %add3A_159 = arith.addi %select_n3A_158, %mul3A_6 : i32
      %add3A_160 = arith.constant 1 : i32
      %add3A_161 = arith.addi %select_n3A_158, %add3A_160 : i32
      %select_n3A_162 = arith.constant true
      %select_n3A_163 = arith.select %select_n3A_162, %add3A_161, %select_n3A_158 : i32
      %eq3A_164 = arith.constant 25 : i32
      %eq3A_165 = arith.cmpi eq, %select_n3A_163, %eq3A_164 : i32
      %select_n3A_166 = arith.constant 0 : i32
      %select_n3A_167 = arith.select %eq3A_165, %select_n3A_166, %select_n3A_163 : i32
      %add3A_168 = arith.addi %select_n3A_167, %mul3A_6 : i32
      "tpu.trace_start"() <{level = 10 : i32, message = "ep_finalize"}> : () -> ()
      %rem3A_169 = arith.constant 2 : i32
      %rem3A_170 = arith.remui %scan3A_131#3, %rem3A_169 : i32
      %jit3A_171 = arith.constant 4 : i32
      %eq3A_172 = arith.constant 0 : i32
      %eq3A_173 = arith.cmpi eq, %jit3A_171, %eq3A_172 : i32
      %jit3A_174 = arith.constant 1 : i32
      %select_n3A_175 = arith.select %eq3A_173, %jit3A_174, %jit3A_171 : i32
      %rem3A_176 = arith.remsi %add3A_141, %select_n3A_175 : i32
      %ne3A_177 = arith.constant 0 : i32
      %ne3A_178 = arith.cmpi ne, %rem3A_176, %ne3A_177 : i32
      %lt3A_179 = arith.constant 0 : i32
      %lt3A_180 = arith.cmpi slt, %rem3A_176, %lt3A_179 : i32
      %lt3A_181 = arith.constant 0 : i32
      %lt3A_182 = arith.cmpi slt, %select_n3A_175, %lt3A_181 : i32
      %ne3A_183 = arith.xori %lt3A_180, %lt3A_182 : i1
      %and3A_184 = arith.andi %ne3A_183, %ne3A_178 : i1
      %add3A_185 = arith.addi %rem3A_176, %select_n3A_175 : i32
      %select_n3A_186 = arith.select %and3A_184, %add3A_185, %rem3A_176 : i32
      %jit3A_187 = arith.constant 4 : i32
      %div3A_188 = arith.divsi %add3A_141, %jit3A_187 : i32
      %sign3A_189 = arith.constant 0 : i32
      %sign3A_190 = arith.cmpi sgt, %add3A_141, %sign3A_189 : i32
      %sign3A_191 = arith.extui %sign3A_190 : i1 to i32
      %sign3A_192 = arith.constant 0 : i32
      %sign3A_193 = arith.cmpi slt, %add3A_141, %sign3A_192 : i32
      %sign3A_194 = arith.extui %sign3A_193 : i1 to i32
      %sign3A_195 = arith.subi %sign3A_191, %sign3A_194 : i32
      %sign3A_196 = arith.constant 0 : i32
      %sign3A_197 = arith.cmpi sgt, %jit3A_187, %sign3A_196 : i32
      %sign3A_198 = arith.extui %sign3A_197 : i1 to i32
      %sign3A_199 = arith.constant 0 : i32
      %sign3A_200 = arith.cmpi slt, %jit3A_187, %sign3A_199 : i32
      %sign3A_201 = arith.extui %sign3A_200 : i1 to i32
      %sign3A_202 = arith.subi %sign3A_198, %sign3A_201 : i32
      %ne3A_203 = arith.cmpi ne, %sign3A_195, %sign3A_202 : i32
      %rem3A_204 = arith.remsi %add3A_141, %jit3A_187 : i32
      %ne3A_205 = arith.constant 0 : i32
      %ne3A_206 = arith.cmpi ne, %rem3A_204, %ne3A_205 : i32
      %and3A_207 = arith.andi %ne3A_203, %ne3A_206 : i1
      %sub3A_208 = arith.constant 1 : i32
      %sub3A_209 = arith.subi %div3A_188, %sub3A_208 : i32
      %select_n3A_210 = arith.select %and3A_207, %sub3A_209, %div3A_188 : i32
      %mul3A_211 = arith.constant 1024 : i32
      %mul3A_212 = arith.muli %mul3A_211, %select_n3A_186 : i32
      %mul3A_213 = arith.constant 1 : i32
      %mul3A_214 = arith.muli %mul3A_213, %select_n3A_210 : i32
      %dma_wait3A = arith.constant 0 : i32
      %dma_wait3A_215 = arith.constant 0 : i32
      %dma_wait3A_216 = arith.constant 0 : i32
      %dma_wait3A_217 = tpu.memref_slice %run_scoped3A_35[%rem3A_170, %dma_wait3A, %dma_wait3A_215, %dma_wait3A_216] : memref<2x1024x1x32xf32, #tpu.memory_space<vmem>> -> memref<1x1024x1x32xf32, #tpu.memory_space<vmem>>
      %dma_wait3A_218 = tpu.memref_squeeze %dma_wait3A_217 : memref<1x1024x1x32xf32, #tpu.memory_space<vmem>> -> memref<1024x1x32xf32, #tpu.memory_space<vmem>>
      %dma_wait3A_219 = arith.constant 0 : i32
      %dma_wait3A_220 = tpu.memref_slice %arg7[%mul3A_212, %mul3A_214, %dma_wait3A_219] : memref<4096x200x128xf32, #tpu.memory_space<hbm>> -> memref<1024x1x32xf32, #tpu.memory_space<hbm>>
      %dma_wait3A_221 = tpu.memref_slice %run_scoped3A_36[%rem3A_170] : memref<2x!tpu.dma_semaphore, #tpu.memory_space<semaphore_mem>> -> memref<1x!tpu.dma_semaphore, #tpu.memory_space<semaphore_mem>>
      %dma_wait3A_222 = tpu.memref_squeeze %dma_wait3A_221 : memref<1x!tpu.dma_semaphore, #tpu.memory_space<semaphore_mem>> -> memref<!tpu.dma_semaphore, #tpu.memory_space<semaphore_mem>>
      %dma_wait3A_223 = arith.constant 0 : i32
      %dma_wait3A_224 = tpu.memref_slice %arg7[%mul3A_212, %mul3A_214, %dma_wait3A_223] : memref<4096x200x128xf32, #tpu.memory_space<hbm>> -> memref<1024x1x32xf32, #tpu.memory_space<hbm>>
      %dma_wait3A_225 = arith.constant 0 : i32
      %dma_wait3A_226 = arith.constant 0 : i32
      %dma_wait3A_227 = arith.constant 0 : i32
      %dma_wait3A_228 = tpu.memref_slice %run_scoped3A_35[%rem3A_170, %dma_wait3A_225, %dma_wait3A_226, %dma_wait3A_227] : memref<2x1024x1x32xf32, #tpu.memory_space<vmem>> -> memref<1x1024x1x32xf32, #tpu.memory_space<vmem>>
      %dma_wait3A_229 = tpu.memref_squeeze %dma_wait3A_228 : memref<1x1024x1x32xf32, #tpu.memory_space<vmem>> -> memref<1024x1x32xf32, #tpu.memory_space<vmem>>
      tpu.wait_dma2 semaphore(%dma_wait3A_222 : memref<!tpu.dma_semaphore, #tpu.memory_space<semaphore_mem>>) src(%dma_wait3A_229 : memref<1024x1x32xf32, #tpu.memory_space<vmem>>) dst(%dma_wait3A_224 : memref<1024x1x32xf32, #tpu.memory_space<hbm>>)
      "tpu.trace_stop"() : () -> ()
      tpu.yield
    }) : () -> ()
    %mul3A_7 = arith.constant 1 : i32
    %mul3A_8 = arith.muli %arg1, %mul3A_7 : i32
    %add3A_9 = arith.constant 0 : i32
    %add3A_10 = arith.addi %add3A_9, %mul3A_8 : i32
    %mul3A_11 = arith.constant 16 : i32
    %mul3A_12 = arith.muli %arg0, %mul3A_11 : i32
    %add3A_13 = arith.addi %add3A_10, %mul3A_12 : i32
    %mul3A_14 = arith.constant 25 : i32
    %mul3A_15 = arith.muli %add3A_13, %mul3A_14 : i32
    "tpu.region"() ({
      %run_scoped3A = memref.alloca() : memref<2x1x1x1024xi32, #tpu.memory_space<vmem>>
      %run_scoped3A_34 = tpu.sem_alloc : memref<2x!tpu.dma_semaphore, #tpu.memory_space<semaphore_mem>>
      %run_scoped3A_35 = memref.alloca() : memref<2x1024x1x32xf32, #tpu.memory_space<vmem>>
      %run_scoped3A_36 = tpu.sem_alloc : memref<2x!tpu.dma_semaphore, #tpu.memory_space<semaphore_mem>>
      %add3A_37 = arith.constant 0 : i32
      %add3A_38 = arith.addi %add3A_37, %mul3A_15 : i32
      %select_n3A = arith.constant true
      %select_n3A_39 = arith.constant 0 : i32
      %select_n3A_40 = arith.constant -1 : i32
      %select_n3A_41 = arith.select %select_n3A, %select_n3A_40, %select_n3A_39 : i32
      %eq3A = arith.constant -1 : i32
      %eq3A_42 = arith.cmpi eq, %select_n3A_41, %eq3A : i32
      %select_n3A_43 = arith.constant 24 : i32
      %select_n3A_44 = arith.select %eq3A_42, %select_n3A_43, %select_n3A_41 : i32
      %add3A_45 = arith.addi %select_n3A_44, %mul3A_15 : i32
      %select_n3A_46 = arith.constant true
      %select_n3A_47 = arith.constant 0 : i32
      %select_n3A_48 = arith.constant 1 : i32
      %select_n3A_49 = arith.select %select_n3A_46, %select_n3A_48, %select_n3A_47 : i32
      %eq3A_50 = arith.constant 25 : i32
      %eq3A_51 = arith.cmpi eq, %select_n3A_49, %eq3A_50 : i32
      %select_n3A_52 = arith.constant 0 : i32
      %select_n3A_53 = arith.select %eq3A_51, %select_n3A_52, %select_n3A_49 : i32
      %add3A_54 = arith.addi %select_n3A_53, %mul3A_15 : i32
      %add3A_55 = arith.constant 1 : i32
      %add3A_56 = arith.addi %select_n3A_53, %add3A_55 : i32
      %select_n3A_57 = arith.constant true
      %select_n3A_58 = arith.select %select_n3A_57, %add3A_56, %select_n3A_53 : i32
      %eq3A_59 = arith.constant 25 : i32
      %eq3A_60 = arith.cmpi eq, %select_n3A_58, %eq3A_59 : i32
      %select_n3A_61 = arith.constant 0 : i32
      %select_n3A_62 = arith.select %eq3A_60, %select_n3A_61, %select_n3A_58 : i32
      %add3A_63 = arith.addi %select_n3A_62, %mul3A_15 : i32
      "tpu.trace_start"() <{level = 10 : i32, message = "ep_initialize_0"}> : () -> ()
      %rem3A = arith.constant 0 : i32
      %rem3A_64 = arith.constant 2 : i32
      %rem3A_65 = arith.remui %rem3A, %rem3A_64 : i32
      %jit3A = arith.constant 4 : i32
      %div3A = arith.divsi %add3A_38, %jit3A : i32
      %sign3A = arith.constant 0 : i32
      %sign3A_66 = arith.cmpi sgt, %add3A_38, %sign3A : i32
      %sign3A_67 = arith.extui %sign3A_66 : i1 to i32
      %sign3A_68 = arith.constant 0 : i32
      %sign3A_69 = arith.cmpi slt, %add3A_38, %sign3A_68 : i32
      %sign3A_70 = arith.extui %sign3A_69 : i1 to i32
      %sign3A_71 = arith.subi %sign3A_67, %sign3A_70 : i32
      %sign3A_72 = arith.constant 0 : i32
      %sign3A_73 = arith.cmpi sgt, %jit3A, %sign3A_72 : i32
      %sign3A_74 = arith.extui %sign3A_73 : i1 to i32
      %sign3A_75 = arith.constant 0 : i32
      %sign3A_76 = arith.cmpi slt, %jit3A, %sign3A_75 : i32
      %sign3A_77 = arith.extui %sign3A_76 : i1 to i32
      %sign3A_78 = arith.subi %sign3A_74, %sign3A_77 : i32
      %ne3A = arith.cmpi ne, %sign3A_71, %sign3A_78 : i32
      %rem3A_79 = arith.remsi %add3A_38, %jit3A : i32
      %ne3A_80 = arith.constant 0 : i32
      %ne3A_81 = arith.cmpi ne, %rem3A_79, %ne3A_80 : i32
      %and3A = arith.andi %ne3A, %ne3A_81 : i1
      %sub3A = arith.constant 1 : i32
      %sub3A_82 = arith.subi %div3A, %sub3A : i32
      %select_n3A_83 = arith.select %and3A, %sub3A_82, %div3A : i32
      %jit3A_84 = arith.constant 4 : i32
      %eq3A_85 = arith.constant 0 : i32
      %eq3A_86 = arith.cmpi eq, %jit3A_84, %eq3A_85 : i32
      %jit3A_87 = arith.constant 1 : i32
      %select_n3A_88 = arith.select %eq3A_86, %jit3A_87, %jit3A_84 : i32
      %rem3A_89 = arith.remsi %add3A_38, %select_n3A_88 : i32
      %ne3A_90 = arith.constant 0 : i32
      %ne3A_91 = arith.cmpi ne, %rem3A_89, %ne3A_90 : i32
      %lt3A = arith.constant 0 : i32
      %lt3A_92 = arith.cmpi slt, %rem3A_89, %lt3A : i32
      %lt3A_93 = arith.constant 0 : i32
      %lt3A_94 = arith.cmpi slt, %select_n3A_88, %lt3A_93 : i32
      %ne3A_95 = arith.xori %lt3A_92, %lt3A_94 : i1
      %and3A_96 = arith.andi %ne3A_95, %ne3A_91 : i1
      %add3A_97 = arith.addi %rem3A_89, %select_n3A_88 : i32
      %select_n3A_98 = arith.select %and3A_96, %add3A_97, %rem3A_89 : i32
      %mul3A_99 = arith.constant 1 : i32
      %mul3A_100 = arith.muli %mul3A_99, %select_n3A_83 : i32
      %mul3A_101 = arith.constant 1024 : i32
      %mul3A_102 = arith.muli %mul3A_101, %select_n3A_98 : i32
      %dma_start3A = arith.constant 0 : i32
      %dma_start3A_103 = arith.constant 0 : i32
      %dma_start3A_104 = arith.constant 0 : i32
      %dma_start3A_105 = tpu.memref_slice %run_scoped3A[%rem3A_65, %dma_start3A, %dma_start3A_103, %dma_start3A_104] : memref<2x1x1x1024xi32, #tpu.memory_space<vmem>> -> memref<1x1x1x1024xi32, #tpu.memory_space<vmem>>
      %dma_start3A_106 = tpu.memref_squeeze %dma_start3A_105 : memref<1x1x1x1024xi32, #tpu.memory_space<vmem>> -> memref<1x1x1024xi32, #tpu.memory_space<vmem>>
      %dma_start3A_107 = arith.constant 1 : i32
      %dma_start3A_108 = tpu.memref_slice %arg2[%dma_start3A_107, %mul3A_100, %mul3A_102] : memref<4x200x4096xi32, #tpu.memory_space<hbm>> -> memref<1x1x1024xi32, #tpu.memory_space<hbm>>
      %dma_start3A_109 = tpu.memref_slice %run_scoped3A_34[%rem3A_65] : memref<2x!tpu.dma_semaphore, #tpu.memory_space<semaphore_mem>> -> memref<1x!tpu.dma_semaphore, #tpu.memory_space<semaphore_mem>>
      %dma_start3A_110 = tpu.memref_squeeze %dma_start3A_109 : memref<1x!tpu.dma_semaphore, #tpu.memory_space<semaphore_mem>> -> memref<!tpu.dma_semaphore, #tpu.memory_space<semaphore_mem>>
      %dma_start3A_111 = arith.constant 0 : i32
      %dma_start3A_112 = arith.constant 0 : i32
      %dma_start3A_113 = arith.constant 0 : i32
      %dma_start3A_114 = tpu.memref_slice %run_scoped3A[%rem3A_65, %dma_start3A_111, %dma_start3A_112, %dma_start3A_113] : memref<2x1x1x1024xi32, #tpu.memory_space<vmem>> -> memref<1x1x1x1024xi32, #tpu.memory_space<vmem>>
      %dma_start3A_115 = tpu.memref_squeeze %dma_start3A_114 : memref<1x1x1x1024xi32, #tpu.memory_space<vmem>> -> memref<1x1x1024xi32, #tpu.memory_space<vmem>>
      %dma_start3A_116 = arith.constant 1 : i32
      %dma_start3A_117 = tpu.memref_slice %arg2[%dma_start3A_116, %mul3A_100, %mul3A_102] : memref<4x200x4096xi32, #tpu.memory_space<hbm>> -> memref<1x1x1024xi32, #tpu.memory_space<hbm>>
      tpu.enqueue_dma source(%dma_start3A_117 : memref<1x1x1024xi32, #tpu.memory_space<hbm>>) target(%dma_start3A_115 : memref<1x1x1024xi32, #tpu.memory_space<vmem>>) target_semaphore(%dma_start3A_110 : memref<!tpu.dma_semaphore, #tpu.memory_space<semaphore_mem>>)
      %add3A_118 = arith.constant 0 : i32
      %add3A_119 = arith.constant 1 : i32
      %add3A_120 = arith.addi %add3A_118, %add3A_119 : i32
      %select_n3A_121 = arith.constant true
      %select_n3A_122 = arith.constant 0 : i32
      %select_n3A_123 = arith.select %select_n3A_121, %add3A_120, %select_n3A_122 : i32
      "tpu.trace_stop"() : () -> ()
      %scan3A = arith.constant 0 : i32
      %scan3A_124 = arith.constant 0 : i32
      %scan3A_125 = arith.constant 0 : i32
      %scan3A_126 = arith.constant 0 : i32
      %scan3A_127 = arith.constant 0 : i32
      %scan3A_128 = arith.constant 25 : i32
      %scan3A_129 = arith.addi %scan3A_127, %scan3A_128 : i32
      %scan3A_130 = arith.constant 1 : i32
      %scan3A_131:5 = scf.for %scan3A_230 = %scan3A_127 to %scan3A_129 step %scan3A_130 iter_args(%scan3A_231 = %select_n3A_123, %scan3A_232 = %scan3A, %scan3A_233 = %scan3A_124, %scan3A_234 = %scan3A_125, %scan3A_235 = %scan3A_126) -> (i32, i32, i32, i32, i32)  : i32 {
        %eq3A_236 = arith.constant 0 : i32
        %eq3A_237 = arith.cmpi eq, %scan3A_230, %eq3A_236 : i32
        %eq3A_238 = arith.constant 24 : i32
        %eq3A_239 = arith.cmpi eq, %scan3A_230, %eq3A_238 : i32
        %add3A_240 = arith.addi %scan3A_235, %mul3A_15 : i32
        %sub3A_241 = arith.constant 1 : i32
        %sub3A_242 = arith.subi %scan3A_235, %sub3A_241 : i32
        %select_n3A_243 = arith.constant true
        %select_n3A_244 = arith.select %select_n3A_243, %sub3A_242, %scan3A_235 : i32
        %eq3A_245 = arith.constant -1 : i32
        %eq3A_246 = arith.cmpi eq, %select_n3A_244, %eq3A_245 : i32
        %select_n3A_247 = arith.constant 24 : i32
        %select_n3A_248 = arith.select %eq3A_246, %select_n3A_247, %select_n3A_244 : i32
        %add3A_249 = arith.addi %select_n3A_248, %mul3A_15 : i32
        %add3A_250 = arith.constant 1 : i32
        %add3A_251 = arith.addi %scan3A_235, %add3A_250 : i32
        %select_n3A_252 = arith.constant true
        %select_n3A_253 = arith.select %select_n3A_252, %add3A_251, %scan3A_235 : i32
        %eq3A_254 = arith.constant 25 : i32
        %eq3A_255 = arith.cmpi eq, %select_n3A_253, %eq3A_254 : i32
        %select_n3A_256 = arith.constant 0 : i32
        %select_n3A_257 = arith.select %eq3A_255, %select_n3A_256, %select_n3A_253 : i32
        %add3A_258 = arith.addi %select_n3A_257, %mul3A_15 : i32
        %add3A_259 = arith.constant 1 : i32
        %add3A_260 = arith.addi %select_n3A_257, %add3A_259 : i32
        %select_n3A_261 = arith.constant true
        %select_n3A_262 = arith.select %select_n3A_261, %add3A_260, %select_n3A_257 : i32
        %eq3A_263 = arith.constant 25 : i32
        %eq3A_264 = arith.cmpi eq, %select_n3A_262, %eq3A_263 : i32
        %select_n3A_265 = arith.constant 0 : i32
        %select_n3A_266 = arith.select %eq3A_264, %select_n3A_265, %select_n3A_262 : i32
        %add3A_267 = arith.addi %select_n3A_266, %mul3A_15 : i32
        %jit3A_268 = arith.constant 4 : i32
        %div3A_269 = arith.divsi %add3A_240, %jit3A_268 : i32
        %sign3A_270 = arith.constant 0 : i32
        %sign3A_271 = arith.cmpi sgt, %add3A_240, %sign3A_270 : i32
        %sign3A_272 = arith.extui %sign3A_271 : i1 to i32
        %sign3A_273 = arith.constant 0 : i32
        %sign3A_274 = arith.cmpi slt, %add3A_240, %sign3A_273 : i32
        %sign3A_275 = arith.extui %sign3A_274 : i1 to i32
        %sign3A_276 = arith.subi %sign3A_272, %sign3A_275 : i32
        %sign3A_277 = arith.constant 0 : i32
        %sign3A_278 = arith.cmpi sgt, %jit3A_268, %sign3A_277 : i32
        %sign3A_279 = arith.extui %sign3A_278 : i1 to i32
        %sign3A_280 = arith.constant 0 : i32
        %sign3A_281 = arith.cmpi slt, %jit3A_268, %sign3A_280 : i32
        %sign3A_282 = arith.extui %sign3A_281 : i1 to i32
        %sign3A_283 = arith.subi %sign3A_279, %sign3A_282 : i32
        %ne3A_284 = arith.cmpi ne, %sign3A_276, %sign3A_283 : i32
        %rem3A_285 = arith.remsi %add3A_240, %jit3A_268 : i32
        %ne3A_286 = arith.constant 0 : i32
        %ne3A_287 = arith.cmpi ne, %rem3A_285, %ne3A_286 : i32
        %and3A_288 = arith.andi %ne3A_284, %ne3A_287 : i1
        %sub3A_289 = arith.constant 1 : i32
        %sub3A_290 = arith.subi %div3A_269, %sub3A_289 : i32
        %select_n3A_291 = arith.select %and3A_288, %sub3A_290, %div3A_269 : i32
        %jit3A_292 = arith.constant 4 : i32
        %eq3A_293 = arith.constant 0 : i32
        %eq3A_294 = arith.cmpi eq, %jit3A_292, %eq3A_293 : i32
        %jit3A_295 = arith.constant 1 : i32
        %select_n3A_296 = arith.select %eq3A_294, %jit3A_295, %jit3A_292 : i32
        %rem3A_297 = arith.remsi %add3A_240, %select_n3A_296 : i32
        %ne3A_298 = arith.constant 0 : i32
        %ne3A_299 = arith.cmpi ne, %rem3A_297, %ne3A_298 : i32
        %lt3A_300 = arith.constant 0 : i32
        %lt3A_301 = arith.cmpi slt, %rem3A_297, %lt3A_300 : i32
        %lt3A_302 = arith.constant 0 : i32
        %lt3A_303 = arith.cmpi slt, %select_n3A_296, %lt3A_302 : i32
        %ne3A_304 = arith.xori %lt3A_301, %lt3A_303 : i1
        %and3A_305 = arith.andi %ne3A_304, %ne3A_299 : i1
        %add3A_306 = arith.addi %rem3A_297, %select_n3A_296 : i32
        %select_n3A_307 = arith.select %and3A_305, %add3A_306, %rem3A_297 : i32
        %jit3A_308 = arith.constant 4 : i32
        %div3A_309 = arith.divsi %add3A_258, %jit3A_308 : i32
        %sign3A_310 = arith.constant 0 : i32
        %sign3A_311 = arith.cmpi sgt, %add3A_258, %sign3A_310 : i32
        %sign3A_312 = arith.extui %sign3A_311 : i1 to i32
        %sign3A_313 = arith.constant 0 : i32
        %sign3A_314 = arith.cmpi slt, %add3A_258, %sign3A_313 : i32
        %sign3A_315 = arith.extui %sign3A_314 : i1 to i32
        %sign3A_316 = arith.subi %sign3A_312, %sign3A_315 : i32
        %sign3A_317 = arith.constant 0 : i32
        %sign3A_318 = arith.cmpi sgt, %jit3A_308, %sign3A_317 : i32
        %sign3A_319 = arith.extui %sign3A_318 : i1 to i32
        %sign3A_320 = arith.constant 0 : i32
        %sign3A_321 = arith.cmpi slt, %jit3A_308, %sign3A_320 : i32
        %sign3A_322 = arith.extui %sign3A_321 : i1 to i32
        %sign3A_323 = arith.subi %sign3A_319, %sign3A_322 : i32
        %ne3A_324 = arith.cmpi ne, %sign3A_316, %sign3A_323 : i32
        %rem3A_325 = arith.remsi %add3A_258, %jit3A_308 : i32
        %ne3A_326 = arith.constant 0 : i32
        %ne3A_327 = arith.cmpi ne, %rem3A_325, %ne3A_326 : i32
        %and3A_328 = arith.andi %ne3A_324, %ne3A_327 : i1
        %sub3A_329 = arith.constant 1 : i32
        %sub3A_330 = arith.subi %div3A_309, %sub3A_329 : i32
        %select_n3A_331 = arith.select %and3A_328, %sub3A_330, %div3A_309 : i32
        %jit3A_332 = arith.constant 4 : i32
        %eq3A_333 = arith.constant 0 : i32
        %eq3A_334 = arith.cmpi eq, %jit3A_332, %eq3A_333 : i32
        %jit3A_335 = arith.constant 1 : i32
        %select_n3A_336 = arith.select %eq3A_334, %jit3A_335, %jit3A_332 : i32
        %rem3A_337 = arith.remsi %add3A_258, %select_n3A_336 : i32
        %ne3A_338 = arith.constant 0 : i32
        %ne3A_339 = arith.cmpi ne, %rem3A_337, %ne3A_338 : i32
        %lt3A_340 = arith.constant 0 : i32
        %lt3A_341 = arith.cmpi slt, %rem3A_337, %lt3A_340 : i32
        %lt3A_342 = arith.constant 0 : i32
        %lt3A_343 = arith.cmpi slt, %select_n3A_336, %lt3A_342 : i32
        %ne3A_344 = arith.xori %lt3A_341, %lt3A_343 : i1
        %and3A_345 = arith.andi %ne3A_344, %ne3A_339 : i1
        %add3A_346 = arith.addi %rem3A_337, %select_n3A_336 : i32
        %select_n3A_347 = arith.select %and3A_345, %add3A_346, %rem3A_337 : i32
        %ne3A_348 = arith.cmpi ne, %select_n3A_291, %select_n3A_331 : i32
        %ne3A_349 = arith.cmpi ne, %select_n3A_307, %select_n3A_347 : i32
        %or3A = arith.constant false
        %or3A_350 = arith.ori %or3A, %ne3A_348 : i1
        %or3A_351 = arith.ori %or3A_350, %ne3A_349 : i1
        %ge3A = arith.constant 24 : i32
        %ge3A_352 = arith.cmpi sge, %scan3A_230, %ge3A : i32
        %not3A = arith.constant true
        %not3A_353 = arith.xori %ge3A_352, %not3A : i1
        %and3A_354 = arith.andi %or3A_351, %not3A_353 : i1
        %convert_element_type3A = arith.extui %and3A_354 : i1 to i32
        %cond3A = arith.constant 0 : i32
        %cond3A_355 = arith.cmpi ne, %convert_element_type3A, %cond3A : i32
        scf.if %cond3A_355 {
          "tpu.trace_start"() <{level = 10 : i32, message = "ep_copy_in"}> : () -> ()
          %rem3A_1115 = arith.constant 2 : i32
          %rem3A_1116 = arith.remui %scan3A_231, %rem3A_1115 : i32
          %jit3A_1117 = arith.constant 4 : i32
          %div3A_1118 = arith.divsi %add3A_258, %jit3A_1117 : i32
          %sign3A_1119 = arith.constant 0 : i32
          %sign3A_1120 = arith.cmpi sgt, %add3A_258, %sign3A_1119 : i32
          %sign3A_1121 = arith.extui %sign3A_1120 : i1 to i32
          %sign3A_1122 = arith.constant 0 : i32
          %sign3A_1123 = arith.cmpi slt, %add3A_258, %sign3A_1122 : i32
          %sign3A_1124 = arith.extui %sign3A_1123 : i1 to i32
          %sign3A_1125 = arith.subi %sign3A_1121, %sign3A_1124 : i32
          %sign3A_1126 = arith.constant 0 : i32
          %sign3A_1127 = arith.cmpi sgt, %jit3A_1117, %sign3A_1126 : i32
          %sign3A_1128 = arith.extui %sign3A_1127 : i1 to i32
          %sign3A_1129 = arith.constant 0 : i32
          %sign3A_1130 = arith.cmpi slt, %jit3A_1117, %sign3A_1129 : i32
          %sign3A_1131 = arith.extui %sign3A_1130 : i1 to i32
          %sign3A_1132 = arith.subi %sign3A_1128, %sign3A_1131 : i32
          %ne3A_1133 = arith.cmpi ne, %sign3A_1125, %sign3A_1132 : i32
          %rem3A_1134 = arith.remsi %add3A_258, %jit3A_1117 : i32
          %ne3A_1135 = arith.constant 0 : i32
          %ne3A_1136 = arith.cmpi ne, %rem3A_1134, %ne3A_1135 : i32
          %and3A_1137 = arith.andi %ne3A_1133, %ne3A_1136 : i1
          %sub3A_1138 = arith.constant 1 : i32
          %sub3A_1139 = arith.subi %div3A_1118, %sub3A_1138 : i32
          %select_n3A_1140 = arith.select %and3A_1137, %sub3A_1139, %div3A_1118 : i32
          %jit3A_1141 = arith.constant 4 : i32
          %eq3A_1142 = arith.constant 0 : i32
          %eq3A_1143 = arith.cmpi eq, %jit3A_1141, %eq3A_1142 : i32
          %jit3A_1144 = arith.constant 1 : i32
          %select_n3A_1145 = arith.select %eq3A_1143, %jit3A_1144, %jit3A_1141 : i32
          %rem3A_1146 = arith.remsi %add3A_258, %select_n3A_1145 : i32
          %ne3A_1147 = arith.constant 0 : i32
          %ne3A_1148 = arith.cmpi ne, %rem3A_1146, %ne3A_1147 : i32
          %lt3A_1149 = arith.constant 0 : i32
          %lt3A_1150 = arith.cmpi slt, %rem3A_1146, %lt3A_1149 : i32
          %lt3A_1151 = arith.constant 0 : i32
          %lt3A_1152 = arith.cmpi slt, %select_n3A_1145, %lt3A_1151 : i32
          %ne3A_1153 = arith.xori %lt3A_1150, %lt3A_1152 : i1
          %and3A_1154 = arith.andi %ne3A_1153, %ne3A_1148 : i1
          %add3A_1155 = arith.addi %rem3A_1146, %select_n3A_1145 : i32
          %select_n3A_1156 = arith.select %and3A_1154, %add3A_1155, %rem3A_1146 : i32
          %mul3A_1157 = arith.constant 1 : i32
          %mul3A_1158 = arith.muli %mul3A_1157, %select_n3A_1140 : i32
          %mul3A_1159 = arith.constant 1024 : i32
          %mul3A_1160 = arith.muli %mul3A_1159, %select_n3A_1156 : i32
          %dma_start3A_1161 = arith.constant 0 : i32
          %dma_start3A_1162 = arith.constant 0 : i32
          %dma_start3A_1163 = arith.constant 0 : i32
          %dma_start3A_1164 = tpu.memref_slice %run_scoped3A[%rem3A_1116, %dma_start3A_1161, %dma_start3A_1162, %dma_start3A_1163] : memref<2x1x1x1024xi32, #tpu.memory_space<vmem>> -> memref<1x1x1x1024xi32, #tpu.memory_space<vmem>>
          %dma_start3A_1165 = tpu.memref_squeeze %dma_start3A_1164 : memref<1x1x1x1024xi32, #tpu.memory_space<vmem>> -> memref<1x1x1024xi32, #tpu.memory_space<vmem>>
          %dma_start3A_1166 = arith.constant 1 : i32
          %dma_start3A_1167 = tpu.memref_slice %arg2[%dma_start3A_1166, %mul3A_1158, %mul3A_1160] : memref<4x200x4096xi32, #tpu.memory_space<hbm>> -> memref<1x1x1024xi32, #tpu.memory_space<hbm>>
          %dma_start3A_1168 = tpu.memref_slice %run_scoped3A_34[%rem3A_1116] : memref<2x!tpu.dma_semaphore, #tpu.memory_space<semaphore_mem>> -> memref<1x!tpu.dma_semaphore, #tpu.memory_space<semaphore_mem>>
          %dma_start3A_1169 = tpu.memref_squeeze %dma_start3A_1168 : memref<1x!tpu.dma_semaphore, #tpu.memory_space<semaphore_mem>> -> memref<!tpu.dma_semaphore, #tpu.memory_space<semaphore_mem>>
          %dma_start3A_1170 = arith.constant 0 : i32
          %dma_start3A_1171 = arith.constant 0 : i32
          %dma_start3A_1172 = arith.constant 0 : i32
          %dma_start3A_1173 = tpu.memref_slice %run_scoped3A[%rem3A_1116, %dma_start3A_1170, %dma_start3A_1171, %dma_start3A_1172] : memref<2x1x1x1024xi32, #tpu.memory_space<vmem>> -> memref<1x1x1x1024xi32, #tpu.memory_space<vmem>>
          %dma_start3A_1174 = tpu.memref_squeeze %dma_start3A_1173 : memref<1x1x1x1024xi32, #tpu.memory_space<vmem>> -> memref<1x1x1024xi32, #tpu.memory_space<vmem>>
          %dma_start3A_1175 = arith.constant 1 : i32
          %dma_start3A_1176 = tpu.memref_slice %arg2[%dma_start3A_1175, %mul3A_1158, %mul3A_1160] : memref<4x200x4096xi32, #tpu.memory_space<hbm>> -> memref<1x1x1024xi32, #tpu.memory_space<hbm>>
          tpu.enqueue_dma source(%dma_start3A_1176 : memref<1x1x1024xi32, #tpu.memory_space<hbm>>) target(%dma_start3A_1174 : memref<1x1x1024xi32, #tpu.memory_space<vmem>>) target_semaphore(%dma_start3A_1169 : memref<!tpu.dma_semaphore, #tpu.memory_space<semaphore_mem>>)
          "tpu.trace_stop"() : () -> ()
        } else {
        }
        %and3A_356 = arith.constant true
        %and3A_357 = arith.andi %and3A_354, %and3A_356 : i1
        %add3A_358 = arith.constant 1 : i32
        %add3A_359 = arith.addi %scan3A_231, %add3A_358 : i32
        %select_n3A_360 = arith.select %and3A_357, %add3A_359, %scan3A_231 : i32
        %jit3A_361 = arith.constant 4 : i32
        %eq3A_362 = arith.constant 0 : i32
        %eq3A_363 = arith.cmpi eq, %jit3A_361, %eq3A_362 : i32
        %jit3A_364 = arith.constant 1 : i32
        %select_n3A_365 = arith.select %eq3A_363, %jit3A_364, %jit3A_361 : i32
        %rem3A_366 = arith.remsi %add3A_240, %select_n3A_365 : i32
        %ne3A_367 = arith.constant 0 : i32
        %ne3A_368 = arith.cmpi ne, %rem3A_366, %ne3A_367 : i32
        %lt3A_369 = arith.constant 0 : i32
        %lt3A_370 = arith.cmpi slt, %rem3A_366, %lt3A_369 : i32
        %lt3A_371 = arith.constant 0 : i32
        %lt3A_372 = arith.cmpi slt, %select_n3A_365, %lt3A_371 : i32
        %ne3A_373 = arith.xori %lt3A_370, %lt3A_372 : i1
        %and3A_374 = arith.andi %ne3A_373, %ne3A_368 : i1
        %add3A_375 = arith.addi %rem3A_366, %select_n3A_365 : i32
        %select_n3A_376 = arith.select %and3A_374, %add3A_375, %rem3A_366 : i32
        %jit3A_377 = arith.constant 4 : i32
        %div3A_378 = arith.divsi %add3A_240, %jit3A_377 : i32
        %sign3A_379 = arith.constant 0 : i32
        %sign3A_380 = arith.cmpi sgt, %add3A_240, %sign3A_379 : i32
        %sign3A_381 = arith.extui %sign3A_380 : i1 to i32
        %sign3A_382 = arith.constant 0 : i32
        %sign3A_383 = arith.cmpi slt, %add3A_240, %sign3A_382 : i32
        %sign3A_384 = arith.extui %sign3A_383 : i1 to i32
        %sign3A_385 = arith.subi %sign3A_381, %sign3A_384 : i32
        %sign3A_386 = arith.constant 0 : i32
        %sign3A_387 = arith.cmpi sgt, %jit3A_377, %sign3A_386 : i32
        %sign3A_388 = arith.extui %sign3A_387 : i1 to i32
        %sign3A_389 = arith.constant 0 : i32
        %sign3A_390 = arith.cmpi slt, %jit3A_377, %sign3A_389 : i32
        %sign3A_391 = arith.extui %sign3A_390 : i1 to i32
        %sign3A_392 = arith.subi %sign3A_388, %sign3A_391 : i32
        %ne3A_393 = arith.cmpi ne, %sign3A_385, %sign3A_392 : i32
        %rem3A_394 = arith.remsi %add3A_240, %jit3A_377 : i32
        %ne3A_395 = arith.constant 0 : i32
        %ne3A_396 = arith.cmpi ne, %rem3A_394, %ne3A_395 : i32
        %and3A_397 = arith.andi %ne3A_393, %ne3A_396 : i1
        %sub3A_398 = arith.constant 1 : i32
        %sub3A_399 = arith.subi %div3A_378, %sub3A_398 : i32
        %select_n3A_400 = arith.select %and3A_397, %sub3A_399, %div3A_378 : i32
        %jit3A_401 = arith.constant 4 : i32
        %eq3A_402 = arith.constant 0 : i32
        %eq3A_403 = arith.cmpi eq, %jit3A_401, %eq3A_402 : i32
        %jit3A_404 = arith.constant 1 : i32
        %select_n3A_405 = arith.select %eq3A_403, %jit3A_404, %jit3A_401 : i32
        %rem3A_406 = arith.remsi %add3A_258, %select_n3A_405 : i32
        %ne3A_407 = arith.constant 0 : i32
        %ne3A_408 = arith.cmpi ne, %rem3A_406, %ne3A_407 : i32
        %lt3A_409 = arith.constant 0 : i32
        %lt3A_410 = arith.cmpi slt, %rem3A_406, %lt3A_409 : i32
        %lt3A_411 = arith.constant 0 : i32
        %lt3A_412 = arith.cmpi slt, %select_n3A_405, %lt3A_411 : i32
        %ne3A_413 = arith.xori %lt3A_410, %lt3A_412 : i1
        %and3A_414 = arith.andi %ne3A_413, %ne3A_408 : i1
        %add3A_415 = arith.addi %rem3A_406, %select_n3A_405 : i32
        %select_n3A_416 = arith.select %and3A_414, %add3A_415, %rem3A_406 : i32
        %jit3A_417 = arith.constant 4 : i32
        %div3A_418 = arith.divsi %add3A_258, %jit3A_417 : i32
        %sign3A_419 = arith.constant 0 : i32
        %sign3A_420 = arith.cmpi sgt, %add3A_258, %sign3A_419 : i32
        %sign3A_421 = arith.extui %sign3A_420 : i1 to i32
        %sign3A_422 = arith.constant 0 : i32
        %sign3A_423 = arith.cmpi slt, %add3A_258, %sign3A_422 : i32
        %sign3A_424 = arith.extui %sign3A_423 : i1 to i32
        %sign3A_425 = arith.subi %sign3A_421, %sign3A_424 : i32
        %sign3A_426 = arith.constant 0 : i32
        %sign3A_427 = arith.cmpi sgt, %jit3A_417, %sign3A_426 : i32
        %sign3A_428 = arith.extui %sign3A_427 : i1 to i32
        %sign3A_429 = arith.constant 0 : i32
        %sign3A_430 = arith.cmpi slt, %jit3A_417, %sign3A_429 : i32
        %sign3A_431 = arith.extui %sign3A_430 : i1 to i32
        %sign3A_432 = arith.subi %sign3A_428, %sign3A_431 : i32
        %ne3A_433 = arith.cmpi ne, %sign3A_425, %sign3A_432 : i32
        %rem3A_434 = arith.remsi %add3A_258, %jit3A_417 : i32
        %ne3A_435 = arith.constant 0 : i32
        %ne3A_436 = arith.cmpi ne, %rem3A_434, %ne3A_435 : i32
        %and3A_437 = arith.andi %ne3A_433, %ne3A_436 : i1
        %sub3A_438 = arith.constant 1 : i32
        %sub3A_439 = arith.subi %div3A_418, %sub3A_438 : i32
        %select_n3A_440 = arith.select %and3A_437, %sub3A_439, %div3A_418 : i32
        %ne3A_441 = arith.cmpi ne, %select_n3A_376, %select_n3A_416 : i32
        %ne3A_442 = arith.cmpi ne, %select_n3A_400, %select_n3A_440 : i32
        %or3A_443 = arith.constant false
        %or3A_444 = arith.ori %or3A_443, %ne3A_441 : i1
        %or3A_445 = arith.ori %or3A_444, %ne3A_442 : i1
        %or3A_446 = arith.constant false
        %or3A_447 = arith.ori %or3A_445, %or3A_446 : i1
        %ge3A_448 = arith.constant 24 : i32
        %ge3A_449 = arith.cmpi sge, %scan3A_230, %ge3A_448 : i32
        %not3A_450 = arith.constant true
        %not3A_451 = arith.xori %ge3A_449, %not3A_450 : i1
        %and3A_452 = arith.andi %or3A_447, %not3A_451 : i1
        %jit3A_453 = arith.constant 4 : i32
        %div3A_454 = arith.divsi %add3A_240, %jit3A_453 : i32
        %sign3A_455 = arith.constant 0 : i32
        %sign3A_456 = arith.cmpi sgt, %add3A_240, %sign3A_455 : i32
        %sign3A_457 = arith.extui %sign3A_456 : i1 to i32
        %sign3A_458 = arith.constant 0 : i32
        %sign3A_459 = arith.cmpi slt, %add3A_240, %sign3A_458 : i32
        %sign3A_460 = arith.extui %sign3A_459 : i1 to i32
        %sign3A_461 = arith.subi %sign3A_457, %sign3A_460 : i32
        %sign3A_462 = arith.constant 0 : i32
        %sign3A_463 = arith.cmpi sgt, %jit3A_453, %sign3A_462 : i32
        %sign3A_464 = arith.extui %sign3A_463 : i1 to i32
        %sign3A_465 = arith.constant 0 : i32
        %sign3A_466 = arith.cmpi slt, %jit3A_453, %sign3A_465 : i32
        %sign3A_467 = arith.extui %sign3A_466 : i1 to i32
        %sign3A_468 = arith.subi %sign3A_464, %sign3A_467 : i32
        %ne3A_469 = arith.cmpi ne, %sign3A_461, %sign3A_468 : i32
        %rem3A_470 = arith.remsi %add3A_240, %jit3A_453 : i32
        %ne3A_471 = arith.constant 0 : i32
        %ne3A_472 = arith.cmpi ne, %rem3A_470, %ne3A_471 : i32
        %and3A_473 = arith.andi %ne3A_469, %ne3A_472 : i1
        %sub3A_474 = arith.constant 1 : i32
        %sub3A_475 = arith.subi %div3A_454, %sub3A_474 : i32
        %select_n3A_476 = arith.select %and3A_473, %sub3A_475, %div3A_454 : i32
        %jit3A_477 = arith.constant 4 : i32
        %eq3A_478 = arith.constant 0 : i32
        %eq3A_479 = arith.cmpi eq, %jit3A_477, %eq3A_478 : i32
        %jit3A_480 = arith.constant 1 : i32
        %select_n3A_481 = arith.select %eq3A_479, %jit3A_480, %jit3A_477 : i32
        %rem3A_482 = arith.remsi %add3A_240, %select_n3A_481 : i32
        %ne3A_483 = arith.constant 0 : i32
        %ne3A_484 = arith.cmpi ne, %rem3A_482, %ne3A_483 : i32
        %lt3A_485 = arith.constant 0 : i32
        %lt3A_486 = arith.cmpi slt, %rem3A_482, %lt3A_485 : i32
        %lt3A_487 = arith.constant 0 : i32
        %lt3A_488 = arith.cmpi slt, %select_n3A_481, %lt3A_487 : i32
        %ne3A_489 = arith.xori %lt3A_486, %lt3A_488 : i1
        %and3A_490 = arith.andi %ne3A_489, %ne3A_484 : i1
        %add3A_491 = arith.addi %rem3A_482, %select_n3A_481 : i32
        %select_n3A_492 = arith.select %and3A_490, %add3A_491, %rem3A_482 : i32
        %jit3A_493 = arith.constant 4 : i32
        %div3A_494 = arith.divsi %add3A_249, %jit3A_493 : i32
        %sign3A_495 = arith.constant 0 : i32
        %sign3A_496 = arith.cmpi sgt, %add3A_249, %sign3A_495 : i32
        %sign3A_497 = arith.extui %sign3A_496 : i1 to i32
        %sign3A_498 = arith.constant 0 : i32
        %sign3A_499 = arith.cmpi slt, %add3A_249, %sign3A_498 : i32
        %sign3A_500 = arith.extui %sign3A_499 : i1 to i32
        %sign3A_501 = arith.subi %sign3A_497, %sign3A_500 : i32
        %sign3A_502 = arith.constant 0 : i32
        %sign3A_503 = arith.cmpi sgt, %jit3A_493, %sign3A_502 : i32
        %sign3A_504 = arith.extui %sign3A_503 : i1 to i32
        %sign3A_505 = arith.constant 0 : i32
        %sign3A_506 = arith.cmpi slt, %jit3A_493, %sign3A_505 : i32
        %sign3A_507 = arith.extui %sign3A_506 : i1 to i32
        %sign3A_508 = arith.subi %sign3A_504, %sign3A_507 : i32
        %ne3A_509 = arith.cmpi ne, %sign3A_501, %sign3A_508 : i32
        %rem3A_510 = arith.remsi %add3A_249, %jit3A_493 : i32
        %ne3A_511 = arith.constant 0 : i32
        %ne3A_512 = arith.cmpi ne, %rem3A_510, %ne3A_511 : i32
        %and3A_513 = arith.andi %ne3A_509, %ne3A_512 : i1
        %sub3A_514 = arith.constant 1 : i32
        %sub3A_515 = arith.subi %div3A_494, %sub3A_514 : i32
        %select_n3A_516 = arith.select %and3A_513, %sub3A_515, %div3A_494 : i32
        %jit3A_517 = arith.constant 4 : i32
        %eq3A_518 = arith.constant 0 : i32
        %eq3A_519 = arith.cmpi eq, %jit3A_517, %eq3A_518 : i32
        %jit3A_520 = arith.constant 1 : i32
        %select_n3A_521 = arith.select %eq3A_519, %jit3A_520, %jit3A_517 : i32
        %rem3A_522 = arith.remsi %add3A_249, %select_n3A_521 : i32
        %ne3A_523 = arith.constant 0 : i32
        %ne3A_524 = arith.cmpi ne, %rem3A_522, %ne3A_523 : i32
        %lt3A_525 = arith.constant 0 : i32
        %lt3A_526 = arith.cmpi slt, %rem3A_522, %lt3A_525 : i32
        %lt3A_527 = arith.constant 0 : i32
        %lt3A_528 = arith.cmpi slt, %select_n3A_521, %lt3A_527 : i32
        %ne3A_529 = arith.xori %lt3A_526, %lt3A_528 : i1
        %and3A_530 = arith.andi %ne3A_529, %ne3A_524 : i1
        %add3A_531 = arith.addi %rem3A_522, %select_n3A_521 : i32
        %select_n3A_532 = arith.select %and3A_530, %add3A_531, %rem3A_522 : i32
        %ne3A_533 = arith.cmpi ne, %select_n3A_476, %select_n3A_516 : i32
        %ne3A_534 = arith.cmpi ne, %select_n3A_492, %select_n3A_532 : i32
        %or3A_535 = arith.constant false
        %or3A_536 = arith.ori %or3A_535, %ne3A_533 : i1
        %or3A_537 = arith.ori %or3A_536, %ne3A_534 : i1
        %or3A_538 = arith.ori %or3A_537, %eq3A_237 : i1
        %convert_element_type3A_539 = arith.extui %or3A_538 : i1 to i32
        %cond3A_540 = arith.constant 0 : i32
        %cond3A_541 = arith.cmpi ne, %convert_element_type3A_539, %cond3A_540 : i32
        scf.if %cond3A_541 {
          %jit3A_1115 = arith.constant 4 : i32
          "tpu.trace_start"() <{level = 10 : i32, message = "ep_wait_in"}> : () -> ()
          %div3A_1116 = arith.divsi %add3A_240, %jit3A_1115 : i32
          %sign3A_1117 = arith.constant 0 : i32
          %sign3A_1118 = arith.cmpi sgt, %add3A_240, %sign3A_1117 : i32
          %sign3A_1119 = arith.extui %sign3A_1118 : i1 to i32
          %sign3A_1120 = arith.constant 0 : i32
          %sign3A_1121 = arith.cmpi slt, %add3A_240, %sign3A_1120 : i32
          %sign3A_1122 = arith.extui %sign3A_1121 : i1 to i32
          %sign3A_1123 = arith.subi %sign3A_1119, %sign3A_1122 : i32
          %sign3A_1124 = arith.constant 0 : i32
          %sign3A_1125 = arith.cmpi sgt, %jit3A_1115, %sign3A_1124 : i32
          %sign3A_1126 = arith.extui %sign3A_1125 : i1 to i32
          %sign3A_1127 = arith.constant 0 : i32
          %sign3A_1128 = arith.cmpi slt, %jit3A_1115, %sign3A_1127 : i32
          %sign3A_1129 = arith.extui %sign3A_1128 : i1 to i32
          %sign3A_1130 = arith.subi %sign3A_1126, %sign3A_1129 : i32
          %ne3A_1131 = arith.cmpi ne, %sign3A_1123, %sign3A_1130 : i32
          %rem3A_1132 = arith.remsi %add3A_240, %jit3A_1115 : i32
          %ne3A_1133 = arith.constant 0 : i32
          %ne3A_1134 = arith.cmpi ne, %rem3A_1132, %ne3A_1133 : i32
          %and3A_1135 = arith.andi %ne3A_1131, %ne3A_1134 : i1
          %sub3A_1136 = arith.constant 1 : i32
          %sub3A_1137 = arith.subi %div3A_1116, %sub3A_1136 : i32
          %select_n3A_1138 = arith.select %and3A_1135, %sub3A_1137, %div3A_1116 : i32
          %jit3A_1139 = arith.constant 4 : i32
          %eq3A_1140 = arith.constant 0 : i32
          %eq3A_1141 = arith.cmpi eq, %jit3A_1139, %eq3A_1140 : i32
          %jit3A_1142 = arith.constant 1 : i32
          %select_n3A_1143 = arith.select %eq3A_1141, %jit3A_1142, %jit3A_1139 : i32
          %rem3A_1144 = arith.remsi %add3A_240, %select_n3A_1143 : i32
          %ne3A_1145 = arith.constant 0 : i32
          %ne3A_1146 = arith.cmpi ne, %rem3A_1144, %ne3A_1145 : i32
          %lt3A_1147 = arith.constant 0 : i32
          %lt3A_1148 = arith.cmpi slt, %rem3A_1144, %lt3A_1147 : i32
          %lt3A_1149 = arith.constant 0 : i32
          %lt3A_1150 = arith.cmpi slt, %select_n3A_1143, %lt3A_1149 : i32
          %ne3A_1151 = arith.xori %lt3A_1148, %lt3A_1150 : i1
          %and3A_1152 = arith.andi %ne3A_1151, %ne3A_1146 : i1
          %add3A_1153 = arith.addi %rem3A_1144, %select_n3A_1143 : i32
          %select_n3A_1154 = arith.select %and3A_1152, %add3A_1153, %rem3A_1144 : i32
          %mul3A_1155 = arith.constant 1 : i32
          %mul3A_1156 = arith.muli %mul3A_1155, %select_n3A_1138 : i32
          %mul3A_1157 = arith.constant 1024 : i32
          %mul3A_1158 = arith.muli %mul3A_1157, %select_n3A_1154 : i32
          %rem3A_1159 = arith.constant 2 : i32
          %rem3A_1160 = arith.remui %scan3A_232, %rem3A_1159 : i32
          %dma_wait3A_1161 = arith.constant 0 : i32
          %dma_wait3A_1162 = arith.constant 0 : i32
          %dma_wait3A_1163 = arith.constant 0 : i32
          %dma_wait3A_1164 = tpu.memref_slice %run_scoped3A[%rem3A_1160, %dma_wait3A_1161, %dma_wait3A_1162, %dma_wait3A_1163] : memref<2x1x1x1024xi32, #tpu.memory_space<vmem>> -> memref<1x1x1x1024xi32, #tpu.memory_space<vmem>>
          %dma_wait3A_1165 = tpu.memref_squeeze %dma_wait3A_1164 : memref<1x1x1x1024xi32, #tpu.memory_space<vmem>> -> memref<1x1x1024xi32, #tpu.memory_space<vmem>>
          %dma_wait3A_1166 = arith.constant 1 : i32
          %dma_wait3A_1167 = tpu.memref_slice %arg2[%dma_wait3A_1166, %mul3A_1156, %mul3A_1158] : memref<4x200x4096xi32, #tpu.memory_space<hbm>> -> memref<1x1x1024xi32, #tpu.memory_space<hbm>>
          %dma_wait3A_1168 = tpu.memref_slice %run_scoped3A_34[%rem3A_1160] : memref<2x!tpu.dma_semaphore, #tpu.memory_space<semaphore_mem>> -> memref<1x!tpu.dma_semaphore, #tpu.memory_space<semaphore_mem>>
          %dma_wait3A_1169 = tpu.memref_squeeze %dma_wait3A_1168 : memref<1x!tpu.dma_semaphore, #tpu.memory_space<semaphore_mem>> -> memref<!tpu.dma_semaphore, #tpu.memory_space<semaphore_mem>>
          %dma_wait3A_1170 = arith.constant 0 : i32
          %dma_wait3A_1171 = arith.constant 0 : i32
          %dma_wait3A_1172 = arith.constant 0 : i32
          %dma_wait3A_1173 = tpu.memref_slice %run_scoped3A[%rem3A_1160, %dma_wait3A_1170, %dma_wait3A_1171, %dma_wait3A_1172] : memref<2x1x1x1024xi32, #tpu.memory_space<vmem>> -> memref<1x1x1x1024xi32, #tpu.memory_space<vmem>>
          %dma_wait3A_1174 = tpu.memref_squeeze %dma_wait3A_1173 : memref<1x1x1x1024xi32, #tpu.memory_space<vmem>> -> memref<1x1x1024xi32, #tpu.memory_space<vmem>>
          %dma_wait3A_1175 = arith.constant 1 : i32
          %dma_wait3A_1176 = tpu.memref_slice %arg2[%dma_wait3A_1175, %mul3A_1156, %mul3A_1158] : memref<4x200x4096xi32, #tpu.memory_space<hbm>> -> memref<1x1x1024xi32, #tpu.memory_space<hbm>>
          tpu.wait_dma2 semaphore(%dma_wait3A_1169 : memref<!tpu.dma_semaphore, #tpu.memory_space<semaphore_mem>>) src(%dma_wait3A_1176 : memref<1x1x1024xi32, #tpu.memory_space<hbm>>) dst(%dma_wait3A_1174 : memref<1x1x1024xi32, #tpu.memory_space<vmem>>)
          "tpu.trace_stop"() : () -> ()
        } else {
        }
        %jit3A_542 = arith.constant 4 : i32
        %eq3A_543 = arith.constant 0 : i32
        %eq3A_544 = arith.cmpi eq, %jit3A_542, %eq3A_543 : i32
        %jit3A_545 = arith.constant 1 : i32
        %select_n3A_546 = arith.select %eq3A_544, %jit3A_545, %jit3A_542 : i32
        %rem3A_547 = arith.remsi %add3A_240, %select_n3A_546 : i32
        %ne3A_548 = arith.constant 0 : i32
        %ne3A_549 = arith.cmpi ne, %rem3A_547, %ne3A_548 : i32
        %lt3A_550 = arith.constant 0 : i32
        %lt3A_551 = arith.cmpi slt, %rem3A_547, %lt3A_550 : i32
        %lt3A_552 = arith.constant 0 : i32
        %lt3A_553 = arith.cmpi slt, %select_n3A_546, %lt3A_552 : i32
        %ne3A_554 = arith.xori %lt3A_551, %lt3A_553 : i1
        %and3A_555 = arith.andi %ne3A_554, %ne3A_549 : i1
        %add3A_556 = arith.addi %rem3A_547, %select_n3A_546 : i32
        %select_n3A_557 = arith.select %and3A_555, %add3A_556, %rem3A_547 : i32
        %jit3A_558 = arith.constant 4 : i32
        %div3A_559 = arith.divsi %add3A_240, %jit3A_558 : i32
        %sign3A_560 = arith.constant 0 : i32
        %sign3A_561 = arith.cmpi sgt, %add3A_240, %sign3A_560 : i32
        %sign3A_562 = arith.extui %sign3A_561 : i1 to i32
        %sign3A_563 = arith.constant 0 : i32
        %sign3A_564 = arith.cmpi slt, %add3A_240, %sign3A_563 : i32
        %sign3A_565 = arith.extui %sign3A_564 : i1 to i32
        %sign3A_566 = arith.subi %sign3A_562, %sign3A_565 : i32
        %sign3A_567 = arith.constant 0 : i32
        %sign3A_568 = arith.cmpi sgt, %jit3A_558, %sign3A_567 : i32
        %sign3A_569 = arith.extui %sign3A_568 : i1 to i32
        %sign3A_570 = arith.constant 0 : i32
        %sign3A_571 = arith.cmpi slt, %jit3A_558, %sign3A_570 : i32
        %sign3A_572 = arith.extui %sign3A_571 : i1 to i32
        %sign3A_573 = arith.subi %sign3A_569, %sign3A_572 : i32
        %ne3A_574 = arith.cmpi ne, %sign3A_566, %sign3A_573 : i32
        %rem3A_575 = arith.remsi %add3A_240, %jit3A_558 : i32
        %ne3A_576 = arith.constant 0 : i32
        %ne3A_577 = arith.cmpi ne, %rem3A_575, %ne3A_576 : i32
        %and3A_578 = arith.andi %ne3A_574, %ne3A_577 : i1
        %sub3A_579 = arith.constant 1 : i32
        %sub3A_580 = arith.subi %div3A_559, %sub3A_579 : i32
        %select_n3A_581 = arith.select %and3A_578, %sub3A_580, %div3A_559 : i32
        %jit3A_582 = arith.constant 4 : i32
        %eq3A_583 = arith.constant 0 : i32
        %eq3A_584 = arith.cmpi eq, %jit3A_582, %eq3A_583 : i32
        %jit3A_585 = arith.constant 1 : i32
        %select_n3A_586 = arith.select %eq3A_584, %jit3A_585, %jit3A_582 : i32
        %rem3A_587 = arith.remsi %add3A_249, %select_n3A_586 : i32
        %ne3A_588 = arith.constant 0 : i32
        %ne3A_589 = arith.cmpi ne, %rem3A_587, %ne3A_588 : i32
        %lt3A_590 = arith.constant 0 : i32
        %lt3A_591 = arith.cmpi slt, %rem3A_587, %lt3A_590 : i32
        %lt3A_592 = arith.constant 0 : i32
        %lt3A_593 = arith.cmpi slt, %select_n3A_586, %lt3A_592 : i32
        %ne3A_594 = arith.xori %lt3A_591, %lt3A_593 : i1
        %and3A_595 = arith.andi %ne3A_594, %ne3A_589 : i1
        %add3A_596 = arith.addi %rem3A_587, %select_n3A_586 : i32
        %select_n3A_597 = arith.select %and3A_595, %add3A_596, %rem3A_587 : i32
        %jit3A_598 = arith.constant 4 : i32
        %div3A_599 = arith.divsi %add3A_249, %jit3A_598 : i32
        %sign3A_600 = arith.constant 0 : i32
        %sign3A_601 = arith.cmpi sgt, %add3A_249, %sign3A_600 : i32
        %sign3A_602 = arith.extui %sign3A_601 : i1 to i32
        %sign3A_603 = arith.constant 0 : i32
        %sign3A_604 = arith.cmpi slt, %add3A_249, %sign3A_603 : i32
        %sign3A_605 = arith.extui %sign3A_604 : i1 to i32
        %sign3A_606 = arith.subi %sign3A_602, %sign3A_605 : i32
        %sign3A_607 = arith.constant 0 : i32
        %sign3A_608 = arith.cmpi sgt, %jit3A_598, %sign3A_607 : i32
        %sign3A_609 = arith.extui %sign3A_608 : i1 to i32
        %sign3A_610 = arith.constant 0 : i32
        %sign3A_611 = arith.cmpi slt, %jit3A_598, %sign3A_610 : i32
        %sign3A_612 = arith.extui %sign3A_611 : i1 to i32
        %sign3A_613 = arith.subi %sign3A_609, %sign3A_612 : i32
        %ne3A_614 = arith.cmpi ne, %sign3A_606, %sign3A_613 : i32
        %rem3A_615 = arith.remsi %add3A_249, %jit3A_598 : i32
        %ne3A_616 = arith.constant 0 : i32
        %ne3A_617 = arith.cmpi ne, %rem3A_615, %ne3A_616 : i32
        %and3A_618 = arith.andi %ne3A_614, %ne3A_617 : i1
        %sub3A_619 = arith.constant 1 : i32
        %sub3A_620 = arith.subi %div3A_599, %sub3A_619 : i32
        %select_n3A_621 = arith.select %and3A_618, %sub3A_620, %div3A_599 : i32
        %ne3A_622 = arith.cmpi ne, %select_n3A_557, %select_n3A_597 : i32
        %ne3A_623 = arith.cmpi ne, %select_n3A_581, %select_n3A_621 : i32
        %or3A_624 = arith.constant false
        %or3A_625 = arith.ori %or3A_624, %ne3A_622 : i1
        %or3A_626 = arith.ori %or3A_625, %ne3A_623 : i1
        %or3A_627 = arith.constant false
        %or3A_628 = arith.ori %or3A_626, %or3A_627 : i1
        %or3A_629 = arith.ori %or3A_628, %eq3A_237 : i1
        %convert_element_type3A_630 = arith.extui %or3A_629 : i1 to i32
        %cond3A_631 = arith.constant 0 : i32
        %cond3A_632 = arith.cmpi ne, %convert_element_type3A_630, %cond3A_631 : i32
        scf.if %cond3A_632 {
        } else {
        }
        %rem3A_633 = arith.constant 2 : i32
        %rem3A_634 = arith.remui %scan3A_232, %rem3A_633 : i32
        %rem3A_635 = arith.constant 2 : i32
        %rem3A_636 = arith.remui %scan3A_233, %rem3A_635 : i32
        %run_scoped3A_637 = arith.constant 0 : i32
        %run_scoped3A_638 = arith.constant 0 : i32
        %run_scoped3A_639 = arith.constant 0 : i32
        "tpu.trace_start"() <{level = 10 : i32, message = "ep_run_kernel"}> : () -> ()
        "tpu.region"() ({
          %run_scoped3A_1115 = tpu.sem_alloc : memref<!tpu.dma_semaphore, #tpu.memory_space<semaphore_mem>>
          %dma_start3A_1116 = arith.constant 0 : i32
          %dma_start3A_1117 = arith.constant 0 : i32
          %dma_start3A_1118 = arith.constant 0 : i32
          %dma_start3A_1119 = tpu.memref_slice %run_scoped3A_35[%rem3A_636, %dma_start3A_1116, %dma_start3A_1117, %dma_start3A_1118] : memref<2x1024x1x32xf32, #tpu.memory_space<vmem>> -> memref<1x1024x1x32xf32, #tpu.memory_space<vmem>>
          %dma_start3A_1120 = tpu.memref_squeeze %dma_start3A_1119 : memref<1x1024x1x32xf32, #tpu.memory_space<vmem>> -> memref<1024x1x32xf32, #tpu.memory_space<vmem>>
          %dma_start3A_1121 = arith.constant 0 : i32
          %dma_start3A_1122 = arith.constant 0 : i32
          %dma_start3A_1123 = tpu.memref_slice %dma_start3A_1120[%dma_start3A_1121, %run_scoped3A_639, %dma_start3A_1122] : memref<1024x1x32xf32, #tpu.memory_space<vmem>> -> memref<1024x1x32xf32, #tpu.memory_space<vmem>>
          %dma_start3A_1124 = tpu.memref_squeeze %dma_start3A_1123 : memref<1024x1x32xf32, #tpu.memory_space<vmem>> -> memref<1024x32xf32, #tpu.memory_space<vmem>>
          %dma_start3A_1125 = arith.constant 0 : i32
          %dma_start3A_1126 = arith.constant 0 : i32
          %dma_start3A_1127 = arith.constant 0 : i32
          %dma_start3A_1128 = tpu.memref_slice %run_scoped3A[%rem3A_634, %dma_start3A_1125, %dma_start3A_1126, %dma_start3A_1127] : memref<2x1x1x1024xi32, #tpu.memory_space<vmem>> -> memref<1x1x1x1024xi32, #tpu.memory_space<vmem>>
          %dma_start3A_1129 = tpu.memref_squeeze %dma_start3A_1128 : memref<1x1x1x1024xi32, #tpu.memory_space<vmem>> -> memref<1x1x1024xi32, #tpu.memory_space<vmem>>
          %dma_start3A_1130 = arith.constant 0 : i32
          %dma_start3A_1131 = tpu.memref_slice %dma_start3A_1129[%run_scoped3A_637, %run_scoped3A_638, %dma_start3A_1130] : memref<1x1x1024xi32, #tpu.memory_space<vmem>> -> memref<1x1x1024xi32, #tpu.memory_space<vmem>>
          %dma_start3A_1132 = tpu.memref_squeeze %dma_start3A_1131 : memref<1x1x1024xi32, #tpu.memory_space<vmem>> -> memref<1024xi32, #tpu.memory_space<vmem>>
          %dma_start3A_1133 = arith.constant 0 : i32
          %dma_start3A_1134 = arith.constant 0 : i32
          %dma_start3A_1135 = tpu.memref_slice %arg4[%dma_start3A_1133, %dma_start3A_1134] : memref<100000x32xf32, #tpu.memory_space<hbm>> -> memref<100000x32xf32, #tpu.memory_space<hbm>>
          tpu.enqueue_indirect_dma source(%dma_start3A_1135 : memref<100000x32xf32, #tpu.memory_space<hbm>>) target(%dma_start3A_1124 : memref<1024x32xf32, #tpu.memory_space<vmem>>) offsets(%dma_start3A_1132 : memref<1024xi32, #tpu.memory_space<vmem>>) semaphore(%run_scoped3A_1115 : memref<!tpu.dma_semaphore, #tpu.memory_space<semaphore_mem>>)
          %dma_wait3A_1136 = arith.constant 0 : i32
          %dma_wait3A_1137 = arith.constant 0 : i32
          %dma_wait3A_1138 = arith.constant 0 : i32
          %dma_wait3A_1139 = tpu.memref_slice %run_scoped3A_35[%rem3A_636, %dma_wait3A_1136, %dma_wait3A_1137, %dma_wait3A_1138] : memref<2x1024x1x32xf32, #tpu.memory_space<vmem>> -> memref<1x1024x1x32xf32, #tpu.memory_space<vmem>>
          %dma_wait3A_1140 = tpu.memref_squeeze %dma_wait3A_1139 : memref<1x1024x1x32xf32, #tpu.memory_space<vmem>> -> memref<1024x1x32xf32, #tpu.memory_space<vmem>>
          %dma_wait3A_1141 = arith.constant 0 : i32
          %dma_wait3A_1142 = arith.constant 0 : i32
          %dma_wait3A_1143 = tpu.memref_slice %dma_wait3A_1140[%dma_wait3A_1141, %run_scoped3A_639, %dma_wait3A_1142] : memref<1024x1x32xf32, #tpu.memory_space<vmem>> -> memref<1024x1x32xf32, #tpu.memory_space<vmem>>
          %dma_wait3A_1144 = tpu.memref_squeeze %dma_wait3A_1143 : memref<1024x1x32xf32, #tpu.memory_space<vmem>> -> memref<1024x32xf32, #tpu.memory_space<vmem>>
          %dma_wait3A_1145 = arith.constant 0 : i32
          %dma_wait3A_1146 = arith.constant 0 : i32
          %dma_wait3A_1147 = arith.constant 0 : i32
          %dma_wait3A_1148 = tpu.memref_slice %run_scoped3A[%rem3A_634, %dma_wait3A_1145, %dma_wait3A_1146, %dma_wait3A_1147] : memref<2x1x1x1024xi32, #tpu.memory_space<vmem>> -> memref<1x1x1x1024xi32, #tpu.memory_space<vmem>>
          %dma_wait3A_1149 = tpu.memref_squeeze %dma_wait3A_1148 : memref<1x1x1x1024xi32, #tpu.memory_space<vmem>> -> memref<1x1x1024xi32, #tpu.memory_space<vmem>>
          %dma_wait3A_1150 = arith.constant 0 : i32
          %dma_wait3A_1151 = tpu.memref_slice %dma_wait3A_1149[%run_scoped3A_637, %run_scoped3A_638, %dma_wait3A_1150] : memref<1x1x1024xi32, #tpu.memory_space<vmem>> -> memref<1x1x1024xi32, #tpu.memory_space<vmem>>
          %dma_wait3A_1152 = tpu.memref_squeeze %dma_wait3A_1151 : memref<1x1x1024xi32, #tpu.memory_space<vmem>> -> memref<1024xi32, #tpu.memory_space<vmem>>
          %dma_wait3A_1153 = arith.constant 0 : i32
          %dma_wait3A_1154 = arith.constant 0 : i32
          %dma_wait3A_1155 = tpu.memref_slice %arg4[%dma_wait3A_1153, %dma_wait3A_1154] : memref<100000x32xf32, #tpu.memory_space<hbm>> -> memref<100000x32xf32, #tpu.memory_space<hbm>>
          tpu.wait_indirect_dma semaphore(%run_scoped3A_1115 : memref<!tpu.dma_semaphore, #tpu.memory_space<semaphore_mem>>) src(%dma_wait3A_1155 : memref<100000x32xf32, #tpu.memory_space<hbm>>) dst(%dma_wait3A_1144 : memref<1024x32xf32, #tpu.memory_space<vmem>>)
          tpu.yield
        }) : () -> ()
        %jit3A_640 = arith.constant 4 : i32
        "tpu.trace_stop"() : () -> ()
        %div3A_641 = arith.divsi %add3A_240, %jit3A_640 : i32
        %sign3A_642 = arith.constant 0 : i32
        %sign3A_643 = arith.cmpi sgt, %add3A_240, %sign3A_642 : i32
        %sign3A_644 = arith.extui %sign3A_643 : i1 to i32
        %sign3A_645 = arith.constant 0 : i32
        %sign3A_646 = arith.cmpi slt, %add3A_240, %sign3A_645 : i32
        %sign3A_647 = arith.extui %sign3A_646 : i1 to i32
        %sign3A_648 = arith.subi %sign3A_644, %sign3A_647 : i32
        %sign3A_649 = arith.constant 0 : i32
        %sign3A_650 = arith.cmpi sgt, %jit3A_640, %sign3A_649 : i32
        %sign3A_651 = arith.extui %sign3A_650 : i1 to i32
        %sign3A_652 = arith.constant 0 : i32
        %sign3A_653 = arith.cmpi slt, %jit3A_640, %sign3A_652 : i32
        %sign3A_654 = arith.extui %sign3A_653 : i1 to i32
        %sign3A_655 = arith.subi %sign3A_651, %sign3A_654 : i32
        %ne3A_656 = arith.cmpi ne, %sign3A_648, %sign3A_655 : i32
        %rem3A_657 = arith.remsi %add3A_240, %jit3A_640 : i32
        %ne3A_658 = arith.constant 0 : i32
        %ne3A_659 = arith.cmpi ne, %rem3A_657, %ne3A_658 : i32
        %and3A_660 = arith.andi %ne3A_656, %ne3A_659 : i1
        %sub3A_661 = arith.constant 1 : i32
        %sub3A_662 = arith.subi %div3A_641, %sub3A_661 : i32
        %select_n3A_663 = arith.select %and3A_660, %sub3A_662, %div3A_641 : i32
        %jit3A_664 = arith.constant 4 : i32
        %eq3A_665 = arith.constant 0 : i32
        %eq3A_666 = arith.cmpi eq, %jit3A_664, %eq3A_665 : i32
        %jit3A_667 = arith.constant 1 : i32
        %select_n3A_668 = arith.select %eq3A_666, %jit3A_667, %jit3A_664 : i32
        %rem3A_669 = arith.remsi %add3A_240, %select_n3A_668 : i32
        %ne3A_670 = arith.constant 0 : i32
        %ne3A_671 = arith.cmpi ne, %rem3A_669, %ne3A_670 : i32
        %lt3A_672 = arith.constant 0 : i32
        %lt3A_673 = arith.cmpi slt, %rem3A_669, %lt3A_672 : i32
        %lt3A_674 = arith.constant 0 : i32
        %lt3A_675 = arith.cmpi slt, %select_n3A_668, %lt3A_674 : i32
        %ne3A_676 = arith.xori %lt3A_673, %lt3A_675 : i1
        %and3A_677 = arith.andi %ne3A_676, %ne3A_671 : i1
        %add3A_678 = arith.addi %rem3A_669, %select_n3A_668 : i32
        %select_n3A_679 = arith.select %and3A_677, %add3A_678, %rem3A_669 : i32
        %jit3A_680 = arith.constant 4 : i32
        %div3A_681 = arith.divsi %add3A_258, %jit3A_680 : i32
        %sign3A_682 = arith.constant 0 : i32
        %sign3A_683 = arith.cmpi sgt, %add3A_258, %sign3A_682 : i32
        %sign3A_684 = arith.extui %sign3A_683 : i1 to i32
        %sign3A_685 = arith.constant 0 : i32
        %sign3A_686 = arith.cmpi slt, %add3A_258, %sign3A_685 : i32
        %sign3A_687 = arith.extui %sign3A_686 : i1 to i32
        %sign3A_688 = arith.subi %sign3A_684, %sign3A_687 : i32
        %sign3A_689 = arith.constant 0 : i32
        %sign3A_690 = arith.cmpi sgt, %jit3A_680, %sign3A_689 : i32
        %sign3A_691 = arith.extui %sign3A_690 : i1 to i32
        %sign3A_692 = arith.constant 0 : i32
        %sign3A_693 = arith.cmpi slt, %jit3A_680, %sign3A_692 : i32
        %sign3A_694 = arith.extui %sign3A_693 : i1 to i32
        %sign3A_695 = arith.subi %sign3A_691, %sign3A_694 : i32
        %ne3A_696 = arith.cmpi ne, %sign3A_688, %sign3A_695 : i32
        %rem3A_697 = arith.remsi %add3A_258, %jit3A_680 : i32
        %ne3A_698 = arith.constant 0 : i32
        %ne3A_699 = arith.cmpi ne, %rem3A_697, %ne3A_698 : i32
        %and3A_700 = arith.andi %ne3A_696, %ne3A_699 : i1
        %sub3A_701 = arith.constant 1 : i32
        %sub3A_702 = arith.subi %div3A_681, %sub3A_701 : i32
        %select_n3A_703 = arith.select %and3A_700, %sub3A_702, %div3A_681 : i32
        %jit3A_704 = arith.constant 4 : i32
        %eq3A_705 = arith.constant 0 : i32
        %eq3A_706 = arith.cmpi eq, %jit3A_704, %eq3A_705 : i32
        %jit3A_707 = arith.constant 1 : i32
        %select_n3A_708 = arith.select %eq3A_706, %jit3A_707, %jit3A_704 : i32
        %rem3A_709 = arith.remsi %add3A_258, %select_n3A_708 : i32
        %ne3A_710 = arith.constant 0 : i32
        %ne3A_711 = arith.cmpi ne, %rem3A_709, %ne3A_710 : i32
        %lt3A_712 = arith.constant 0 : i32
        %lt3A_713 = arith.cmpi slt, %rem3A_709, %lt3A_712 : i32
        %lt3A_714 = arith.constant 0 : i32
        %lt3A_715 = arith.cmpi slt, %select_n3A_708, %lt3A_714 : i32
        %ne3A_716 = arith.xori %lt3A_713, %lt3A_715 : i1
        %and3A_717 = arith.andi %ne3A_716, %ne3A_711 : i1
        %add3A_718 = arith.addi %rem3A_709, %select_n3A_708 : i32
        %select_n3A_719 = arith.select %and3A_717, %add3A_718, %rem3A_709 : i32
        %ne3A_720 = arith.cmpi ne, %select_n3A_663, %select_n3A_703 : i32
        %ne3A_721 = arith.cmpi ne, %select_n3A_679, %select_n3A_719 : i32
        %or3A_722 = arith.constant false
        %or3A_723 = arith.ori %or3A_722, %ne3A_720 : i1
        %or3A_724 = arith.ori %or3A_723, %ne3A_721 : i1
        %or3A_725 = arith.ori %or3A_724, %eq3A_239 : i1
        %convert_element_type3A_726 = arith.extui %or3A_725 : i1 to i32
        %cond3A_727 = arith.constant 0 : i32
        %cond3A_728 = arith.cmpi ne, %convert_element_type3A_726, %cond3A_727 : i32
        scf.if %cond3A_728 {
        } else {
        }
        %and3A_729 = arith.constant false
        %and3A_730 = arith.andi %or3A_725, %and3A_729 : i1
        %jit3A_731 = arith.constant 4 : i32
        %eq3A_732 = arith.constant 0 : i32
        %eq3A_733 = arith.cmpi eq, %jit3A_731, %eq3A_732 : i32
        %jit3A_734 = arith.constant 1 : i32
        %select_n3A_735 = arith.select %eq3A_733, %jit3A_734, %jit3A_731 : i32
        %rem3A_736 = arith.remsi %add3A_240, %select_n3A_735 : i32
        %ne3A_737 = arith.constant 0 : i32
        %ne3A_738 = arith.cmpi ne, %rem3A_736, %ne3A_737 : i32
        %lt3A_739 = arith.constant 0 : i32
        %lt3A_740 = arith.cmpi slt, %rem3A_736, %lt3A_739 : i32
        %lt3A_741 = arith.constant 0 : i32
        %lt3A_742 = arith.cmpi slt, %select_n3A_735, %lt3A_741 : i32
        %ne3A_743 = arith.xori %lt3A_740, %lt3A_742 : i1
        %and3A_744 = arith.andi %ne3A_743, %ne3A_738 : i1
        %add3A_745 = arith.addi %rem3A_736, %select_n3A_735 : i32
        %select_n3A_746 = arith.select %and3A_744, %add3A_745, %rem3A_736 : i32
        %jit3A_747 = arith.constant 4 : i32
        %div3A_748 = arith.divsi %add3A_240, %jit3A_747 : i32
        %sign3A_749 = arith.constant 0 : i32
        %sign3A_750 = arith.cmpi sgt, %add3A_240, %sign3A_749 : i32
        %sign3A_751 = arith.extui %sign3A_750 : i1 to i32
        %sign3A_752 = arith.constant 0 : i32
        %sign3A_753 = arith.cmpi slt, %add3A_240, %sign3A_752 : i32
        %sign3A_754 = arith.extui %sign3A_753 : i1 to i32
        %sign3A_755 = arith.subi %sign3A_751, %sign3A_754 : i32
        %sign3A_756 = arith.constant 0 : i32
        %sign3A_757 = arith.cmpi sgt, %jit3A_747, %sign3A_756 : i32
        %sign3A_758 = arith.extui %sign3A_757 : i1 to i32
        %sign3A_759 = arith.constant 0 : i32
        %sign3A_760 = arith.cmpi slt, %jit3A_747, %sign3A_759 : i32
        %sign3A_761 = arith.extui %sign3A_760 : i1 to i32
        %sign3A_762 = arith.subi %sign3A_758, %sign3A_761 : i32
        %ne3A_763 = arith.cmpi ne, %sign3A_755, %sign3A_762 : i32
        %rem3A_764 = arith.remsi %add3A_240, %jit3A_747 : i32
        %ne3A_765 = arith.constant 0 : i32
        %ne3A_766 = arith.cmpi ne, %rem3A_764, %ne3A_765 : i32
        %and3A_767 = arith.andi %ne3A_763, %ne3A_766 : i1
        %sub3A_768 = arith.constant 1 : i32
        %sub3A_769 = arith.subi %div3A_748, %sub3A_768 : i32
        %select_n3A_770 = arith.select %and3A_767, %sub3A_769, %div3A_748 : i32
        %jit3A_771 = arith.constant 4 : i32
        %eq3A_772 = arith.constant 0 : i32
        %eq3A_773 = arith.cmpi eq, %jit3A_771, %eq3A_772 : i32
        %jit3A_774 = arith.constant 1 : i32
        %select_n3A_775 = arith.select %eq3A_773, %jit3A_774, %jit3A_771 : i32
        %rem3A_776 = arith.remsi %add3A_258, %select_n3A_775 : i32
        %ne3A_777 = arith.constant 0 : i32
        %ne3A_778 = arith.cmpi ne, %rem3A_776, %ne3A_777 : i32
        %lt3A_779 = arith.constant 0 : i32
        %lt3A_780 = arith.cmpi slt, %rem3A_776, %lt3A_779 : i32
        %lt3A_781 = arith.constant 0 : i32
        %lt3A_782 = arith.cmpi slt, %select_n3A_775, %lt3A_781 : i32
        %ne3A_783 = arith.xori %lt3A_780, %lt3A_782 : i1
        %and3A_784 = arith.andi %ne3A_783, %ne3A_778 : i1
        %add3A_785 = arith.addi %rem3A_776, %select_n3A_775 : i32
        %select_n3A_786 = arith.select %and3A_784, %add3A_785, %rem3A_776 : i32
        %jit3A_787 = arith.constant 4 : i32
        %div3A_788 = arith.divsi %add3A_258, %jit3A_787 : i32
        %sign3A_789 = arith.constant 0 : i32
        %sign3A_790 = arith.cmpi sgt, %add3A_258, %sign3A_789 : i32
        %sign3A_791 = arith.extui %sign3A_790 : i1 to i32
        %sign3A_792 = arith.constant 0 : i32
        %sign3A_793 = arith.cmpi slt, %add3A_258, %sign3A_792 : i32
        %sign3A_794 = arith.extui %sign3A_793 : i1 to i32
        %sign3A_795 = arith.subi %sign3A_791, %sign3A_794 : i32
        %sign3A_796 = arith.constant 0 : i32
        %sign3A_797 = arith.cmpi sgt, %jit3A_787, %sign3A_796 : i32
        %sign3A_798 = arith.extui %sign3A_797 : i1 to i32
        %sign3A_799 = arith.constant 0 : i32
        %sign3A_800 = arith.cmpi slt, %jit3A_787, %sign3A_799 : i32
        %sign3A_801 = arith.extui %sign3A_800 : i1 to i32
        %sign3A_802 = arith.subi %sign3A_798, %sign3A_801 : i32
        %ne3A_803 = arith.cmpi ne, %sign3A_795, %sign3A_802 : i32
        %rem3A_804 = arith.remsi %add3A_258, %jit3A_787 : i32
        %ne3A_805 = arith.constant 0 : i32
        %ne3A_806 = arith.cmpi ne, %rem3A_804, %ne3A_805 : i32
        %and3A_807 = arith.andi %ne3A_803, %ne3A_806 : i1
        %sub3A_808 = arith.constant 1 : i32
        %sub3A_809 = arith.subi %div3A_788, %sub3A_808 : i32
        %select_n3A_810 = arith.select %and3A_807, %sub3A_809, %div3A_788 : i32
        %ne3A_811 = arith.cmpi ne, %select_n3A_746, %select_n3A_786 : i32
        %ne3A_812 = arith.cmpi ne, %select_n3A_770, %select_n3A_810 : i32
        %or3A_813 = arith.constant false
        %or3A_814 = arith.ori %or3A_813, %ne3A_811 : i1
        %or3A_815 = arith.ori %or3A_814, %ne3A_812 : i1
        %or3A_816 = arith.constant false
        %or3A_817 = arith.ori %or3A_815, %or3A_816 : i1
        %or3A_818 = arith.ori %or3A_817, %eq3A_239 : i1
        %convert_element_type3A_819 = arith.extui %or3A_818 : i1 to i32
        %cond3A_820 = arith.constant 0 : i32
        %cond3A_821 = arith.cmpi ne, %convert_element_type3A_819, %cond3A_820 : i32
        scf.if %cond3A_821 {
          "tpu.trace_start"() <{level = 10 : i32, message = "ep_copy_out"}> : () -> ()
          %rem3A_1115 = arith.constant 2 : i32
          %rem3A_1116 = arith.remui %scan3A_233, %rem3A_1115 : i32
          %jit3A_1117 = arith.constant 4 : i32
          %eq3A_1118 = arith.constant 0 : i32
          %eq3A_1119 = arith.cmpi eq, %jit3A_1117, %eq3A_1118 : i32
          %jit3A_1120 = arith.constant 1 : i32
          %select_n3A_1121 = arith.select %eq3A_1119, %jit3A_1120, %jit3A_1117 : i32
          %rem3A_1122 = arith.remsi %add3A_240, %select_n3A_1121 : i32
          %ne3A_1123 = arith.constant 0 : i32
          %ne3A_1124 = arith.cmpi ne, %rem3A_1122, %ne3A_1123 : i32
          %lt3A_1125 = arith.constant 0 : i32
          %lt3A_1126 = arith.cmpi slt, %rem3A_1122, %lt3A_1125 : i32
          %lt3A_1127 = arith.constant 0 : i32
          %lt3A_1128 = arith.cmpi slt, %select_n3A_1121, %lt3A_1127 : i32
          %ne3A_1129 = arith.xori %lt3A_1126, %lt3A_1128 : i1
          %and3A_1130 = arith.andi %ne3A_1129, %ne3A_1124 : i1
          %add3A_1131 = arith.addi %rem3A_1122, %select_n3A_1121 : i32
          %select_n3A_1132 = arith.select %and3A_1130, %add3A_1131, %rem3A_1122 : i32
          %jit3A_1133 = arith.constant 4 : i32
          %div3A_1134 = arith.divsi %add3A_240, %jit3A_1133 : i32
          %sign3A_1135 = arith.constant 0 : i32
          %sign3A_1136 = arith.cmpi sgt, %add3A_240, %sign3A_1135 : i32
          %sign3A_1137 = arith.extui %sign3A_1136 : i1 to i32
          %sign3A_1138 = arith.constant 0 : i32
          %sign3A_1139 = arith.cmpi slt, %add3A_240, %sign3A_1138 : i32
          %sign3A_1140 = arith.extui %sign3A_1139 : i1 to i32
          %sign3A_1141 = arith.subi %sign3A_1137, %sign3A_1140 : i32
          %sign3A_1142 = arith.constant 0 : i32
          %sign3A_1143 = arith.cmpi sgt, %jit3A_1133, %sign3A_1142 : i32
          %sign3A_1144 = arith.extui %sign3A_1143 : i1 to i32
          %sign3A_1145 = arith.constant 0 : i32
          %sign3A_1146 = arith.cmpi slt, %jit3A_1133, %sign3A_1145 : i32
          %sign3A_1147 = arith.extui %sign3A_1146 : i1 to i32
          %sign3A_1148 = arith.subi %sign3A_1144, %sign3A_1147 : i32
          %ne3A_1149 = arith.cmpi ne, %sign3A_1141, %sign3A_1148 : i32
          %rem3A_1150 = arith.remsi %add3A_240, %jit3A_1133 : i32
          %ne3A_1151 = arith.constant 0 : i32
          %ne3A_1152 = arith.cmpi ne, %rem3A_1150, %ne3A_1151 : i32
          %and3A_1153 = arith.andi %ne3A_1149, %ne3A_1152 : i1
          %sub3A_1154 = arith.constant 1 : i32
          %sub3A_1155 = arith.subi %div3A_1134, %sub3A_1154 : i32
          %select_n3A_1156 = arith.select %and3A_1153, %sub3A_1155, %div3A_1134 : i32
          %mul3A_1157 = arith.constant 1024 : i32
          %mul3A_1158 = arith.muli %mul3A_1157, %select_n3A_1132 : i32
          %mul3A_1159 = arith.constant 1 : i32
          %mul3A_1160 = arith.muli %mul3A_1159, %select_n3A_1156 : i32
          %dma_start3A_1161 = arith.constant 0 : i32
          %dma_start3A_1162 = arith.constant 0 : i32
          %dma_start3A_1163 = arith.constant 0 : i32
          %dma_start3A_1164 = tpu.memref_slice %run_scoped3A_35[%rem3A_1116, %dma_start3A_1161, %dma_start3A_1162, %dma_start3A_1163] : memref<2x1024x1x32xf32, #tpu.memory_space<vmem>> -> memref<1x1024x1x32xf32, #tpu.memory_space<vmem>>
          %dma_start3A_1165 = tpu.memref_squeeze %dma_start3A_1164 : memref<1x1024x1x32xf32, #tpu.memory_space<vmem>> -> memref<1024x1x32xf32, #tpu.memory_space<vmem>>
          %dma_start3A_1166 = arith.constant 32 : i32
          %dma_start3A_1167 = tpu.memref_slice %arg7[%mul3A_1158, %mul3A_1160, %dma_start3A_1166] : memref<4096x200x128xf32, #tpu.memory_space<hbm>> -> memref<1024x1x32xf32, #tpu.memory_space<hbm>>
          %dma_start3A_1168 = tpu.memref_slice %run_scoped3A_36[%rem3A_1116] : memref<2x!tpu.dma_semaphore, #tpu.memory_space<semaphore_mem>> -> memref<1x!tpu.dma_semaphore, #tpu.memory_space<semaphore_mem>>
          %dma_start3A_1169 = tpu.memref_squeeze %dma_start3A_1168 : memref<1x!tpu.dma_semaphore, #tpu.memory_space<semaphore_mem>> -> memref<!tpu.dma_semaphore, #tpu.memory_space<semaphore_mem>>
          %dma_start3A_1170 = arith.constant 32 : i32
          %dma_start3A_1171 = tpu.memref_slice %arg7[%mul3A_1158, %mul3A_1160, %dma_start3A_1170] : memref<4096x200x128xf32, #tpu.memory_space<hbm>> -> memref<1024x1x32xf32, #tpu.memory_space<hbm>>
          %dma_start3A_1172 = arith.constant 0 : i32
          %dma_start3A_1173 = arith.constant 0 : i32
          %dma_start3A_1174 = arith.constant 0 : i32
          %dma_start3A_1175 = tpu.memref_slice %run_scoped3A_35[%rem3A_1116, %dma_start3A_1172, %dma_start3A_1173, %dma_start3A_1174] : memref<2x1024x1x32xf32, #tpu.memory_space<vmem>> -> memref<1x1024x1x32xf32, #tpu.memory_space<vmem>>
          %dma_start3A_1176 = tpu.memref_squeeze %dma_start3A_1175 : memref<1x1024x1x32xf32, #tpu.memory_space<vmem>> -> memref<1024x1x32xf32, #tpu.memory_space<vmem>>
          tpu.enqueue_dma source(%dma_start3A_1176 : memref<1024x1x32xf32, #tpu.memory_space<vmem>>) target(%dma_start3A_1171 : memref<1024x1x32xf32, #tpu.memory_space<hbm>>) target_semaphore(%dma_start3A_1169 : memref<!tpu.dma_semaphore, #tpu.memory_space<semaphore_mem>>)
          "tpu.trace_stop"() : () -> ()
        } else {
        }
        %and3A_822 = arith.constant true
        %and3A_823 = arith.andi %or3A_818, %and3A_822 : i1
        %add3A_824 = arith.constant 1 : i32
        %add3A_825 = arith.addi %scan3A_233, %add3A_824 : i32
        %select_n3A_826 = arith.select %and3A_823, %add3A_825, %scan3A_233 : i32
        %jit3A_827 = arith.constant 4 : i32
        %div3A_828 = arith.divsi %add3A_240, %jit3A_827 : i32
        %sign3A_829 = arith.constant 0 : i32
        %sign3A_830 = arith.cmpi sgt, %add3A_240, %sign3A_829 : i32
        %sign3A_831 = arith.extui %sign3A_830 : i1 to i32
        %sign3A_832 = arith.constant 0 : i32
        %sign3A_833 = arith.cmpi slt, %add3A_240, %sign3A_832 : i32
        %sign3A_834 = arith.extui %sign3A_833 : i1 to i32
        %sign3A_835 = arith.subi %sign3A_831, %sign3A_834 : i32
        %sign3A_836 = arith.constant 0 : i32
        %sign3A_837 = arith.cmpi sgt, %jit3A_827, %sign3A_836 : i32
        %sign3A_838 = arith.extui %sign3A_837 : i1 to i32
        %sign3A_839 = arith.constant 0 : i32
        %sign3A_840 = arith.cmpi slt, %jit3A_827, %sign3A_839 : i32
        %sign3A_841 = arith.extui %sign3A_840 : i1 to i32
        %sign3A_842 = arith.subi %sign3A_838, %sign3A_841 : i32
        %ne3A_843 = arith.cmpi ne, %sign3A_835, %sign3A_842 : i32
        %rem3A_844 = arith.remsi %add3A_240, %jit3A_827 : i32
        %ne3A_845 = arith.constant 0 : i32
        %ne3A_846 = arith.cmpi ne, %rem3A_844, %ne3A_845 : i32
        %and3A_847 = arith.andi %ne3A_843, %ne3A_846 : i1
        %sub3A_848 = arith.constant 1 : i32
        %sub3A_849 = arith.subi %div3A_828, %sub3A_848 : i32
        %select_n3A_850 = arith.select %and3A_847, %sub3A_849, %div3A_828 : i32
        %jit3A_851 = arith.constant 4 : i32
        %eq3A_852 = arith.constant 0 : i32
        %eq3A_853 = arith.cmpi eq, %jit3A_851, %eq3A_852 : i32
        %jit3A_854 = arith.constant 1 : i32
        %select_n3A_855 = arith.select %eq3A_853, %jit3A_854, %jit3A_851 : i32
        %rem3A_856 = arith.remsi %add3A_240, %select_n3A_855 : i32
        %ne3A_857 = arith.constant 0 : i32
        %ne3A_858 = arith.cmpi ne, %rem3A_856, %ne3A_857 : i32
        %lt3A_859 = arith.constant 0 : i32
        %lt3A_860 = arith.cmpi slt, %rem3A_856, %lt3A_859 : i32
        %lt3A_861 = arith.constant 0 : i32
        %lt3A_862 = arith.cmpi slt, %select_n3A_855, %lt3A_861 : i32
        %ne3A_863 = arith.xori %lt3A_860, %lt3A_862 : i1
        %and3A_864 = arith.andi %ne3A_863, %ne3A_858 : i1
        %add3A_865 = arith.addi %rem3A_856, %select_n3A_855 : i32
        %select_n3A_866 = arith.select %and3A_864, %add3A_865, %rem3A_856 : i32
        %jit3A_867 = arith.constant 4 : i32
        %div3A_868 = arith.divsi %add3A_249, %jit3A_867 : i32
        %sign3A_869 = arith.constant 0 : i32
        %sign3A_870 = arith.cmpi sgt, %add3A_249, %sign3A_869 : i32
        %sign3A_871 = arith.extui %sign3A_870 : i1 to i32
        %sign3A_872 = arith.constant 0 : i32
        %sign3A_873 = arith.cmpi slt, %add3A_249, %sign3A_872 : i32
        %sign3A_874 = arith.extui %sign3A_873 : i1 to i32
        %sign3A_875 = arith.subi %sign3A_871, %sign3A_874 : i32
        %sign3A_876 = arith.constant 0 : i32
        %sign3A_877 = arith.cmpi sgt, %jit3A_867, %sign3A_876 : i32
        %sign3A_878 = arith.extui %sign3A_877 : i1 to i32
        %sign3A_879 = arith.constant 0 : i32
        %sign3A_880 = arith.cmpi slt, %jit3A_867, %sign3A_879 : i32
        %sign3A_881 = arith.extui %sign3A_880 : i1 to i32
        %sign3A_882 = arith.subi %sign3A_878, %sign3A_881 : i32
        %ne3A_883 = arith.cmpi ne, %sign3A_875, %sign3A_882 : i32
        %rem3A_884 = arith.remsi %add3A_249, %jit3A_867 : i32
        %ne3A_885 = arith.constant 0 : i32
        %ne3A_886 = arith.cmpi ne, %rem3A_884, %ne3A_885 : i32
        %and3A_887 = arith.andi %ne3A_883, %ne3A_886 : i1
        %sub3A_888 = arith.constant 1 : i32
        %sub3A_889 = arith.subi %div3A_868, %sub3A_888 : i32
        %select_n3A_890 = arith.select %and3A_887, %sub3A_889, %div3A_868 : i32
        %jit3A_891 = arith.constant 4 : i32
        %eq3A_892 = arith.constant 0 : i32
        %eq3A_893 = arith.cmpi eq, %jit3A_891, %eq3A_892 : i32
        %jit3A_894 = arith.constant 1 : i32
        %select_n3A_895 = arith.select %eq3A_893, %jit3A_894, %jit3A_891 : i32
        %rem3A_896 = arith.remsi %add3A_249, %select_n3A_895 : i32
        %ne3A_897 = arith.constant 0 : i32
        %ne3A_898 = arith.cmpi ne, %rem3A_896, %ne3A_897 : i32
        %lt3A_899 = arith.constant 0 : i32
        %lt3A_900 = arith.cmpi slt, %rem3A_896, %lt3A_899 : i32
        %lt3A_901 = arith.constant 0 : i32
        %lt3A_902 = arith.cmpi slt, %select_n3A_895, %lt3A_901 : i32
        %ne3A_903 = arith.xori %lt3A_900, %lt3A_902 : i1
        %and3A_904 = arith.andi %ne3A_903, %ne3A_898 : i1
        %add3A_905 = arith.addi %rem3A_896, %select_n3A_895 : i32
        %select_n3A_906 = arith.select %and3A_904, %add3A_905, %rem3A_896 : i32
        %ne3A_907 = arith.cmpi ne, %select_n3A_850, %select_n3A_890 : i32
        %ne3A_908 = arith.cmpi ne, %select_n3A_866, %select_n3A_906 : i32
        %or3A_909 = arith.constant false
        %or3A_910 = arith.ori %or3A_909, %ne3A_907 : i1
        %or3A_911 = arith.ori %or3A_910, %ne3A_908 : i1
        %not3A_912 = arith.constant true
        %not3A_913 = arith.xori %eq3A_237, %not3A_912 : i1
        %and3A_914 = arith.andi %or3A_911, %not3A_913 : i1
        %convert_element_type3A_915 = arith.extui %and3A_914 : i1 to i32
        %cond3A_916 = arith.constant 0 : i32
        %cond3A_917 = arith.cmpi ne, %convert_element_type3A_915, %cond3A_916 : i32
        scf.if %cond3A_917 {
        } else {
        }
        %and3A_918 = arith.constant false
        %and3A_919 = arith.andi %and3A_914, %and3A_918 : i1
        %jit3A_920 = arith.constant 4 : i32
        %eq3A_921 = arith.constant 0 : i32
        %eq3A_922 = arith.cmpi eq, %jit3A_920, %eq3A_921 : i32
        %jit3A_923 = arith.constant 1 : i32
        %select_n3A_924 = arith.select %eq3A_922, %jit3A_923, %jit3A_920 : i32
        %rem3A_925 = arith.remsi %add3A_240, %select_n3A_924 : i32
        %ne3A_926 = arith.constant 0 : i32
        %ne3A_927 = arith.cmpi ne, %rem3A_925, %ne3A_926 : i32
        %lt3A_928 = arith.constant 0 : i32
        %lt3A_929 = arith.cmpi slt, %rem3A_925, %lt3A_928 : i32
        %lt3A_930 = arith.constant 0 : i32
        %lt3A_931 = arith.cmpi slt, %select_n3A_924, %lt3A_930 : i32
        %ne3A_932 = arith.xori %lt3A_929, %lt3A_931 : i1
        %and3A_933 = arith.andi %ne3A_932, %ne3A_927 : i1
        %add3A_934 = arith.addi %rem3A_925, %select_n3A_924 : i32
        %select_n3A_935 = arith.select %and3A_933, %add3A_934, %rem3A_925 : i32
        %jit3A_936 = arith.constant 4 : i32
        %div3A_937 = arith.divsi %add3A_240, %jit3A_936 : i32
        %sign3A_938 = arith.constant 0 : i32
        %sign3A_939 = arith.cmpi sgt, %add3A_240, %sign3A_938 : i32
        %sign3A_940 = arith.extui %sign3A_939 : i1 to i32
        %sign3A_941 = arith.constant 0 : i32
        %sign3A_942 = arith.cmpi slt, %add3A_240, %sign3A_941 : i32
        %sign3A_943 = arith.extui %sign3A_942 : i1 to i32
        %sign3A_944 = arith.subi %sign3A_940, %sign3A_943 : i32
        %sign3A_945 = arith.constant 0 : i32
        %sign3A_946 = arith.cmpi sgt, %jit3A_936, %sign3A_945 : i32
        %sign3A_947 = arith.extui %sign3A_946 : i1 to i32
        %sign3A_948 = arith.constant 0 : i32
        %sign3A_949 = arith.cmpi slt, %jit3A_936, %sign3A_948 : i32
        %sign3A_950 = arith.extui %sign3A_949 : i1 to i32
        %sign3A_951 = arith.subi %sign3A_947, %sign3A_950 : i32
        %ne3A_952 = arith.cmpi ne, %sign3A_944, %sign3A_951 : i32
        %rem3A_953 = arith.remsi %add3A_240, %jit3A_936 : i32
        %ne3A_954 = arith.constant 0 : i32
        %ne3A_955 = arith.cmpi ne, %rem3A_953, %ne3A_954 : i32
        %and3A_956 = arith.andi %ne3A_952, %ne3A_955 : i1
        %sub3A_957 = arith.constant 1 : i32
        %sub3A_958 = arith.subi %div3A_937, %sub3A_957 : i32
        %select_n3A_959 = arith.select %and3A_956, %sub3A_958, %div3A_937 : i32
        %jit3A_960 = arith.constant 4 : i32
        %eq3A_961 = arith.constant 0 : i32
        %eq3A_962 = arith.cmpi eq, %jit3A_960, %eq3A_961 : i32
        %jit3A_963 = arith.constant 1 : i32
        %select_n3A_964 = arith.select %eq3A_962, %jit3A_963, %jit3A_960 : i32
        %rem3A_965 = arith.remsi %add3A_249, %select_n3A_964 : i32
        %ne3A_966 = arith.constant 0 : i32
        %ne3A_967 = arith.cmpi ne, %rem3A_965, %ne3A_966 : i32
        %lt3A_968 = arith.constant 0 : i32
        %lt3A_969 = arith.cmpi slt, %rem3A_965, %lt3A_968 : i32
        %lt3A_970 = arith.constant 0 : i32
        %lt3A_971 = arith.cmpi slt, %select_n3A_964, %lt3A_970 : i32
        %ne3A_972 = arith.xori %lt3A_969, %lt3A_971 : i1
        %and3A_973 = arith.andi %ne3A_972, %ne3A_967 : i1
        %add3A_974 = arith.addi %rem3A_965, %select_n3A_964 : i32
        %select_n3A_975 = arith.select %and3A_973, %add3A_974, %rem3A_965 : i32
        %jit3A_976 = arith.constant 4 : i32
        %div3A_977 = arith.divsi %add3A_249, %jit3A_976 : i32
        %sign3A_978 = arith.constant 0 : i32
        %sign3A_979 = arith.cmpi sgt, %add3A_249, %sign3A_978 : i32
        %sign3A_980 = arith.extui %sign3A_979 : i1 to i32
        %sign3A_981 = arith.constant 0 : i32
        %sign3A_982 = arith.cmpi slt, %add3A_249, %sign3A_981 : i32
        %sign3A_983 = arith.extui %sign3A_982 : i1 to i32
        %sign3A_984 = arith.subi %sign3A_980, %sign3A_983 : i32
        %sign3A_985 = arith.constant 0 : i32
        %sign3A_986 = arith.cmpi sgt, %jit3A_976, %sign3A_985 : i32
        %sign3A_987 = arith.extui %sign3A_986 : i1 to i32
        %sign3A_988 = arith.constant 0 : i32
        %sign3A_989 = arith.cmpi slt, %jit3A_976, %sign3A_988 : i32
        %sign3A_990 = arith.extui %sign3A_989 : i1 to i32
        %sign3A_991 = arith.subi %sign3A_987, %sign3A_990 : i32
        %ne3A_992 = arith.cmpi ne, %sign3A_984, %sign3A_991 : i32
        %rem3A_993 = arith.remsi %add3A_249, %jit3A_976 : i32
        %ne3A_994 = arith.constant 0 : i32
        %ne3A_995 = arith.cmpi ne, %rem3A_993, %ne3A_994 : i32
        %and3A_996 = arith.andi %ne3A_992, %ne3A_995 : i1
        %sub3A_997 = arith.constant 1 : i32
        %sub3A_998 = arith.subi %div3A_977, %sub3A_997 : i32
        %select_n3A_999 = arith.select %and3A_996, %sub3A_998, %div3A_977 : i32
        %ne3A_1000 = arith.cmpi ne, %select_n3A_935, %select_n3A_975 : i32
        %ne3A_1001 = arith.cmpi ne, %select_n3A_959, %select_n3A_999 : i32
        %or3A_1002 = arith.constant false
        %or3A_1003 = arith.ori %or3A_1002, %ne3A_1000 : i1
        %or3A_1004 = arith.ori %or3A_1003, %ne3A_1001 : i1
        %or3A_1005 = arith.constant false
        %or3A_1006 = arith.ori %or3A_1004, %or3A_1005 : i1
        %not3A_1007 = arith.constant true
        %not3A_1008 = arith.xori %eq3A_237, %not3A_1007 : i1
        %and3A_1009 = arith.andi %or3A_1006, %not3A_1008 : i1
        %convert_element_type3A_1010 = arith.extui %and3A_1009 : i1 to i32
        %cond3A_1011 = arith.constant 0 : i32
        %cond3A_1012 = arith.cmpi ne, %convert_element_type3A_1010, %cond3A_1011 : i32
        scf.if %cond3A_1012 {
          "tpu.trace_start"() <{level = 10 : i32, message = "ep_wait_out"}> : () -> ()
          %rem3A_1115 = arith.constant 2 : i32
          %rem3A_1116 = arith.remui %scan3A_234, %rem3A_1115 : i32
          %jit3A_1117 = arith.constant 4 : i32
          %eq3A_1118 = arith.constant 0 : i32
          %eq3A_1119 = arith.cmpi eq, %jit3A_1117, %eq3A_1118 : i32
          %jit3A_1120 = arith.constant 1 : i32
          %select_n3A_1121 = arith.select %eq3A_1119, %jit3A_1120, %jit3A_1117 : i32
          %rem3A_1122 = arith.remsi %add3A_249, %select_n3A_1121 : i32
          %ne3A_1123 = arith.constant 0 : i32
          %ne3A_1124 = arith.cmpi ne, %rem3A_1122, %ne3A_1123 : i32
          %lt3A_1125 = arith.constant 0 : i32
          %lt3A_1126 = arith.cmpi slt, %rem3A_1122, %lt3A_1125 : i32
          %lt3A_1127 = arith.constant 0 : i32
          %lt3A_1128 = arith.cmpi slt, %select_n3A_1121, %lt3A_1127 : i32
          %ne3A_1129 = arith.xori %lt3A_1126, %lt3A_1128 : i1
          %and3A_1130 = arith.andi %ne3A_1129, %ne3A_1124 : i1
          %add3A_1131 = arith.addi %rem3A_1122, %select_n3A_1121 : i32
          %select_n3A_1132 = arith.select %and3A_1130, %add3A_1131, %rem3A_1122 : i32
          %jit3A_1133 = arith.constant 4 : i32
          %div3A_1134 = arith.divsi %add3A_249, %jit3A_1133 : i32
          %sign3A_1135 = arith.constant 0 : i32
          %sign3A_1136 = arith.cmpi sgt, %add3A_249, %sign3A_1135 : i32
          %sign3A_1137 = arith.extui %sign3A_1136 : i1 to i32
          %sign3A_1138 = arith.constant 0 : i32
          %sign3A_1139 = arith.cmpi slt, %add3A_249, %sign3A_1138 : i32
          %sign3A_1140 = arith.extui %sign3A_1139 : i1 to i32
          %sign3A_1141 = arith.subi %sign3A_1137, %sign3A_1140 : i32
          %sign3A_1142 = arith.constant 0 : i32
          %sign3A_1143 = arith.cmpi sgt, %jit3A_1133, %sign3A_1142 : i32
          %sign3A_1144 = arith.extui %sign3A_1143 : i1 to i32
          %sign3A_1145 = arith.constant 0 : i32
          %sign3A_1146 = arith.cmpi slt, %jit3A_1133, %sign3A_1145 : i32
          %sign3A_1147 = arith.extui %sign3A_1146 : i1 to i32
          %sign3A_1148 = arith.subi %sign3A_1144, %sign3A_1147 : i32
          %ne3A_1149 = arith.cmpi ne, %sign3A_1141, %sign3A_1148 : i32
          %rem3A_1150 = arith.remsi %add3A_249, %jit3A_1133 : i32
          %ne3A_1151 = arith.constant 0 : i32
          %ne3A_1152 = arith.cmpi ne, %rem3A_1150, %ne3A_1151 : i32
          %and3A_1153 = arith.andi %ne3A_1149, %ne3A_1152 : i1
          %sub3A_1154 = arith.constant 1 : i32
          %sub3A_1155 = arith.subi %div3A_1134, %sub3A_1154 : i32
          %select_n3A_1156 = arith.select %and3A_1153, %sub3A_1155, %div3A_1134 : i32
          %mul3A_1157 = arith.constant 1024 : i32
          %mul3A_1158 = arith.muli %mul3A_1157, %select_n3A_1132 : i32
          %mul3A_1159 = arith.constant 1 : i32
          %mul3A_1160 = arith.muli %mul3A_1159, %select_n3A_1156 : i32
          %dma_wait3A_1161 = arith.constant 0 : i32
          %dma_wait3A_1162 = arith.constant 0 : i32
          %dma_wait3A_1163 = arith.constant 0 : i32
          %dma_wait3A_1164 = tpu.memref_slice %run_scoped3A_35[%rem3A_1116, %dma_wait3A_1161, %dma_wait3A_1162, %dma_wait3A_1163] : memref<2x1024x1x32xf32, #tpu.memory_space<vmem>> -> memref<1x1024x1x32xf32, #tpu.memory_space<vmem>>
          %dma_wait3A_1165 = tpu.memref_squeeze %dma_wait3A_1164 : memref<1x1024x1x32xf32, #tpu.memory_space<vmem>> -> memref<1024x1x32xf32, #tpu.memory_space<vmem>>
          %dma_wait3A_1166 = arith.constant 32 : i32
          %dma_wait3A_1167 = tpu.memref_slice %arg7[%mul3A_1158, %mul3A_1160, %dma_wait3A_1166] : memref<4096x200x128xf32, #tpu.memory_space<hbm>> -> memref<1024x1x32xf32, #tpu.memory_space<hbm>>
          %dma_wait3A_1168 = tpu.memref_slice %run_scoped3A_36[%rem3A_1116] : memref<2x!tpu.dma_semaphore, #tpu.memory_space<semaphore_mem>> -> memref<1x!tpu.dma_semaphore, #tpu.memory_space<semaphore_mem>>
          %dma_wait3A_1169 = tpu.memref_squeeze %dma_wait3A_1168 : memref<1x!tpu.dma_semaphore, #tpu.memory_space<semaphore_mem>> -> memref<!tpu.dma_semaphore, #tpu.memory_space<semaphore_mem>>
          %dma_wait3A_1170 = arith.constant 32 : i32
          %dma_wait3A_1171 = tpu.memref_slice %arg7[%mul3A_1158, %mul3A_1160, %dma_wait3A_1170] : memref<4096x200x128xf32, #tpu.memory_space<hbm>> -> memref<1024x1x32xf32, #tpu.memory_space<hbm>>
          %dma_wait3A_1172 = arith.constant 0 : i32
          %dma_wait3A_1173 = arith.constant 0 : i32
          %dma_wait3A_1174 = arith.constant 0 : i32
          %dma_wait3A_1175 = tpu.memref_slice %run_scoped3A_35[%rem3A_1116, %dma_wait3A_1172, %dma_wait3A_1173, %dma_wait3A_1174] : memref<2x1024x1x32xf32, #tpu.memory_space<vmem>> -> memref<1x1024x1x32xf32, #tpu.memory_space<vmem>>
          %dma_wait3A_1176 = tpu.memref_squeeze %dma_wait3A_1175 : memref<1x1024x1x32xf32, #tpu.memory_space<vmem>> -> memref<1024x1x32xf32, #tpu.memory_space<vmem>>
          tpu.wait_dma2 semaphore(%dma_wait3A_1169 : memref<!tpu.dma_semaphore, #tpu.memory_space<semaphore_mem>>) src(%dma_wait3A_1176 : memref<1024x1x32xf32, #tpu.memory_space<vmem>>) dst(%dma_wait3A_1171 : memref<1024x1x32xf32, #tpu.memory_space<hbm>>)
          "tpu.trace_stop"() : () -> ()
        } else {
        }
        %and3A_1013 = arith.constant true
        %and3A_1014 = arith.andi %and3A_1009, %and3A_1013 : i1
        %add3A_1015 = arith.constant 1 : i32
        %add3A_1016 = arith.addi %scan3A_234, %add3A_1015 : i32
        %select_n3A_1017 = arith.select %and3A_1014, %add3A_1016, %scan3A_234 : i32
        %jit3A_1018 = arith.constant 4 : i32
        %div3A_1019 = arith.divsi %add3A_240, %jit3A_1018 : i32
        %sign3A_1020 = arith.constant 0 : i32
        %sign3A_1021 = arith.cmpi sgt, %add3A_240, %sign3A_1020 : i32
        %sign3A_1022 = arith.extui %sign3A_1021 : i1 to i32
        %sign3A_1023 = arith.constant 0 : i32
        %sign3A_1024 = arith.cmpi slt, %add3A_240, %sign3A_1023 : i32
        %sign3A_1025 = arith.extui %sign3A_1024 : i1 to i32
        %sign3A_1026 = arith.subi %sign3A_1022, %sign3A_1025 : i32
        %sign3A_1027 = arith.constant 0 : i32
        %sign3A_1028 = arith.cmpi sgt, %jit3A_1018, %sign3A_1027 : i32
        %sign3A_1029 = arith.extui %sign3A_1028 : i1 to i32
        %sign3A_1030 = arith.constant 0 : i32
        %sign3A_1031 = arith.cmpi slt, %jit3A_1018, %sign3A_1030 : i32
        %sign3A_1032 = arith.extui %sign3A_1031 : i1 to i32
        %sign3A_1033 = arith.subi %sign3A_1029, %sign3A_1032 : i32
        %ne3A_1034 = arith.cmpi ne, %sign3A_1026, %sign3A_1033 : i32
        %rem3A_1035 = arith.remsi %add3A_240, %jit3A_1018 : i32
        %ne3A_1036 = arith.constant 0 : i32
        %ne3A_1037 = arith.cmpi ne, %rem3A_1035, %ne3A_1036 : i32
        %and3A_1038 = arith.andi %ne3A_1034, %ne3A_1037 : i1
        %sub3A_1039 = arith.constant 1 : i32
        %sub3A_1040 = arith.subi %div3A_1019, %sub3A_1039 : i32
        %select_n3A_1041 = arith.select %and3A_1038, %sub3A_1040, %div3A_1019 : i32
        %jit3A_1042 = arith.constant 4 : i32
        %eq3A_1043 = arith.constant 0 : i32
        %eq3A_1044 = arith.cmpi eq, %jit3A_1042, %eq3A_1043 : i32
        %jit3A_1045 = arith.constant 1 : i32
        %select_n3A_1046 = arith.select %eq3A_1044, %jit3A_1045, %jit3A_1042 : i32
        %rem3A_1047 = arith.remsi %add3A_240, %select_n3A_1046 : i32
        %ne3A_1048 = arith.constant 0 : i32
        %ne3A_1049 = arith.cmpi ne, %rem3A_1047, %ne3A_1048 : i32
        %lt3A_1050 = arith.constant 0 : i32
        %lt3A_1051 = arith.cmpi slt, %rem3A_1047, %lt3A_1050 : i32
        %lt3A_1052 = arith.constant 0 : i32
        %lt3A_1053 = arith.cmpi slt, %select_n3A_1046, %lt3A_1052 : i32
        %ne3A_1054 = arith.xori %lt3A_1051, %lt3A_1053 : i1
        %and3A_1055 = arith.andi %ne3A_1054, %ne3A_1049 : i1
        %add3A_1056 = arith.addi %rem3A_1047, %select_n3A_1046 : i32
        %select_n3A_1057 = arith.select %and3A_1055, %add3A_1056, %rem3A_1047 : i32
        %jit3A_1058 = arith.constant 4 : i32
        %div3A_1059 = arith.divsi %add3A_258, %jit3A_1058 : i32
        %sign3A_1060 = arith.constant 0 : i32
        %sign3A_1061 = arith.cmpi sgt, %add3A_258, %sign3A_1060 : i32
        %sign3A_1062 = arith.extui %sign3A_1061 : i1 to i32
        %sign3A_1063 = arith.constant 0 : i32
        %sign3A_1064 = arith.cmpi slt, %add3A_258, %sign3A_1063 : i32
        %sign3A_1065 = arith.extui %sign3A_1064 : i1 to i32
        %sign3A_1066 = arith.subi %sign3A_1062, %sign3A_1065 : i32
        %sign3A_1067 = arith.constant 0 : i32
        %sign3A_1068 = arith.cmpi sgt, %jit3A_1058, %sign3A_1067 : i32
        %sign3A_1069 = arith.extui %sign3A_1068 : i1 to i32
        %sign3A_1070 = arith.constant 0 : i32
        %sign3A_1071 = arith.cmpi slt, %jit3A_1058, %sign3A_1070 : i32
        %sign3A_1072 = arith.extui %sign3A_1071 : i1 to i32
        %sign3A_1073 = arith.subi %sign3A_1069, %sign3A_1072 : i32
        %ne3A_1074 = arith.cmpi ne, %sign3A_1066, %sign3A_1073 : i32
        %rem3A_1075 = arith.remsi %add3A_258, %jit3A_1058 : i32
        %ne3A_1076 = arith.constant 0 : i32
        %ne3A_1077 = arith.cmpi ne, %rem3A_1075, %ne3A_1076 : i32
        %and3A_1078 = arith.andi %ne3A_1074, %ne3A_1077 : i1
        %sub3A_1079 = arith.constant 1 : i32
        %sub3A_1080 = arith.subi %div3A_1059, %sub3A_1079 : i32
        %select_n3A_1081 = arith.select %and3A_1078, %sub3A_1080, %div3A_1059 : i32
        %jit3A_1082 = arith.constant 4 : i32
        %eq3A_1083 = arith.constant 0 : i32
        %eq3A_1084 = arith.cmpi eq, %jit3A_1082, %eq3A_1083 : i32
        %jit3A_1085 = arith.constant 1 : i32
        %select_n3A_1086 = arith.select %eq3A_1084, %jit3A_1085, %jit3A_1082 : i32
        %rem3A_1087 = arith.remsi %add3A_258, %select_n3A_1086 : i32
        %ne3A_1088 = arith.constant 0 : i32
        %ne3A_1089 = arith.cmpi ne, %rem3A_1087, %ne3A_1088 : i32
        %lt3A_1090 = arith.constant 0 : i32
        %lt3A_1091 = arith.cmpi slt, %rem3A_1087, %lt3A_1090 : i32
        %lt3A_1092 = arith.constant 0 : i32
        %lt3A_1093 = arith.cmpi slt, %select_n3A_1086, %lt3A_1092 : i32
        %ne3A_1094 = arith.xori %lt3A_1091, %lt3A_1093 : i1
        %and3A_1095 = arith.andi %ne3A_1094, %ne3A_1089 : i1
        %add3A_1096 = arith.addi %rem3A_1087, %select_n3A_1086 : i32
        %select_n3A_1097 = arith.select %and3A_1095, %add3A_1096, %rem3A_1087 : i32
        %ne3A_1098 = arith.cmpi ne, %select_n3A_1041, %select_n3A_1081 : i32
        %ne3A_1099 = arith.cmpi ne, %select_n3A_1057, %select_n3A_1097 : i32
        %or3A_1100 = arith.constant false
        %or3A_1101 = arith.ori %or3A_1100, %ne3A_1098 : i1
        %or3A_1102 = arith.ori %or3A_1101, %ne3A_1099 : i1
        %or3A_1103 = arith.ori %or3A_1102, %eq3A_239 : i1
        %add3A_1104 = arith.constant 1 : i32
        %add3A_1105 = arith.addi %scan3A_232, %add3A_1104 : i32
        %select_n3A_1106 = arith.select %or3A_1103, %add3A_1105, %scan3A_232 : i32
        %add3A_1107 = arith.constant 1 : i32
        %add3A_1108 = arith.addi %scan3A_235, %add3A_1107 : i32
        %select_n3A_1109 = arith.constant true
        %select_n3A_1110 = arith.select %select_n3A_1109, %add3A_1108, %scan3A_235 : i32
        %eq3A_1111 = arith.constant 25 : i32
        %eq3A_1112 = arith.cmpi eq, %select_n3A_1110, %eq3A_1111 : i32
        %select_n3A_1113 = arith.constant 0 : i32
        %select_n3A_1114 = arith.select %eq3A_1112, %select_n3A_1113, %select_n3A_1110 : i32
        scf.yield %select_n3A_360, %select_n3A_1106, %select_n3A_826, %select_n3A_1017, %select_n3A_1114 : i32, i32, i32, i32, i32
      }
      %scan3A_132 = arith.constant 25 : i32
      %sub3A_133 = arith.constant 1 : i32
      %sub3A_134 = arith.subi %scan3A_131#4, %sub3A_133 : i32
      %select_n3A_135 = arith.constant true
      %select_n3A_136 = arith.select %select_n3A_135, %sub3A_134, %scan3A_131#4 : i32
      %eq3A_137 = arith.constant -1 : i32
      %eq3A_138 = arith.cmpi eq, %select_n3A_136, %eq3A_137 : i32
      %select_n3A_139 = arith.constant 24 : i32
      %select_n3A_140 = arith.select %eq3A_138, %select_n3A_139, %select_n3A_136 : i32
      %add3A_141 = arith.addi %select_n3A_140, %mul3A_15 : i32
      %sub3A_142 = arith.constant 1 : i32
      %sub3A_143 = arith.subi %select_n3A_140, %sub3A_142 : i32
      %select_n3A_144 = arith.constant true
      %select_n3A_145 = arith.select %select_n3A_144, %sub3A_143, %select_n3A_140 : i32
      %eq3A_146 = arith.constant -1 : i32
      %eq3A_147 = arith.cmpi eq, %select_n3A_145, %eq3A_146 : i32
      %select_n3A_148 = arith.constant 24 : i32
      %select_n3A_149 = arith.select %eq3A_147, %select_n3A_148, %select_n3A_145 : i32
      %add3A_150 = arith.addi %select_n3A_149, %mul3A_15 : i32
      %add3A_151 = arith.constant 1 : i32
      %add3A_152 = arith.addi %select_n3A_140, %add3A_151 : i32
      %select_n3A_153 = arith.constant true
      %select_n3A_154 = arith.select %select_n3A_153, %add3A_152, %select_n3A_140 : i32
      %eq3A_155 = arith.constant 25 : i32
      %eq3A_156 = arith.cmpi eq, %select_n3A_154, %eq3A_155 : i32
      %select_n3A_157 = arith.constant 0 : i32
      %select_n3A_158 = arith.select %eq3A_156, %select_n3A_157, %select_n3A_154 : i32
      %add3A_159 = arith.addi %select_n3A_158, %mul3A_15 : i32
      %add3A_160 = arith.constant 1 : i32
      %add3A_161 = arith.addi %select_n3A_158, %add3A_160 : i32
      %select_n3A_162 = arith.constant true
      %select_n3A_163 = arith.select %select_n3A_162, %add3A_161, %select_n3A_158 : i32
      %eq3A_164 = arith.constant 25 : i32
      %eq3A_165 = arith.cmpi eq, %select_n3A_163, %eq3A_164 : i32
      %select_n3A_166 = arith.constant 0 : i32
      %select_n3A_167 = arith.select %eq3A_165, %select_n3A_166, %select_n3A_163 : i32
      %add3A_168 = arith.addi %select_n3A_167, %mul3A_15 : i32
      "tpu.trace_start"() <{level = 10 : i32, message = "ep_finalize"}> : () -> ()
      %rem3A_169 = arith.constant 2 : i32
      %rem3A_170 = arith.remui %scan3A_131#3, %rem3A_169 : i32
      %jit3A_171 = arith.constant 4 : i32
      %eq3A_172 = arith.constant 0 : i32
      %eq3A_173 = arith.cmpi eq, %jit3A_171, %eq3A_172 : i32
      %jit3A_174 = arith.constant 1 : i32
      %select_n3A_175 = arith.select %eq3A_173, %jit3A_174, %jit3A_171 : i32
      %rem3A_176 = arith.remsi %add3A_141, %select_n3A_175 : i32
      %ne3A_177 = arith.constant 0 : i32
      %ne3A_178 = arith.cmpi ne, %rem3A_176, %ne3A_177 : i32
      %lt3A_179 = arith.constant 0 : i32
      %lt3A_180 = arith.cmpi slt, %rem3A_176, %lt3A_179 : i32
      %lt3A_181 = arith.constant 0 : i32
      %lt3A_182 = arith.cmpi slt, %select_n3A_175, %lt3A_181 : i32
      %ne3A_183 = arith.xori %lt3A_180, %lt3A_182 : i1
      %and3A_184 = arith.andi %ne3A_183, %ne3A_178 : i1
      %add3A_185 = arith.addi %rem3A_176, %select_n3A_175 : i32
      %select_n3A_186 = arith.select %and3A_184, %add3A_185, %rem3A_176 : i32
      %jit3A_187 = arith.constant 4 : i32
      %div3A_188 = arith.divsi %add3A_141, %jit3A_187 : i32
      %sign3A_189 = arith.constant 0 : i32
      %sign3A_190 = arith.cmpi sgt, %add3A_141, %sign3A_189 : i32
      %sign3A_191 = arith.extui %sign3A_190 : i1 to i32
      %sign3A_192 = arith.constant 0 : i32
      %sign3A_193 = arith.cmpi slt, %add3A_141, %sign3A_192 : i32
      %sign3A_194 = arith.extui %sign3A_193 : i1 to i32
      %sign3A_195 = arith.subi %sign3A_191, %sign3A_194 : i32
      %sign3A_196 = arith.constant 0 : i32
      %sign3A_197 = arith.cmpi sgt, %jit3A_187, %sign3A_196 : i32
      %sign3A_198 = arith.extui %sign3A_197 : i1 to i32
      %sign3A_199 = arith.constant 0 : i32
      %sign3A_200 = arith.cmpi slt, %jit3A_187, %sign3A_199 : i32
      %sign3A_201 = arith.extui %sign3A_200 : i1 to i32
      %sign3A_202 = arith.subi %sign3A_198, %sign3A_201 : i32
      %ne3A_203 = arith.cmpi ne, %sign3A_195, %sign3A_202 : i32
      %rem3A_204 = arith.remsi %add3A_141, %jit3A_187 : i32
      %ne3A_205 = arith.constant 0 : i32
      %ne3A_206 = arith.cmpi ne, %rem3A_204, %ne3A_205 : i32
      %and3A_207 = arith.andi %ne3A_203, %ne3A_206 : i1
      %sub3A_208 = arith.constant 1 : i32
      %sub3A_209 = arith.subi %div3A_188, %sub3A_208 : i32
      %select_n3A_210 = arith.select %and3A_207, %sub3A_209, %div3A_188 : i32
      %mul3A_211 = arith.constant 1024 : i32
      %mul3A_212 = arith.muli %mul3A_211, %select_n3A_186 : i32
      %mul3A_213 = arith.constant 1 : i32
      %mul3A_214 = arith.muli %mul3A_213, %select_n3A_210 : i32
      %dma_wait3A = arith.constant 0 : i32
      %dma_wait3A_215 = arith.constant 0 : i32
      %dma_wait3A_216 = arith.constant 0 : i32
      %dma_wait3A_217 = tpu.memref_slice %run_scoped3A_35[%rem3A_170, %dma_wait3A, %dma_wait3A_215, %dma_wait3A_216] : memref<2x1024x1x32xf32, #tpu.memory_space<vmem>> -> memref<1x1024x1x32xf32, #tpu.memory_space<vmem>>
      %dma_wait3A_218 = tpu.memref_squeeze %dma_wait3A_217 : memref<1x1024x1x32xf32, #tpu.memory_space<vmem>> -> memref<1024x1x32xf32, #tpu.memory_space<vmem>>
      %dma_wait3A_219 = arith.constant 32 : i32
      %dma_wait3A_220 = tpu.memref_slice %arg7[%mul3A_212, %mul3A_214, %dma_wait3A_219] : memref<4096x200x128xf32, #tpu.memory_space<hbm>> -> memref<1024x1x32xf32, #tpu.memory_space<hbm>>
      %dma_wait3A_221 = tpu.memref_slice %run_scoped3A_36[%rem3A_170] : memref<2x!tpu.dma_semaphore, #tpu.memory_space<semaphore_mem>> -> memref<1x!tpu.dma_semaphore, #tpu.memory_space<semaphore_mem>>
      %dma_wait3A_222 = tpu.memref_squeeze %dma_wait3A_221 : memref<1x!tpu.dma_semaphore, #tpu.memory_space<semaphore_mem>> -> memref<!tpu.dma_semaphore, #tpu.memory_space<semaphore_mem>>
      %dma_wait3A_223 = arith.constant 32 : i32
      %dma_wait3A_224 = tpu.memref_slice %arg7[%mul3A_212, %mul3A_214, %dma_wait3A_223] : memref<4096x200x128xf32, #tpu.memory_space<hbm>> -> memref<1024x1x32xf32, #tpu.memory_space<hbm>>
      %dma_wait3A_225 = arith.constant 0 : i32
      %dma_wait3A_226 = arith.constant 0 : i32
      %dma_wait3A_227 = arith.constant 0 : i32
      %dma_wait3A_228 = tpu.memref_slice %run_scoped3A_35[%rem3A_170, %dma_wait3A_225, %dma_wait3A_226, %dma_wait3A_227] : memref<2x1024x1x32xf32, #tpu.memory_space<vmem>> -> memref<1x1024x1x32xf32, #tpu.memory_space<vmem>>
      %dma_wait3A_229 = tpu.memref_squeeze %dma_wait3A_228 : memref<1x1024x1x32xf32, #tpu.memory_space<vmem>> -> memref<1024x1x32xf32, #tpu.memory_space<vmem>>
      tpu.wait_dma2 semaphore(%dma_wait3A_222 : memref<!tpu.dma_semaphore, #tpu.memory_space<semaphore_mem>>) src(%dma_wait3A_229 : memref<1024x1x32xf32, #tpu.memory_space<vmem>>) dst(%dma_wait3A_224 : memref<1024x1x32xf32, #tpu.memory_space<hbm>>)
      "tpu.trace_stop"() : () -> ()
      tpu.yield
    }) : () -> ()
    %mul3A_16 = arith.constant 1 : i32
    %mul3A_17 = arith.muli %arg1, %mul3A_16 : i32
    %add3A_18 = arith.constant 0 : i32
    %add3A_19 = arith.addi %add3A_18, %mul3A_17 : i32
    %mul3A_20 = arith.constant 16 : i32
    %mul3A_21 = arith.muli %arg0, %mul3A_20 : i32
    %add3A_22 = arith.addi %add3A_19, %mul3A_21 : i32
    %mul3A_23 = arith.constant 25 : i32
    %mul3A_24 = arith.muli %add3A_22, %mul3A_23 : i32
    "tpu.region"() ({
      %run_scoped3A = memref.alloca() : memref<2x1x1x1024xi32, #tpu.memory_space<vmem>>
      %run_scoped3A_34 = tpu.sem_alloc : memref<2x!tpu.dma_semaphore, #tpu.memory_space<semaphore_mem>>
      %run_scoped3A_35 = memref.alloca() : memref<2x1024x1x32xf32, #tpu.memory_space<vmem>>
      %run_scoped3A_36 = tpu.sem_alloc : memref<2x!tpu.dma_semaphore, #tpu.memory_space<semaphore_mem>>
      %add3A_37 = arith.constant 0 : i32
      %add3A_38 = arith.addi %add3A_37, %mul3A_24 : i32
      %select_n3A = arith.constant true
      %select_n3A_39 = arith.constant 0 : i32
      %select_n3A_40 = arith.constant -1 : i32
      %select_n3A_41 = arith.select %select_n3A, %select_n3A_40, %select_n3A_39 : i32
      %eq3A = arith.constant -1 : i32
      %eq3A_42 = arith.cmpi eq, %select_n3A_41, %eq3A : i32
      %select_n3A_43 = arith.constant 24 : i32
      %select_n3A_44 = arith.select %eq3A_42, %select_n3A_43, %select_n3A_41 : i32
      %add3A_45 = arith.addi %select_n3A_44, %mul3A_24 : i32
      %select_n3A_46 = arith.constant true
      %select_n3A_47 = arith.constant 0 : i32
      %select_n3A_48 = arith.constant 1 : i32
      %select_n3A_49 = arith.select %select_n3A_46, %select_n3A_48, %select_n3A_47 : i32
      %eq3A_50 = arith.constant 25 : i32
      %eq3A_51 = arith.cmpi eq, %select_n3A_49, %eq3A_50 : i32
      %select_n3A_52 = arith.constant 0 : i32
      %select_n3A_53 = arith.select %eq3A_51, %select_n3A_52, %select_n3A_49 : i32
      %add3A_54 = arith.addi %select_n3A_53, %mul3A_24 : i32
      %add3A_55 = arith.constant 1 : i32
      %add3A_56 = arith.addi %select_n3A_53, %add3A_55 : i32
      %select_n3A_57 = arith.constant true
      %select_n3A_58 = arith.select %select_n3A_57, %add3A_56, %select_n3A_53 : i32
      %eq3A_59 = arith.constant 25 : i32
      %eq3A_60 = arith.cmpi eq, %select_n3A_58, %eq3A_59 : i32
      %select_n3A_61 = arith.constant 0 : i32
      %select_n3A_62 = arith.select %eq3A_60, %select_n3A_61, %select_n3A_58 : i32
      %add3A_63 = arith.addi %select_n3A_62, %mul3A_24 : i32
      "tpu.trace_start"() <{level = 10 : i32, message = "ep_initialize_0"}> : () -> ()
      %rem3A = arith.constant 0 : i32
      %rem3A_64 = arith.constant 2 : i32
      %rem3A_65 = arith.remui %rem3A, %rem3A_64 : i32
      %jit3A = arith.constant 4 : i32
      %div3A = arith.divsi %add3A_38, %jit3A : i32
      %sign3A = arith.constant 0 : i32
      %sign3A_66 = arith.cmpi sgt, %add3A_38, %sign3A : i32
      %sign3A_67 = arith.extui %sign3A_66 : i1 to i32
      %sign3A_68 = arith.constant 0 : i32
      %sign3A_69 = arith.cmpi slt, %add3A_38, %sign3A_68 : i32
      %sign3A_70 = arith.extui %sign3A_69 : i1 to i32
      %sign3A_71 = arith.subi %sign3A_67, %sign3A_70 : i32
      %sign3A_72 = arith.constant 0 : i32
      %sign3A_73 = arith.cmpi sgt, %jit3A, %sign3A_72 : i32
      %sign3A_74 = arith.extui %sign3A_73 : i1 to i32
      %sign3A_75 = arith.constant 0 : i32
      %sign3A_76 = arith.cmpi slt, %jit3A, %sign3A_75 : i32
      %sign3A_77 = arith.extui %sign3A_76 : i1 to i32
      %sign3A_78 = arith.subi %sign3A_74, %sign3A_77 : i32
      %ne3A = arith.cmpi ne, %sign3A_71, %sign3A_78 : i32
      %rem3A_79 = arith.remsi %add3A_38, %jit3A : i32
      %ne3A_80 = arith.constant 0 : i32
      %ne3A_81 = arith.cmpi ne, %rem3A_79, %ne3A_80 : i32
      %and3A = arith.andi %ne3A, %ne3A_81 : i1
      %sub3A = arith.constant 1 : i32
      %sub3A_82 = arith.subi %div3A, %sub3A : i32
      %select_n3A_83 = arith.select %and3A, %sub3A_82, %div3A : i32
      %jit3A_84 = arith.constant 4 : i32
      %eq3A_85 = arith.constant 0 : i32
      %eq3A_86 = arith.cmpi eq, %jit3A_84, %eq3A_85 : i32
      %jit3A_87 = arith.constant 1 : i32
      %select_n3A_88 = arith.select %eq3A_86, %jit3A_87, %jit3A_84 : i32
      %rem3A_89 = arith.remsi %add3A_38, %select_n3A_88 : i32
      %ne3A_90 = arith.constant 0 : i32
      %ne3A_91 = arith.cmpi ne, %rem3A_89, %ne3A_90 : i32
      %lt3A = arith.constant 0 : i32
      %lt3A_92 = arith.cmpi slt, %rem3A_89, %lt3A : i32
      %lt3A_93 = arith.constant 0 : i32
      %lt3A_94 = arith.cmpi slt, %select_n3A_88, %lt3A_93 : i32
      %ne3A_95 = arith.xori %lt3A_92, %lt3A_94 : i1
      %and3A_96 = arith.andi %ne3A_95, %ne3A_91 : i1
      %add3A_97 = arith.addi %rem3A_89, %select_n3A_88 : i32
      %select_n3A_98 = arith.select %and3A_96, %add3A_97, %rem3A_89 : i32
      %mul3A_99 = arith.constant 1 : i32
      %mul3A_100 = arith.muli %mul3A_99, %select_n3A_83 : i32
      %mul3A_101 = arith.constant 1024 : i32
      %mul3A_102 = arith.muli %mul3A_101, %select_n3A_98 : i32
      %dma_start3A = arith.constant 0 : i32
      %dma_start3A_103 = arith.constant 0 : i32
      %dma_start3A_104 = arith.constant 0 : i32
      %dma_start3A_105 = tpu.memref_slice %run_scoped3A[%rem3A_65, %dma_start3A, %dma_start3A_103, %dma_start3A_104] : memref<2x1x1x1024xi32, #tpu.memory_space<vmem>> -> memref<1x1x1x1024xi32, #tpu.memory_space<vmem>>
      %dma_start3A_106 = tpu.memref_squeeze %dma_start3A_105 : memref<1x1x1x1024xi32, #tpu.memory_space<vmem>> -> memref<1x1x1024xi32, #tpu.memory_space<vmem>>
      %dma_start3A_107 = arith.constant 2 : i32
      %dma_start3A_108 = tpu.memref_slice %arg2[%dma_start3A_107, %mul3A_100, %mul3A_102] : memref<4x200x4096xi32, #tpu.memory_space<hbm>> -> memref<1x1x1024xi32, #tpu.memory_space<hbm>>
      %dma_start3A_109 = tpu.memref_slice %run_scoped3A_34[%rem3A_65] : memref<2x!tpu.dma_semaphore, #tpu.memory_space<semaphore_mem>> -> memref<1x!tpu.dma_semaphore, #tpu.memory_space<semaphore_mem>>
      %dma_start3A_110 = tpu.memref_squeeze %dma_start3A_109 : memref<1x!tpu.dma_semaphore, #tpu.memory_space<semaphore_mem>> -> memref<!tpu.dma_semaphore, #tpu.memory_space<semaphore_mem>>
      %dma_start3A_111 = arith.constant 0 : i32
      %dma_start3A_112 = arith.constant 0 : i32
      %dma_start3A_113 = arith.constant 0 : i32
      %dma_start3A_114 = tpu.memref_slice %run_scoped3A[%rem3A_65, %dma_start3A_111, %dma_start3A_112, %dma_start3A_113] : memref<2x1x1x1024xi32, #tpu.memory_space<vmem>> -> memref<1x1x1x1024xi32, #tpu.memory_space<vmem>>
      %dma_start3A_115 = tpu.memref_squeeze %dma_start3A_114 : memref<1x1x1x1024xi32, #tpu.memory_space<vmem>> -> memref<1x1x1024xi32, #tpu.memory_space<vmem>>
      %dma_start3A_116 = arith.constant 2 : i32
      %dma_start3A_117 = tpu.memref_slice %arg2[%dma_start3A_116, %mul3A_100, %mul3A_102] : memref<4x200x4096xi32, #tpu.memory_space<hbm>> -> memref<1x1x1024xi32, #tpu.memory_space<hbm>>
      tpu.enqueue_dma source(%dma_start3A_117 : memref<1x1x1024xi32, #tpu.memory_space<hbm>>) target(%dma_start3A_115 : memref<1x1x1024xi32, #tpu.memory_space<vmem>>) target_semaphore(%dma_start3A_110 : memref<!tpu.dma_semaphore, #tpu.memory_space<semaphore_mem>>)
      %add3A_118 = arith.constant 0 : i32
      %add3A_119 = arith.constant 1 : i32
      %add3A_120 = arith.addi %add3A_118, %add3A_119 : i32
      %select_n3A_121 = arith.constant true
      %select_n3A_122 = arith.constant 0 : i32
      %select_n3A_123 = arith.select %select_n3A_121, %add3A_120, %select_n3A_122 : i32
      "tpu.trace_stop"() : () -> ()
      %scan3A = arith.constant 0 : i32
      %scan3A_124 = arith.constant 0 : i32
      %scan3A_125 = arith.constant 0 : i32
      %scan3A_126 = arith.constant 0 : i32
      %scan3A_127 = arith.constant 0 : i32
      %scan3A_128 = arith.constant 25 : i32
      %scan3A_129 = arith.addi %scan3A_127, %scan3A_128 : i32
      %scan3A_130 = arith.constant 1 : i32
      %scan3A_131:5 = scf.for %scan3A_230 = %scan3A_127 to %scan3A_129 step %scan3A_130 iter_args(%scan3A_231 = %select_n3A_123, %scan3A_232 = %scan3A, %scan3A_233 = %scan3A_124, %scan3A_234 = %scan3A_125, %scan3A_235 = %scan3A_126) -> (i32, i32, i32, i32, i32)  : i32 {
        %eq3A_236 = arith.constant 0 : i32
        %eq3A_237 = arith.cmpi eq, %scan3A_230, %eq3A_236 : i32
        %eq3A_238 = arith.constant 24 : i32
        %eq3A_239 = arith.cmpi eq, %scan3A_230, %eq3A_238 : i32
        %add3A_240 = arith.addi %scan3A_235, %mul3A_24 : i32
        %sub3A_241 = arith.constant 1 : i32
        %sub3A_242 = arith.subi %scan3A_235, %sub3A_241 : i32
        %select_n3A_243 = arith.constant true
        %select_n3A_244 = arith.select %select_n3A_243, %sub3A_242, %scan3A_235 : i32
        %eq3A_245 = arith.constant -1 : i32
        %eq3A_246 = arith.cmpi eq, %select_n3A_244, %eq3A_245 : i32
        %select_n3A_247 = arith.constant 24 : i32
        %select_n3A_248 = arith.select %eq3A_246, %select_n3A_247, %select_n3A_244 : i32
        %add3A_249 = arith.addi %select_n3A_248, %mul3A_24 : i32
        %add3A_250 = arith.constant 1 : i32
        %add3A_251 = arith.addi %scan3A_235, %add3A_250 : i32
        %select_n3A_252 = arith.constant true
        %select_n3A_253 = arith.select %select_n3A_252, %add3A_251, %scan3A_235 : i32
        %eq3A_254 = arith.constant 25 : i32
        %eq3A_255 = arith.cmpi eq, %select_n3A_253, %eq3A_254 : i32
        %select_n3A_256 = arith.constant 0 : i32
        %select_n3A_257 = arith.select %eq3A_255, %select_n3A_256, %select_n3A_253 : i32
        %add3A_258 = arith.addi %select_n3A_257, %mul3A_24 : i32
        %add3A_259 = arith.constant 1 : i32
        %add3A_260 = arith.addi %select_n3A_257, %add3A_259 : i32
        %select_n3A_261 = arith.constant true
        %select_n3A_262 = arith.select %select_n3A_261, %add3A_260, %select_n3A_257 : i32
        %eq3A_263 = arith.constant 25 : i32
        %eq3A_264 = arith.cmpi eq, %select_n3A_262, %eq3A_263 : i32
        %select_n3A_265 = arith.constant 0 : i32
        %select_n3A_266 = arith.select %eq3A_264, %select_n3A_265, %select_n3A_262 : i32
        %add3A_267 = arith.addi %select_n3A_266, %mul3A_24 : i32
        %jit3A_268 = arith.constant 4 : i32
        %div3A_269 = arith.divsi %add3A_240, %jit3A_268 : i32
        %sign3A_270 = arith.constant 0 : i32
        %sign3A_271 = arith.cmpi sgt, %add3A_240, %sign3A_270 : i32
        %sign3A_272 = arith.extui %sign3A_271 : i1 to i32
        %sign3A_273 = arith.constant 0 : i32
        %sign3A_274 = arith.cmpi slt, %add3A_240, %sign3A_273 : i32
        %sign3A_275 = arith.extui %sign3A_274 : i1 to i32
        %sign3A_276 = arith.subi %sign3A_272, %sign3A_275 : i32
        %sign3A_277 = arith.constant 0 : i32
        %sign3A_278 = arith.cmpi sgt, %jit3A_268, %sign3A_277 : i32
        %sign3A_279 = arith.extui %sign3A_278 : i1 to i32
        %sign3A_280 = arith.constant 0 : i32
        %sign3A_281 = arith.cmpi slt, %jit3A_268, %sign3A_280 : i32
        %sign3A_282 = arith.extui %sign3A_281 : i1 to i32
        %sign3A_283 = arith.subi %sign3A_279, %sign3A_282 : i32
        %ne3A_284 = arith.cmpi ne, %sign3A_276, %sign3A_283 : i32
        %rem3A_285 = arith.remsi %add3A_240, %jit3A_268 : i32
        %ne3A_286 = arith.constant 0 : i32
        %ne3A_287 = arith.cmpi ne, %rem3A_285, %ne3A_286 : i32
        %and3A_288 = arith.andi %ne3A_284, %ne3A_287 : i1
        %sub3A_289 = arith.constant 1 : i32
        %sub3A_290 = arith.subi %div3A_269, %sub3A_289 : i32
        %select_n3A_291 = arith.select %and3A_288, %sub3A_290, %div3A_269 : i32
        %jit3A_292 = arith.constant 4 : i32
        %eq3A_293 = arith.constant 0 : i32
        %eq3A_294 = arith.cmpi eq, %jit3A_292, %eq3A_293 : i32
        %jit3A_295 = arith.constant 1 : i32
        %select_n3A_296 = arith.select %eq3A_294, %jit3A_295, %jit3A_292 : i32
        %rem3A_297 = arith.remsi %add3A_240, %select_n3A_296 : i32
        %ne3A_298 = arith.constant 0 : i32
        %ne3A_299 = arith.cmpi ne, %rem3A_297, %ne3A_298 : i32
        %lt3A_300 = arith.constant 0 : i32
        %lt3A_301 = arith.cmpi slt, %rem3A_297, %lt3A_300 : i32
        %lt3A_302 = arith.constant 0 : i32
        %lt3A_303 = arith.cmpi slt, %select_n3A_296, %lt3A_302 : i32
        %ne3A_304 = arith.xori %lt3A_301, %lt3A_303 : i1
        %and3A_305 = arith.andi %ne3A_304, %ne3A_299 : i1
        %add3A_306 = arith.addi %rem3A_297, %select_n3A_296 : i32
        %select_n3A_307 = arith.select %and3A_305, %add3A_306, %rem3A_297 : i32
        %jit3A_308 = arith.constant 4 : i32
        %div3A_309 = arith.divsi %add3A_258, %jit3A_308 : i32
        %sign3A_310 = arith.constant 0 : i32
        %sign3A_311 = arith.cmpi sgt, %add3A_258, %sign3A_310 : i32
        %sign3A_312 = arith.extui %sign3A_311 : i1 to i32
        %sign3A_313 = arith.constant 0 : i32
        %sign3A_314 = arith.cmpi slt, %add3A_258, %sign3A_313 : i32
        %sign3A_315 = arith.extui %sign3A_314 : i1 to i32
        %sign3A_316 = arith.subi %sign3A_312, %sign3A_315 : i32
        %sign3A_317 = arith.constant 0 : i32
        %sign3A_318 = arith.cmpi sgt, %jit3A_308, %sign3A_317 : i32
        %sign3A_319 = arith.extui %sign3A_318 : i1 to i32
        %sign3A_320 = arith.constant 0 : i32
        %sign3A_321 = arith.cmpi slt, %jit3A_308, %sign3A_320 : i32
        %sign3A_322 = arith.extui %sign3A_321 : i1 to i32
        %sign3A_323 = arith.subi %sign3A_319, %sign3A_322 : i32
        %ne3A_324 = arith.cmpi ne, %sign3A_316, %sign3A_323 : i32
        %rem3A_325 = arith.remsi %add3A_258, %jit3A_308 : i32
        %ne3A_326 = arith.constant 0 : i32
        %ne3A_327 = arith.cmpi ne, %rem3A_325, %ne3A_326 : i32
        %and3A_328 = arith.andi %ne3A_324, %ne3A_327 : i1
        %sub3A_329 = arith.constant 1 : i32
        %sub3A_330 = arith.subi %div3A_309, %sub3A_329 : i32
        %select_n3A_331 = arith.select %and3A_328, %sub3A_330, %div3A_309 : i32
        %jit3A_332 = arith.constant 4 : i32
        %eq3A_333 = arith.constant 0 : i32
        %eq3A_334 = arith.cmpi eq, %jit3A_332, %eq3A_333 : i32
        %jit3A_335 = arith.constant 1 : i32
        %select_n3A_336 = arith.select %eq3A_334, %jit3A_335, %jit3A_332 : i32
        %rem3A_337 = arith.remsi %add3A_258, %select_n3A_336 : i32
        %ne3A_338 = arith.constant 0 : i32
        %ne3A_339 = arith.cmpi ne, %rem3A_337, %ne3A_338 : i32
        %lt3A_340 = arith.constant 0 : i32
        %lt3A_341 = arith.cmpi slt, %rem3A_337, %lt3A_340 : i32
        %lt3A_342 = arith.constant 0 : i32
        %lt3A_343 = arith.cmpi slt, %select_n3A_336, %lt3A_342 : i32
        %ne3A_344 = arith.xori %lt3A_341, %lt3A_343 : i1
        %and3A_345 = arith.andi %ne3A_344, %ne3A_339 : i1
        %add3A_346 = arith.addi %rem3A_337, %select_n3A_336 : i32
        %select_n3A_347 = arith.select %and3A_345, %add3A_346, %rem3A_337 : i32
        %ne3A_348 = arith.cmpi ne, %select_n3A_291, %select_n3A_331 : i32
        %ne3A_349 = arith.cmpi ne, %select_n3A_307, %select_n3A_347 : i32
        %or3A = arith.constant false
        %or3A_350 = arith.ori %or3A, %ne3A_348 : i1
        %or3A_351 = arith.ori %or3A_350, %ne3A_349 : i1
        %ge3A = arith.constant 24 : i32
        %ge3A_352 = arith.cmpi sge, %scan3A_230, %ge3A : i32
        %not3A = arith.constant true
        %not3A_353 = arith.xori %ge3A_352, %not3A : i1
        %and3A_354 = arith.andi %or3A_351, %not3A_353 : i1
        %convert_element_type3A = arith.extui %and3A_354 : i1 to i32
        %cond3A = arith.constant 0 : i32
        %cond3A_355 = arith.cmpi ne, %convert_element_type3A, %cond3A : i32
        scf.if %cond3A_355 {
          "tpu.trace_start"() <{level = 10 : i32, message = "ep_copy_in"}> : () -> ()
          %rem3A_1115 = arith.constant 2 : i32
          %rem3A_1116 = arith.remui %scan3A_231, %rem3A_1115 : i32
          %jit3A_1117 = arith.constant 4 : i32
          %div3A_1118 = arith.divsi %add3A_258, %jit3A_1117 : i32
          %sign3A_1119 = arith.constant 0 : i32
          %sign3A_1120 = arith.cmpi sgt, %add3A_258, %sign3A_1119 : i32
          %sign3A_1121 = arith.extui %sign3A_1120 : i1 to i32
          %sign3A_1122 = arith.constant 0 : i32
          %sign3A_1123 = arith.cmpi slt, %add3A_258, %sign3A_1122 : i32
          %sign3A_1124 = arith.extui %sign3A_1123 : i1 to i32
          %sign3A_1125 = arith.subi %sign3A_1121, %sign3A_1124 : i32
          %sign3A_1126 = arith.constant 0 : i32
          %sign3A_1127 = arith.cmpi sgt, %jit3A_1117, %sign3A_1126 : i32
          %sign3A_1128 = arith.extui %sign3A_1127 : i1 to i32
          %sign3A_1129 = arith.constant 0 : i32
          %sign3A_1130 = arith.cmpi slt, %jit3A_1117, %sign3A_1129 : i32
          %sign3A_1131 = arith.extui %sign3A_1130 : i1 to i32
          %sign3A_1132 = arith.subi %sign3A_1128, %sign3A_1131 : i32
          %ne3A_1133 = arith.cmpi ne, %sign3A_1125, %sign3A_1132 : i32
          %rem3A_1134 = arith.remsi %add3A_258, %jit3A_1117 : i32
          %ne3A_1135 = arith.constant 0 : i32
          %ne3A_1136 = arith.cmpi ne, %rem3A_1134, %ne3A_1135 : i32
          %and3A_1137 = arith.andi %ne3A_1133, %ne3A_1136 : i1
          %sub3A_1138 = arith.constant 1 : i32
          %sub3A_1139 = arith.subi %div3A_1118, %sub3A_1138 : i32
          %select_n3A_1140 = arith.select %and3A_1137, %sub3A_1139, %div3A_1118 : i32
          %jit3A_1141 = arith.constant 4 : i32
          %eq3A_1142 = arith.constant 0 : i32
          %eq3A_1143 = arith.cmpi eq, %jit3A_1141, %eq3A_1142 : i32
          %jit3A_1144 = arith.constant 1 : i32
          %select_n3A_1145 = arith.select %eq3A_1143, %jit3A_1144, %jit3A_1141 : i32
          %rem3A_1146 = arith.remsi %add3A_258, %select_n3A_1145 : i32
          %ne3A_1147 = arith.constant 0 : i32
          %ne3A_1148 = arith.cmpi ne, %rem3A_1146, %ne3A_1147 : i32
          %lt3A_1149 = arith.constant 0 : i32
          %lt3A_1150 = arith.cmpi slt, %rem3A_1146, %lt3A_1149 : i32
          %lt3A_1151 = arith.constant 0 : i32
          %lt3A_1152 = arith.cmpi slt, %select_n3A_1145, %lt3A_1151 : i32
          %ne3A_1153 = arith.xori %lt3A_1150, %lt3A_1152 : i1
          %and3A_1154 = arith.andi %ne3A_1153, %ne3A_1148 : i1
          %add3A_1155 = arith.addi %rem3A_1146, %select_n3A_1145 : i32
          %select_n3A_1156 = arith.select %and3A_1154, %add3A_1155, %rem3A_1146 : i32
          %mul3A_1157 = arith.constant 1 : i32
          %mul3A_1158 = arith.muli %mul3A_1157, %select_n3A_1140 : i32
          %mul3A_1159 = arith.constant 1024 : i32
          %mul3A_1160 = arith.muli %mul3A_1159, %select_n3A_1156 : i32
          %dma_start3A_1161 = arith.constant 0 : i32
          %dma_start3A_1162 = arith.constant 0 : i32
          %dma_start3A_1163 = arith.constant 0 : i32
          %dma_start3A_1164 = tpu.memref_slice %run_scoped3A[%rem3A_1116, %dma_start3A_1161, %dma_start3A_1162, %dma_start3A_1163] : memref<2x1x1x1024xi32, #tpu.memory_space<vmem>> -> memref<1x1x1x1024xi32, #tpu.memory_space<vmem>>
          %dma_start3A_1165 = tpu.memref_squeeze %dma_start3A_1164 : memref<1x1x1x1024xi32, #tpu.memory_space<vmem>> -> memref<1x1x1024xi32, #tpu.memory_space<vmem>>
          %dma_start3A_1166 = arith.constant 2 : i32
          %dma_start3A_1167 = tpu.memref_slice %arg2[%dma_start3A_1166, %mul3A_1158, %mul3A_1160] : memref<4x200x4096xi32, #tpu.memory_space<hbm>> -> memref<1x1x1024xi32, #tpu.memory_space<hbm>>
          %dma_start3A_1168 = tpu.memref_slice %run_scoped3A_34[%rem3A_1116] : memref<2x!tpu.dma_semaphore, #tpu.memory_space<semaphore_mem>> -> memref<1x!tpu.dma_semaphore, #tpu.memory_space<semaphore_mem>>
          %dma_start3A_1169 = tpu.memref_squeeze %dma_start3A_1168 : memref<1x!tpu.dma_semaphore, #tpu.memory_space<semaphore_mem>> -> memref<!tpu.dma_semaphore, #tpu.memory_space<semaphore_mem>>
          %dma_start3A_1170 = arith.constant 0 : i32
          %dma_start3A_1171 = arith.constant 0 : i32
          %dma_start3A_1172 = arith.constant 0 : i32
          %dma_start3A_1173 = tpu.memref_slice %run_scoped3A[%rem3A_1116, %dma_start3A_1170, %dma_start3A_1171, %dma_start3A_1172] : memref<2x1x1x1024xi32, #tpu.memory_space<vmem>> -> memref<1x1x1x1024xi32, #tpu.memory_space<vmem>>
          %dma_start3A_1174 = tpu.memref_squeeze %dma_start3A_1173 : memref<1x1x1x1024xi32, #tpu.memory_space<vmem>> -> memref<1x1x1024xi32, #tpu.memory_space<vmem>>
          %dma_start3A_1175 = arith.constant 2 : i32
          %dma_start3A_1176 = tpu.memref_slice %arg2[%dma_start3A_1175, %mul3A_1158, %mul3A_1160] : memref<4x200x4096xi32, #tpu.memory_space<hbm>> -> memref<1x1x1024xi32, #tpu.memory_space<hbm>>
          tpu.enqueue_dma source(%dma_start3A_1176 : memref<1x1x1024xi32, #tpu.memory_space<hbm>>) target(%dma_start3A_1174 : memref<1x1x1024xi32, #tpu.memory_space<vmem>>) target_semaphore(%dma_start3A_1169 : memref<!tpu.dma_semaphore, #tpu.memory_space<semaphore_mem>>)
          "tpu.trace_stop"() : () -> ()
        } else {
        }
        %and3A_356 = arith.constant true
        %and3A_357 = arith.andi %and3A_354, %and3A_356 : i1
        %add3A_358 = arith.constant 1 : i32
        %add3A_359 = arith.addi %scan3A_231, %add3A_358 : i32
        %select_n3A_360 = arith.select %and3A_357, %add3A_359, %scan3A_231 : i32
        %jit3A_361 = arith.constant 4 : i32
        %eq3A_362 = arith.constant 0 : i32
        %eq3A_363 = arith.cmpi eq, %jit3A_361, %eq3A_362 : i32
        %jit3A_364 = arith.constant 1 : i32
        %select_n3A_365 = arith.select %eq3A_363, %jit3A_364, %jit3A_361 : i32
        %rem3A_366 = arith.remsi %add3A_240, %select_n3A_365 : i32
        %ne3A_367 = arith.constant 0 : i32
        %ne3A_368 = arith.cmpi ne, %rem3A_366, %ne3A_367 : i32
        %lt3A_369 = arith.constant 0 : i32
        %lt3A_370 = arith.cmpi slt, %rem3A_366, %lt3A_369 : i32
        %lt3A_371 = arith.constant 0 : i32
        %lt3A_372 = arith.cmpi slt, %select_n3A_365, %lt3A_371 : i32
        %ne3A_373 = arith.xori %lt3A_370, %lt3A_372 : i1
        %and3A_374 = arith.andi %ne3A_373, %ne3A_368 : i1
        %add3A_375 = arith.addi %rem3A_366, %select_n3A_365 : i32
        %select_n3A_376 = arith.select %and3A_374, %add3A_375, %rem3A_366 : i32
        %jit3A_377 = arith.constant 4 : i32
        %div3A_378 = arith.divsi %add3A_240, %jit3A_377 : i32
        %sign3A_379 = arith.constant 0 : i32
        %sign3A_380 = arith.cmpi sgt, %add3A_240, %sign3A_379 : i32
        %sign3A_381 = arith.extui %sign3A_380 : i1 to i32
        %sign3A_382 = arith.constant 0 : i32
        %sign3A_383 = arith.cmpi slt, %add3A_240, %sign3A_382 : i32
        %sign3A_384 = arith.extui %sign3A_383 : i1 to i32
        %sign3A_385 = arith.subi %sign3A_381, %sign3A_384 : i32
        %sign3A_386 = arith.constant 0 : i32
        %sign3A_387 = arith.cmpi sgt, %jit3A_377, %sign3A_386 : i32
        %sign3A_388 = arith.extui %sign3A_387 : i1 to i32
        %sign3A_389 = arith.constant 0 : i32
        %sign3A_390 = arith.cmpi slt, %jit3A_377, %sign3A_389 : i32
        %sign3A_391 = arith.extui %sign3A_390 : i1 to i32
        %sign3A_392 = arith.subi %sign3A_388, %sign3A_391 : i32
        %ne3A_393 = arith.cmpi ne, %sign3A_385, %sign3A_392 : i32
        %rem3A_394 = arith.remsi %add3A_240, %jit3A_377 : i32
        %ne3A_395 = arith.constant 0 : i32
        %ne3A_396 = arith.cmpi ne, %rem3A_394, %ne3A_395 : i32
        %and3A_397 = arith.andi %ne3A_393, %ne3A_396 : i1
        %sub3A_398 = arith.constant 1 : i32
        %sub3A_399 = arith.subi %div3A_378, %sub3A_398 : i32
        %select_n3A_400 = arith.select %and3A_397, %sub3A_399, %div3A_378 : i32
        %jit3A_401 = arith.constant 4 : i32
        %eq3A_402 = arith.constant 0 : i32
        %eq3A_403 = arith.cmpi eq, %jit3A_401, %eq3A_402 : i32
        %jit3A_404 = arith.constant 1 : i32
        %select_n3A_405 = arith.select %eq3A_403, %jit3A_404, %jit3A_401 : i32
        %rem3A_406 = arith.remsi %add3A_258, %select_n3A_405 : i32
        %ne3A_407 = arith.constant 0 : i32
        %ne3A_408 = arith.cmpi ne, %rem3A_406, %ne3A_407 : i32
        %lt3A_409 = arith.constant 0 : i32
        %lt3A_410 = arith.cmpi slt, %rem3A_406, %lt3A_409 : i32
        %lt3A_411 = arith.constant 0 : i32
        %lt3A_412 = arith.cmpi slt, %select_n3A_405, %lt3A_411 : i32
        %ne3A_413 = arith.xori %lt3A_410, %lt3A_412 : i1
        %and3A_414 = arith.andi %ne3A_413, %ne3A_408 : i1
        %add3A_415 = arith.addi %rem3A_406, %select_n3A_405 : i32
        %select_n3A_416 = arith.select %and3A_414, %add3A_415, %rem3A_406 : i32
        %jit3A_417 = arith.constant 4 : i32
        %div3A_418 = arith.divsi %add3A_258, %jit3A_417 : i32
        %sign3A_419 = arith.constant 0 : i32
        %sign3A_420 = arith.cmpi sgt, %add3A_258, %sign3A_419 : i32
        %sign3A_421 = arith.extui %sign3A_420 : i1 to i32
        %sign3A_422 = arith.constant 0 : i32
        %sign3A_423 = arith.cmpi slt, %add3A_258, %sign3A_422 : i32
        %sign3A_424 = arith.extui %sign3A_423 : i1 to i32
        %sign3A_425 = arith.subi %sign3A_421, %sign3A_424 : i32
        %sign3A_426 = arith.constant 0 : i32
        %sign3A_427 = arith.cmpi sgt, %jit3A_417, %sign3A_426 : i32
        %sign3A_428 = arith.extui %sign3A_427 : i1 to i32
        %sign3A_429 = arith.constant 0 : i32
        %sign3A_430 = arith.cmpi slt, %jit3A_417, %sign3A_429 : i32
        %sign3A_431 = arith.extui %sign3A_430 : i1 to i32
        %sign3A_432 = arith.subi %sign3A_428, %sign3A_431 : i32
        %ne3A_433 = arith.cmpi ne, %sign3A_425, %sign3A_432 : i32
        %rem3A_434 = arith.remsi %add3A_258, %jit3A_417 : i32
        %ne3A_435 = arith.constant 0 : i32
        %ne3A_436 = arith.cmpi ne, %rem3A_434, %ne3A_435 : i32
        %and3A_437 = arith.andi %ne3A_433, %ne3A_436 : i1
        %sub3A_438 = arith.constant 1 : i32
        %sub3A_439 = arith.subi %div3A_418, %sub3A_438 : i32
        %select_n3A_440 = arith.select %and3A_437, %sub3A_439, %div3A_418 : i32
        %ne3A_441 = arith.cmpi ne, %select_n3A_376, %select_n3A_416 : i32
        %ne3A_442 = arith.cmpi ne, %select_n3A_400, %select_n3A_440 : i32
        %or3A_443 = arith.constant false
        %or3A_444 = arith.ori %or3A_443, %ne3A_441 : i1
        %or3A_445 = arith.ori %or3A_444, %ne3A_442 : i1
        %or3A_446 = arith.constant false
        %or3A_447 = arith.ori %or3A_445, %or3A_446 : i1
        %ge3A_448 = arith.constant 24 : i32
        %ge3A_449 = arith.cmpi sge, %scan3A_230, %ge3A_448 : i32
        %not3A_450 = arith.constant true
        %not3A_451 = arith.xori %ge3A_449, %not3A_450 : i1
        %and3A_452 = arith.andi %or3A_447, %not3A_451 : i1
        %jit3A_453 = arith.constant 4 : i32
        %div3A_454 = arith.divsi %add3A_240, %jit3A_453 : i32
        %sign3A_455 = arith.constant 0 : i32
        %sign3A_456 = arith.cmpi sgt, %add3A_240, %sign3A_455 : i32
        %sign3A_457 = arith.extui %sign3A_456 : i1 to i32
        %sign3A_458 = arith.constant 0 : i32
        %sign3A_459 = arith.cmpi slt, %add3A_240, %sign3A_458 : i32
        %sign3A_460 = arith.extui %sign3A_459 : i1 to i32
        %sign3A_461 = arith.subi %sign3A_457, %sign3A_460 : i32
        %sign3A_462 = arith.constant 0 : i32
        %sign3A_463 = arith.cmpi sgt, %jit3A_453, %sign3A_462 : i32
        %sign3A_464 = arith.extui %sign3A_463 : i1 to i32
        %sign3A_465 = arith.constant 0 : i32
        %sign3A_466 = arith.cmpi slt, %jit3A_453, %sign3A_465 : i32
        %sign3A_467 = arith.extui %sign3A_466 : i1 to i32
        %sign3A_468 = arith.subi %sign3A_464, %sign3A_467 : i32
        %ne3A_469 = arith.cmpi ne, %sign3A_461, %sign3A_468 : i32
        %rem3A_470 = arith.remsi %add3A_240, %jit3A_453 : i32
        %ne3A_471 = arith.constant 0 : i32
        %ne3A_472 = arith.cmpi ne, %rem3A_470, %ne3A_471 : i32
        %and3A_473 = arith.andi %ne3A_469, %ne3A_472 : i1
        %sub3A_474 = arith.constant 1 : i32
        %sub3A_475 = arith.subi %div3A_454, %sub3A_474 : i32
        %select_n3A_476 = arith.select %and3A_473, %sub3A_475, %div3A_454 : i32
        %jit3A_477 = arith.constant 4 : i32
        %eq3A_478 = arith.constant 0 : i32
        %eq3A_479 = arith.cmpi eq, %jit3A_477, %eq3A_478 : i32
        %jit3A_480 = arith.constant 1 : i32
        %select_n3A_481 = arith.select %eq3A_479, %jit3A_480, %jit3A_477 : i32
        %rem3A_482 = arith.remsi %add3A_240, %select_n3A_481 : i32
        %ne3A_483 = arith.constant 0 : i32
        %ne3A_484 = arith.cmpi ne, %rem3A_482, %ne3A_483 : i32
        %lt3A_485 = arith.constant 0 : i32
        %lt3A_486 = arith.cmpi slt, %rem3A_482, %lt3A_485 : i32
        %lt3A_487 = arith.constant 0 : i32
        %lt3A_488 = arith.cmpi slt, %select_n3A_481, %lt3A_487 : i32
        %ne3A_489 = arith.xori %lt3A_486, %lt3A_488 : i1
        %and3A_490 = arith.andi %ne3A_489, %ne3A_484 : i1
        %add3A_491 = arith.addi %rem3A_482, %select_n3A_481 : i32
        %select_n3A_492 = arith.select %and3A_490, %add3A_491, %rem3A_482 : i32
        %jit3A_493 = arith.constant 4 : i32
        %div3A_494 = arith.divsi %add3A_249, %jit3A_493 : i32
        %sign3A_495 = arith.constant 0 : i32
        %sign3A_496 = arith.cmpi sgt, %add3A_249, %sign3A_495 : i32
        %sign3A_497 = arith.extui %sign3A_496 : i1 to i32
        %sign3A_498 = arith.constant 0 : i32
        %sign3A_499 = arith.cmpi slt, %add3A_249, %sign3A_498 : i32
        %sign3A_500 = arith.extui %sign3A_499 : i1 to i32
        %sign3A_501 = arith.subi %sign3A_497, %sign3A_500 : i32
        %sign3A_502 = arith.constant 0 : i32
        %sign3A_503 = arith.cmpi sgt, %jit3A_493, %sign3A_502 : i32
        %sign3A_504 = arith.extui %sign3A_503 : i1 to i32
        %sign3A_505 = arith.constant 0 : i32
        %sign3A_506 = arith.cmpi slt, %jit3A_493, %sign3A_505 : i32
        %sign3A_507 = arith.extui %sign3A_506 : i1 to i32
        %sign3A_508 = arith.subi %sign3A_504, %sign3A_507 : i32
        %ne3A_509 = arith.cmpi ne, %sign3A_501, %sign3A_508 : i32
        %rem3A_510 = arith.remsi %add3A_249, %jit3A_493 : i32
        %ne3A_511 = arith.constant 0 : i32
        %ne3A_512 = arith.cmpi ne, %rem3A_510, %ne3A_511 : i32
        %and3A_513 = arith.andi %ne3A_509, %ne3A_512 : i1
        %sub3A_514 = arith.constant 1 : i32
        %sub3A_515 = arith.subi %div3A_494, %sub3A_514 : i32
        %select_n3A_516 = arith.select %and3A_513, %sub3A_515, %div3A_494 : i32
        %jit3A_517 = arith.constant 4 : i32
        %eq3A_518 = arith.constant 0 : i32
        %eq3A_519 = arith.cmpi eq, %jit3A_517, %eq3A_518 : i32
        %jit3A_520 = arith.constant 1 : i32
        %select_n3A_521 = arith.select %eq3A_519, %jit3A_520, %jit3A_517 : i32
        %rem3A_522 = arith.remsi %add3A_249, %select_n3A_521 : i32
        %ne3A_523 = arith.constant 0 : i32
        %ne3A_524 = arith.cmpi ne, %rem3A_522, %ne3A_523 : i32
        %lt3A_525 = arith.constant 0 : i32
        %lt3A_526 = arith.cmpi slt, %rem3A_522, %lt3A_525 : i32
        %lt3A_527 = arith.constant 0 : i32
        %lt3A_528 = arith.cmpi slt, %select_n3A_521, %lt3A_527 : i32
        %ne3A_529 = arith.xori %lt3A_526, %lt3A_528 : i1
        %and3A_530 = arith.andi %ne3A_529, %ne3A_524 : i1
        %add3A_531 = arith.addi %rem3A_522, %select_n3A_521 : i32
        %select_n3A_532 = arith.select %and3A_530, %add3A_531, %rem3A_522 : i32
        %ne3A_533 = arith.cmpi ne, %select_n3A_476, %select_n3A_516 : i32
        %ne3A_534 = arith.cmpi ne, %select_n3A_492, %select_n3A_532 : i32
        %or3A_535 = arith.constant false
        %or3A_536 = arith.ori %or3A_535, %ne3A_533 : i1
        %or3A_537 = arith.ori %or3A_536, %ne3A_534 : i1
        %or3A_538 = arith.ori %or3A_537, %eq3A_237 : i1
        %convert_element_type3A_539 = arith.extui %or3A_538 : i1 to i32
        %cond3A_540 = arith.constant 0 : i32
        %cond3A_541 = arith.cmpi ne, %convert_element_type3A_539, %cond3A_540 : i32
        scf.if %cond3A_541 {
          %jit3A_1115 = arith.constant 4 : i32
          "tpu.trace_start"() <{level = 10 : i32, message = "ep_wait_in"}> : () -> ()
          %div3A_1116 = arith.divsi %add3A_240, %jit3A_1115 : i32
          %sign3A_1117 = arith.constant 0 : i32
          %sign3A_1118 = arith.cmpi sgt, %add3A_240, %sign3A_1117 : i32
          %sign3A_1119 = arith.extui %sign3A_1118 : i1 to i32
          %sign3A_1120 = arith.constant 0 : i32
          %sign3A_1121 = arith.cmpi slt, %add3A_240, %sign3A_1120 : i32
          %sign3A_1122 = arith.extui %sign3A_1121 : i1 to i32
          %sign3A_1123 = arith.subi %sign3A_1119, %sign3A_1122 : i32
          %sign3A_1124 = arith.constant 0 : i32
          %sign3A_1125 = arith.cmpi sgt, %jit3A_1115, %sign3A_1124 : i32
          %sign3A_1126 = arith.extui %sign3A_1125 : i1 to i32
          %sign3A_1127 = arith.constant 0 : i32
          %sign3A_1128 = arith.cmpi slt, %jit3A_1115, %sign3A_1127 : i32
          %sign3A_1129 = arith.extui %sign3A_1128 : i1 to i32
          %sign3A_1130 = arith.subi %sign3A_1126, %sign3A_1129 : i32
          %ne3A_1131 = arith.cmpi ne, %sign3A_1123, %sign3A_1130 : i32
          %rem3A_1132 = arith.remsi %add3A_240, %jit3A_1115 : i32
          %ne3A_1133 = arith.constant 0 : i32
          %ne3A_1134 = arith.cmpi ne, %rem3A_1132, %ne3A_1133 : i32
          %and3A_1135 = arith.andi %ne3A_1131, %ne3A_1134 : i1
          %sub3A_1136 = arith.constant 1 : i32
          %sub3A_1137 = arith.subi %div3A_1116, %sub3A_1136 : i32
          %select_n3A_1138 = arith.select %and3A_1135, %sub3A_1137, %div3A_1116 : i32
          %jit3A_1139 = arith.constant 4 : i32
          %eq3A_1140 = arith.constant 0 : i32
          %eq3A_1141 = arith.cmpi eq, %jit3A_1139, %eq3A_1140 : i32
          %jit3A_1142 = arith.constant 1 : i32
          %select_n3A_1143 = arith.select %eq3A_1141, %jit3A_1142, %jit3A_1139 : i32
          %rem3A_1144 = arith.remsi %add3A_240, %select_n3A_1143 : i32
          %ne3A_1145 = arith.constant 0 : i32
          %ne3A_1146 = arith.cmpi ne, %rem3A_1144, %ne3A_1145 : i32
          %lt3A_1147 = arith.constant 0 : i32
          %lt3A_1148 = arith.cmpi slt, %rem3A_1144, %lt3A_1147 : i32
          %lt3A_1149 = arith.constant 0 : i32
          %lt3A_1150 = arith.cmpi slt, %select_n3A_1143, %lt3A_1149 : i32
          %ne3A_1151 = arith.xori %lt3A_1148, %lt3A_1150 : i1
          %and3A_1152 = arith.andi %ne3A_1151, %ne3A_1146 : i1
          %add3A_1153 = arith.addi %rem3A_1144, %select_n3A_1143 : i32
          %select_n3A_1154 = arith.select %and3A_1152, %add3A_1153, %rem3A_1144 : i32
          %mul3A_1155 = arith.constant 1 : i32
          %mul3A_1156 = arith.muli %mul3A_1155, %select_n3A_1138 : i32
          %mul3A_1157 = arith.constant 1024 : i32
          %mul3A_1158 = arith.muli %mul3A_1157, %select_n3A_1154 : i32
          %rem3A_1159 = arith.constant 2 : i32
          %rem3A_1160 = arith.remui %scan3A_232, %rem3A_1159 : i32
          %dma_wait3A_1161 = arith.constant 0 : i32
          %dma_wait3A_1162 = arith.constant 0 : i32
          %dma_wait3A_1163 = arith.constant 0 : i32
          %dma_wait3A_1164 = tpu.memref_slice %run_scoped3A[%rem3A_1160, %dma_wait3A_1161, %dma_wait3A_1162, %dma_wait3A_1163] : memref<2x1x1x1024xi32, #tpu.memory_space<vmem>> -> memref<1x1x1x1024xi32, #tpu.memory_space<vmem>>
          %dma_wait3A_1165 = tpu.memref_squeeze %dma_wait3A_1164 : memref<1x1x1x1024xi32, #tpu.memory_space<vmem>> -> memref<1x1x1024xi32, #tpu.memory_space<vmem>>
          %dma_wait3A_1166 = arith.constant 2 : i32
          %dma_wait3A_1167 = tpu.memref_slice %arg2[%dma_wait3A_1166, %mul3A_1156, %mul3A_1158] : memref<4x200x4096xi32, #tpu.memory_space<hbm>> -> memref<1x1x1024xi32, #tpu.memory_space<hbm>>
          %dma_wait3A_1168 = tpu.memref_slice %run_scoped3A_34[%rem3A_1160] : memref<2x!tpu.dma_semaphore, #tpu.memory_space<semaphore_mem>> -> memref<1x!tpu.dma_semaphore, #tpu.memory_space<semaphore_mem>>
          %dma_wait3A_1169 = tpu.memref_squeeze %dma_wait3A_1168 : memref<1x!tpu.dma_semaphore, #tpu.memory_space<semaphore_mem>> -> memref<!tpu.dma_semaphore, #tpu.memory_space<semaphore_mem>>
          %dma_wait3A_1170 = arith.constant 0 : i32
          %dma_wait3A_1171 = arith.constant 0 : i32
          %dma_wait3A_1172 = arith.constant 0 : i32
          %dma_wait3A_1173 = tpu.memref_slice %run_scoped3A[%rem3A_1160, %dma_wait3A_1170, %dma_wait3A_1171, %dma_wait3A_1172] : memref<2x1x1x1024xi32, #tpu.memory_space<vmem>> -> memref<1x1x1x1024xi32, #tpu.memory_space<vmem>>
          %dma_wait3A_1174 = tpu.memref_squeeze %dma_wait3A_1173 : memref<1x1x1x1024xi32, #tpu.memory_space<vmem>> -> memref<1x1x1024xi32, #tpu.memory_space<vmem>>
          %dma_wait3A_1175 = arith.constant 2 : i32
          %dma_wait3A_1176 = tpu.memref_slice %arg2[%dma_wait3A_1175, %mul3A_1156, %mul3A_1158] : memref<4x200x4096xi32, #tpu.memory_space<hbm>> -> memref<1x1x1024xi32, #tpu.memory_space<hbm>>
          tpu.wait_dma2 semaphore(%dma_wait3A_1169 : memref<!tpu.dma_semaphore, #tpu.memory_space<semaphore_mem>>) src(%dma_wait3A_1176 : memref<1x1x1024xi32, #tpu.memory_space<hbm>>) dst(%dma_wait3A_1174 : memref<1x1x1024xi32, #tpu.memory_space<vmem>>)
          "tpu.trace_stop"() : () -> ()
        } else {
        }
        %jit3A_542 = arith.constant 4 : i32
        %eq3A_543 = arith.constant 0 : i32
        %eq3A_544 = arith.cmpi eq, %jit3A_542, %eq3A_543 : i32
        %jit3A_545 = arith.constant 1 : i32
        %select_n3A_546 = arith.select %eq3A_544, %jit3A_545, %jit3A_542 : i32
        %rem3A_547 = arith.remsi %add3A_240, %select_n3A_546 : i32
        %ne3A_548 = arith.constant 0 : i32
        %ne3A_549 = arith.cmpi ne, %rem3A_547, %ne3A_548 : i32
        %lt3A_550 = arith.constant 0 : i32
        %lt3A_551 = arith.cmpi slt, %rem3A_547, %lt3A_550 : i32
        %lt3A_552 = arith.constant 0 : i32
        %lt3A_553 = arith.cmpi slt, %select_n3A_546, %lt3A_552 : i32
        %ne3A_554 = arith.xori %lt3A_551, %lt3A_553 : i1
        %and3A_555 = arith.andi %ne3A_554, %ne3A_549 : i1
        %add3A_556 = arith.addi %rem3A_547, %select_n3A_546 : i32
        %select_n3A_557 = arith.select %and3A_555, %add3A_556, %rem3A_547 : i32
        %jit3A_558 = arith.constant 4 : i32
        %div3A_559 = arith.divsi %add3A_240, %jit3A_558 : i32
        %sign3A_560 = arith.constant 0 : i32
        %sign3A_561 = arith.cmpi sgt, %add3A_240, %sign3A_560 : i32
        %sign3A_562 = arith.extui %sign3A_561 : i1 to i32
        %sign3A_563 = arith.constant 0 : i32
        %sign3A_564 = arith.cmpi slt, %add3A_240, %sign3A_563 : i32
        %sign3A_565 = arith.extui %sign3A_564 : i1 to i32
        %sign3A_566 = arith.subi %sign3A_562, %sign3A_565 : i32
        %sign3A_567 = arith.constant 0 : i32
        %sign3A_568 = arith.cmpi sgt, %jit3A_558, %sign3A_567 : i32
        %sign3A_569 = arith.extui %sign3A_568 : i1 to i32
        %sign3A_570 = arith.constant 0 : i32
        %sign3A_571 = arith.cmpi slt, %jit3A_558, %sign3A_570 : i32
        %sign3A_572 = arith.extui %sign3A_571 : i1 to i32
        %sign3A_573 = arith.subi %sign3A_569, %sign3A_572 : i32
        %ne3A_574 = arith.cmpi ne, %sign3A_566, %sign3A_573 : i32
        %rem3A_575 = arith.remsi %add3A_240, %jit3A_558 : i32
        %ne3A_576 = arith.constant 0 : i32
        %ne3A_577 = arith.cmpi ne, %rem3A_575, %ne3A_576 : i32
        %and3A_578 = arith.andi %ne3A_574, %ne3A_577 : i1
        %sub3A_579 = arith.constant 1 : i32
        %sub3A_580 = arith.subi %div3A_559, %sub3A_579 : i32
        %select_n3A_581 = arith.select %and3A_578, %sub3A_580, %div3A_559 : i32
        %jit3A_582 = arith.constant 4 : i32
        %eq3A_583 = arith.constant 0 : i32
        %eq3A_584 = arith.cmpi eq, %jit3A_582, %eq3A_583 : i32
        %jit3A_585 = arith.constant 1 : i32
        %select_n3A_586 = arith.select %eq3A_584, %jit3A_585, %jit3A_582 : i32
        %rem3A_587 = arith.remsi %add3A_249, %select_n3A_586 : i32
        %ne3A_588 = arith.constant 0 : i32
        %ne3A_589 = arith.cmpi ne, %rem3A_587, %ne3A_588 : i32
        %lt3A_590 = arith.constant 0 : i32
        %lt3A_591 = arith.cmpi slt, %rem3A_587, %lt3A_590 : i32
        %lt3A_592 = arith.constant 0 : i32
        %lt3A_593 = arith.cmpi slt, %select_n3A_586, %lt3A_592 : i32
        %ne3A_594 = arith.xori %lt3A_591, %lt3A_593 : i1
        %and3A_595 = arith.andi %ne3A_594, %ne3A_589 : i1
        %add3A_596 = arith.addi %rem3A_587, %select_n3A_586 : i32
        %select_n3A_597 = arith.select %and3A_595, %add3A_596, %rem3A_587 : i32
        %jit3A_598 = arith.constant 4 : i32
        %div3A_599 = arith.divsi %add3A_249, %jit3A_598 : i32
        %sign3A_600 = arith.constant 0 : i32
        %sign3A_601 = arith.cmpi sgt, %add3A_249, %sign3A_600 : i32
        %sign3A_602 = arith.extui %sign3A_601 : i1 to i32
        %sign3A_603 = arith.constant 0 : i32
        %sign3A_604 = arith.cmpi slt, %add3A_249, %sign3A_603 : i32
        %sign3A_605 = arith.extui %sign3A_604 : i1 to i32
        %sign3A_606 = arith.subi %sign3A_602, %sign3A_605 : i32
        %sign3A_607 = arith.constant 0 : i32
        %sign3A_608 = arith.cmpi sgt, %jit3A_598, %sign3A_607 : i32
        %sign3A_609 = arith.extui %sign3A_608 : i1 to i32
        %sign3A_610 = arith.constant 0 : i32
        %sign3A_611 = arith.cmpi slt, %jit3A_598, %sign3A_610 : i32
        %sign3A_612 = arith.extui %sign3A_611 : i1 to i32
        %sign3A_613 = arith.subi %sign3A_609, %sign3A_612 : i32
        %ne3A_614 = arith.cmpi ne, %sign3A_606, %sign3A_613 : i32
        %rem3A_615 = arith.remsi %add3A_249, %jit3A_598 : i32
        %ne3A_616 = arith.constant 0 : i32
        %ne3A_617 = arith.cmpi ne, %rem3A_615, %ne3A_616 : i32
        %and3A_618 = arith.andi %ne3A_614, %ne3A_617 : i1
        %sub3A_619 = arith.constant 1 : i32
        %sub3A_620 = arith.subi %div3A_599, %sub3A_619 : i32
        %select_n3A_621 = arith.select %and3A_618, %sub3A_620, %div3A_599 : i32
        %ne3A_622 = arith.cmpi ne, %select_n3A_557, %select_n3A_597 : i32
        %ne3A_623 = arith.cmpi ne, %select_n3A_581, %select_n3A_621 : i32
        %or3A_624 = arith.constant false
        %or3A_625 = arith.ori %or3A_624, %ne3A_622 : i1
        %or3A_626 = arith.ori %or3A_625, %ne3A_623 : i1
        %or3A_627 = arith.constant false
        %or3A_628 = arith.ori %or3A_626, %or3A_627 : i1
        %or3A_629 = arith.ori %or3A_628, %eq3A_237 : i1
        %convert_element_type3A_630 = arith.extui %or3A_629 : i1 to i32
        %cond3A_631 = arith.constant 0 : i32
        %cond3A_632 = arith.cmpi ne, %convert_element_type3A_630, %cond3A_631 : i32
        scf.if %cond3A_632 {
        } else {
        }
        %rem3A_633 = arith.constant 2 : i32
        %rem3A_634 = arith.remui %scan3A_232, %rem3A_633 : i32
        %rem3A_635 = arith.constant 2 : i32
        %rem3A_636 = arith.remui %scan3A_233, %rem3A_635 : i32
        %run_scoped3A_637 = arith.constant 0 : i32
        %run_scoped3A_638 = arith.constant 0 : i32
        %run_scoped3A_639 = arith.constant 0 : i32
        "tpu.trace_start"() <{level = 10 : i32, message = "ep_run_kernel"}> : () -> ()
        "tpu.region"() ({
          %run_scoped3A_1115 = tpu.sem_alloc : memref<!tpu.dma_semaphore, #tpu.memory_space<semaphore_mem>>
          %dma_start3A_1116 = arith.constant 0 : i32
          %dma_start3A_1117 = arith.constant 0 : i32
          %dma_start3A_1118 = arith.constant 0 : i32
          %dma_start3A_1119 = tpu.memref_slice %run_scoped3A_35[%rem3A_636, %dma_start3A_1116, %dma_start3A_1117, %dma_start3A_1118] : memref<2x1024x1x32xf32, #tpu.memory_space<vmem>> -> memref<1x1024x1x32xf32, #tpu.memory_space<vmem>>
          %dma_start3A_1120 = tpu.memref_squeeze %dma_start3A_1119 : memref<1x1024x1x32xf32, #tpu.memory_space<vmem>> -> memref<1024x1x32xf32, #tpu.memory_space<vmem>>
          %dma_start3A_1121 = arith.constant 0 : i32
          %dma_start3A_1122 = arith.constant 0 : i32
          %dma_start3A_1123 = tpu.memref_slice %dma_start3A_1120[%dma_start3A_1121, %run_scoped3A_639, %dma_start3A_1122] : memref<1024x1x32xf32, #tpu.memory_space<vmem>> -> memref<1024x1x32xf32, #tpu.memory_space<vmem>>
          %dma_start3A_1124 = tpu.memref_squeeze %dma_start3A_1123 : memref<1024x1x32xf32, #tpu.memory_space<vmem>> -> memref<1024x32xf32, #tpu.memory_space<vmem>>
          %dma_start3A_1125 = arith.constant 0 : i32
          %dma_start3A_1126 = arith.constant 0 : i32
          %dma_start3A_1127 = arith.constant 0 : i32
          %dma_start3A_1128 = tpu.memref_slice %run_scoped3A[%rem3A_634, %dma_start3A_1125, %dma_start3A_1126, %dma_start3A_1127] : memref<2x1x1x1024xi32, #tpu.memory_space<vmem>> -> memref<1x1x1x1024xi32, #tpu.memory_space<vmem>>
          %dma_start3A_1129 = tpu.memref_squeeze %dma_start3A_1128 : memref<1x1x1x1024xi32, #tpu.memory_space<vmem>> -> memref<1x1x1024xi32, #tpu.memory_space<vmem>>
          %dma_start3A_1130 = arith.constant 0 : i32
          %dma_start3A_1131 = tpu.memref_slice %dma_start3A_1129[%run_scoped3A_637, %run_scoped3A_638, %dma_start3A_1130] : memref<1x1x1024xi32, #tpu.memory_space<vmem>> -> memref<1x1x1024xi32, #tpu.memory_space<vmem>>
          %dma_start3A_1132 = tpu.memref_squeeze %dma_start3A_1131 : memref<1x1x1024xi32, #tpu.memory_space<vmem>> -> memref<1024xi32, #tpu.memory_space<vmem>>
          %dma_start3A_1133 = arith.constant 0 : i32
          %dma_start3A_1134 = arith.constant 0 : i32
          %dma_start3A_1135 = tpu.memref_slice %arg5[%dma_start3A_1133, %dma_start3A_1134] : memref<100000x32xf32, #tpu.memory_space<hbm>> -> memref<100000x32xf32, #tpu.memory_space<hbm>>
          tpu.enqueue_indirect_dma source(%dma_start3A_1135 : memref<100000x32xf32, #tpu.memory_space<hbm>>) target(%dma_start3A_1124 : memref<1024x32xf32, #tpu.memory_space<vmem>>) offsets(%dma_start3A_1132 : memref<1024xi32, #tpu.memory_space<vmem>>) semaphore(%run_scoped3A_1115 : memref<!tpu.dma_semaphore, #tpu.memory_space<semaphore_mem>>)
          %dma_wait3A_1136 = arith.constant 0 : i32
          %dma_wait3A_1137 = arith.constant 0 : i32
          %dma_wait3A_1138 = arith.constant 0 : i32
          %dma_wait3A_1139 = tpu.memref_slice %run_scoped3A_35[%rem3A_636, %dma_wait3A_1136, %dma_wait3A_1137, %dma_wait3A_1138] : memref<2x1024x1x32xf32, #tpu.memory_space<vmem>> -> memref<1x1024x1x32xf32, #tpu.memory_space<vmem>>
          %dma_wait3A_1140 = tpu.memref_squeeze %dma_wait3A_1139 : memref<1x1024x1x32xf32, #tpu.memory_space<vmem>> -> memref<1024x1x32xf32, #tpu.memory_space<vmem>>
          %dma_wait3A_1141 = arith.constant 0 : i32
          %dma_wait3A_1142 = arith.constant 0 : i32
          %dma_wait3A_1143 = tpu.memref_slice %dma_wait3A_1140[%dma_wait3A_1141, %run_scoped3A_639, %dma_wait3A_1142] : memref<1024x1x32xf32, #tpu.memory_space<vmem>> -> memref<1024x1x32xf32, #tpu.memory_space<vmem>>
          %dma_wait3A_1144 = tpu.memref_squeeze %dma_wait3A_1143 : memref<1024x1x32xf32, #tpu.memory_space<vmem>> -> memref<1024x32xf32, #tpu.memory_space<vmem>>
          %dma_wait3A_1145 = arith.constant 0 : i32
          %dma_wait3A_1146 = arith.constant 0 : i32
          %dma_wait3A_1147 = arith.constant 0 : i32
          %dma_wait3A_1148 = tpu.memref_slice %run_scoped3A[%rem3A_634, %dma_wait3A_1145, %dma_wait3A_1146, %dma_wait3A_1147] : memref<2x1x1x1024xi32, #tpu.memory_space<vmem>> -> memref<1x1x1x1024xi32, #tpu.memory_space<vmem>>
          %dma_wait3A_1149 = tpu.memref_squeeze %dma_wait3A_1148 : memref<1x1x1x1024xi32, #tpu.memory_space<vmem>> -> memref<1x1x1024xi32, #tpu.memory_space<vmem>>
          %dma_wait3A_1150 = arith.constant 0 : i32
          %dma_wait3A_1151 = tpu.memref_slice %dma_wait3A_1149[%run_scoped3A_637, %run_scoped3A_638, %dma_wait3A_1150] : memref<1x1x1024xi32, #tpu.memory_space<vmem>> -> memref<1x1x1024xi32, #tpu.memory_space<vmem>>
          %dma_wait3A_1152 = tpu.memref_squeeze %dma_wait3A_1151 : memref<1x1x1024xi32, #tpu.memory_space<vmem>> -> memref<1024xi32, #tpu.memory_space<vmem>>
          %dma_wait3A_1153 = arith.constant 0 : i32
          %dma_wait3A_1154 = arith.constant 0 : i32
          %dma_wait3A_1155 = tpu.memref_slice %arg5[%dma_wait3A_1153, %dma_wait3A_1154] : memref<100000x32xf32, #tpu.memory_space<hbm>> -> memref<100000x32xf32, #tpu.memory_space<hbm>>
          tpu.wait_indirect_dma semaphore(%run_scoped3A_1115 : memref<!tpu.dma_semaphore, #tpu.memory_space<semaphore_mem>>) src(%dma_wait3A_1155 : memref<100000x32xf32, #tpu.memory_space<hbm>>) dst(%dma_wait3A_1144 : memref<1024x32xf32, #tpu.memory_space<vmem>>)
          tpu.yield
        }) : () -> ()
        %jit3A_640 = arith.constant 4 : i32
        "tpu.trace_stop"() : () -> ()
        %div3A_641 = arith.divsi %add3A_240, %jit3A_640 : i32
        %sign3A_642 = arith.constant 0 : i32
        %sign3A_643 = arith.cmpi sgt, %add3A_240, %sign3A_642 : i32
        %sign3A_644 = arith.extui %sign3A_643 : i1 to i32
        %sign3A_645 = arith.constant 0 : i32
        %sign3A_646 = arith.cmpi slt, %add3A_240, %sign3A_645 : i32
        %sign3A_647 = arith.extui %sign3A_646 : i1 to i32
        %sign3A_648 = arith.subi %sign3A_644, %sign3A_647 : i32
        %sign3A_649 = arith.constant 0 : i32
        %sign3A_650 = arith.cmpi sgt, %jit3A_640, %sign3A_649 : i32
        %sign3A_651 = arith.extui %sign3A_650 : i1 to i32
        %sign3A_652 = arith.constant 0 : i32
        %sign3A_653 = arith.cmpi slt, %jit3A_640, %sign3A_652 : i32
        %sign3A_654 = arith.extui %sign3A_653 : i1 to i32
        %sign3A_655 = arith.subi %sign3A_651, %sign3A_654 : i32
        %ne3A_656 = arith.cmpi ne, %sign3A_648, %sign3A_655 : i32
        %rem3A_657 = arith.remsi %add3A_240, %jit3A_640 : i32
        %ne3A_658 = arith.constant 0 : i32
        %ne3A_659 = arith.cmpi ne, %rem3A_657, %ne3A_658 : i32
        %and3A_660 = arith.andi %ne3A_656, %ne3A_659 : i1
        %sub3A_661 = arith.constant 1 : i32
        %sub3A_662 = arith.subi %div3A_641, %sub3A_661 : i32
        %select_n3A_663 = arith.select %and3A_660, %sub3A_662, %div3A_641 : i32
        %jit3A_664 = arith.constant 4 : i32
        %eq3A_665 = arith.constant 0 : i32
        %eq3A_666 = arith.cmpi eq, %jit3A_664, %eq3A_665 : i32
        %jit3A_667 = arith.constant 1 : i32
        %select_n3A_668 = arith.select %eq3A_666, %jit3A_667, %jit3A_664 : i32
        %rem3A_669 = arith.remsi %add3A_240, %select_n3A_668 : i32
        %ne3A_670 = arith.constant 0 : i32
        %ne3A_671 = arith.cmpi ne, %rem3A_669, %ne3A_670 : i32
        %lt3A_672 = arith.constant 0 : i32
        %lt3A_673 = arith.cmpi slt, %rem3A_669, %lt3A_672 : i32
        %lt3A_674 = arith.constant 0 : i32
        %lt3A_675 = arith.cmpi slt, %select_n3A_668, %lt3A_674 : i32
        %ne3A_676 = arith.xori %lt3A_673, %lt3A_675 : i1
        %and3A_677 = arith.andi %ne3A_676, %ne3A_671 : i1
        %add3A_678 = arith.addi %rem3A_669, %select_n3A_668 : i32
        %select_n3A_679 = arith.select %and3A_677, %add3A_678, %rem3A_669 : i32
        %jit3A_680 = arith.constant 4 : i32
        %div3A_681 = arith.divsi %add3A_258, %jit3A_680 : i32
        %sign3A_682 = arith.constant 0 : i32
        %sign3A_683 = arith.cmpi sgt, %add3A_258, %sign3A_682 : i32
        %sign3A_684 = arith.extui %sign3A_683 : i1 to i32
        %sign3A_685 = arith.constant 0 : i32
        %sign3A_686 = arith.cmpi slt, %add3A_258, %sign3A_685 : i32
        %sign3A_687 = arith.extui %sign3A_686 : i1 to i32
        %sign3A_688 = arith.subi %sign3A_684, %sign3A_687 : i32
        %sign3A_689 = arith.constant 0 : i32
        %sign3A_690 = arith.cmpi sgt, %jit3A_680, %sign3A_689 : i32
        %sign3A_691 = arith.extui %sign3A_690 : i1 to i32
        %sign3A_692 = arith.constant 0 : i32
        %sign3A_693 = arith.cmpi slt, %jit3A_680, %sign3A_692 : i32
        %sign3A_694 = arith.extui %sign3A_693 : i1 to i32
        %sign3A_695 = arith.subi %sign3A_691, %sign3A_694 : i32
        %ne3A_696 = arith.cmpi ne, %sign3A_688, %sign3A_695 : i32
        %rem3A_697 = arith.remsi %add3A_258, %jit3A_680 : i32
        %ne3A_698 = arith.constant 0 : i32
        %ne3A_699 = arith.cmpi ne, %rem3A_697, %ne3A_698 : i32
        %and3A_700 = arith.andi %ne3A_696, %ne3A_699 : i1
        %sub3A_701 = arith.constant 1 : i32
        %sub3A_702 = arith.subi %div3A_681, %sub3A_701 : i32
        %select_n3A_703 = arith.select %and3A_700, %sub3A_702, %div3A_681 : i32
        %jit3A_704 = arith.constant 4 : i32
        %eq3A_705 = arith.constant 0 : i32
        %eq3A_706 = arith.cmpi eq, %jit3A_704, %eq3A_705 : i32
        %jit3A_707 = arith.constant 1 : i32
        %select_n3A_708 = arith.select %eq3A_706, %jit3A_707, %jit3A_704 : i32
        %rem3A_709 = arith.remsi %add3A_258, %select_n3A_708 : i32
        %ne3A_710 = arith.constant 0 : i32
        %ne3A_711 = arith.cmpi ne, %rem3A_709, %ne3A_710 : i32
        %lt3A_712 = arith.constant 0 : i32
        %lt3A_713 = arith.cmpi slt, %rem3A_709, %lt3A_712 : i32
        %lt3A_714 = arith.constant 0 : i32
        %lt3A_715 = arith.cmpi slt, %select_n3A_708, %lt3A_714 : i32
        %ne3A_716 = arith.xori %lt3A_713, %lt3A_715 : i1
        %and3A_717 = arith.andi %ne3A_716, %ne3A_711 : i1
        %add3A_718 = arith.addi %rem3A_709, %select_n3A_708 : i32
        %select_n3A_719 = arith.select %and3A_717, %add3A_718, %rem3A_709 : i32
        %ne3A_720 = arith.cmpi ne, %select_n3A_663, %select_n3A_703 : i32
        %ne3A_721 = arith.cmpi ne, %select_n3A_679, %select_n3A_719 : i32
        %or3A_722 = arith.constant false
        %or3A_723 = arith.ori %or3A_722, %ne3A_720 : i1
        %or3A_724 = arith.ori %or3A_723, %ne3A_721 : i1
        %or3A_725 = arith.ori %or3A_724, %eq3A_239 : i1
        %convert_element_type3A_726 = arith.extui %or3A_725 : i1 to i32
        %cond3A_727 = arith.constant 0 : i32
        %cond3A_728 = arith.cmpi ne, %convert_element_type3A_726, %cond3A_727 : i32
        scf.if %cond3A_728 {
        } else {
        }
        %and3A_729 = arith.constant false
        %and3A_730 = arith.andi %or3A_725, %and3A_729 : i1
        %jit3A_731 = arith.constant 4 : i32
        %eq3A_732 = arith.constant 0 : i32
        %eq3A_733 = arith.cmpi eq, %jit3A_731, %eq3A_732 : i32
        %jit3A_734 = arith.constant 1 : i32
        %select_n3A_735 = arith.select %eq3A_733, %jit3A_734, %jit3A_731 : i32
        %rem3A_736 = arith.remsi %add3A_240, %select_n3A_735 : i32
        %ne3A_737 = arith.constant 0 : i32
        %ne3A_738 = arith.cmpi ne, %rem3A_736, %ne3A_737 : i32
        %lt3A_739 = arith.constant 0 : i32
        %lt3A_740 = arith.cmpi slt, %rem3A_736, %lt3A_739 : i32
        %lt3A_741 = arith.constant 0 : i32
        %lt3A_742 = arith.cmpi slt, %select_n3A_735, %lt3A_741 : i32
        %ne3A_743 = arith.xori %lt3A_740, %lt3A_742 : i1
        %and3A_744 = arith.andi %ne3A_743, %ne3A_738 : i1
        %add3A_745 = arith.addi %rem3A_736, %select_n3A_735 : i32
        %select_n3A_746 = arith.select %and3A_744, %add3A_745, %rem3A_736 : i32
        %jit3A_747 = arith.constant 4 : i32
        %div3A_748 = arith.divsi %add3A_240, %jit3A_747 : i32
        %sign3A_749 = arith.constant 0 : i32
        %sign3A_750 = arith.cmpi sgt, %add3A_240, %sign3A_749 : i32
        %sign3A_751 = arith.extui %sign3A_750 : i1 to i32
        %sign3A_752 = arith.constant 0 : i32
        %sign3A_753 = arith.cmpi slt, %add3A_240, %sign3A_752 : i32
        %sign3A_754 = arith.extui %sign3A_753 : i1 to i32
        %sign3A_755 = arith.subi %sign3A_751, %sign3A_754 : i32
        %sign3A_756 = arith.constant 0 : i32
        %sign3A_757 = arith.cmpi sgt, %jit3A_747, %sign3A_756 : i32
        %sign3A_758 = arith.extui %sign3A_757 : i1 to i32
        %sign3A_759 = arith.constant 0 : i32
        %sign3A_760 = arith.cmpi slt, %jit3A_747, %sign3A_759 : i32
        %sign3A_761 = arith.extui %sign3A_760 : i1 to i32
        %sign3A_762 = arith.subi %sign3A_758, %sign3A_761 : i32
        %ne3A_763 = arith.cmpi ne, %sign3A_755, %sign3A_762 : i32
        %rem3A_764 = arith.remsi %add3A_240, %jit3A_747 : i32
        %ne3A_765 = arith.constant 0 : i32
        %ne3A_766 = arith.cmpi ne, %rem3A_764, %ne3A_765 : i32
        %and3A_767 = arith.andi %ne3A_763, %ne3A_766 : i1
        %sub3A_768 = arith.constant 1 : i32
        %sub3A_769 = arith.subi %div3A_748, %sub3A_768 : i32
        %select_n3A_770 = arith.select %and3A_767, %sub3A_769, %div3A_748 : i32
        %jit3A_771 = arith.constant 4 : i32
        %eq3A_772 = arith.constant 0 : i32
        %eq3A_773 = arith.cmpi eq, %jit3A_771, %eq3A_772 : i32
        %jit3A_774 = arith.constant 1 : i32
        %select_n3A_775 = arith.select %eq3A_773, %jit3A_774, %jit3A_771 : i32
        %rem3A_776 = arith.remsi %add3A_258, %select_n3A_775 : i32
        %ne3A_777 = arith.constant 0 : i32
        %ne3A_778 = arith.cmpi ne, %rem3A_776, %ne3A_777 : i32
        %lt3A_779 = arith.constant 0 : i32
        %lt3A_780 = arith.cmpi slt, %rem3A_776, %lt3A_779 : i32
        %lt3A_781 = arith.constant 0 : i32
        %lt3A_782 = arith.cmpi slt, %select_n3A_775, %lt3A_781 : i32
        %ne3A_783 = arith.xori %lt3A_780, %lt3A_782 : i1
        %and3A_784 = arith.andi %ne3A_783, %ne3A_778 : i1
        %add3A_785 = arith.addi %rem3A_776, %select_n3A_775 : i32
        %select_n3A_786 = arith.select %and3A_784, %add3A_785, %rem3A_776 : i32
        %jit3A_787 = arith.constant 4 : i32
        %div3A_788 = arith.divsi %add3A_258, %jit3A_787 : i32
        %sign3A_789 = arith.constant 0 : i32
        %sign3A_790 = arith.cmpi sgt, %add3A_258, %sign3A_789 : i32
        %sign3A_791 = arith.extui %sign3A_790 : i1 to i32
        %sign3A_792 = arith.constant 0 : i32
        %sign3A_793 = arith.cmpi slt, %add3A_258, %sign3A_792 : i32
        %sign3A_794 = arith.extui %sign3A_793 : i1 to i32
        %sign3A_795 = arith.subi %sign3A_791, %sign3A_794 : i32
        %sign3A_796 = arith.constant 0 : i32
        %sign3A_797 = arith.cmpi sgt, %jit3A_787, %sign3A_796 : i32
        %sign3A_798 = arith.extui %sign3A_797 : i1 to i32
        %sign3A_799 = arith.constant 0 : i32
        %sign3A_800 = arith.cmpi slt, %jit3A_787, %sign3A_799 : i32
        %sign3A_801 = arith.extui %sign3A_800 : i1 to i32
        %sign3A_802 = arith.subi %sign3A_798, %sign3A_801 : i32
        %ne3A_803 = arith.cmpi ne, %sign3A_795, %sign3A_802 : i32
        %rem3A_804 = arith.remsi %add3A_258, %jit3A_787 : i32
        %ne3A_805 = arith.constant 0 : i32
        %ne3A_806 = arith.cmpi ne, %rem3A_804, %ne3A_805 : i32
        %and3A_807 = arith.andi %ne3A_803, %ne3A_806 : i1
        %sub3A_808 = arith.constant 1 : i32
        %sub3A_809 = arith.subi %div3A_788, %sub3A_808 : i32
        %select_n3A_810 = arith.select %and3A_807, %sub3A_809, %div3A_788 : i32
        %ne3A_811 = arith.cmpi ne, %select_n3A_746, %select_n3A_786 : i32
        %ne3A_812 = arith.cmpi ne, %select_n3A_770, %select_n3A_810 : i32
        %or3A_813 = arith.constant false
        %or3A_814 = arith.ori %or3A_813, %ne3A_811 : i1
        %or3A_815 = arith.ori %or3A_814, %ne3A_812 : i1
        %or3A_816 = arith.constant false
        %or3A_817 = arith.ori %or3A_815, %or3A_816 : i1
        %or3A_818 = arith.ori %or3A_817, %eq3A_239 : i1
        %convert_element_type3A_819 = arith.extui %or3A_818 : i1 to i32
        %cond3A_820 = arith.constant 0 : i32
        %cond3A_821 = arith.cmpi ne, %convert_element_type3A_819, %cond3A_820 : i32
        scf.if %cond3A_821 {
          "tpu.trace_start"() <{level = 10 : i32, message = "ep_copy_out"}> : () -> ()
          %rem3A_1115 = arith.constant 2 : i32
          %rem3A_1116 = arith.remui %scan3A_233, %rem3A_1115 : i32
          %jit3A_1117 = arith.constant 4 : i32
          %eq3A_1118 = arith.constant 0 : i32
          %eq3A_1119 = arith.cmpi eq, %jit3A_1117, %eq3A_1118 : i32
          %jit3A_1120 = arith.constant 1 : i32
          %select_n3A_1121 = arith.select %eq3A_1119, %jit3A_1120, %jit3A_1117 : i32
          %rem3A_1122 = arith.remsi %add3A_240, %select_n3A_1121 : i32
          %ne3A_1123 = arith.constant 0 : i32
          %ne3A_1124 = arith.cmpi ne, %rem3A_1122, %ne3A_1123 : i32
          %lt3A_1125 = arith.constant 0 : i32
          %lt3A_1126 = arith.cmpi slt, %rem3A_1122, %lt3A_1125 : i32
          %lt3A_1127 = arith.constant 0 : i32
          %lt3A_1128 = arith.cmpi slt, %select_n3A_1121, %lt3A_1127 : i32
          %ne3A_1129 = arith.xori %lt3A_1126, %lt3A_1128 : i1
          %and3A_1130 = arith.andi %ne3A_1129, %ne3A_1124 : i1
          %add3A_1131 = arith.addi %rem3A_1122, %select_n3A_1121 : i32
          %select_n3A_1132 = arith.select %and3A_1130, %add3A_1131, %rem3A_1122 : i32
          %jit3A_1133 = arith.constant 4 : i32
          %div3A_1134 = arith.divsi %add3A_240, %jit3A_1133 : i32
          %sign3A_1135 = arith.constant 0 : i32
          %sign3A_1136 = arith.cmpi sgt, %add3A_240, %sign3A_1135 : i32
          %sign3A_1137 = arith.extui %sign3A_1136 : i1 to i32
          %sign3A_1138 = arith.constant 0 : i32
          %sign3A_1139 = arith.cmpi slt, %add3A_240, %sign3A_1138 : i32
          %sign3A_1140 = arith.extui %sign3A_1139 : i1 to i32
          %sign3A_1141 = arith.subi %sign3A_1137, %sign3A_1140 : i32
          %sign3A_1142 = arith.constant 0 : i32
          %sign3A_1143 = arith.cmpi sgt, %jit3A_1133, %sign3A_1142 : i32
          %sign3A_1144 = arith.extui %sign3A_1143 : i1 to i32
          %sign3A_1145 = arith.constant 0 : i32
          %sign3A_1146 = arith.cmpi slt, %jit3A_1133, %sign3A_1145 : i32
          %sign3A_1147 = arith.extui %sign3A_1146 : i1 to i32
          %sign3A_1148 = arith.subi %sign3A_1144, %sign3A_1147 : i32
          %ne3A_1149 = arith.cmpi ne, %sign3A_1141, %sign3A_1148 : i32
          %rem3A_1150 = arith.remsi %add3A_240, %jit3A_1133 : i32
          %ne3A_1151 = arith.constant 0 : i32
          %ne3A_1152 = arith.cmpi ne, %rem3A_1150, %ne3A_1151 : i32
          %and3A_1153 = arith.andi %ne3A_1149, %ne3A_1152 : i1
          %sub3A_1154 = arith.constant 1 : i32
          %sub3A_1155 = arith.subi %div3A_1134, %sub3A_1154 : i32
          %select_n3A_1156 = arith.select %and3A_1153, %sub3A_1155, %div3A_1134 : i32
          %mul3A_1157 = arith.constant 1024 : i32
          %mul3A_1158 = arith.muli %mul3A_1157, %select_n3A_1132 : i32
          %mul3A_1159 = arith.constant 1 : i32
          %mul3A_1160 = arith.muli %mul3A_1159, %select_n3A_1156 : i32
          %dma_start3A_1161 = arith.constant 0 : i32
          %dma_start3A_1162 = arith.constant 0 : i32
          %dma_start3A_1163 = arith.constant 0 : i32
          %dma_start3A_1164 = tpu.memref_slice %run_scoped3A_35[%rem3A_1116, %dma_start3A_1161, %dma_start3A_1162, %dma_start3A_1163] : memref<2x1024x1x32xf32, #tpu.memory_space<vmem>> -> memref<1x1024x1x32xf32, #tpu.memory_space<vmem>>
          %dma_start3A_1165 = tpu.memref_squeeze %dma_start3A_1164 : memref<1x1024x1x32xf32, #tpu.memory_space<vmem>> -> memref<1024x1x32xf32, #tpu.memory_space<vmem>>
          %dma_start3A_1166 = arith.constant 64 : i32
          %dma_start3A_1167 = tpu.memref_slice %arg7[%mul3A_1158, %mul3A_1160, %dma_start3A_1166] : memref<4096x200x128xf32, #tpu.memory_space<hbm>> -> memref<1024x1x32xf32, #tpu.memory_space<hbm>>
          %dma_start3A_1168 = tpu.memref_slice %run_scoped3A_36[%rem3A_1116] : memref<2x!tpu.dma_semaphore, #tpu.memory_space<semaphore_mem>> -> memref<1x!tpu.dma_semaphore, #tpu.memory_space<semaphore_mem>>
          %dma_start3A_1169 = tpu.memref_squeeze %dma_start3A_1168 : memref<1x!tpu.dma_semaphore, #tpu.memory_space<semaphore_mem>> -> memref<!tpu.dma_semaphore, #tpu.memory_space<semaphore_mem>>
          %dma_start3A_1170 = arith.constant 64 : i32
          %dma_start3A_1171 = tpu.memref_slice %arg7[%mul3A_1158, %mul3A_1160, %dma_start3A_1170] : memref<4096x200x128xf32, #tpu.memory_space<hbm>> -> memref<1024x1x32xf32, #tpu.memory_space<hbm>>
          %dma_start3A_1172 = arith.constant 0 : i32
          %dma_start3A_1173 = arith.constant 0 : i32
          %dma_start3A_1174 = arith.constant 0 : i32
          %dma_start3A_1175 = tpu.memref_slice %run_scoped3A_35[%rem3A_1116, %dma_start3A_1172, %dma_start3A_1173, %dma_start3A_1174] : memref<2x1024x1x32xf32, #tpu.memory_space<vmem>> -> memref<1x1024x1x32xf32, #tpu.memory_space<vmem>>
          %dma_start3A_1176 = tpu.memref_squeeze %dma_start3A_1175 : memref<1x1024x1x32xf32, #tpu.memory_space<vmem>> -> memref<1024x1x32xf32, #tpu.memory_space<vmem>>
          tpu.enqueue_dma source(%dma_start3A_1176 : memref<1024x1x32xf32, #tpu.memory_space<vmem>>) target(%dma_start3A_1171 : memref<1024x1x32xf32, #tpu.memory_space<hbm>>) target_semaphore(%dma_start3A_1169 : memref<!tpu.dma_semaphore, #tpu.memory_space<semaphore_mem>>)
          "tpu.trace_stop"() : () -> ()
        } else {
        }
        %and3A_822 = arith.constant true
        %and3A_823 = arith.andi %or3A_818, %and3A_822 : i1
        %add3A_824 = arith.constant 1 : i32
        %add3A_825 = arith.addi %scan3A_233, %add3A_824 : i32
        %select_n3A_826 = arith.select %and3A_823, %add3A_825, %scan3A_233 : i32
        %jit3A_827 = arith.constant 4 : i32
        %div3A_828 = arith.divsi %add3A_240, %jit3A_827 : i32
        %sign3A_829 = arith.constant 0 : i32
        %sign3A_830 = arith.cmpi sgt, %add3A_240, %sign3A_829 : i32
        %sign3A_831 = arith.extui %sign3A_830 : i1 to i32
        %sign3A_832 = arith.constant 0 : i32
        %sign3A_833 = arith.cmpi slt, %add3A_240, %sign3A_832 : i32
        %sign3A_834 = arith.extui %sign3A_833 : i1 to i32
        %sign3A_835 = arith.subi %sign3A_831, %sign3A_834 : i32
        %sign3A_836 = arith.constant 0 : i32
        %sign3A_837 = arith.cmpi sgt, %jit3A_827, %sign3A_836 : i32
        %sign3A_838 = arith.extui %sign3A_837 : i1 to i32
        %sign3A_839 = arith.constant 0 : i32
        %sign3A_840 = arith.cmpi slt, %jit3A_827, %sign3A_839 : i32
        %sign3A_841 = arith.extui %sign3A_840 : i1 to i32
        %sign3A_842 = arith.subi %sign3A_838, %sign3A_841 : i32
        %ne3A_843 = arith.cmpi ne, %sign3A_835, %sign3A_842 : i32
        %rem3A_844 = arith.remsi %add3A_240, %jit3A_827 : i32
        %ne3A_845 = arith.constant 0 : i32
        %ne3A_846 = arith.cmpi ne, %rem3A_844, %ne3A_845 : i32
        %and3A_847 = arith.andi %ne3A_843, %ne3A_846 : i1
        %sub3A_848 = arith.constant 1 : i32
        %sub3A_849 = arith.subi %div3A_828, %sub3A_848 : i32
        %select_n3A_850 = arith.select %and3A_847, %sub3A_849, %div3A_828 : i32
        %jit3A_851 = arith.constant 4 : i32
        %eq3A_852 = arith.constant 0 : i32
        %eq3A_853 = arith.cmpi eq, %jit3A_851, %eq3A_852 : i32
        %jit3A_854 = arith.constant 1 : i32
        %select_n3A_855 = arith.select %eq3A_853, %jit3A_854, %jit3A_851 : i32
        %rem3A_856 = arith.remsi %add3A_240, %select_n3A_855 : i32
        %ne3A_857 = arith.constant 0 : i32
        %ne3A_858 = arith.cmpi ne, %rem3A_856, %ne3A_857 : i32
        %lt3A_859 = arith.constant 0 : i32
        %lt3A_860 = arith.cmpi slt, %rem3A_856, %lt3A_859 : i32
        %lt3A_861 = arith.constant 0 : i32
        %lt3A_862 = arith.cmpi slt, %select_n3A_855, %lt3A_861 : i32
        %ne3A_863 = arith.xori %lt3A_860, %lt3A_862 : i1
        %and3A_864 = arith.andi %ne3A_863, %ne3A_858 : i1
        %add3A_865 = arith.addi %rem3A_856, %select_n3A_855 : i32
        %select_n3A_866 = arith.select %and3A_864, %add3A_865, %rem3A_856 : i32
        %jit3A_867 = arith.constant 4 : i32
        %div3A_868 = arith.divsi %add3A_249, %jit3A_867 : i32
        %sign3A_869 = arith.constant 0 : i32
        %sign3A_870 = arith.cmpi sgt, %add3A_249, %sign3A_869 : i32
        %sign3A_871 = arith.extui %sign3A_870 : i1 to i32
        %sign3A_872 = arith.constant 0 : i32
        %sign3A_873 = arith.cmpi slt, %add3A_249, %sign3A_872 : i32
        %sign3A_874 = arith.extui %sign3A_873 : i1 to i32
        %sign3A_875 = arith.subi %sign3A_871, %sign3A_874 : i32
        %sign3A_876 = arith.constant 0 : i32
        %sign3A_877 = arith.cmpi sgt, %jit3A_867, %sign3A_876 : i32
        %sign3A_878 = arith.extui %sign3A_877 : i1 to i32
        %sign3A_879 = arith.constant 0 : i32
        %sign3A_880 = arith.cmpi slt, %jit3A_867, %sign3A_879 : i32
        %sign3A_881 = arith.extui %sign3A_880 : i1 to i32
        %sign3A_882 = arith.subi %sign3A_878, %sign3A_881 : i32
        %ne3A_883 = arith.cmpi ne, %sign3A_875, %sign3A_882 : i32
        %rem3A_884 = arith.remsi %add3A_249, %jit3A_867 : i32
        %ne3A_885 = arith.constant 0 : i32
        %ne3A_886 = arith.cmpi ne, %rem3A_884, %ne3A_885 : i32
        %and3A_887 = arith.andi %ne3A_883, %ne3A_886 : i1
        %sub3A_888 = arith.constant 1 : i32
        %sub3A_889 = arith.subi %div3A_868, %sub3A_888 : i32
        %select_n3A_890 = arith.select %and3A_887, %sub3A_889, %div3A_868 : i32
        %jit3A_891 = arith.constant 4 : i32
        %eq3A_892 = arith.constant 0 : i32
        %eq3A_893 = arith.cmpi eq, %jit3A_891, %eq3A_892 : i32
        %jit3A_894 = arith.constant 1 : i32
        %select_n3A_895 = arith.select %eq3A_893, %jit3A_894, %jit3A_891 : i32
        %rem3A_896 = arith.remsi %add3A_249, %select_n3A_895 : i32
        %ne3A_897 = arith.constant 0 : i32
        %ne3A_898 = arith.cmpi ne, %rem3A_896, %ne3A_897 : i32
        %lt3A_899 = arith.constant 0 : i32
        %lt3A_900 = arith.cmpi slt, %rem3A_896, %lt3A_899 : i32
        %lt3A_901 = arith.constant 0 : i32
        %lt3A_902 = arith.cmpi slt, %select_n3A_895, %lt3A_901 : i32
        %ne3A_903 = arith.xori %lt3A_900, %lt3A_902 : i1
        %and3A_904 = arith.andi %ne3A_903, %ne3A_898 : i1
        %add3A_905 = arith.addi %rem3A_896, %select_n3A_895 : i32
        %select_n3A_906 = arith.select %and3A_904, %add3A_905, %rem3A_896 : i32
        %ne3A_907 = arith.cmpi ne, %select_n3A_850, %select_n3A_890 : i32
        %ne3A_908 = arith.cmpi ne, %select_n3A_866, %select_n3A_906 : i32
        %or3A_909 = arith.constant false
        %or3A_910 = arith.ori %or3A_909, %ne3A_907 : i1
        %or3A_911 = arith.ori %or3A_910, %ne3A_908 : i1
        %not3A_912 = arith.constant true
        %not3A_913 = arith.xori %eq3A_237, %not3A_912 : i1
        %and3A_914 = arith.andi %or3A_911, %not3A_913 : i1
        %convert_element_type3A_915 = arith.extui %and3A_914 : i1 to i32
        %cond3A_916 = arith.constant 0 : i32
        %cond3A_917 = arith.cmpi ne, %convert_element_type3A_915, %cond3A_916 : i32
        scf.if %cond3A_917 {
        } else {
        }
        %and3A_918 = arith.constant false
        %and3A_919 = arith.andi %and3A_914, %and3A_918 : i1
        %jit3A_920 = arith.constant 4 : i32
        %eq3A_921 = arith.constant 0 : i32
        %eq3A_922 = arith.cmpi eq, %jit3A_920, %eq3A_921 : i32
        %jit3A_923 = arith.constant 1 : i32
        %select_n3A_924 = arith.select %eq3A_922, %jit3A_923, %jit3A_920 : i32
        %rem3A_925 = arith.remsi %add3A_240, %select_n3A_924 : i32
        %ne3A_926 = arith.constant 0 : i32
        %ne3A_927 = arith.cmpi ne, %rem3A_925, %ne3A_926 : i32
        %lt3A_928 = arith.constant 0 : i32
        %lt3A_929 = arith.cmpi slt, %rem3A_925, %lt3A_928 : i32
        %lt3A_930 = arith.constant 0 : i32
        %lt3A_931 = arith.cmpi slt, %select_n3A_924, %lt3A_930 : i32
        %ne3A_932 = arith.xori %lt3A_929, %lt3A_931 : i1
        %and3A_933 = arith.andi %ne3A_932, %ne3A_927 : i1
        %add3A_934 = arith.addi %rem3A_925, %select_n3A_924 : i32
        %select_n3A_935 = arith.select %and3A_933, %add3A_934, %rem3A_925 : i32
        %jit3A_936 = arith.constant 4 : i32
        %div3A_937 = arith.divsi %add3A_240, %jit3A_936 : i32
        %sign3A_938 = arith.constant 0 : i32
        %sign3A_939 = arith.cmpi sgt, %add3A_240, %sign3A_938 : i32
        %sign3A_940 = arith.extui %sign3A_939 : i1 to i32
        %sign3A_941 = arith.constant 0 : i32
        %sign3A_942 = arith.cmpi slt, %add3A_240, %sign3A_941 : i32
        %sign3A_943 = arith.extui %sign3A_942 : i1 to i32
        %sign3A_944 = arith.subi %sign3A_940, %sign3A_943 : i32
        %sign3A_945 = arith.constant 0 : i32
        %sign3A_946 = arith.cmpi sgt, %jit3A_936, %sign3A_945 : i32
        %sign3A_947 = arith.extui %sign3A_946 : i1 to i32
        %sign3A_948 = arith.constant 0 : i32
        %sign3A_949 = arith.cmpi slt, %jit3A_936, %sign3A_948 : i32
        %sign3A_950 = arith.extui %sign3A_949 : i1 to i32
        %sign3A_951 = arith.subi %sign3A_947, %sign3A_950 : i32
        %ne3A_952 = arith.cmpi ne, %sign3A_944, %sign3A_951 : i32
        %rem3A_953 = arith.remsi %add3A_240, %jit3A_936 : i32
        %ne3A_954 = arith.constant 0 : i32
        %ne3A_955 = arith.cmpi ne, %rem3A_953, %ne3A_954 : i32
        %and3A_956 = arith.andi %ne3A_952, %ne3A_955 : i1
        %sub3A_957 = arith.constant 1 : i32
        %sub3A_958 = arith.subi %div3A_937, %sub3A_957 : i32
        %select_n3A_959 = arith.select %and3A_956, %sub3A_958, %div3A_937 : i32
        %jit3A_960 = arith.constant 4 : i32
        %eq3A_961 = arith.constant 0 : i32
        %eq3A_962 = arith.cmpi eq, %jit3A_960, %eq3A_961 : i32
        %jit3A_963 = arith.constant 1 : i32
        %select_n3A_964 = arith.select %eq3A_962, %jit3A_963, %jit3A_960 : i32
        %rem3A_965 = arith.remsi %add3A_249, %select_n3A_964 : i32
        %ne3A_966 = arith.constant 0 : i32
        %ne3A_967 = arith.cmpi ne, %rem3A_965, %ne3A_966 : i32
        %lt3A_968 = arith.constant 0 : i32
        %lt3A_969 = arith.cmpi slt, %rem3A_965, %lt3A_968 : i32
        %lt3A_970 = arith.constant 0 : i32
        %lt3A_971 = arith.cmpi slt, %select_n3A_964, %lt3A_970 : i32
        %ne3A_972 = arith.xori %lt3A_969, %lt3A_971 : i1
        %and3A_973 = arith.andi %ne3A_972, %ne3A_967 : i1
        %add3A_974 = arith.addi %rem3A_965, %select_n3A_964 : i32
        %select_n3A_975 = arith.select %and3A_973, %add3A_974, %rem3A_965 : i32
        %jit3A_976 = arith.constant 4 : i32
        %div3A_977 = arith.divsi %add3A_249, %jit3A_976 : i32
        %sign3A_978 = arith.constant 0 : i32
        %sign3A_979 = arith.cmpi sgt, %add3A_249, %sign3A_978 : i32
        %sign3A_980 = arith.extui %sign3A_979 : i1 to i32
        %sign3A_981 = arith.constant 0 : i32
        %sign3A_982 = arith.cmpi slt, %add3A_249, %sign3A_981 : i32
        %sign3A_983 = arith.extui %sign3A_982 : i1 to i32
        %sign3A_984 = arith.subi %sign3A_980, %sign3A_983 : i32
        %sign3A_985 = arith.constant 0 : i32
        %sign3A_986 = arith.cmpi sgt, %jit3A_976, %sign3A_985 : i32
        %sign3A_987 = arith.extui %sign3A_986 : i1 to i32
        %sign3A_988 = arith.constant 0 : i32
        %sign3A_989 = arith.cmpi slt, %jit3A_976, %sign3A_988 : i32
        %sign3A_990 = arith.extui %sign3A_989 : i1 to i32
        %sign3A_991 = arith.subi %sign3A_987, %sign3A_990 : i32
        %ne3A_992 = arith.cmpi ne, %sign3A_984, %sign3A_991 : i32
        %rem3A_993 = arith.remsi %add3A_249, %jit3A_976 : i32
        %ne3A_994 = arith.constant 0 : i32
        %ne3A_995 = arith.cmpi ne, %rem3A_993, %ne3A_994 : i32
        %and3A_996 = arith.andi %ne3A_992, %ne3A_995 : i1
        %sub3A_997 = arith.constant 1 : i32
        %sub3A_998 = arith.subi %div3A_977, %sub3A_997 : i32
        %select_n3A_999 = arith.select %and3A_996, %sub3A_998, %div3A_977 : i32
        %ne3A_1000 = arith.cmpi ne, %select_n3A_935, %select_n3A_975 : i32
        %ne3A_1001 = arith.cmpi ne, %select_n3A_959, %select_n3A_999 : i32
        %or3A_1002 = arith.constant false
        %or3A_1003 = arith.ori %or3A_1002, %ne3A_1000 : i1
        %or3A_1004 = arith.ori %or3A_1003, %ne3A_1001 : i1
        %or3A_1005 = arith.constant false
        %or3A_1006 = arith.ori %or3A_1004, %or3A_1005 : i1
        %not3A_1007 = arith.constant true
        %not3A_1008 = arith.xori %eq3A_237, %not3A_1007 : i1
        %and3A_1009 = arith.andi %or3A_1006, %not3A_1008 : i1
        %convert_element_type3A_1010 = arith.extui %and3A_1009 : i1 to i32
        %cond3A_1011 = arith.constant 0 : i32
        %cond3A_1012 = arith.cmpi ne, %convert_element_type3A_1010, %cond3A_1011 : i32
        scf.if %cond3A_1012 {
          "tpu.trace_start"() <{level = 10 : i32, message = "ep_wait_out"}> : () -> ()
          %rem3A_1115 = arith.constant 2 : i32
          %rem3A_1116 = arith.remui %scan3A_234, %rem3A_1115 : i32
          %jit3A_1117 = arith.constant 4 : i32
          %eq3A_1118 = arith.constant 0 : i32
          %eq3A_1119 = arith.cmpi eq, %jit3A_1117, %eq3A_1118 : i32
          %jit3A_1120 = arith.constant 1 : i32
          %select_n3A_1121 = arith.select %eq3A_1119, %jit3A_1120, %jit3A_1117 : i32
          %rem3A_1122 = arith.remsi %add3A_249, %select_n3A_1121 : i32
          %ne3A_1123 = arith.constant 0 : i32
          %ne3A_1124 = arith.cmpi ne, %rem3A_1122, %ne3A_1123 : i32
          %lt3A_1125 = arith.constant 0 : i32
          %lt3A_1126 = arith.cmpi slt, %rem3A_1122, %lt3A_1125 : i32
          %lt3A_1127 = arith.constant 0 : i32
          %lt3A_1128 = arith.cmpi slt, %select_n3A_1121, %lt3A_1127 : i32
          %ne3A_1129 = arith.xori %lt3A_1126, %lt3A_1128 : i1
          %and3A_1130 = arith.andi %ne3A_1129, %ne3A_1124 : i1
          %add3A_1131 = arith.addi %rem3A_1122, %select_n3A_1121 : i32
          %select_n3A_1132 = arith.select %and3A_1130, %add3A_1131, %rem3A_1122 : i32
          %jit3A_1133 = arith.constant 4 : i32
          %div3A_1134 = arith.divsi %add3A_249, %jit3A_1133 : i32
          %sign3A_1135 = arith.constant 0 : i32
          %sign3A_1136 = arith.cmpi sgt, %add3A_249, %sign3A_1135 : i32
          %sign3A_1137 = arith.extui %sign3A_1136 : i1 to i32
          %sign3A_1138 = arith.constant 0 : i32
          %sign3A_1139 = arith.cmpi slt, %add3A_249, %sign3A_1138 : i32
          %sign3A_1140 = arith.extui %sign3A_1139 : i1 to i32
          %sign3A_1141 = arith.subi %sign3A_1137, %sign3A_1140 : i32
          %sign3A_1142 = arith.constant 0 : i32
          %sign3A_1143 = arith.cmpi sgt, %jit3A_1133, %sign3A_1142 : i32
          %sign3A_1144 = arith.extui %sign3A_1143 : i1 to i32
          %sign3A_1145 = arith.constant 0 : i32
          %sign3A_1146 = arith.cmpi slt, %jit3A_1133, %sign3A_1145 : i32
          %sign3A_1147 = arith.extui %sign3A_1146 : i1 to i32
          %sign3A_1148 = arith.subi %sign3A_1144, %sign3A_1147 : i32
          %ne3A_1149 = arith.cmpi ne, %sign3A_1141, %sign3A_1148 : i32
          %rem3A_1150 = arith.remsi %add3A_249, %jit3A_1133 : i32
          %ne3A_1151 = arith.constant 0 : i32
          %ne3A_1152 = arith.cmpi ne, %rem3A_1150, %ne3A_1151 : i32
          %and3A_1153 = arith.andi %ne3A_1149, %ne3A_1152 : i1
          %sub3A_1154 = arith.constant 1 : i32
          %sub3A_1155 = arith.subi %div3A_1134, %sub3A_1154 : i32
          %select_n3A_1156 = arith.select %and3A_1153, %sub3A_1155, %div3A_1134 : i32
          %mul3A_1157 = arith.constant 1024 : i32
          %mul3A_1158 = arith.muli %mul3A_1157, %select_n3A_1132 : i32
          %mul3A_1159 = arith.constant 1 : i32
          %mul3A_1160 = arith.muli %mul3A_1159, %select_n3A_1156 : i32
          %dma_wait3A_1161 = arith.constant 0 : i32
          %dma_wait3A_1162 = arith.constant 0 : i32
          %dma_wait3A_1163 = arith.constant 0 : i32
          %dma_wait3A_1164 = tpu.memref_slice %run_scoped3A_35[%rem3A_1116, %dma_wait3A_1161, %dma_wait3A_1162, %dma_wait3A_1163] : memref<2x1024x1x32xf32, #tpu.memory_space<vmem>> -> memref<1x1024x1x32xf32, #tpu.memory_space<vmem>>
          %dma_wait3A_1165 = tpu.memref_squeeze %dma_wait3A_1164 : memref<1x1024x1x32xf32, #tpu.memory_space<vmem>> -> memref<1024x1x32xf32, #tpu.memory_space<vmem>>
          %dma_wait3A_1166 = arith.constant 64 : i32
          %dma_wait3A_1167 = tpu.memref_slice %arg7[%mul3A_1158, %mul3A_1160, %dma_wait3A_1166] : memref<4096x200x128xf32, #tpu.memory_space<hbm>> -> memref<1024x1x32xf32, #tpu.memory_space<hbm>>
          %dma_wait3A_1168 = tpu.memref_slice %run_scoped3A_36[%rem3A_1116] : memref<2x!tpu.dma_semaphore, #tpu.memory_space<semaphore_mem>> -> memref<1x!tpu.dma_semaphore, #tpu.memory_space<semaphore_mem>>
          %dma_wait3A_1169 = tpu.memref_squeeze %dma_wait3A_1168 : memref<1x!tpu.dma_semaphore, #tpu.memory_space<semaphore_mem>> -> memref<!tpu.dma_semaphore, #tpu.memory_space<semaphore_mem>>
          %dma_wait3A_1170 = arith.constant 64 : i32
          %dma_wait3A_1171 = tpu.memref_slice %arg7[%mul3A_1158, %mul3A_1160, %dma_wait3A_1170] : memref<4096x200x128xf32, #tpu.memory_space<hbm>> -> memref<1024x1x32xf32, #tpu.memory_space<hbm>>
          %dma_wait3A_1172 = arith.constant 0 : i32
          %dma_wait3A_1173 = arith.constant 0 : i32
          %dma_wait3A_1174 = arith.constant 0 : i32
          %dma_wait3A_1175 = tpu.memref_slice %run_scoped3A_35[%rem3A_1116, %dma_wait3A_1172, %dma_wait3A_1173, %dma_wait3A_1174] : memref<2x1024x1x32xf32, #tpu.memory_space<vmem>> -> memref<1x1024x1x32xf32, #tpu.memory_space<vmem>>
          %dma_wait3A_1176 = tpu.memref_squeeze %dma_wait3A_1175 : memref<1x1024x1x32xf32, #tpu.memory_space<vmem>> -> memref<1024x1x32xf32, #tpu.memory_space<vmem>>
          tpu.wait_dma2 semaphore(%dma_wait3A_1169 : memref<!tpu.dma_semaphore, #tpu.memory_space<semaphore_mem>>) src(%dma_wait3A_1176 : memref<1024x1x32xf32, #tpu.memory_space<vmem>>) dst(%dma_wait3A_1171 : memref<1024x1x32xf32, #tpu.memory_space<hbm>>)
          "tpu.trace_stop"() : () -> ()
        } else {
        }
        %and3A_1013 = arith.constant true
        %and3A_1014 = arith.andi %and3A_1009, %and3A_1013 : i1
        %add3A_1015 = arith.constant 1 : i32
        %add3A_1016 = arith.addi %scan3A_234, %add3A_1015 : i32
        %select_n3A_1017 = arith.select %and3A_1014, %add3A_1016, %scan3A_234 : i32
        %jit3A_1018 = arith.constant 4 : i32
        %div3A_1019 = arith.divsi %add3A_240, %jit3A_1018 : i32
        %sign3A_1020 = arith.constant 0 : i32
        %sign3A_1021 = arith.cmpi sgt, %add3A_240, %sign3A_1020 : i32
        %sign3A_1022 = arith.extui %sign3A_1021 : i1 to i32
        %sign3A_1023 = arith.constant 0 : i32
        %sign3A_1024 = arith.cmpi slt, %add3A_240, %sign3A_1023 : i32
        %sign3A_1025 = arith.extui %sign3A_1024 : i1 to i32
        %sign3A_1026 = arith.subi %sign3A_1022, %sign3A_1025 : i32
        %sign3A_1027 = arith.constant 0 : i32
        %sign3A_1028 = arith.cmpi sgt, %jit3A_1018, %sign3A_1027 : i32
        %sign3A_1029 = arith.extui %sign3A_1028 : i1 to i32
        %sign3A_1030 = arith.constant 0 : i32
        %sign3A_1031 = arith.cmpi slt, %jit3A_1018, %sign3A_1030 : i32
        %sign3A_1032 = arith.extui %sign3A_1031 : i1 to i32
        %sign3A_1033 = arith.subi %sign3A_1029, %sign3A_1032 : i32
        %ne3A_1034 = arith.cmpi ne, %sign3A_1026, %sign3A_1033 : i32
        %rem3A_1035 = arith.remsi %add3A_240, %jit3A_1018 : i32
        %ne3A_1036 = arith.constant 0 : i32
        %ne3A_1037 = arith.cmpi ne, %rem3A_1035, %ne3A_1036 : i32
        %and3A_1038 = arith.andi %ne3A_1034, %ne3A_1037 : i1
        %sub3A_1039 = arith.constant 1 : i32
        %sub3A_1040 = arith.subi %div3A_1019, %sub3A_1039 : i32
        %select_n3A_1041 = arith.select %and3A_1038, %sub3A_1040, %div3A_1019 : i32
        %jit3A_1042 = arith.constant 4 : i32
        %eq3A_1043 = arith.constant 0 : i32
        %eq3A_1044 = arith.cmpi eq, %jit3A_1042, %eq3A_1043 : i32
        %jit3A_1045 = arith.constant 1 : i32
        %select_n3A_1046 = arith.select %eq3A_1044, %jit3A_1045, %jit3A_1042 : i32
        %rem3A_1047 = arith.remsi %add3A_240, %select_n3A_1046 : i32
        %ne3A_1048 = arith.constant 0 : i32
        %ne3A_1049 = arith.cmpi ne, %rem3A_1047, %ne3A_1048 : i32
        %lt3A_1050 = arith.constant 0 : i32
        %lt3A_1051 = arith.cmpi slt, %rem3A_1047, %lt3A_1050 : i32
        %lt3A_1052 = arith.constant 0 : i32
        %lt3A_1053 = arith.cmpi slt, %select_n3A_1046, %lt3A_1052 : i32
        %ne3A_1054 = arith.xori %lt3A_1051, %lt3A_1053 : i1
        %and3A_1055 = arith.andi %ne3A_1054, %ne3A_1049 : i1
        %add3A_1056 = arith.addi %rem3A_1047, %select_n3A_1046 : i32
        %select_n3A_1057 = arith.select %and3A_1055, %add3A_1056, %rem3A_1047 : i32
        %jit3A_1058 = arith.constant 4 : i32
        %div3A_1059 = arith.divsi %add3A_258, %jit3A_1058 : i32
        %sign3A_1060 = arith.constant 0 : i32
        %sign3A_1061 = arith.cmpi sgt, %add3A_258, %sign3A_1060 : i32
        %sign3A_1062 = arith.extui %sign3A_1061 : i1 to i32
        %sign3A_1063 = arith.constant 0 : i32
        %sign3A_1064 = arith.cmpi slt, %add3A_258, %sign3A_1063 : i32
        %sign3A_1065 = arith.extui %sign3A_1064 : i1 to i32
        %sign3A_1066 = arith.subi %sign3A_1062, %sign3A_1065 : i32
        %sign3A_1067 = arith.constant 0 : i32
        %sign3A_1068 = arith.cmpi sgt, %jit3A_1058, %sign3A_1067 : i32
        %sign3A_1069 = arith.extui %sign3A_1068 : i1 to i32
        %sign3A_1070 = arith.constant 0 : i32
        %sign3A_1071 = arith.cmpi slt, %jit3A_1058, %sign3A_1070 : i32
        %sign3A_1072 = arith.extui %sign3A_1071 : i1 to i32
        %sign3A_1073 = arith.subi %sign3A_1069, %sign3A_1072 : i32
        %ne3A_1074 = arith.cmpi ne, %sign3A_1066, %sign3A_1073 : i32
        %rem3A_1075 = arith.remsi %add3A_258, %jit3A_1058 : i32
        %ne3A_1076 = arith.constant 0 : i32
        %ne3A_1077 = arith.cmpi ne, %rem3A_1075, %ne3A_1076 : i32
        %and3A_1078 = arith.andi %ne3A_1074, %ne3A_1077 : i1
        %sub3A_1079 = arith.constant 1 : i32
        %sub3A_1080 = arith.subi %div3A_1059, %sub3A_1079 : i32
        %select_n3A_1081 = arith.select %and3A_1078, %sub3A_1080, %div3A_1059 : i32
        %jit3A_1082 = arith.constant 4 : i32
        %eq3A_1083 = arith.constant 0 : i32
        %eq3A_1084 = arith.cmpi eq, %jit3A_1082, %eq3A_1083 : i32
        %jit3A_1085 = arith.constant 1 : i32
        %select_n3A_1086 = arith.select %eq3A_1084, %jit3A_1085, %jit3A_1082 : i32
        %rem3A_1087 = arith.remsi %add3A_258, %select_n3A_1086 : i32
        %ne3A_1088 = arith.constant 0 : i32
        %ne3A_1089 = arith.cmpi ne, %rem3A_1087, %ne3A_1088 : i32
        %lt3A_1090 = arith.constant 0 : i32
        %lt3A_1091 = arith.cmpi slt, %rem3A_1087, %lt3A_1090 : i32
        %lt3A_1092 = arith.constant 0 : i32
        %lt3A_1093 = arith.cmpi slt, %select_n3A_1086, %lt3A_1092 : i32
        %ne3A_1094 = arith.xori %lt3A_1091, %lt3A_1093 : i1
        %and3A_1095 = arith.andi %ne3A_1094, %ne3A_1089 : i1
        %add3A_1096 = arith.addi %rem3A_1087, %select_n3A_1086 : i32
        %select_n3A_1097 = arith.select %and3A_1095, %add3A_1096, %rem3A_1087 : i32
        %ne3A_1098 = arith.cmpi ne, %select_n3A_1041, %select_n3A_1081 : i32
        %ne3A_1099 = arith.cmpi ne, %select_n3A_1057, %select_n3A_1097 : i32
        %or3A_1100 = arith.constant false
        %or3A_1101 = arith.ori %or3A_1100, %ne3A_1098 : i1
        %or3A_1102 = arith.ori %or3A_1101, %ne3A_1099 : i1
        %or3A_1103 = arith.ori %or3A_1102, %eq3A_239 : i1
        %add3A_1104 = arith.constant 1 : i32
        %add3A_1105 = arith.addi %scan3A_232, %add3A_1104 : i32
        %select_n3A_1106 = arith.select %or3A_1103, %add3A_1105, %scan3A_232 : i32
        %add3A_1107 = arith.constant 1 : i32
        %add3A_1108 = arith.addi %scan3A_235, %add3A_1107 : i32
        %select_n3A_1109 = arith.constant true
        %select_n3A_1110 = arith.select %select_n3A_1109, %add3A_1108, %scan3A_235 : i32
        %eq3A_1111 = arith.constant 25 : i32
        %eq3A_1112 = arith.cmpi eq, %select_n3A_1110, %eq3A_1111 : i32
        %select_n3A_1113 = arith.constant 0 : i32
        %select_n3A_1114 = arith.select %eq3A_1112, %select_n3A_1113, %select_n3A_1110 : i32
        scf.yield %select_n3A_360, %select_n3A_1106, %select_n3A_826, %select_n3A_1017, %select_n3A_1114 : i32, i32, i32, i32, i32
      }
      %scan3A_132 = arith.constant 25 : i32
      %sub3A_133 = arith.constant 1 : i32
      %sub3A_134 = arith.subi %scan3A_131#4, %sub3A_133 : i32
      %select_n3A_135 = arith.constant true
      %select_n3A_136 = arith.select %select_n3A_135, %sub3A_134, %scan3A_131#4 : i32
      %eq3A_137 = arith.constant -1 : i32
      %eq3A_138 = arith.cmpi eq, %select_n3A_136, %eq3A_137 : i32
      %select_n3A_139 = arith.constant 24 : i32
      %select_n3A_140 = arith.select %eq3A_138, %select_n3A_139, %select_n3A_136 : i32
      %add3A_141 = arith.addi %select_n3A_140, %mul3A_24 : i32
      %sub3A_142 = arith.constant 1 : i32
      %sub3A_143 = arith.subi %select_n3A_140, %sub3A_142 : i32
      %select_n3A_144 = arith.constant true
      %select_n3A_145 = arith.select %select_n3A_144, %sub3A_143, %select_n3A_140 : i32
      %eq3A_146 = arith.constant -1 : i32
      %eq3A_147 = arith.cmpi eq, %select_n3A_145, %eq3A_146 : i32
      %select_n3A_148 = arith.constant 24 : i32
      %select_n3A_149 = arith.select %eq3A_147, %select_n3A_148, %select_n3A_145 : i32
      %add3A_150 = arith.addi %select_n3A_149, %mul3A_24 : i32
      %add3A_151 = arith.constant 1 : i32
      %add3A_152 = arith.addi %select_n3A_140, %add3A_151 : i32
      %select_n3A_153 = arith.constant true
      %select_n3A_154 = arith.select %select_n3A_153, %add3A_152, %select_n3A_140 : i32
      %eq3A_155 = arith.constant 25 : i32
      %eq3A_156 = arith.cmpi eq, %select_n3A_154, %eq3A_155 : i32
      %select_n3A_157 = arith.constant 0 : i32
      %select_n3A_158 = arith.select %eq3A_156, %select_n3A_157, %select_n3A_154 : i32
      %add3A_159 = arith.addi %select_n3A_158, %mul3A_24 : i32
      %add3A_160 = arith.constant 1 : i32
      %add3A_161 = arith.addi %select_n3A_158, %add3A_160 : i32
      %select_n3A_162 = arith.constant true
      %select_n3A_163 = arith.select %select_n3A_162, %add3A_161, %select_n3A_158 : i32
      %eq3A_164 = arith.constant 25 : i32
      %eq3A_165 = arith.cmpi eq, %select_n3A_163, %eq3A_164 : i32
      %select_n3A_166 = arith.constant 0 : i32
      %select_n3A_167 = arith.select %eq3A_165, %select_n3A_166, %select_n3A_163 : i32
      %add3A_168 = arith.addi %select_n3A_167, %mul3A_24 : i32
      "tpu.trace_start"() <{level = 10 : i32, message = "ep_finalize"}> : () -> ()
      %rem3A_169 = arith.constant 2 : i32
      %rem3A_170 = arith.remui %scan3A_131#3, %rem3A_169 : i32
      %jit3A_171 = arith.constant 4 : i32
      %eq3A_172 = arith.constant 0 : i32
      %eq3A_173 = arith.cmpi eq, %jit3A_171, %eq3A_172 : i32
      %jit3A_174 = arith.constant 1 : i32
      %select_n3A_175 = arith.select %eq3A_173, %jit3A_174, %jit3A_171 : i32
      %rem3A_176 = arith.remsi %add3A_141, %select_n3A_175 : i32
      %ne3A_177 = arith.constant 0 : i32
      %ne3A_178 = arith.cmpi ne, %rem3A_176, %ne3A_177 : i32
      %lt3A_179 = arith.constant 0 : i32
      %lt3A_180 = arith.cmpi slt, %rem3A_176, %lt3A_179 : i32
      %lt3A_181 = arith.constant 0 : i32
      %lt3A_182 = arith.cmpi slt, %select_n3A_175, %lt3A_181 : i32
      %ne3A_183 = arith.xori %lt3A_180, %lt3A_182 : i1
      %and3A_184 = arith.andi %ne3A_183, %ne3A_178 : i1
      %add3A_185 = arith.addi %rem3A_176, %select_n3A_175 : i32
      %select_n3A_186 = arith.select %and3A_184, %add3A_185, %rem3A_176 : i32
      %jit3A_187 = arith.constant 4 : i32
      %div3A_188 = arith.divsi %add3A_141, %jit3A_187 : i32
      %sign3A_189 = arith.constant 0 : i32
      %sign3A_190 = arith.cmpi sgt, %add3A_141, %sign3A_189 : i32
      %sign3A_191 = arith.extui %sign3A_190 : i1 to i32
      %sign3A_192 = arith.constant 0 : i32
      %sign3A_193 = arith.cmpi slt, %add3A_141, %sign3A_192 : i32
      %sign3A_194 = arith.extui %sign3A_193 : i1 to i32
      %sign3A_195 = arith.subi %sign3A_191, %sign3A_194 : i32
      %sign3A_196 = arith.constant 0 : i32
      %sign3A_197 = arith.cmpi sgt, %jit3A_187, %sign3A_196 : i32
      %sign3A_198 = arith.extui %sign3A_197 : i1 to i32
      %sign3A_199 = arith.constant 0 : i32
      %sign3A_200 = arith.cmpi slt, %jit3A_187, %sign3A_199 : i32
      %sign3A_201 = arith.extui %sign3A_200 : i1 to i32
      %sign3A_202 = arith.subi %sign3A_198, %sign3A_201 : i32
      %ne3A_203 = arith.cmpi ne, %sign3A_195, %sign3A_202 : i32
      %rem3A_204 = arith.remsi %add3A_141, %jit3A_187 : i32
      %ne3A_205 = arith.constant 0 : i32
      %ne3A_206 = arith.cmpi ne, %rem3A_204, %ne3A_205 : i32
      %and3A_207 = arith.andi %ne3A_203, %ne3A_206 : i1
      %sub3A_208 = arith.constant 1 : i32
      %sub3A_209 = arith.subi %div3A_188, %sub3A_208 : i32
      %select_n3A_210 = arith.select %and3A_207, %sub3A_209, %div3A_188 : i32
      %mul3A_211 = arith.constant 1024 : i32
      %mul3A_212 = arith.muli %mul3A_211, %select_n3A_186 : i32
      %mul3A_213 = arith.constant 1 : i32
      %mul3A_214 = arith.muli %mul3A_213, %select_n3A_210 : i32
      %dma_wait3A = arith.constant 0 : i32
      %dma_wait3A_215 = arith.constant 0 : i32
      %dma_wait3A_216 = arith.constant 0 : i32
      %dma_wait3A_217 = tpu.memref_slice %run_scoped3A_35[%rem3A_170, %dma_wait3A, %dma_wait3A_215, %dma_wait3A_216] : memref<2x1024x1x32xf32, #tpu.memory_space<vmem>> -> memref<1x1024x1x32xf32, #tpu.memory_space<vmem>>
      %dma_wait3A_218 = tpu.memref_squeeze %dma_wait3A_217 : memref<1x1024x1x32xf32, #tpu.memory_space<vmem>> -> memref<1024x1x32xf32, #tpu.memory_space<vmem>>
      %dma_wait3A_219 = arith.constant 64 : i32
      %dma_wait3A_220 = tpu.memref_slice %arg7[%mul3A_212, %mul3A_214, %dma_wait3A_219] : memref<4096x200x128xf32, #tpu.memory_space<hbm>> -> memref<1024x1x32xf32, #tpu.memory_space<hbm>>
      %dma_wait3A_221 = tpu.memref_slice %run_scoped3A_36[%rem3A_170] : memref<2x!tpu.dma_semaphore, #tpu.memory_space<semaphore_mem>> -> memref<1x!tpu.dma_semaphore, #tpu.memory_space<semaphore_mem>>
      %dma_wait3A_222 = tpu.memref_squeeze %dma_wait3A_221 : memref<1x!tpu.dma_semaphore, #tpu.memory_space<semaphore_mem>> -> memref<!tpu.dma_semaphore, #tpu.memory_space<semaphore_mem>>
      %dma_wait3A_223 = arith.constant 64 : i32
      %dma_wait3A_224 = tpu.memref_slice %arg7[%mul3A_212, %mul3A_214, %dma_wait3A_223] : memref<4096x200x128xf32, #tpu.memory_space<hbm>> -> memref<1024x1x32xf32, #tpu.memory_space<hbm>>
      %dma_wait3A_225 = arith.constant 0 : i32
      %dma_wait3A_226 = arith.constant 0 : i32
      %dma_wait3A_227 = arith.constant 0 : i32
      %dma_wait3A_228 = tpu.memref_slice %run_scoped3A_35[%rem3A_170, %dma_wait3A_225, %dma_wait3A_226, %dma_wait3A_227] : memref<2x1024x1x32xf32, #tpu.memory_space<vmem>> -> memref<1x1024x1x32xf32, #tpu.memory_space<vmem>>
      %dma_wait3A_229 = tpu.memref_squeeze %dma_wait3A_228 : memref<1x1024x1x32xf32, #tpu.memory_space<vmem>> -> memref<1024x1x32xf32, #tpu.memory_space<vmem>>
      tpu.wait_dma2 semaphore(%dma_wait3A_222 : memref<!tpu.dma_semaphore, #tpu.memory_space<semaphore_mem>>) src(%dma_wait3A_229 : memref<1024x1x32xf32, #tpu.memory_space<vmem>>) dst(%dma_wait3A_224 : memref<1024x1x32xf32, #tpu.memory_space<hbm>>)
      "tpu.trace_stop"() : () -> ()
      tpu.yield
    }) : () -> ()
    %mul3A_25 = arith.constant 1 : i32
    %mul3A_26 = arith.muli %arg1, %mul3A_25 : i32
    %add3A_27 = arith.constant 0 : i32
    %add3A_28 = arith.addi %add3A_27, %mul3A_26 : i32
    %mul3A_29 = arith.constant 16 : i32
    %mul3A_30 = arith.muli %arg0, %mul3A_29 : i32
    %add3A_31 = arith.addi %add3A_28, %mul3A_30 : i32
    %mul3A_32 = arith.constant 25 : i32
    %mul3A_33 = arith.muli %add3A_31, %mul3A_32 : i32
    "tpu.region"() ({
      %run_scoped3A = memref.alloca() : memref<2x1x1x1024xi32, #tpu.memory_space<vmem>>
      %run_scoped3A_34 = tpu.sem_alloc : memref<2x!tpu.dma_semaphore, #tpu.memory_space<semaphore_mem>>
      %run_scoped3A_35 = memref.alloca() : memref<2x1024x1x32xf32, #tpu.memory_space<vmem>>
      %run_scoped3A_36 = tpu.sem_alloc : memref<2x!tpu.dma_semaphore, #tpu.memory_space<semaphore_mem>>
      %add3A_37 = arith.constant 0 : i32
      %add3A_38 = arith.addi %add3A_37, %mul3A_33 : i32
      %select_n3A = arith.constant true
      %select_n3A_39 = arith.constant 0 : i32
      %select_n3A_40 = arith.constant -1 : i32
      %select_n3A_41 = arith.select %select_n3A, %select_n3A_40, %select_n3A_39 : i32
      %eq3A = arith.constant -1 : i32
      %eq3A_42 = arith.cmpi eq, %select_n3A_41, %eq3A : i32
      %select_n3A_43 = arith.constant 24 : i32
      %select_n3A_44 = arith.select %eq3A_42, %select_n3A_43, %select_n3A_41 : i32
      %add3A_45 = arith.addi %select_n3A_44, %mul3A_33 : i32
      %select_n3A_46 = arith.constant true
      %select_n3A_47 = arith.constant 0 : i32
      %select_n3A_48 = arith.constant 1 : i32
      %select_n3A_49 = arith.select %select_n3A_46, %select_n3A_48, %select_n3A_47 : i32
      %eq3A_50 = arith.constant 25 : i32
      %eq3A_51 = arith.cmpi eq, %select_n3A_49, %eq3A_50 : i32
      %select_n3A_52 = arith.constant 0 : i32
      %select_n3A_53 = arith.select %eq3A_51, %select_n3A_52, %select_n3A_49 : i32
      %add3A_54 = arith.addi %select_n3A_53, %mul3A_33 : i32
      %add3A_55 = arith.constant 1 : i32
      %add3A_56 = arith.addi %select_n3A_53, %add3A_55 : i32
      %select_n3A_57 = arith.constant true
      %select_n3A_58 = arith.select %select_n3A_57, %add3A_56, %select_n3A_53 : i32
      %eq3A_59 = arith.constant 25 : i32
      %eq3A_60 = arith.cmpi eq, %select_n3A_58, %eq3A_59 : i32
      %select_n3A_61 = arith.constant 0 : i32
      %select_n3A_62 = arith.select %eq3A_60, %select_n3A_61, %select_n3A_58 : i32
      %add3A_63 = arith.addi %select_n3A_62, %mul3A_33 : i32
      "tpu.trace_start"() <{level = 10 : i32, message = "ep_initialize_0"}> : () -> ()
      %rem3A = arith.constant 0 : i32
      %rem3A_64 = arith.constant 2 : i32
      %rem3A_65 = arith.remui %rem3A, %rem3A_64 : i32
      %jit3A = arith.constant 4 : i32
      %div3A = arith.divsi %add3A_38, %jit3A : i32
      %sign3A = arith.constant 0 : i32
      %sign3A_66 = arith.cmpi sgt, %add3A_38, %sign3A : i32
      %sign3A_67 = arith.extui %sign3A_66 : i1 to i32
      %sign3A_68 = arith.constant 0 : i32
      %sign3A_69 = arith.cmpi slt, %add3A_38, %sign3A_68 : i32
      %sign3A_70 = arith.extui %sign3A_69 : i1 to i32
      %sign3A_71 = arith.subi %sign3A_67, %sign3A_70 : i32
      %sign3A_72 = arith.constant 0 : i32
      %sign3A_73 = arith.cmpi sgt, %jit3A, %sign3A_72 : i32
      %sign3A_74 = arith.extui %sign3A_73 : i1 to i32
      %sign3A_75 = arith.constant 0 : i32
      %sign3A_76 = arith.cmpi slt, %jit3A, %sign3A_75 : i32
      %sign3A_77 = arith.extui %sign3A_76 : i1 to i32
      %sign3A_78 = arith.subi %sign3A_74, %sign3A_77 : i32
      %ne3A = arith.cmpi ne, %sign3A_71, %sign3A_78 : i32
      %rem3A_79 = arith.remsi %add3A_38, %jit3A : i32
      %ne3A_80 = arith.constant 0 : i32
      %ne3A_81 = arith.cmpi ne, %rem3A_79, %ne3A_80 : i32
      %and3A = arith.andi %ne3A, %ne3A_81 : i1
      %sub3A = arith.constant 1 : i32
      %sub3A_82 = arith.subi %div3A, %sub3A : i32
      %select_n3A_83 = arith.select %and3A, %sub3A_82, %div3A : i32
      %jit3A_84 = arith.constant 4 : i32
      %eq3A_85 = arith.constant 0 : i32
      %eq3A_86 = arith.cmpi eq, %jit3A_84, %eq3A_85 : i32
      %jit3A_87 = arith.constant 1 : i32
      %select_n3A_88 = arith.select %eq3A_86, %jit3A_87, %jit3A_84 : i32
      %rem3A_89 = arith.remsi %add3A_38, %select_n3A_88 : i32
      %ne3A_90 = arith.constant 0 : i32
      %ne3A_91 = arith.cmpi ne, %rem3A_89, %ne3A_90 : i32
      %lt3A = arith.constant 0 : i32
      %lt3A_92 = arith.cmpi slt, %rem3A_89, %lt3A : i32
      %lt3A_93 = arith.constant 0 : i32
      %lt3A_94 = arith.cmpi slt, %select_n3A_88, %lt3A_93 : i32
      %ne3A_95 = arith.xori %lt3A_92, %lt3A_94 : i1
      %and3A_96 = arith.andi %ne3A_95, %ne3A_91 : i1
      %add3A_97 = arith.addi %rem3A_89, %select_n3A_88 : i32
      %select_n3A_98 = arith.select %and3A_96, %add3A_97, %rem3A_89 : i32
      %mul3A_99 = arith.constant 1 : i32
      %mul3A_100 = arith.muli %mul3A_99, %select_n3A_83 : i32
      %mul3A_101 = arith.constant 1024 : i32
      %mul3A_102 = arith.muli %mul3A_101, %select_n3A_98 : i32
      %dma_start3A = arith.constant 0 : i32
      %dma_start3A_103 = arith.constant 0 : i32
      %dma_start3A_104 = arith.constant 0 : i32
      %dma_start3A_105 = tpu.memref_slice %run_scoped3A[%rem3A_65, %dma_start3A, %dma_start3A_103, %dma_start3A_104] : memref<2x1x1x1024xi32, #tpu.memory_space<vmem>> -> memref<1x1x1x1024xi32, #tpu.memory_space<vmem>>
      %dma_start3A_106 = tpu.memref_squeeze %dma_start3A_105 : memref<1x1x1x1024xi32, #tpu.memory_space<vmem>> -> memref<1x1x1024xi32, #tpu.memory_space<vmem>>
      %dma_start3A_107 = arith.constant 3 : i32
      %dma_start3A_108 = tpu.memref_slice %arg2[%dma_start3A_107, %mul3A_100, %mul3A_102] : memref<4x200x4096xi32, #tpu.memory_space<hbm>> -> memref<1x1x1024xi32, #tpu.memory_space<hbm>>
      %dma_start3A_109 = tpu.memref_slice %run_scoped3A_34[%rem3A_65] : memref<2x!tpu.dma_semaphore, #tpu.memory_space<semaphore_mem>> -> memref<1x!tpu.dma_semaphore, #tpu.memory_space<semaphore_mem>>
      %dma_start3A_110 = tpu.memref_squeeze %dma_start3A_109 : memref<1x!tpu.dma_semaphore, #tpu.memory_space<semaphore_mem>> -> memref<!tpu.dma_semaphore, #tpu.memory_space<semaphore_mem>>
      %dma_start3A_111 = arith.constant 0 : i32
      %dma_start3A_112 = arith.constant 0 : i32
      %dma_start3A_113 = arith.constant 0 : i32
      %dma_start3A_114 = tpu.memref_slice %run_scoped3A[%rem3A_65, %dma_start3A_111, %dma_start3A_112, %dma_start3A_113] : memref<2x1x1x1024xi32, #tpu.memory_space<vmem>> -> memref<1x1x1x1024xi32, #tpu.memory_space<vmem>>
      %dma_start3A_115 = tpu.memref_squeeze %dma_start3A_114 : memref<1x1x1x1024xi32, #tpu.memory_space<vmem>> -> memref<1x1x1024xi32, #tpu.memory_space<vmem>>
      %dma_start3A_116 = arith.constant 3 : i32
      %dma_start3A_117 = tpu.memref_slice %arg2[%dma_start3A_116, %mul3A_100, %mul3A_102] : memref<4x200x4096xi32, #tpu.memory_space<hbm>> -> memref<1x1x1024xi32, #tpu.memory_space<hbm>>
      tpu.enqueue_dma source(%dma_start3A_117 : memref<1x1x1024xi32, #tpu.memory_space<hbm>>) target(%dma_start3A_115 : memref<1x1x1024xi32, #tpu.memory_space<vmem>>) target_semaphore(%dma_start3A_110 : memref<!tpu.dma_semaphore, #tpu.memory_space<semaphore_mem>>)
      %add3A_118 = arith.constant 0 : i32
      %add3A_119 = arith.constant 1 : i32
      %add3A_120 = arith.addi %add3A_118, %add3A_119 : i32
      %select_n3A_121 = arith.constant true
      %select_n3A_122 = arith.constant 0 : i32
      %select_n3A_123 = arith.select %select_n3A_121, %add3A_120, %select_n3A_122 : i32
      "tpu.trace_stop"() : () -> ()
      %scan3A = arith.constant 0 : i32
      %scan3A_124 = arith.constant 0 : i32
      %scan3A_125 = arith.constant 0 : i32
      %scan3A_126 = arith.constant 0 : i32
      %scan3A_127 = arith.constant 0 : i32
      %scan3A_128 = arith.constant 25 : i32
      %scan3A_129 = arith.addi %scan3A_127, %scan3A_128 : i32
      %scan3A_130 = arith.constant 1 : i32
      %scan3A_131:5 = scf.for %scan3A_230 = %scan3A_127 to %scan3A_129 step %scan3A_130 iter_args(%scan3A_231 = %select_n3A_123, %scan3A_232 = %scan3A, %scan3A_233 = %scan3A_124, %scan3A_234 = %scan3A_125, %scan3A_235 = %scan3A_126) -> (i32, i32, i32, i32, i32)  : i32 {
        %eq3A_236 = arith.constant 0 : i32
        %eq3A_237 = arith.cmpi eq, %scan3A_230, %eq3A_236 : i32
        %eq3A_238 = arith.constant 24 : i32
        %eq3A_239 = arith.cmpi eq, %scan3A_230, %eq3A_238 : i32
        %add3A_240 = arith.addi %scan3A_235, %mul3A_33 : i32
        %sub3A_241 = arith.constant 1 : i32
        %sub3A_242 = arith.subi %scan3A_235, %sub3A_241 : i32
        %select_n3A_243 = arith.constant true
        %select_n3A_244 = arith.select %select_n3A_243, %sub3A_242, %scan3A_235 : i32
        %eq3A_245 = arith.constant -1 : i32
        %eq3A_246 = arith.cmpi eq, %select_n3A_244, %eq3A_245 : i32
        %select_n3A_247 = arith.constant 24 : i32
        %select_n3A_248 = arith.select %eq3A_246, %select_n3A_247, %select_n3A_244 : i32
        %add3A_249 = arith.addi %select_n3A_248, %mul3A_33 : i32
        %add3A_250 = arith.constant 1 : i32
        %add3A_251 = arith.addi %scan3A_235, %add3A_250 : i32
        %select_n3A_252 = arith.constant true
        %select_n3A_253 = arith.select %select_n3A_252, %add3A_251, %scan3A_235 : i32
        %eq3A_254 = arith.constant 25 : i32
        %eq3A_255 = arith.cmpi eq, %select_n3A_253, %eq3A_254 : i32
        %select_n3A_256 = arith.constant 0 : i32
        %select_n3A_257 = arith.select %eq3A_255, %select_n3A_256, %select_n3A_253 : i32
        %add3A_258 = arith.addi %select_n3A_257, %mul3A_33 : i32
        %add3A_259 = arith.constant 1 : i32
        %add3A_260 = arith.addi %select_n3A_257, %add3A_259 : i32
        %select_n3A_261 = arith.constant true
        %select_n3A_262 = arith.select %select_n3A_261, %add3A_260, %select_n3A_257 : i32
        %eq3A_263 = arith.constant 25 : i32
        %eq3A_264 = arith.cmpi eq, %select_n3A_262, %eq3A_263 : i32
        %select_n3A_265 = arith.constant 0 : i32
        %select_n3A_266 = arith.select %eq3A_264, %select_n3A_265, %select_n3A_262 : i32
        %add3A_267 = arith.addi %select_n3A_266, %mul3A_33 : i32
        %jit3A_268 = arith.constant 4 : i32
        %div3A_269 = arith.divsi %add3A_240, %jit3A_268 : i32
        %sign3A_270 = arith.constant 0 : i32
        %sign3A_271 = arith.cmpi sgt, %add3A_240, %sign3A_270 : i32
        %sign3A_272 = arith.extui %sign3A_271 : i1 to i32
        %sign3A_273 = arith.constant 0 : i32
        %sign3A_274 = arith.cmpi slt, %add3A_240, %sign3A_273 : i32
        %sign3A_275 = arith.extui %sign3A_274 : i1 to i32
        %sign3A_276 = arith.subi %sign3A_272, %sign3A_275 : i32
        %sign3A_277 = arith.constant 0 : i32
        %sign3A_278 = arith.cmpi sgt, %jit3A_268, %sign3A_277 : i32
        %sign3A_279 = arith.extui %sign3A_278 : i1 to i32
        %sign3A_280 = arith.constant 0 : i32
        %sign3A_281 = arith.cmpi slt, %jit3A_268, %sign3A_280 : i32
        %sign3A_282 = arith.extui %sign3A_281 : i1 to i32
        %sign3A_283 = arith.subi %sign3A_279, %sign3A_282 : i32
        %ne3A_284 = arith.cmpi ne, %sign3A_276, %sign3A_283 : i32
        %rem3A_285 = arith.remsi %add3A_240, %jit3A_268 : i32
        %ne3A_286 = arith.constant 0 : i32
        %ne3A_287 = arith.cmpi ne, %rem3A_285, %ne3A_286 : i32
        %and3A_288 = arith.andi %ne3A_284, %ne3A_287 : i1
        %sub3A_289 = arith.constant 1 : i32
        %sub3A_290 = arith.subi %div3A_269, %sub3A_289 : i32
        %select_n3A_291 = arith.select %and3A_288, %sub3A_290, %div3A_269 : i32
        %jit3A_292 = arith.constant 4 : i32
        %eq3A_293 = arith.constant 0 : i32
        %eq3A_294 = arith.cmpi eq, %jit3A_292, %eq3A_293 : i32
        %jit3A_295 = arith.constant 1 : i32
        %select_n3A_296 = arith.select %eq3A_294, %jit3A_295, %jit3A_292 : i32
        %rem3A_297 = arith.remsi %add3A_240, %select_n3A_296 : i32
        %ne3A_298 = arith.constant 0 : i32
        %ne3A_299 = arith.cmpi ne, %rem3A_297, %ne3A_298 : i32
        %lt3A_300 = arith.constant 0 : i32
        %lt3A_301 = arith.cmpi slt, %rem3A_297, %lt3A_300 : i32
        %lt3A_302 = arith.constant 0 : i32
        %lt3A_303 = arith.cmpi slt, %select_n3A_296, %lt3A_302 : i32
        %ne3A_304 = arith.xori %lt3A_301, %lt3A_303 : i1
        %and3A_305 = arith.andi %ne3A_304, %ne3A_299 : i1
        %add3A_306 = arith.addi %rem3A_297, %select_n3A_296 : i32
        %select_n3A_307 = arith.select %and3A_305, %add3A_306, %rem3A_297 : i32
        %jit3A_308 = arith.constant 4 : i32
        %div3A_309 = arith.divsi %add3A_258, %jit3A_308 : i32
        %sign3A_310 = arith.constant 0 : i32
        %sign3A_311 = arith.cmpi sgt, %add3A_258, %sign3A_310 : i32
        %sign3A_312 = arith.extui %sign3A_311 : i1 to i32
        %sign3A_313 = arith.constant 0 : i32
        %sign3A_314 = arith.cmpi slt, %add3A_258, %sign3A_313 : i32
        %sign3A_315 = arith.extui %sign3A_314 : i1 to i32
        %sign3A_316 = arith.subi %sign3A_312, %sign3A_315 : i32
        %sign3A_317 = arith.constant 0 : i32
        %sign3A_318 = arith.cmpi sgt, %jit3A_308, %sign3A_317 : i32
        %sign3A_319 = arith.extui %sign3A_318 : i1 to i32
        %sign3A_320 = arith.constant 0 : i32
        %sign3A_321 = arith.cmpi slt, %jit3A_308, %sign3A_320 : i32
        %sign3A_322 = arith.extui %sign3A_321 : i1 to i32
        %sign3A_323 = arith.subi %sign3A_319, %sign3A_322 : i32
        %ne3A_324 = arith.cmpi ne, %sign3A_316, %sign3A_323 : i32
        %rem3A_325 = arith.remsi %add3A_258, %jit3A_308 : i32
        %ne3A_326 = arith.constant 0 : i32
        %ne3A_327 = arith.cmpi ne, %rem3A_325, %ne3A_326 : i32
        %and3A_328 = arith.andi %ne3A_324, %ne3A_327 : i1
        %sub3A_329 = arith.constant 1 : i32
        %sub3A_330 = arith.subi %div3A_309, %sub3A_329 : i32
        %select_n3A_331 = arith.select %and3A_328, %sub3A_330, %div3A_309 : i32
        %jit3A_332 = arith.constant 4 : i32
        %eq3A_333 = arith.constant 0 : i32
        %eq3A_334 = arith.cmpi eq, %jit3A_332, %eq3A_333 : i32
        %jit3A_335 = arith.constant 1 : i32
        %select_n3A_336 = arith.select %eq3A_334, %jit3A_335, %jit3A_332 : i32
        %rem3A_337 = arith.remsi %add3A_258, %select_n3A_336 : i32
        %ne3A_338 = arith.constant 0 : i32
        %ne3A_339 = arith.cmpi ne, %rem3A_337, %ne3A_338 : i32
        %lt3A_340 = arith.constant 0 : i32
        %lt3A_341 = arith.cmpi slt, %rem3A_337, %lt3A_340 : i32
        %lt3A_342 = arith.constant 0 : i32
        %lt3A_343 = arith.cmpi slt, %select_n3A_336, %lt3A_342 : i32
        %ne3A_344 = arith.xori %lt3A_341, %lt3A_343 : i1
        %and3A_345 = arith.andi %ne3A_344, %ne3A_339 : i1
        %add3A_346 = arith.addi %rem3A_337, %select_n3A_336 : i32
        %select_n3A_347 = arith.select %and3A_345, %add3A_346, %rem3A_337 : i32
        %ne3A_348 = arith.cmpi ne, %select_n3A_291, %select_n3A_331 : i32
        %ne3A_349 = arith.cmpi ne, %select_n3A_307, %select_n3A_347 : i32
        %or3A = arith.constant false
        %or3A_350 = arith.ori %or3A, %ne3A_348 : i1
        %or3A_351 = arith.ori %or3A_350, %ne3A_349 : i1
        %ge3A = arith.constant 24 : i32
        %ge3A_352 = arith.cmpi sge, %scan3A_230, %ge3A : i32
        %not3A = arith.constant true
        %not3A_353 = arith.xori %ge3A_352, %not3A : i1
        %and3A_354 = arith.andi %or3A_351, %not3A_353 : i1
        %convert_element_type3A = arith.extui %and3A_354 : i1 to i32
        %cond3A = arith.constant 0 : i32
        %cond3A_355 = arith.cmpi ne, %convert_element_type3A, %cond3A : i32
        scf.if %cond3A_355 {
          "tpu.trace_start"() <{level = 10 : i32, message = "ep_copy_in"}> : () -> ()
          %rem3A_1115 = arith.constant 2 : i32
          %rem3A_1116 = arith.remui %scan3A_231, %rem3A_1115 : i32
          %jit3A_1117 = arith.constant 4 : i32
          %div3A_1118 = arith.divsi %add3A_258, %jit3A_1117 : i32
          %sign3A_1119 = arith.constant 0 : i32
          %sign3A_1120 = arith.cmpi sgt, %add3A_258, %sign3A_1119 : i32
          %sign3A_1121 = arith.extui %sign3A_1120 : i1 to i32
          %sign3A_1122 = arith.constant 0 : i32
          %sign3A_1123 = arith.cmpi slt, %add3A_258, %sign3A_1122 : i32
          %sign3A_1124 = arith.extui %sign3A_1123 : i1 to i32
          %sign3A_1125 = arith.subi %sign3A_1121, %sign3A_1124 : i32
          %sign3A_1126 = arith.constant 0 : i32
          %sign3A_1127 = arith.cmpi sgt, %jit3A_1117, %sign3A_1126 : i32
          %sign3A_1128 = arith.extui %sign3A_1127 : i1 to i32
          %sign3A_1129 = arith.constant 0 : i32
          %sign3A_1130 = arith.cmpi slt, %jit3A_1117, %sign3A_1129 : i32
          %sign3A_1131 = arith.extui %sign3A_1130 : i1 to i32
          %sign3A_1132 = arith.subi %sign3A_1128, %sign3A_1131 : i32
          %ne3A_1133 = arith.cmpi ne, %sign3A_1125, %sign3A_1132 : i32
          %rem3A_1134 = arith.remsi %add3A_258, %jit3A_1117 : i32
          %ne3A_1135 = arith.constant 0 : i32
          %ne3A_1136 = arith.cmpi ne, %rem3A_1134, %ne3A_1135 : i32
          %and3A_1137 = arith.andi %ne3A_1133, %ne3A_1136 : i1
          %sub3A_1138 = arith.constant 1 : i32
          %sub3A_1139 = arith.subi %div3A_1118, %sub3A_1138 : i32
          %select_n3A_1140 = arith.select %and3A_1137, %sub3A_1139, %div3A_1118 : i32
          %jit3A_1141 = arith.constant 4 : i32
          %eq3A_1142 = arith.constant 0 : i32
          %eq3A_1143 = arith.cmpi eq, %jit3A_1141, %eq3A_1142 : i32
          %jit3A_1144 = arith.constant 1 : i32
          %select_n3A_1145 = arith.select %eq3A_1143, %jit3A_1144, %jit3A_1141 : i32
          %rem3A_1146 = arith.remsi %add3A_258, %select_n3A_1145 : i32
          %ne3A_1147 = arith.constant 0 : i32
          %ne3A_1148 = arith.cmpi ne, %rem3A_1146, %ne3A_1147 : i32
          %lt3A_1149 = arith.constant 0 : i32
          %lt3A_1150 = arith.cmpi slt, %rem3A_1146, %lt3A_1149 : i32
          %lt3A_1151 = arith.constant 0 : i32
          %lt3A_1152 = arith.cmpi slt, %select_n3A_1145, %lt3A_1151 : i32
          %ne3A_1153 = arith.xori %lt3A_1150, %lt3A_1152 : i1
          %and3A_1154 = arith.andi %ne3A_1153, %ne3A_1148 : i1
          %add3A_1155 = arith.addi %rem3A_1146, %select_n3A_1145 : i32
          %select_n3A_1156 = arith.select %and3A_1154, %add3A_1155, %rem3A_1146 : i32
          %mul3A_1157 = arith.constant 1 : i32
          %mul3A_1158 = arith.muli %mul3A_1157, %select_n3A_1140 : i32
          %mul3A_1159 = arith.constant 1024 : i32
          %mul3A_1160 = arith.muli %mul3A_1159, %select_n3A_1156 : i32
          %dma_start3A_1161 = arith.constant 0 : i32
          %dma_start3A_1162 = arith.constant 0 : i32
          %dma_start3A_1163 = arith.constant 0 : i32
          %dma_start3A_1164 = tpu.memref_slice %run_scoped3A[%rem3A_1116, %dma_start3A_1161, %dma_start3A_1162, %dma_start3A_1163] : memref<2x1x1x1024xi32, #tpu.memory_space<vmem>> -> memref<1x1x1x1024xi32, #tpu.memory_space<vmem>>
          %dma_start3A_1165 = tpu.memref_squeeze %dma_start3A_1164 : memref<1x1x1x1024xi32, #tpu.memory_space<vmem>> -> memref<1x1x1024xi32, #tpu.memory_space<vmem>>
          %dma_start3A_1166 = arith.constant 3 : i32
          %dma_start3A_1167 = tpu.memref_slice %arg2[%dma_start3A_1166, %mul3A_1158, %mul3A_1160] : memref<4x200x4096xi32, #tpu.memory_space<hbm>> -> memref<1x1x1024xi32, #tpu.memory_space<hbm>>
          %dma_start3A_1168 = tpu.memref_slice %run_scoped3A_34[%rem3A_1116] : memref<2x!tpu.dma_semaphore, #tpu.memory_space<semaphore_mem>> -> memref<1x!tpu.dma_semaphore, #tpu.memory_space<semaphore_mem>>
          %dma_start3A_1169 = tpu.memref_squeeze %dma_start3A_1168 : memref<1x!tpu.dma_semaphore, #tpu.memory_space<semaphore_mem>> -> memref<!tpu.dma_semaphore, #tpu.memory_space<semaphore_mem>>
          %dma_start3A_1170 = arith.constant 0 : i32
          %dma_start3A_1171 = arith.constant 0 : i32
          %dma_start3A_1172 = arith.constant 0 : i32
          %dma_start3A_1173 = tpu.memref_slice %run_scoped3A[%rem3A_1116, %dma_start3A_1170, %dma_start3A_1171, %dma_start3A_1172] : memref<2x1x1x1024xi32, #tpu.memory_space<vmem>> -> memref<1x1x1x1024xi32, #tpu.memory_space<vmem>>
          %dma_start3A_1174 = tpu.memref_squeeze %dma_start3A_1173 : memref<1x1x1x1024xi32, #tpu.memory_space<vmem>> -> memref<1x1x1024xi32, #tpu.memory_space<vmem>>
          %dma_start3A_1175 = arith.constant 3 : i32
          %dma_start3A_1176 = tpu.memref_slice %arg2[%dma_start3A_1175, %mul3A_1158, %mul3A_1160] : memref<4x200x4096xi32, #tpu.memory_space<hbm>> -> memref<1x1x1024xi32, #tpu.memory_space<hbm>>
          tpu.enqueue_dma source(%dma_start3A_1176 : memref<1x1x1024xi32, #tpu.memory_space<hbm>>) target(%dma_start3A_1174 : memref<1x1x1024xi32, #tpu.memory_space<vmem>>) target_semaphore(%dma_start3A_1169 : memref<!tpu.dma_semaphore, #tpu.memory_space<semaphore_mem>>)
          "tpu.trace_stop"() : () -> ()
        } else {
        }
        %and3A_356 = arith.constant true
        %and3A_357 = arith.andi %and3A_354, %and3A_356 : i1
        %add3A_358 = arith.constant 1 : i32
        %add3A_359 = arith.addi %scan3A_231, %add3A_358 : i32
        %select_n3A_360 = arith.select %and3A_357, %add3A_359, %scan3A_231 : i32
        %jit3A_361 = arith.constant 4 : i32
        %eq3A_362 = arith.constant 0 : i32
        %eq3A_363 = arith.cmpi eq, %jit3A_361, %eq3A_362 : i32
        %jit3A_364 = arith.constant 1 : i32
        %select_n3A_365 = arith.select %eq3A_363, %jit3A_364, %jit3A_361 : i32
        %rem3A_366 = arith.remsi %add3A_240, %select_n3A_365 : i32
        %ne3A_367 = arith.constant 0 : i32
        %ne3A_368 = arith.cmpi ne, %rem3A_366, %ne3A_367 : i32
        %lt3A_369 = arith.constant 0 : i32
        %lt3A_370 = arith.cmpi slt, %rem3A_366, %lt3A_369 : i32
        %lt3A_371 = arith.constant 0 : i32
        %lt3A_372 = arith.cmpi slt, %select_n3A_365, %lt3A_371 : i32
        %ne3A_373 = arith.xori %lt3A_370, %lt3A_372 : i1
        %and3A_374 = arith.andi %ne3A_373, %ne3A_368 : i1
        %add3A_375 = arith.addi %rem3A_366, %select_n3A_365 : i32
        %select_n3A_376 = arith.select %and3A_374, %add3A_375, %rem3A_366 : i32
        %jit3A_377 = arith.constant 4 : i32
        %div3A_378 = arith.divsi %add3A_240, %jit3A_377 : i32
        %sign3A_379 = arith.constant 0 : i32
        %sign3A_380 = arith.cmpi sgt, %add3A_240, %sign3A_379 : i32
        %sign3A_381 = arith.extui %sign3A_380 : i1 to i32
        %sign3A_382 = arith.constant 0 : i32
        %sign3A_383 = arith.cmpi slt, %add3A_240, %sign3A_382 : i32
        %sign3A_384 = arith.extui %sign3A_383 : i1 to i32
        %sign3A_385 = arith.subi %sign3A_381, %sign3A_384 : i32
        %sign3A_386 = arith.constant 0 : i32
        %sign3A_387 = arith.cmpi sgt, %jit3A_377, %sign3A_386 : i32
        %sign3A_388 = arith.extui %sign3A_387 : i1 to i32
        %sign3A_389 = arith.constant 0 : i32
        %sign3A_390 = arith.cmpi slt, %jit3A_377, %sign3A_389 : i32
        %sign3A_391 = arith.extui %sign3A_390 : i1 to i32
        %sign3A_392 = arith.subi %sign3A_388, %sign3A_391 : i32
        %ne3A_393 = arith.cmpi ne, %sign3A_385, %sign3A_392 : i32
        %rem3A_394 = arith.remsi %add3A_240, %jit3A_377 : i32
        %ne3A_395 = arith.constant 0 : i32
        %ne3A_396 = arith.cmpi ne, %rem3A_394, %ne3A_395 : i32
        %and3A_397 = arith.andi %ne3A_393, %ne3A_396 : i1
        %sub3A_398 = arith.constant 1 : i32
        %sub3A_399 = arith.subi %div3A_378, %sub3A_398 : i32
        %select_n3A_400 = arith.select %and3A_397, %sub3A_399, %div3A_378 : i32
        %jit3A_401 = arith.constant 4 : i32
        %eq3A_402 = arith.constant 0 : i32
        %eq3A_403 = arith.cmpi eq, %jit3A_401, %eq3A_402 : i32
        %jit3A_404 = arith.constant 1 : i32
        %select_n3A_405 = arith.select %eq3A_403, %jit3A_404, %jit3A_401 : i32
        %rem3A_406 = arith.remsi %add3A_258, %select_n3A_405 : i32
        %ne3A_407 = arith.constant 0 : i32
        %ne3A_408 = arith.cmpi ne, %rem3A_406, %ne3A_407 : i32
        %lt3A_409 = arith.constant 0 : i32
        %lt3A_410 = arith.cmpi slt, %rem3A_406, %lt3A_409 : i32
        %lt3A_411 = arith.constant 0 : i32
        %lt3A_412 = arith.cmpi slt, %select_n3A_405, %lt3A_411 : i32
        %ne3A_413 = arith.xori %lt3A_410, %lt3A_412 : i1
        %and3A_414 = arith.andi %ne3A_413, %ne3A_408 : i1
        %add3A_415 = arith.addi %rem3A_406, %select_n3A_405 : i32
        %select_n3A_416 = arith.select %and3A_414, %add3A_415, %rem3A_406 : i32
        %jit3A_417 = arith.constant 4 : i32
        %div3A_418 = arith.divsi %add3A_258, %jit3A_417 : i32
        %sign3A_419 = arith.constant 0 : i32
        %sign3A_420 = arith.cmpi sgt, %add3A_258, %sign3A_419 : i32
        %sign3A_421 = arith.extui %sign3A_420 : i1 to i32
        %sign3A_422 = arith.constant 0 : i32
        %sign3A_423 = arith.cmpi slt, %add3A_258, %sign3A_422 : i32
        %sign3A_424 = arith.extui %sign3A_423 : i1 to i32
        %sign3A_425 = arith.subi %sign3A_421, %sign3A_424 : i32
        %sign3A_426 = arith.constant 0 : i32
        %sign3A_427 = arith.cmpi sgt, %jit3A_417, %sign3A_426 : i32
        %sign3A_428 = arith.extui %sign3A_427 : i1 to i32
        %sign3A_429 = arith.constant 0 : i32
        %sign3A_430 = arith.cmpi slt, %jit3A_417, %sign3A_429 : i32
        %sign3A_431 = arith.extui %sign3A_430 : i1 to i32
        %sign3A_432 = arith.subi %sign3A_428, %sign3A_431 : i32
        %ne3A_433 = arith.cmpi ne, %sign3A_425, %sign3A_432 : i32
        %rem3A_434 = arith.remsi %add3A_258, %jit3A_417 : i32
        %ne3A_435 = arith.constant 0 : i32
        %ne3A_436 = arith.cmpi ne, %rem3A_434, %ne3A_435 : i32
        %and3A_437 = arith.andi %ne3A_433, %ne3A_436 : i1
        %sub3A_438 = arith.constant 1 : i32
        %sub3A_439 = arith.subi %div3A_418, %sub3A_438 : i32
        %select_n3A_440 = arith.select %and3A_437, %sub3A_439, %div3A_418 : i32
        %ne3A_441 = arith.cmpi ne, %select_n3A_376, %select_n3A_416 : i32
        %ne3A_442 = arith.cmpi ne, %select_n3A_400, %select_n3A_440 : i32
        %or3A_443 = arith.constant false
        %or3A_444 = arith.ori %or3A_443, %ne3A_441 : i1
        %or3A_445 = arith.ori %or3A_444, %ne3A_442 : i1
        %or3A_446 = arith.constant false
        %or3A_447 = arith.ori %or3A_445, %or3A_446 : i1
        %ge3A_448 = arith.constant 24 : i32
        %ge3A_449 = arith.cmpi sge, %scan3A_230, %ge3A_448 : i32
        %not3A_450 = arith.constant true
        %not3A_451 = arith.xori %ge3A_449, %not3A_450 : i1
        %and3A_452 = arith.andi %or3A_447, %not3A_451 : i1
        %jit3A_453 = arith.constant 4 : i32
        %div3A_454 = arith.divsi %add3A_240, %jit3A_453 : i32
        %sign3A_455 = arith.constant 0 : i32
        %sign3A_456 = arith.cmpi sgt, %add3A_240, %sign3A_455 : i32
        %sign3A_457 = arith.extui %sign3A_456 : i1 to i32
        %sign3A_458 = arith.constant 0 : i32
        %sign3A_459 = arith.cmpi slt, %add3A_240, %sign3A_458 : i32
        %sign3A_460 = arith.extui %sign3A_459 : i1 to i32
        %sign3A_461 = arith.subi %sign3A_457, %sign3A_460 : i32
        %sign3A_462 = arith.constant 0 : i32
        %sign3A_463 = arith.cmpi sgt, %jit3A_453, %sign3A_462 : i32
        %sign3A_464 = arith.extui %sign3A_463 : i1 to i32
        %sign3A_465 = arith.constant 0 : i32
        %sign3A_466 = arith.cmpi slt, %jit3A_453, %sign3A_465 : i32
        %sign3A_467 = arith.extui %sign3A_466 : i1 to i32
        %sign3A_468 = arith.subi %sign3A_464, %sign3A_467 : i32
        %ne3A_469 = arith.cmpi ne, %sign3A_461, %sign3A_468 : i32
        %rem3A_470 = arith.remsi %add3A_240, %jit3A_453 : i32
        %ne3A_471 = arith.constant 0 : i32
        %ne3A_472 = arith.cmpi ne, %rem3A_470, %ne3A_471 : i32
        %and3A_473 = arith.andi %ne3A_469, %ne3A_472 : i1
        %sub3A_474 = arith.constant 1 : i32
        %sub3A_475 = arith.subi %div3A_454, %sub3A_474 : i32
        %select_n3A_476 = arith.select %and3A_473, %sub3A_475, %div3A_454 : i32
        %jit3A_477 = arith.constant 4 : i32
        %eq3A_478 = arith.constant 0 : i32
        %eq3A_479 = arith.cmpi eq, %jit3A_477, %eq3A_478 : i32
        %jit3A_480 = arith.constant 1 : i32
        %select_n3A_481 = arith.select %eq3A_479, %jit3A_480, %jit3A_477 : i32
        %rem3A_482 = arith.remsi %add3A_240, %select_n3A_481 : i32
        %ne3A_483 = arith.constant 0 : i32
        %ne3A_484 = arith.cmpi ne, %rem3A_482, %ne3A_483 : i32
        %lt3A_485 = arith.constant 0 : i32
        %lt3A_486 = arith.cmpi slt, %rem3A_482, %lt3A_485 : i32
        %lt3A_487 = arith.constant 0 : i32
        %lt3A_488 = arith.cmpi slt, %select_n3A_481, %lt3A_487 : i32
        %ne3A_489 = arith.xori %lt3A_486, %lt3A_488 : i1
        %and3A_490 = arith.andi %ne3A_489, %ne3A_484 : i1
        %add3A_491 = arith.addi %rem3A_482, %select_n3A_481 : i32
        %select_n3A_492 = arith.select %and3A_490, %add3A_491, %rem3A_482 : i32
        %jit3A_493 = arith.constant 4 : i32
        %div3A_494 = arith.divsi %add3A_249, %jit3A_493 : i32
        %sign3A_495 = arith.constant 0 : i32
        %sign3A_496 = arith.cmpi sgt, %add3A_249, %sign3A_495 : i32
        %sign3A_497 = arith.extui %sign3A_496 : i1 to i32
        %sign3A_498 = arith.constant 0 : i32
        %sign3A_499 = arith.cmpi slt, %add3A_249, %sign3A_498 : i32
        %sign3A_500 = arith.extui %sign3A_499 : i1 to i32
        %sign3A_501 = arith.subi %sign3A_497, %sign3A_500 : i32
        %sign3A_502 = arith.constant 0 : i32
        %sign3A_503 = arith.cmpi sgt, %jit3A_493, %sign3A_502 : i32
        %sign3A_504 = arith.extui %sign3A_503 : i1 to i32
        %sign3A_505 = arith.constant 0 : i32
        %sign3A_506 = arith.cmpi slt, %jit3A_493, %sign3A_505 : i32
        %sign3A_507 = arith.extui %sign3A_506 : i1 to i32
        %sign3A_508 = arith.subi %sign3A_504, %sign3A_507 : i32
        %ne3A_509 = arith.cmpi ne, %sign3A_501, %sign3A_508 : i32
        %rem3A_510 = arith.remsi %add3A_249, %jit3A_493 : i32
        %ne3A_511 = arith.constant 0 : i32
        %ne3A_512 = arith.cmpi ne, %rem3A_510, %ne3A_511 : i32
        %and3A_513 = arith.andi %ne3A_509, %ne3A_512 : i1
        %sub3A_514 = arith.constant 1 : i32
        %sub3A_515 = arith.subi %div3A_494, %sub3A_514 : i32
        %select_n3A_516 = arith.select %and3A_513, %sub3A_515, %div3A_494 : i32
        %jit3A_517 = arith.constant 4 : i32
        %eq3A_518 = arith.constant 0 : i32
        %eq3A_519 = arith.cmpi eq, %jit3A_517, %eq3A_518 : i32
        %jit3A_520 = arith.constant 1 : i32
        %select_n3A_521 = arith.select %eq3A_519, %jit3A_520, %jit3A_517 : i32
        %rem3A_522 = arith.remsi %add3A_249, %select_n3A_521 : i32
        %ne3A_523 = arith.constant 0 : i32
        %ne3A_524 = arith.cmpi ne, %rem3A_522, %ne3A_523 : i32
        %lt3A_525 = arith.constant 0 : i32
        %lt3A_526 = arith.cmpi slt, %rem3A_522, %lt3A_525 : i32
        %lt3A_527 = arith.constant 0 : i32
        %lt3A_528 = arith.cmpi slt, %select_n3A_521, %lt3A_527 : i32
        %ne3A_529 = arith.xori %lt3A_526, %lt3A_528 : i1
        %and3A_530 = arith.andi %ne3A_529, %ne3A_524 : i1
        %add3A_531 = arith.addi %rem3A_522, %select_n3A_521 : i32
        %select_n3A_532 = arith.select %and3A_530, %add3A_531, %rem3A_522 : i32
        %ne3A_533 = arith.cmpi ne, %select_n3A_476, %select_n3A_516 : i32
        %ne3A_534 = arith.cmpi ne, %select_n3A_492, %select_n3A_532 : i32
        %or3A_535 = arith.constant false
        %or3A_536 = arith.ori %or3A_535, %ne3A_533 : i1
        %or3A_537 = arith.ori %or3A_536, %ne3A_534 : i1
        %or3A_538 = arith.ori %or3A_537, %eq3A_237 : i1
        %convert_element_type3A_539 = arith.extui %or3A_538 : i1 to i32
        %cond3A_540 = arith.constant 0 : i32
        %cond3A_541 = arith.cmpi ne, %convert_element_type3A_539, %cond3A_540 : i32
        scf.if %cond3A_541 {
          %jit3A_1115 = arith.constant 4 : i32
          "tpu.trace_start"() <{level = 10 : i32, message = "ep_wait_in"}> : () -> ()
          %div3A_1116 = arith.divsi %add3A_240, %jit3A_1115 : i32
          %sign3A_1117 = arith.constant 0 : i32
          %sign3A_1118 = arith.cmpi sgt, %add3A_240, %sign3A_1117 : i32
          %sign3A_1119 = arith.extui %sign3A_1118 : i1 to i32
          %sign3A_1120 = arith.constant 0 : i32
          %sign3A_1121 = arith.cmpi slt, %add3A_240, %sign3A_1120 : i32
          %sign3A_1122 = arith.extui %sign3A_1121 : i1 to i32
          %sign3A_1123 = arith.subi %sign3A_1119, %sign3A_1122 : i32
          %sign3A_1124 = arith.constant 0 : i32
          %sign3A_1125 = arith.cmpi sgt, %jit3A_1115, %sign3A_1124 : i32
          %sign3A_1126 = arith.extui %sign3A_1125 : i1 to i32
          %sign3A_1127 = arith.constant 0 : i32
          %sign3A_1128 = arith.cmpi slt, %jit3A_1115, %sign3A_1127 : i32
          %sign3A_1129 = arith.extui %sign3A_1128 : i1 to i32
          %sign3A_1130 = arith.subi %sign3A_1126, %sign3A_1129 : i32
          %ne3A_1131 = arith.cmpi ne, %sign3A_1123, %sign3A_1130 : i32
          %rem3A_1132 = arith.remsi %add3A_240, %jit3A_1115 : i32
          %ne3A_1133 = arith.constant 0 : i32
          %ne3A_1134 = arith.cmpi ne, %rem3A_1132, %ne3A_1133 : i32
          %and3A_1135 = arith.andi %ne3A_1131, %ne3A_1134 : i1
          %sub3A_1136 = arith.constant 1 : i32
          %sub3A_1137 = arith.subi %div3A_1116, %sub3A_1136 : i32
          %select_n3A_1138 = arith.select %and3A_1135, %sub3A_1137, %div3A_1116 : i32
          %jit3A_1139 = arith.constant 4 : i32
          %eq3A_1140 = arith.constant 0 : i32
          %eq3A_1141 = arith.cmpi eq, %jit3A_1139, %eq3A_1140 : i32
          %jit3A_1142 = arith.constant 1 : i32
          %select_n3A_1143 = arith.select %eq3A_1141, %jit3A_1142, %jit3A_1139 : i32
          %rem3A_1144 = arith.remsi %add3A_240, %select_n3A_1143 : i32
          %ne3A_1145 = arith.constant 0 : i32
          %ne3A_1146 = arith.cmpi ne, %rem3A_1144, %ne3A_1145 : i32
          %lt3A_1147 = arith.constant 0 : i32
          %lt3A_1148 = arith.cmpi slt, %rem3A_1144, %lt3A_1147 : i32
          %lt3A_1149 = arith.constant 0 : i32
          %lt3A_1150 = arith.cmpi slt, %select_n3A_1143, %lt3A_1149 : i32
          %ne3A_1151 = arith.xori %lt3A_1148, %lt3A_1150 : i1
          %and3A_1152 = arith.andi %ne3A_1151, %ne3A_1146 : i1
          %add3A_1153 = arith.addi %rem3A_1144, %select_n3A_1143 : i32
          %select_n3A_1154 = arith.select %and3A_1152, %add3A_1153, %rem3A_1144 : i32
          %mul3A_1155 = arith.constant 1 : i32
          %mul3A_1156 = arith.muli %mul3A_1155, %select_n3A_1138 : i32
          %mul3A_1157 = arith.constant 1024 : i32
          %mul3A_1158 = arith.muli %mul3A_1157, %select_n3A_1154 : i32
          %rem3A_1159 = arith.constant 2 : i32
          %rem3A_1160 = arith.remui %scan3A_232, %rem3A_1159 : i32
          %dma_wait3A_1161 = arith.constant 0 : i32
          %dma_wait3A_1162 = arith.constant 0 : i32
          %dma_wait3A_1163 = arith.constant 0 : i32
          %dma_wait3A_1164 = tpu.memref_slice %run_scoped3A[%rem3A_1160, %dma_wait3A_1161, %dma_wait3A_1162, %dma_wait3A_1163] : memref<2x1x1x1024xi32, #tpu.memory_space<vmem>> -> memref<1x1x1x1024xi32, #tpu.memory_space<vmem>>
          %dma_wait3A_1165 = tpu.memref_squeeze %dma_wait3A_1164 : memref<1x1x1x1024xi32, #tpu.memory_space<vmem>> -> memref<1x1x1024xi32, #tpu.memory_space<vmem>>
          %dma_wait3A_1166 = arith.constant 3 : i32
          %dma_wait3A_1167 = tpu.memref_slice %arg2[%dma_wait3A_1166, %mul3A_1156, %mul3A_1158] : memref<4x200x4096xi32, #tpu.memory_space<hbm>> -> memref<1x1x1024xi32, #tpu.memory_space<hbm>>
          %dma_wait3A_1168 = tpu.memref_slice %run_scoped3A_34[%rem3A_1160] : memref<2x!tpu.dma_semaphore, #tpu.memory_space<semaphore_mem>> -> memref<1x!tpu.dma_semaphore, #tpu.memory_space<semaphore_mem>>
          %dma_wait3A_1169 = tpu.memref_squeeze %dma_wait3A_1168 : memref<1x!tpu.dma_semaphore, #tpu.memory_space<semaphore_mem>> -> memref<!tpu.dma_semaphore, #tpu.memory_space<semaphore_mem>>
          %dma_wait3A_1170 = arith.constant 0 : i32
          %dma_wait3A_1171 = arith.constant 0 : i32
          %dma_wait3A_1172 = arith.constant 0 : i32
          %dma_wait3A_1173 = tpu.memref_slice %run_scoped3A[%rem3A_1160, %dma_wait3A_1170, %dma_wait3A_1171, %dma_wait3A_1172] : memref<2x1x1x1024xi32, #tpu.memory_space<vmem>> -> memref<1x1x1x1024xi32, #tpu.memory_space<vmem>>
          %dma_wait3A_1174 = tpu.memref_squeeze %dma_wait3A_1173 : memref<1x1x1x1024xi32, #tpu.memory_space<vmem>> -> memref<1x1x1024xi32, #tpu.memory_space<vmem>>
          %dma_wait3A_1175 = arith.constant 3 : i32
          %dma_wait3A_1176 = tpu.memref_slice %arg2[%dma_wait3A_1175, %mul3A_1156, %mul3A_1158] : memref<4x200x4096xi32, #tpu.memory_space<hbm>> -> memref<1x1x1024xi32, #tpu.memory_space<hbm>>
          tpu.wait_dma2 semaphore(%dma_wait3A_1169 : memref<!tpu.dma_semaphore, #tpu.memory_space<semaphore_mem>>) src(%dma_wait3A_1176 : memref<1x1x1024xi32, #tpu.memory_space<hbm>>) dst(%dma_wait3A_1174 : memref<1x1x1024xi32, #tpu.memory_space<vmem>>)
          "tpu.trace_stop"() : () -> ()
        } else {
        }
        %jit3A_542 = arith.constant 4 : i32
        %eq3A_543 = arith.constant 0 : i32
        %eq3A_544 = arith.cmpi eq, %jit3A_542, %eq3A_543 : i32
        %jit3A_545 = arith.constant 1 : i32
        %select_n3A_546 = arith.select %eq3A_544, %jit3A_545, %jit3A_542 : i32
        %rem3A_547 = arith.remsi %add3A_240, %select_n3A_546 : i32
        %ne3A_548 = arith.constant 0 : i32
        %ne3A_549 = arith.cmpi ne, %rem3A_547, %ne3A_548 : i32
        %lt3A_550 = arith.constant 0 : i32
        %lt3A_551 = arith.cmpi slt, %rem3A_547, %lt3A_550 : i32
        %lt3A_552 = arith.constant 0 : i32
        %lt3A_553 = arith.cmpi slt, %select_n3A_546, %lt3A_552 : i32
        %ne3A_554 = arith.xori %lt3A_551, %lt3A_553 : i1
        %and3A_555 = arith.andi %ne3A_554, %ne3A_549 : i1
        %add3A_556 = arith.addi %rem3A_547, %select_n3A_546 : i32
        %select_n3A_557 = arith.select %and3A_555, %add3A_556, %rem3A_547 : i32
        %jit3A_558 = arith.constant 4 : i32
        %div3A_559 = arith.divsi %add3A_240, %jit3A_558 : i32
        %sign3A_560 = arith.constant 0 : i32
        %sign3A_561 = arith.cmpi sgt, %add3A_240, %sign3A_560 : i32
        %sign3A_562 = arith.extui %sign3A_561 : i1 to i32
        %sign3A_563 = arith.constant 0 : i32
        %sign3A_564 = arith.cmpi slt, %add3A_240, %sign3A_563 : i32
        %sign3A_565 = arith.extui %sign3A_564 : i1 to i32
        %sign3A_566 = arith.subi %sign3A_562, %sign3A_565 : i32
        %sign3A_567 = arith.constant 0 : i32
        %sign3A_568 = arith.cmpi sgt, %jit3A_558, %sign3A_567 : i32
        %sign3A_569 = arith.extui %sign3A_568 : i1 to i32
        %sign3A_570 = arith.constant 0 : i32
        %sign3A_571 = arith.cmpi slt, %jit3A_558, %sign3A_570 : i32
        %sign3A_572 = arith.extui %sign3A_571 : i1 to i32
        %sign3A_573 = arith.subi %sign3A_569, %sign3A_572 : i32
        %ne3A_574 = arith.cmpi ne, %sign3A_566, %sign3A_573 : i32
        %rem3A_575 = arith.remsi %add3A_240, %jit3A_558 : i32
        %ne3A_576 = arith.constant 0 : i32
        %ne3A_577 = arith.cmpi ne, %rem3A_575, %ne3A_576 : i32
        %and3A_578 = arith.andi %ne3A_574, %ne3A_577 : i1
        %sub3A_579 = arith.constant 1 : i32
        %sub3A_580 = arith.subi %div3A_559, %sub3A_579 : i32
        %select_n3A_581 = arith.select %and3A_578, %sub3A_580, %div3A_559 : i32
        %jit3A_582 = arith.constant 4 : i32
        %eq3A_583 = arith.constant 0 : i32
        %eq3A_584 = arith.cmpi eq, %jit3A_582, %eq3A_583 : i32
        %jit3A_585 = arith.constant 1 : i32
        %select_n3A_586 = arith.select %eq3A_584, %jit3A_585, %jit3A_582 : i32
        %rem3A_587 = arith.remsi %add3A_249, %select_n3A_586 : i32
        %ne3A_588 = arith.constant 0 : i32
        %ne3A_589 = arith.cmpi ne, %rem3A_587, %ne3A_588 : i32
        %lt3A_590 = arith.constant 0 : i32
        %lt3A_591 = arith.cmpi slt, %rem3A_587, %lt3A_590 : i32
        %lt3A_592 = arith.constant 0 : i32
        %lt3A_593 = arith.cmpi slt, %select_n3A_586, %lt3A_592 : i32
        %ne3A_594 = arith.xori %lt3A_591, %lt3A_593 : i1
        %and3A_595 = arith.andi %ne3A_594, %ne3A_589 : i1
        %add3A_596 = arith.addi %rem3A_587, %select_n3A_586 : i32
        %select_n3A_597 = arith.select %and3A_595, %add3A_596, %rem3A_587 : i32
        %jit3A_598 = arith.constant 4 : i32
        %div3A_599 = arith.divsi %add3A_249, %jit3A_598 : i32
        %sign3A_600 = arith.constant 0 : i32
        %sign3A_601 = arith.cmpi sgt, %add3A_249, %sign3A_600 : i32
        %sign3A_602 = arith.extui %sign3A_601 : i1 to i32
        %sign3A_603 = arith.constant 0 : i32
        %sign3A_604 = arith.cmpi slt, %add3A_249, %sign3A_603 : i32
        %sign3A_605 = arith.extui %sign3A_604 : i1 to i32
        %sign3A_606 = arith.subi %sign3A_602, %sign3A_605 : i32
        %sign3A_607 = arith.constant 0 : i32
        %sign3A_608 = arith.cmpi sgt, %jit3A_598, %sign3A_607 : i32
        %sign3A_609 = arith.extui %sign3A_608 : i1 to i32
        %sign3A_610 = arith.constant 0 : i32
        %sign3A_611 = arith.cmpi slt, %jit3A_598, %sign3A_610 : i32
        %sign3A_612 = arith.extui %sign3A_611 : i1 to i32
        %sign3A_613 = arith.subi %sign3A_609, %sign3A_612 : i32
        %ne3A_614 = arith.cmpi ne, %sign3A_606, %sign3A_613 : i32
        %rem3A_615 = arith.remsi %add3A_249, %jit3A_598 : i32
        %ne3A_616 = arith.constant 0 : i32
        %ne3A_617 = arith.cmpi ne, %rem3A_615, %ne3A_616 : i32
        %and3A_618 = arith.andi %ne3A_614, %ne3A_617 : i1
        %sub3A_619 = arith.constant 1 : i32
        %sub3A_620 = arith.subi %div3A_599, %sub3A_619 : i32
        %select_n3A_621 = arith.select %and3A_618, %sub3A_620, %div3A_599 : i32
        %ne3A_622 = arith.cmpi ne, %select_n3A_557, %select_n3A_597 : i32
        %ne3A_623 = arith.cmpi ne, %select_n3A_581, %select_n3A_621 : i32
        %or3A_624 = arith.constant false
        %or3A_625 = arith.ori %or3A_624, %ne3A_622 : i1
        %or3A_626 = arith.ori %or3A_625, %ne3A_623 : i1
        %or3A_627 = arith.constant false
        %or3A_628 = arith.ori %or3A_626, %or3A_627 : i1
        %or3A_629 = arith.ori %or3A_628, %eq3A_237 : i1
        %convert_element_type3A_630 = arith.extui %or3A_629 : i1 to i32
        %cond3A_631 = arith.constant 0 : i32
        %cond3A_632 = arith.cmpi ne, %convert_element_type3A_630, %cond3A_631 : i32
        scf.if %cond3A_632 {
        } else {
        }
        %rem3A_633 = arith.constant 2 : i32
        %rem3A_634 = arith.remui %scan3A_232, %rem3A_633 : i32
        %rem3A_635 = arith.constant 2 : i32
        %rem3A_636 = arith.remui %scan3A_233, %rem3A_635 : i32
        %run_scoped3A_637 = arith.constant 0 : i32
        %run_scoped3A_638 = arith.constant 0 : i32
        %run_scoped3A_639 = arith.constant 0 : i32
        "tpu.trace_start"() <{level = 10 : i32, message = "ep_run_kernel"}> : () -> ()
        "tpu.region"() ({
          %run_scoped3A_1115 = tpu.sem_alloc : memref<!tpu.dma_semaphore, #tpu.memory_space<semaphore_mem>>
          %dma_start3A_1116 = arith.constant 0 : i32
          %dma_start3A_1117 = arith.constant 0 : i32
          %dma_start3A_1118 = arith.constant 0 : i32
          %dma_start3A_1119 = tpu.memref_slice %run_scoped3A_35[%rem3A_636, %dma_start3A_1116, %dma_start3A_1117, %dma_start3A_1118] : memref<2x1024x1x32xf32, #tpu.memory_space<vmem>> -> memref<1x1024x1x32xf32, #tpu.memory_space<vmem>>
          %dma_start3A_1120 = tpu.memref_squeeze %dma_start3A_1119 : memref<1x1024x1x32xf32, #tpu.memory_space<vmem>> -> memref<1024x1x32xf32, #tpu.memory_space<vmem>>
          %dma_start3A_1121 = arith.constant 0 : i32
          %dma_start3A_1122 = arith.constant 0 : i32
          %dma_start3A_1123 = tpu.memref_slice %dma_start3A_1120[%dma_start3A_1121, %run_scoped3A_639, %dma_start3A_1122] : memref<1024x1x32xf32, #tpu.memory_space<vmem>> -> memref<1024x1x32xf32, #tpu.memory_space<vmem>>
          %dma_start3A_1124 = tpu.memref_squeeze %dma_start3A_1123 : memref<1024x1x32xf32, #tpu.memory_space<vmem>> -> memref<1024x32xf32, #tpu.memory_space<vmem>>
          %dma_start3A_1125 = arith.constant 0 : i32
          %dma_start3A_1126 = arith.constant 0 : i32
          %dma_start3A_1127 = arith.constant 0 : i32
          %dma_start3A_1128 = tpu.memref_slice %run_scoped3A[%rem3A_634, %dma_start3A_1125, %dma_start3A_1126, %dma_start3A_1127] : memref<2x1x1x1024xi32, #tpu.memory_space<vmem>> -> memref<1x1x1x1024xi32, #tpu.memory_space<vmem>>
          %dma_start3A_1129 = tpu.memref_squeeze %dma_start3A_1128 : memref<1x1x1x1024xi32, #tpu.memory_space<vmem>> -> memref<1x1x1024xi32, #tpu.memory_space<vmem>>
          %dma_start3A_1130 = arith.constant 0 : i32
          %dma_start3A_1131 = tpu.memref_slice %dma_start3A_1129[%run_scoped3A_637, %run_scoped3A_638, %dma_start3A_1130] : memref<1x1x1024xi32, #tpu.memory_space<vmem>> -> memref<1x1x1024xi32, #tpu.memory_space<vmem>>
          %dma_start3A_1132 = tpu.memref_squeeze %dma_start3A_1131 : memref<1x1x1024xi32, #tpu.memory_space<vmem>> -> memref<1024xi32, #tpu.memory_space<vmem>>
          %dma_start3A_1133 = arith.constant 0 : i32
          %dma_start3A_1134 = arith.constant 0 : i32
          %dma_start3A_1135 = tpu.memref_slice %arg6[%dma_start3A_1133, %dma_start3A_1134] : memref<100000x32xf32, #tpu.memory_space<hbm>> -> memref<100000x32xf32, #tpu.memory_space<hbm>>
          tpu.enqueue_indirect_dma source(%dma_start3A_1135 : memref<100000x32xf32, #tpu.memory_space<hbm>>) target(%dma_start3A_1124 : memref<1024x32xf32, #tpu.memory_space<vmem>>) offsets(%dma_start3A_1132 : memref<1024xi32, #tpu.memory_space<vmem>>) semaphore(%run_scoped3A_1115 : memref<!tpu.dma_semaphore, #tpu.memory_space<semaphore_mem>>)
          %dma_wait3A_1136 = arith.constant 0 : i32
          %dma_wait3A_1137 = arith.constant 0 : i32
          %dma_wait3A_1138 = arith.constant 0 : i32
          %dma_wait3A_1139 = tpu.memref_slice %run_scoped3A_35[%rem3A_636, %dma_wait3A_1136, %dma_wait3A_1137, %dma_wait3A_1138] : memref<2x1024x1x32xf32, #tpu.memory_space<vmem>> -> memref<1x1024x1x32xf32, #tpu.memory_space<vmem>>
          %dma_wait3A_1140 = tpu.memref_squeeze %dma_wait3A_1139 : memref<1x1024x1x32xf32, #tpu.memory_space<vmem>> -> memref<1024x1x32xf32, #tpu.memory_space<vmem>>
          %dma_wait3A_1141 = arith.constant 0 : i32
          %dma_wait3A_1142 = arith.constant 0 : i32
          %dma_wait3A_1143 = tpu.memref_slice %dma_wait3A_1140[%dma_wait3A_1141, %run_scoped3A_639, %dma_wait3A_1142] : memref<1024x1x32xf32, #tpu.memory_space<vmem>> -> memref<1024x1x32xf32, #tpu.memory_space<vmem>>
          %dma_wait3A_1144 = tpu.memref_squeeze %dma_wait3A_1143 : memref<1024x1x32xf32, #tpu.memory_space<vmem>> -> memref<1024x32xf32, #tpu.memory_space<vmem>>
          %dma_wait3A_1145 = arith.constant 0 : i32
          %dma_wait3A_1146 = arith.constant 0 : i32
          %dma_wait3A_1147 = arith.constant 0 : i32
          %dma_wait3A_1148 = tpu.memref_slice %run_scoped3A[%rem3A_634, %dma_wait3A_1145, %dma_wait3A_1146, %dma_wait3A_1147] : memref<2x1x1x1024xi32, #tpu.memory_space<vmem>> -> memref<1x1x1x1024xi32, #tpu.memory_space<vmem>>
          %dma_wait3A_1149 = tpu.memref_squeeze %dma_wait3A_1148 : memref<1x1x1x1024xi32, #tpu.memory_space<vmem>> -> memref<1x1x1024xi32, #tpu.memory_space<vmem>>
          %dma_wait3A_1150 = arith.constant 0 : i32
          %dma_wait3A_1151 = tpu.memref_slice %dma_wait3A_1149[%run_scoped3A_637, %run_scoped3A_638, %dma_wait3A_1150] : memref<1x1x1024xi32, #tpu.memory_space<vmem>> -> memref<1x1x1024xi32, #tpu.memory_space<vmem>>
          %dma_wait3A_1152 = tpu.memref_squeeze %dma_wait3A_1151 : memref<1x1x1024xi32, #tpu.memory_space<vmem>> -> memref<1024xi32, #tpu.memory_space<vmem>>
          %dma_wait3A_1153 = arith.constant 0 : i32
          %dma_wait3A_1154 = arith.constant 0 : i32
          %dma_wait3A_1155 = tpu.memref_slice %arg6[%dma_wait3A_1153, %dma_wait3A_1154] : memref<100000x32xf32, #tpu.memory_space<hbm>> -> memref<100000x32xf32, #tpu.memory_space<hbm>>
          tpu.wait_indirect_dma semaphore(%run_scoped3A_1115 : memref<!tpu.dma_semaphore, #tpu.memory_space<semaphore_mem>>) src(%dma_wait3A_1155 : memref<100000x32xf32, #tpu.memory_space<hbm>>) dst(%dma_wait3A_1144 : memref<1024x32xf32, #tpu.memory_space<vmem>>)
          tpu.yield
        }) : () -> ()
        %jit3A_640 = arith.constant 4 : i32
        "tpu.trace_stop"() : () -> ()
        %div3A_641 = arith.divsi %add3A_240, %jit3A_640 : i32
        %sign3A_642 = arith.constant 0 : i32
        %sign3A_643 = arith.cmpi sgt, %add3A_240, %sign3A_642 : i32
        %sign3A_644 = arith.extui %sign3A_643 : i1 to i32
        %sign3A_645 = arith.constant 0 : i32
        %sign3A_646 = arith.cmpi slt, %add3A_240, %sign3A_645 : i32
        %sign3A_647 = arith.extui %sign3A_646 : i1 to i32
        %sign3A_648 = arith.subi %sign3A_644, %sign3A_647 : i32
        %sign3A_649 = arith.constant 0 : i32
        %sign3A_650 = arith.cmpi sgt, %jit3A_640, %sign3A_649 : i32
        %sign3A_651 = arith.extui %sign3A_650 : i1 to i32
        %sign3A_652 = arith.constant 0 : i32
        %sign3A_653 = arith.cmpi slt, %jit3A_640, %sign3A_652 : i32
        %sign3A_654 = arith.extui %sign3A_653 : i1 to i32
        %sign3A_655 = arith.subi %sign3A_651, %sign3A_654 : i32
        %ne3A_656 = arith.cmpi ne, %sign3A_648, %sign3A_655 : i32
        %rem3A_657 = arith.remsi %add3A_240, %jit3A_640 : i32
        %ne3A_658 = arith.constant 0 : i32
        %ne3A_659 = arith.cmpi ne, %rem3A_657, %ne3A_658 : i32
        %and3A_660 = arith.andi %ne3A_656, %ne3A_659 : i1
        %sub3A_661 = arith.constant 1 : i32
        %sub3A_662 = arith.subi %div3A_641, %sub3A_661 : i32
        %select_n3A_663 = arith.select %and3A_660, %sub3A_662, %div3A_641 : i32
        %jit3A_664 = arith.constant 4 : i32
        %eq3A_665 = arith.constant 0 : i32
        %eq3A_666 = arith.cmpi eq, %jit3A_664, %eq3A_665 : i32
        %jit3A_667 = arith.constant 1 : i32
        %select_n3A_668 = arith.select %eq3A_666, %jit3A_667, %jit3A_664 : i32
        %rem3A_669 = arith.remsi %add3A_240, %select_n3A_668 : i32
        %ne3A_670 = arith.constant 0 : i32
        %ne3A_671 = arith.cmpi ne, %rem3A_669, %ne3A_670 : i32
        %lt3A_672 = arith.constant 0 : i32
        %lt3A_673 = arith.cmpi slt, %rem3A_669, %lt3A_672 : i32
        %lt3A_674 = arith.constant 0 : i32
        %lt3A_675 = arith.cmpi slt, %select_n3A_668, %lt3A_674 : i32
        %ne3A_676 = arith.xori %lt3A_673, %lt3A_675 : i1
        %and3A_677 = arith.andi %ne3A_676, %ne3A_671 : i1
        %add3A_678 = arith.addi %rem3A_669, %select_n3A_668 : i32
        %select_n3A_679 = arith.select %and3A_677, %add3A_678, %rem3A_669 : i32
        %jit3A_680 = arith.constant 4 : i32
        %div3A_681 = arith.divsi %add3A_258, %jit3A_680 : i32
        %sign3A_682 = arith.constant 0 : i32
        %sign3A_683 = arith.cmpi sgt, %add3A_258, %sign3A_682 : i32
        %sign3A_684 = arith.extui %sign3A_683 : i1 to i32
        %sign3A_685 = arith.constant 0 : i32
        %sign3A_686 = arith.cmpi slt, %add3A_258, %sign3A_685 : i32
        %sign3A_687 = arith.extui %sign3A_686 : i1 to i32
        %sign3A_688 = arith.subi %sign3A_684, %sign3A_687 : i32
        %sign3A_689 = arith.constant 0 : i32
        %sign3A_690 = arith.cmpi sgt, %jit3A_680, %sign3A_689 : i32
        %sign3A_691 = arith.extui %sign3A_690 : i1 to i32
        %sign3A_692 = arith.constant 0 : i32
        %sign3A_693 = arith.cmpi slt, %jit3A_680, %sign3A_692 : i32
        %sign3A_694 = arith.extui %sign3A_693 : i1 to i32
        %sign3A_695 = arith.subi %sign3A_691, %sign3A_694 : i32
        %ne3A_696 = arith.cmpi ne, %sign3A_688, %sign3A_695 : i32
        %rem3A_697 = arith.remsi %add3A_258, %jit3A_680 : i32
        %ne3A_698 = arith.constant 0 : i32
        %ne3A_699 = arith.cmpi ne, %rem3A_697, %ne3A_698 : i32
        %and3A_700 = arith.andi %ne3A_696, %ne3A_699 : i1
        %sub3A_701 = arith.constant 1 : i32
        %sub3A_702 = arith.subi %div3A_681, %sub3A_701 : i32
        %select_n3A_703 = arith.select %and3A_700, %sub3A_702, %div3A_681 : i32
        %jit3A_704 = arith.constant 4 : i32
        %eq3A_705 = arith.constant 0 : i32
        %eq3A_706 = arith.cmpi eq, %jit3A_704, %eq3A_705 : i32
        %jit3A_707 = arith.constant 1 : i32
        %select_n3A_708 = arith.select %eq3A_706, %jit3A_707, %jit3A_704 : i32
        %rem3A_709 = arith.remsi %add3A_258, %select_n3A_708 : i32
        %ne3A_710 = arith.constant 0 : i32
        %ne3A_711 = arith.cmpi ne, %rem3A_709, %ne3A_710 : i32
        %lt3A_712 = arith.constant 0 : i32
        %lt3A_713 = arith.cmpi slt, %rem3A_709, %lt3A_712 : i32
        %lt3A_714 = arith.constant 0 : i32
        %lt3A_715 = arith.cmpi slt, %select_n3A_708, %lt3A_714 : i32
        %ne3A_716 = arith.xori %lt3A_713, %lt3A_715 : i1
        %and3A_717 = arith.andi %ne3A_716, %ne3A_711 : i1
        %add3A_718 = arith.addi %rem3A_709, %select_n3A_708 : i32
        %select_n3A_719 = arith.select %and3A_717, %add3A_718, %rem3A_709 : i32
        %ne3A_720 = arith.cmpi ne, %select_n3A_663, %select_n3A_703 : i32
        %ne3A_721 = arith.cmpi ne, %select_n3A_679, %select_n3A_719 : i32
        %or3A_722 = arith.constant false
        %or3A_723 = arith.ori %or3A_722, %ne3A_720 : i1
        %or3A_724 = arith.ori %or3A_723, %ne3A_721 : i1
        %or3A_725 = arith.ori %or3A_724, %eq3A_239 : i1
        %convert_element_type3A_726 = arith.extui %or3A_725 : i1 to i32
        %cond3A_727 = arith.constant 0 : i32
        %cond3A_728 = arith.cmpi ne, %convert_element_type3A_726, %cond3A_727 : i32
        scf.if %cond3A_728 {
        } else {
        }
        %and3A_729 = arith.constant false
        %and3A_730 = arith.andi %or3A_725, %and3A_729 : i1
        %jit3A_731 = arith.constant 4 : i32
        %eq3A_732 = arith.constant 0 : i32
        %eq3A_733 = arith.cmpi eq, %jit3A_731, %eq3A_732 : i32
        %jit3A_734 = arith.constant 1 : i32
        %select_n3A_735 = arith.select %eq3A_733, %jit3A_734, %jit3A_731 : i32
        %rem3A_736 = arith.remsi %add3A_240, %select_n3A_735 : i32
        %ne3A_737 = arith.constant 0 : i32
        %ne3A_738 = arith.cmpi ne, %rem3A_736, %ne3A_737 : i32
        %lt3A_739 = arith.constant 0 : i32
        %lt3A_740 = arith.cmpi slt, %rem3A_736, %lt3A_739 : i32
        %lt3A_741 = arith.constant 0 : i32
        %lt3A_742 = arith.cmpi slt, %select_n3A_735, %lt3A_741 : i32
        %ne3A_743 = arith.xori %lt3A_740, %lt3A_742 : i1
        %and3A_744 = arith.andi %ne3A_743, %ne3A_738 : i1
        %add3A_745 = arith.addi %rem3A_736, %select_n3A_735 : i32
        %select_n3A_746 = arith.select %and3A_744, %add3A_745, %rem3A_736 : i32
        %jit3A_747 = arith.constant 4 : i32
        %div3A_748 = arith.divsi %add3A_240, %jit3A_747 : i32
        %sign3A_749 = arith.constant 0 : i32
        %sign3A_750 = arith.cmpi sgt, %add3A_240, %sign3A_749 : i32
        %sign3A_751 = arith.extui %sign3A_750 : i1 to i32
        %sign3A_752 = arith.constant 0 : i32
        %sign3A_753 = arith.cmpi slt, %add3A_240, %sign3A_752 : i32
        %sign3A_754 = arith.extui %sign3A_753 : i1 to i32
        %sign3A_755 = arith.subi %sign3A_751, %sign3A_754 : i32
        %sign3A_756 = arith.constant 0 : i32
        %sign3A_757 = arith.cmpi sgt, %jit3A_747, %sign3A_756 : i32
        %sign3A_758 = arith.extui %sign3A_757 : i1 to i32
        %sign3A_759 = arith.constant 0 : i32
        %sign3A_760 = arith.cmpi slt, %jit3A_747, %sign3A_759 : i32
        %sign3A_761 = arith.extui %sign3A_760 : i1 to i32
        %sign3A_762 = arith.subi %sign3A_758, %sign3A_761 : i32
        %ne3A_763 = arith.cmpi ne, %sign3A_755, %sign3A_762 : i32
        %rem3A_764 = arith.remsi %add3A_240, %jit3A_747 : i32
        %ne3A_765 = arith.constant 0 : i32
        %ne3A_766 = arith.cmpi ne, %rem3A_764, %ne3A_765 : i32
        %and3A_767 = arith.andi %ne3A_763, %ne3A_766 : i1
        %sub3A_768 = arith.constant 1 : i32
        %sub3A_769 = arith.subi %div3A_748, %sub3A_768 : i32
        %select_n3A_770 = arith.select %and3A_767, %sub3A_769, %div3A_748 : i32
        %jit3A_771 = arith.constant 4 : i32
        %eq3A_772 = arith.constant 0 : i32
        %eq3A_773 = arith.cmpi eq, %jit3A_771, %eq3A_772 : i32
        %jit3A_774 = arith.constant 1 : i32
        %select_n3A_775 = arith.select %eq3A_773, %jit3A_774, %jit3A_771 : i32
        %rem3A_776 = arith.remsi %add3A_258, %select_n3A_775 : i32
        %ne3A_777 = arith.constant 0 : i32
        %ne3A_778 = arith.cmpi ne, %rem3A_776, %ne3A_777 : i32
        %lt3A_779 = arith.constant 0 : i32
        %lt3A_780 = arith.cmpi slt, %rem3A_776, %lt3A_779 : i32
        %lt3A_781 = arith.constant 0 : i32
        %lt3A_782 = arith.cmpi slt, %select_n3A_775, %lt3A_781 : i32
        %ne3A_783 = arith.xori %lt3A_780, %lt3A_782 : i1
        %and3A_784 = arith.andi %ne3A_783, %ne3A_778 : i1
        %add3A_785 = arith.addi %rem3A_776, %select_n3A_775 : i32
        %select_n3A_786 = arith.select %and3A_784, %add3A_785, %rem3A_776 : i32
        %jit3A_787 = arith.constant 4 : i32
        %div3A_788 = arith.divsi %add3A_258, %jit3A_787 : i32
        %sign3A_789 = arith.constant 0 : i32
        %sign3A_790 = arith.cmpi sgt, %add3A_258, %sign3A_789 : i32
        %sign3A_791 = arith.extui %sign3A_790 : i1 to i32
        %sign3A_792 = arith.constant 0 : i32
        %sign3A_793 = arith.cmpi slt, %add3A_258, %sign3A_792 : i32
        %sign3A_794 = arith.extui %sign3A_793 : i1 to i32
        %sign3A_795 = arith.subi %sign3A_791, %sign3A_794 : i32
        %sign3A_796 = arith.constant 0 : i32
        %sign3A_797 = arith.cmpi sgt, %jit3A_787, %sign3A_796 : i32
        %sign3A_798 = arith.extui %sign3A_797 : i1 to i32
        %sign3A_799 = arith.constant 0 : i32
        %sign3A_800 = arith.cmpi slt, %jit3A_787, %sign3A_799 : i32
        %sign3A_801 = arith.extui %sign3A_800 : i1 to i32
        %sign3A_802 = arith.subi %sign3A_798, %sign3A_801 : i32
        %ne3A_803 = arith.cmpi ne, %sign3A_795, %sign3A_802 : i32
        %rem3A_804 = arith.remsi %add3A_258, %jit3A_787 : i32
        %ne3A_805 = arith.constant 0 : i32
        %ne3A_806 = arith.cmpi ne, %rem3A_804, %ne3A_805 : i32
        %and3A_807 = arith.andi %ne3A_803, %ne3A_806 : i1
        %sub3A_808 = arith.constant 1 : i32
        %sub3A_809 = arith.subi %div3A_788, %sub3A_808 : i32
        %select_n3A_810 = arith.select %and3A_807, %sub3A_809, %div3A_788 : i32
        %ne3A_811 = arith.cmpi ne, %select_n3A_746, %select_n3A_786 : i32
        %ne3A_812 = arith.cmpi ne, %select_n3A_770, %select_n3A_810 : i32
        %or3A_813 = arith.constant false
        %or3A_814 = arith.ori %or3A_813, %ne3A_811 : i1
        %or3A_815 = arith.ori %or3A_814, %ne3A_812 : i1
        %or3A_816 = arith.constant false
        %or3A_817 = arith.ori %or3A_815, %or3A_816 : i1
        %or3A_818 = arith.ori %or3A_817, %eq3A_239 : i1
        %convert_element_type3A_819 = arith.extui %or3A_818 : i1 to i32
        %cond3A_820 = arith.constant 0 : i32
        %cond3A_821 = arith.cmpi ne, %convert_element_type3A_819, %cond3A_820 : i32
        scf.if %cond3A_821 {
          "tpu.trace_start"() <{level = 10 : i32, message = "ep_copy_out"}> : () -> ()
          %rem3A_1115 = arith.constant 2 : i32
          %rem3A_1116 = arith.remui %scan3A_233, %rem3A_1115 : i32
          %jit3A_1117 = arith.constant 4 : i32
          %eq3A_1118 = arith.constant 0 : i32
          %eq3A_1119 = arith.cmpi eq, %jit3A_1117, %eq3A_1118 : i32
          %jit3A_1120 = arith.constant 1 : i32
          %select_n3A_1121 = arith.select %eq3A_1119, %jit3A_1120, %jit3A_1117 : i32
          %rem3A_1122 = arith.remsi %add3A_240, %select_n3A_1121 : i32
          %ne3A_1123 = arith.constant 0 : i32
          %ne3A_1124 = arith.cmpi ne, %rem3A_1122, %ne3A_1123 : i32
          %lt3A_1125 = arith.constant 0 : i32
          %lt3A_1126 = arith.cmpi slt, %rem3A_1122, %lt3A_1125 : i32
          %lt3A_1127 = arith.constant 0 : i32
          %lt3A_1128 = arith.cmpi slt, %select_n3A_1121, %lt3A_1127 : i32
          %ne3A_1129 = arith.xori %lt3A_1126, %lt3A_1128 : i1
          %and3A_1130 = arith.andi %ne3A_1129, %ne3A_1124 : i1
          %add3A_1131 = arith.addi %rem3A_1122, %select_n3A_1121 : i32
          %select_n3A_1132 = arith.select %and3A_1130, %add3A_1131, %rem3A_1122 : i32
          %jit3A_1133 = arith.constant 4 : i32
          %div3A_1134 = arith.divsi %add3A_240, %jit3A_1133 : i32
          %sign3A_1135 = arith.constant 0 : i32
          %sign3A_1136 = arith.cmpi sgt, %add3A_240, %sign3A_1135 : i32
          %sign3A_1137 = arith.extui %sign3A_1136 : i1 to i32
          %sign3A_1138 = arith.constant 0 : i32
          %sign3A_1139 = arith.cmpi slt, %add3A_240, %sign3A_1138 : i32
          %sign3A_1140 = arith.extui %sign3A_1139 : i1 to i32
          %sign3A_1141 = arith.subi %sign3A_1137, %sign3A_1140 : i32
          %sign3A_1142 = arith.constant 0 : i32
          %sign3A_1143 = arith.cmpi sgt, %jit3A_1133, %sign3A_1142 : i32
          %sign3A_1144 = arith.extui %sign3A_1143 : i1 to i32
          %sign3A_1145 = arith.constant 0 : i32
          %sign3A_1146 = arith.cmpi slt, %jit3A_1133, %sign3A_1145 : i32
          %sign3A_1147 = arith.extui %sign3A_1146 : i1 to i32
          %sign3A_1148 = arith.subi %sign3A_1144, %sign3A_1147 : i32
          %ne3A_1149 = arith.cmpi ne, %sign3A_1141, %sign3A_1148 : i32
          %rem3A_1150 = arith.remsi %add3A_240, %jit3A_1133 : i32
          %ne3A_1151 = arith.constant 0 : i32
          %ne3A_1152 = arith.cmpi ne, %rem3A_1150, %ne3A_1151 : i32
          %and3A_1153 = arith.andi %ne3A_1149, %ne3A_1152 : i1
          %sub3A_1154 = arith.constant 1 : i32
          %sub3A_1155 = arith.subi %div3A_1134, %sub3A_1154 : i32
          %select_n3A_1156 = arith.select %and3A_1153, %sub3A_1155, %div3A_1134 : i32
          %mul3A_1157 = arith.constant 1024 : i32
          %mul3A_1158 = arith.muli %mul3A_1157, %select_n3A_1132 : i32
          %mul3A_1159 = arith.constant 1 : i32
          %mul3A_1160 = arith.muli %mul3A_1159, %select_n3A_1156 : i32
          %dma_start3A_1161 = arith.constant 0 : i32
          %dma_start3A_1162 = arith.constant 0 : i32
          %dma_start3A_1163 = arith.constant 0 : i32
          %dma_start3A_1164 = tpu.memref_slice %run_scoped3A_35[%rem3A_1116, %dma_start3A_1161, %dma_start3A_1162, %dma_start3A_1163] : memref<2x1024x1x32xf32, #tpu.memory_space<vmem>> -> memref<1x1024x1x32xf32, #tpu.memory_space<vmem>>
          %dma_start3A_1165 = tpu.memref_squeeze %dma_start3A_1164 : memref<1x1024x1x32xf32, #tpu.memory_space<vmem>> -> memref<1024x1x32xf32, #tpu.memory_space<vmem>>
          %dma_start3A_1166 = arith.constant 96 : i32
          %dma_start3A_1167 = tpu.memref_slice %arg7[%mul3A_1158, %mul3A_1160, %dma_start3A_1166] : memref<4096x200x128xf32, #tpu.memory_space<hbm>> -> memref<1024x1x32xf32, #tpu.memory_space<hbm>>
          %dma_start3A_1168 = tpu.memref_slice %run_scoped3A_36[%rem3A_1116] : memref<2x!tpu.dma_semaphore, #tpu.memory_space<semaphore_mem>> -> memref<1x!tpu.dma_semaphore, #tpu.memory_space<semaphore_mem>>
          %dma_start3A_1169 = tpu.memref_squeeze %dma_start3A_1168 : memref<1x!tpu.dma_semaphore, #tpu.memory_space<semaphore_mem>> -> memref<!tpu.dma_semaphore, #tpu.memory_space<semaphore_mem>>
          %dma_start3A_1170 = arith.constant 96 : i32
          %dma_start3A_1171 = tpu.memref_slice %arg7[%mul3A_1158, %mul3A_1160, %dma_start3A_1170] : memref<4096x200x128xf32, #tpu.memory_space<hbm>> -> memref<1024x1x32xf32, #tpu.memory_space<hbm>>
          %dma_start3A_1172 = arith.constant 0 : i32
          %dma_start3A_1173 = arith.constant 0 : i32
          %dma_start3A_1174 = arith.constant 0 : i32
          %dma_start3A_1175 = tpu.memref_slice %run_scoped3A_35[%rem3A_1116, %dma_start3A_1172, %dma_start3A_1173, %dma_start3A_1174] : memref<2x1024x1x32xf32, #tpu.memory_space<vmem>> -> memref<1x1024x1x32xf32, #tpu.memory_space<vmem>>
          %dma_start3A_1176 = tpu.memref_squeeze %dma_start3A_1175 : memref<1x1024x1x32xf32, #tpu.memory_space<vmem>> -> memref<1024x1x32xf32, #tpu.memory_space<vmem>>
          tpu.enqueue_dma source(%dma_start3A_1176 : memref<1024x1x32xf32, #tpu.memory_space<vmem>>) target(%dma_start3A_1171 : memref<1024x1x32xf32, #tpu.memory_space<hbm>>) target_semaphore(%dma_start3A_1169 : memref<!tpu.dma_semaphore, #tpu.memory_space<semaphore_mem>>)
          "tpu.trace_stop"() : () -> ()
        } else {
        }
        %and3A_822 = arith.constant true
        %and3A_823 = arith.andi %or3A_818, %and3A_822 : i1
        %add3A_824 = arith.constant 1 : i32
        %add3A_825 = arith.addi %scan3A_233, %add3A_824 : i32
        %select_n3A_826 = arith.select %and3A_823, %add3A_825, %scan3A_233 : i32
        %jit3A_827 = arith.constant 4 : i32
        %div3A_828 = arith.divsi %add3A_240, %jit3A_827 : i32
        %sign3A_829 = arith.constant 0 : i32
        %sign3A_830 = arith.cmpi sgt, %add3A_240, %sign3A_829 : i32
        %sign3A_831 = arith.extui %sign3A_830 : i1 to i32
        %sign3A_832 = arith.constant 0 : i32
        %sign3A_833 = arith.cmpi slt, %add3A_240, %sign3A_832 : i32
        %sign3A_834 = arith.extui %sign3A_833 : i1 to i32
        %sign3A_835 = arith.subi %sign3A_831, %sign3A_834 : i32
        %sign3A_836 = arith.constant 0 : i32
        %sign3A_837 = arith.cmpi sgt, %jit3A_827, %sign3A_836 : i32
        %sign3A_838 = arith.extui %sign3A_837 : i1 to i32
        %sign3A_839 = arith.constant 0 : i32
        %sign3A_840 = arith.cmpi slt, %jit3A_827, %sign3A_839 : i32
        %sign3A_841 = arith.extui %sign3A_840 : i1 to i32
        %sign3A_842 = arith.subi %sign3A_838, %sign3A_841 : i32
        %ne3A_843 = arith.cmpi ne, %sign3A_835, %sign3A_842 : i32
        %rem3A_844 = arith.remsi %add3A_240, %jit3A_827 : i32
        %ne3A_845 = arith.constant 0 : i32
        %ne3A_846 = arith.cmpi ne, %rem3A_844, %ne3A_845 : i32
        %and3A_847 = arith.andi %ne3A_843, %ne3A_846 : i1
        %sub3A_848 = arith.constant 1 : i32
        %sub3A_849 = arith.subi %div3A_828, %sub3A_848 : i32
        %select_n3A_850 = arith.select %and3A_847, %sub3A_849, %div3A_828 : i32
        %jit3A_851 = arith.constant 4 : i32
        %eq3A_852 = arith.constant 0 : i32
        %eq3A_853 = arith.cmpi eq, %jit3A_851, %eq3A_852 : i32
        %jit3A_854 = arith.constant 1 : i32
        %select_n3A_855 = arith.select %eq3A_853, %jit3A_854, %jit3A_851 : i32
        %rem3A_856 = arith.remsi %add3A_240, %select_n3A_855 : i32
        %ne3A_857 = arith.constant 0 : i32
        %ne3A_858 = arith.cmpi ne, %rem3A_856, %ne3A_857 : i32
        %lt3A_859 = arith.constant 0 : i32
        %lt3A_860 = arith.cmpi slt, %rem3A_856, %lt3A_859 : i32
        %lt3A_861 = arith.constant 0 : i32
        %lt3A_862 = arith.cmpi slt, %select_n3A_855, %lt3A_861 : i32
        %ne3A_863 = arith.xori %lt3A_860, %lt3A_862 : i1
        %and3A_864 = arith.andi %ne3A_863, %ne3A_858 : i1
        %add3A_865 = arith.addi %rem3A_856, %select_n3A_855 : i32
        %select_n3A_866 = arith.select %and3A_864, %add3A_865, %rem3A_856 : i32
        %jit3A_867 = arith.constant 4 : i32
        %div3A_868 = arith.divsi %add3A_249, %jit3A_867 : i32
        %sign3A_869 = arith.constant 0 : i32
        %sign3A_870 = arith.cmpi sgt, %add3A_249, %sign3A_869 : i32
        %sign3A_871 = arith.extui %sign3A_870 : i1 to i32
        %sign3A_872 = arith.constant 0 : i32
        %sign3A_873 = arith.cmpi slt, %add3A_249, %sign3A_872 : i32
        %sign3A_874 = arith.extui %sign3A_873 : i1 to i32
        %sign3A_875 = arith.subi %sign3A_871, %sign3A_874 : i32
        %sign3A_876 = arith.constant 0 : i32
        %sign3A_877 = arith.cmpi sgt, %jit3A_867, %sign3A_876 : i32
        %sign3A_878 = arith.extui %sign3A_877 : i1 to i32
        %sign3A_879 = arith.constant 0 : i32
        %sign3A_880 = arith.cmpi slt, %jit3A_867, %sign3A_879 : i32
        %sign3A_881 = arith.extui %sign3A_880 : i1 to i32
        %sign3A_882 = arith.subi %sign3A_878, %sign3A_881 : i32
        %ne3A_883 = arith.cmpi ne, %sign3A_875, %sign3A_882 : i32
        %rem3A_884 = arith.remsi %add3A_249, %jit3A_867 : i32
        %ne3A_885 = arith.constant 0 : i32
        %ne3A_886 = arith.cmpi ne, %rem3A_884, %ne3A_885 : i32
        %and3A_887 = arith.andi %ne3A_883, %ne3A_886 : i1
        %sub3A_888 = arith.constant 1 : i32
        %sub3A_889 = arith.subi %div3A_868, %sub3A_888 : i32
        %select_n3A_890 = arith.select %and3A_887, %sub3A_889, %div3A_868 : i32
        %jit3A_891 = arith.constant 4 : i32
        %eq3A_892 = arith.constant 0 : i32
        %eq3A_893 = arith.cmpi eq, %jit3A_891, %eq3A_892 : i32
        %jit3A_894 = arith.constant 1 : i32
        %select_n3A_895 = arith.select %eq3A_893, %jit3A_894, %jit3A_891 : i32
        %rem3A_896 = arith.remsi %add3A_249, %select_n3A_895 : i32
        %ne3A_897 = arith.constant 0 : i32
        %ne3A_898 = arith.cmpi ne, %rem3A_896, %ne3A_897 : i32
        %lt3A_899 = arith.constant 0 : i32
        %lt3A_900 = arith.cmpi slt, %rem3A_896, %lt3A_899 : i32
        %lt3A_901 = arith.constant 0 : i32
        %lt3A_902 = arith.cmpi slt, %select_n3A_895, %lt3A_901 : i32
        %ne3A_903 = arith.xori %lt3A_900, %lt3A_902 : i1
        %and3A_904 = arith.andi %ne3A_903, %ne3A_898 : i1
        %add3A_905 = arith.addi %rem3A_896, %select_n3A_895 : i32
        %select_n3A_906 = arith.select %and3A_904, %add3A_905, %rem3A_896 : i32
        %ne3A_907 = arith.cmpi ne, %select_n3A_850, %select_n3A_890 : i32
        %ne3A_908 = arith.cmpi ne, %select_n3A_866, %select_n3A_906 : i32
        %or3A_909 = arith.constant false
        %or3A_910 = arith.ori %or3A_909, %ne3A_907 : i1
        %or3A_911 = arith.ori %or3A_910, %ne3A_908 : i1
        %not3A_912 = arith.constant true
        %not3A_913 = arith.xori %eq3A_237, %not3A_912 : i1
        %and3A_914 = arith.andi %or3A_911, %not3A_913 : i1
        %convert_element_type3A_915 = arith.extui %and3A_914 : i1 to i32
        %cond3A_916 = arith.constant 0 : i32
        %cond3A_917 = arith.cmpi ne, %convert_element_type3A_915, %cond3A_916 : i32
        scf.if %cond3A_917 {
        } else {
        }
        %and3A_918 = arith.constant false
        %and3A_919 = arith.andi %and3A_914, %and3A_918 : i1
        %jit3A_920 = arith.constant 4 : i32
        %eq3A_921 = arith.constant 0 : i32
        %eq3A_922 = arith.cmpi eq, %jit3A_920, %eq3A_921 : i32
        %jit3A_923 = arith.constant 1 : i32
        %select_n3A_924 = arith.select %eq3A_922, %jit3A_923, %jit3A_920 : i32
        %rem3A_925 = arith.remsi %add3A_240, %select_n3A_924 : i32
        %ne3A_926 = arith.constant 0 : i32
        %ne3A_927 = arith.cmpi ne, %rem3A_925, %ne3A_926 : i32
        %lt3A_928 = arith.constant 0 : i32
        %lt3A_929 = arith.cmpi slt, %rem3A_925, %lt3A_928 : i32
        %lt3A_930 = arith.constant 0 : i32
        %lt3A_931 = arith.cmpi slt, %select_n3A_924, %lt3A_930 : i32
        %ne3A_932 = arith.xori %lt3A_929, %lt3A_931 : i1
        %and3A_933 = arith.andi %ne3A_932, %ne3A_927 : i1
        %add3A_934 = arith.addi %rem3A_925, %select_n3A_924 : i32
        %select_n3A_935 = arith.select %and3A_933, %add3A_934, %rem3A_925 : i32
        %jit3A_936 = arith.constant 4 : i32
        %div3A_937 = arith.divsi %add3A_240, %jit3A_936 : i32
        %sign3A_938 = arith.constant 0 : i32
        %sign3A_939 = arith.cmpi sgt, %add3A_240, %sign3A_938 : i32
        %sign3A_940 = arith.extui %sign3A_939 : i1 to i32
        %sign3A_941 = arith.constant 0 : i32
        %sign3A_942 = arith.cmpi slt, %add3A_240, %sign3A_941 : i32
        %sign3A_943 = arith.extui %sign3A_942 : i1 to i32
        %sign3A_944 = arith.subi %sign3A_940, %sign3A_943 : i32
        %sign3A_945 = arith.constant 0 : i32
        %sign3A_946 = arith.cmpi sgt, %jit3A_936, %sign3A_945 : i32
        %sign3A_947 = arith.extui %sign3A_946 : i1 to i32
        %sign3A_948 = arith.constant 0 : i32
        %sign3A_949 = arith.cmpi slt, %jit3A_936, %sign3A_948 : i32
        %sign3A_950 = arith.extui %sign3A_949 : i1 to i32
        %sign3A_951 = arith.subi %sign3A_947, %sign3A_950 : i32
        %ne3A_952 = arith.cmpi ne, %sign3A_944, %sign3A_951 : i32
        %rem3A_953 = arith.remsi %add3A_240, %jit3A_936 : i32
        %ne3A_954 = arith.constant 0 : i32
        %ne3A_955 = arith.cmpi ne, %rem3A_953, %ne3A_954 : i32
        %and3A_956 = arith.andi %ne3A_952, %ne3A_955 : i1
        %sub3A_957 = arith.constant 1 : i32
        %sub3A_958 = arith.subi %div3A_937, %sub3A_957 : i32
        %select_n3A_959 = arith.select %and3A_956, %sub3A_958, %div3A_937 : i32
        %jit3A_960 = arith.constant 4 : i32
        %eq3A_961 = arith.constant 0 : i32
        %eq3A_962 = arith.cmpi eq, %jit3A_960, %eq3A_961 : i32
        %jit3A_963 = arith.constant 1 : i32
        %select_n3A_964 = arith.select %eq3A_962, %jit3A_963, %jit3A_960 : i32
        %rem3A_965 = arith.remsi %add3A_249, %select_n3A_964 : i32
        %ne3A_966 = arith.constant 0 : i32
        %ne3A_967 = arith.cmpi ne, %rem3A_965, %ne3A_966 : i32
        %lt3A_968 = arith.constant 0 : i32
        %lt3A_969 = arith.cmpi slt, %rem3A_965, %lt3A_968 : i32
        %lt3A_970 = arith.constant 0 : i32
        %lt3A_971 = arith.cmpi slt, %select_n3A_964, %lt3A_970 : i32
        %ne3A_972 = arith.xori %lt3A_969, %lt3A_971 : i1
        %and3A_973 = arith.andi %ne3A_972, %ne3A_967 : i1
        %add3A_974 = arith.addi %rem3A_965, %select_n3A_964 : i32
        %select_n3A_975 = arith.select %and3A_973, %add3A_974, %rem3A_965 : i32
        %jit3A_976 = arith.constant 4 : i32
        %div3A_977 = arith.divsi %add3A_249, %jit3A_976 : i32
        %sign3A_978 = arith.constant 0 : i32
        %sign3A_979 = arith.cmpi sgt, %add3A_249, %sign3A_978 : i32
        %sign3A_980 = arith.extui %sign3A_979 : i1 to i32
        %sign3A_981 = arith.constant 0 : i32
        %sign3A_982 = arith.cmpi slt, %add3A_249, %sign3A_981 : i32
        %sign3A_983 = arith.extui %sign3A_982 : i1 to i32
        %sign3A_984 = arith.subi %sign3A_980, %sign3A_983 : i32
        %sign3A_985 = arith.constant 0 : i32
        %sign3A_986 = arith.cmpi sgt, %jit3A_976, %sign3A_985 : i32
        %sign3A_987 = arith.extui %sign3A_986 : i1 to i32
        %sign3A_988 = arith.constant 0 : i32
        %sign3A_989 = arith.cmpi slt, %jit3A_976, %sign3A_988 : i32
        %sign3A_990 = arith.extui %sign3A_989 : i1 to i32
        %sign3A_991 = arith.subi %sign3A_987, %sign3A_990 : i32
        %ne3A_992 = arith.cmpi ne, %sign3A_984, %sign3A_991 : i32
        %rem3A_993 = arith.remsi %add3A_249, %jit3A_976 : i32
        %ne3A_994 = arith.constant 0 : i32
        %ne3A_995 = arith.cmpi ne, %rem3A_993, %ne3A_994 : i32
        %and3A_996 = arith.andi %ne3A_992, %ne3A_995 : i1
        %sub3A_997 = arith.constant 1 : i32
        %sub3A_998 = arith.subi %div3A_977, %sub3A_997 : i32
        %select_n3A_999 = arith.select %and3A_996, %sub3A_998, %div3A_977 : i32
        %ne3A_1000 = arith.cmpi ne, %select_n3A_935, %select_n3A_975 : i32
        %ne3A_1001 = arith.cmpi ne, %select_n3A_959, %select_n3A_999 : i32
        %or3A_1002 = arith.constant false
        %or3A_1003 = arith.ori %or3A_1002, %ne3A_1000 : i1
        %or3A_1004 = arith.ori %or3A_1003, %ne3A_1001 : i1
        %or3A_1005 = arith.constant false
        %or3A_1006 = arith.ori %or3A_1004, %or3A_1005 : i1
        %not3A_1007 = arith.constant true
        %not3A_1008 = arith.xori %eq3A_237, %not3A_1007 : i1
        %and3A_1009 = arith.andi %or3A_1006, %not3A_1008 : i1
        %convert_element_type3A_1010 = arith.extui %and3A_1009 : i1 to i32
        %cond3A_1011 = arith.constant 0 : i32
        %cond3A_1012 = arith.cmpi ne, %convert_element_type3A_1010, %cond3A_1011 : i32
        scf.if %cond3A_1012 {
          "tpu.trace_start"() <{level = 10 : i32, message = "ep_wait_out"}> : () -> ()
          %rem3A_1115 = arith.constant 2 : i32
          %rem3A_1116 = arith.remui %scan3A_234, %rem3A_1115 : i32
          %jit3A_1117 = arith.constant 4 : i32
          %eq3A_1118 = arith.constant 0 : i32
          %eq3A_1119 = arith.cmpi eq, %jit3A_1117, %eq3A_1118 : i32
          %jit3A_1120 = arith.constant 1 : i32
          %select_n3A_1121 = arith.select %eq3A_1119, %jit3A_1120, %jit3A_1117 : i32
          %rem3A_1122 = arith.remsi %add3A_249, %select_n3A_1121 : i32
          %ne3A_1123 = arith.constant 0 : i32
          %ne3A_1124 = arith.cmpi ne, %rem3A_1122, %ne3A_1123 : i32
          %lt3A_1125 = arith.constant 0 : i32
          %lt3A_1126 = arith.cmpi slt, %rem3A_1122, %lt3A_1125 : i32
          %lt3A_1127 = arith.constant 0 : i32
          %lt3A_1128 = arith.cmpi slt, %select_n3A_1121, %lt3A_1127 : i32
          %ne3A_1129 = arith.xori %lt3A_1126, %lt3A_1128 : i1
          %and3A_1130 = arith.andi %ne3A_1129, %ne3A_1124 : i1
          %add3A_1131 = arith.addi %rem3A_1122, %select_n3A_1121 : i32
          %select_n3A_1132 = arith.select %and3A_1130, %add3A_1131, %rem3A_1122 : i32
          %jit3A_1133 = arith.constant 4 : i32
          %div3A_1134 = arith.divsi %add3A_249, %jit3A_1133 : i32
          %sign3A_1135 = arith.constant 0 : i32
          %sign3A_1136 = arith.cmpi sgt, %add3A_249, %sign3A_1135 : i32
          %sign3A_1137 = arith.extui %sign3A_1136 : i1 to i32
          %sign3A_1138 = arith.constant 0 : i32
          %sign3A_1139 = arith.cmpi slt, %add3A_249, %sign3A_1138 : i32
          %sign3A_1140 = arith.extui %sign3A_1139 : i1 to i32
          %sign3A_1141 = arith.subi %sign3A_1137, %sign3A_1140 : i32
          %sign3A_1142 = arith.constant 0 : i32
          %sign3A_1143 = arith.cmpi sgt, %jit3A_1133, %sign3A_1142 : i32
          %sign3A_1144 = arith.extui %sign3A_1143 : i1 to i32
          %sign3A_1145 = arith.constant 0 : i32
          %sign3A_1146 = arith.cmpi slt, %jit3A_1133, %sign3A_1145 : i32
          %sign3A_1147 = arith.extui %sign3A_1146 : i1 to i32
          %sign3A_1148 = arith.subi %sign3A_1144, %sign3A_1147 : i32
          %ne3A_1149 = arith.cmpi ne, %sign3A_1141, %sign3A_1148 : i32
          %rem3A_1150 = arith.remsi %add3A_249, %jit3A_1133 : i32
          %ne3A_1151 = arith.constant 0 : i32
          %ne3A_1152 = arith.cmpi ne, %rem3A_1150, %ne3A_1151 : i32
          %and3A_1153 = arith.andi %ne3A_1149, %ne3A_1152 : i1
          %sub3A_1154 = arith.constant 1 : i32
          %sub3A_1155 = arith.subi %div3A_1134, %sub3A_1154 : i32
          %select_n3A_1156 = arith.select %and3A_1153, %sub3A_1155, %div3A_1134 : i32
          %mul3A_1157 = arith.constant 1024 : i32
          %mul3A_1158 = arith.muli %mul3A_1157, %select_n3A_1132 : i32
          %mul3A_1159 = arith.constant 1 : i32
          %mul3A_1160 = arith.muli %mul3A_1159, %select_n3A_1156 : i32
          %dma_wait3A_1161 = arith.constant 0 : i32
          %dma_wait3A_1162 = arith.constant 0 : i32
          %dma_wait3A_1163 = arith.constant 0 : i32
          %dma_wait3A_1164 = tpu.memref_slice %run_scoped3A_35[%rem3A_1116, %dma_wait3A_1161, %dma_wait3A_1162, %dma_wait3A_1163] : memref<2x1024x1x32xf32, #tpu.memory_space<vmem>> -> memref<1x1024x1x32xf32, #tpu.memory_space<vmem>>
          %dma_wait3A_1165 = tpu.memref_squeeze %dma_wait3A_1164 : memref<1x1024x1x32xf32, #tpu.memory_space<vmem>> -> memref<1024x1x32xf32, #tpu.memory_space<vmem>>
          %dma_wait3A_1166 = arith.constant 96 : i32
          %dma_wait3A_1167 = tpu.memref_slice %arg7[%mul3A_1158, %mul3A_1160, %dma_wait3A_1166] : memref<4096x200x128xf32, #tpu.memory_space<hbm>> -> memref<1024x1x32xf32, #tpu.memory_space<hbm>>
          %dma_wait3A_1168 = tpu.memref_slice %run_scoped3A_36[%rem3A_1116] : memref<2x!tpu.dma_semaphore, #tpu.memory_space<semaphore_mem>> -> memref<1x!tpu.dma_semaphore, #tpu.memory_space<semaphore_mem>>
          %dma_wait3A_1169 = tpu.memref_squeeze %dma_wait3A_1168 : memref<1x!tpu.dma_semaphore, #tpu.memory_space<semaphore_mem>> -> memref<!tpu.dma_semaphore, #tpu.memory_space<semaphore_mem>>
          %dma_wait3A_1170 = arith.constant 96 : i32
          %dma_wait3A_1171 = tpu.memref_slice %arg7[%mul3A_1158, %mul3A_1160, %dma_wait3A_1170] : memref<4096x200x128xf32, #tpu.memory_space<hbm>> -> memref<1024x1x32xf32, #tpu.memory_space<hbm>>
          %dma_wait3A_1172 = arith.constant 0 : i32
          %dma_wait3A_1173 = arith.constant 0 : i32
          %dma_wait3A_1174 = arith.constant 0 : i32
          %dma_wait3A_1175 = tpu.memref_slice %run_scoped3A_35[%rem3A_1116, %dma_wait3A_1172, %dma_wait3A_1173, %dma_wait3A_1174] : memref<2x1024x1x32xf32, #tpu.memory_space<vmem>> -> memref<1x1024x1x32xf32, #tpu.memory_space<vmem>>
          %dma_wait3A_1176 = tpu.memref_squeeze %dma_wait3A_1175 : memref<1x1024x1x32xf32, #tpu.memory_space<vmem>> -> memref<1024x1x32xf32, #tpu.memory_space<vmem>>
          tpu.wait_dma2 semaphore(%dma_wait3A_1169 : memref<!tpu.dma_semaphore, #tpu.memory_space<semaphore_mem>>) src(%dma_wait3A_1176 : memref<1024x1x32xf32, #tpu.memory_space<vmem>>) dst(%dma_wait3A_1171 : memref<1024x1x32xf32, #tpu.memory_space<hbm>>)
          "tpu.trace_stop"() : () -> ()
        } else {
        }
        %and3A_1013 = arith.constant true
        %and3A_1014 = arith.andi %and3A_1009, %and3A_1013 : i1
        %add3A_1015 = arith.constant 1 : i32
        %add3A_1016 = arith.addi %scan3A_234, %add3A_1015 : i32
        %select_n3A_1017 = arith.select %and3A_1014, %add3A_1016, %scan3A_234 : i32
        %jit3A_1018 = arith.constant 4 : i32
        %div3A_1019 = arith.divsi %add3A_240, %jit3A_1018 : i32
        %sign3A_1020 = arith.constant 0 : i32
        %sign3A_1021 = arith.cmpi sgt, %add3A_240, %sign3A_1020 : i32
        %sign3A_1022 = arith.extui %sign3A_1021 : i1 to i32
        %sign3A_1023 = arith.constant 0 : i32
        %sign3A_1024 = arith.cmpi slt, %add3A_240, %sign3A_1023 : i32
        %sign3A_1025 = arith.extui %sign3A_1024 : i1 to i32
        %sign3A_1026 = arith.subi %sign3A_1022, %sign3A_1025 : i32
        %sign3A_1027 = arith.constant 0 : i32
        %sign3A_1028 = arith.cmpi sgt, %jit3A_1018, %sign3A_1027 : i32
        %sign3A_1029 = arith.extui %sign3A_1028 : i1 to i32
        %sign3A_1030 = arith.constant 0 : i32
        %sign3A_1031 = arith.cmpi slt, %jit3A_1018, %sign3A_1030 : i32
        %sign3A_1032 = arith.extui %sign3A_1031 : i1 to i32
        %sign3A_1033 = arith.subi %sign3A_1029, %sign3A_1032 : i32
        %ne3A_1034 = arith.cmpi ne, %sign3A_1026, %sign3A_1033 : i32
        %rem3A_1035 = arith.remsi %add3A_240, %jit3A_1018 : i32
        %ne3A_1036 = arith.constant 0 : i32
        %ne3A_1037 = arith.cmpi ne, %rem3A_1035, %ne3A_1036 : i32
        %and3A_1038 = arith.andi %ne3A_1034, %ne3A_1037 : i1
        %sub3A_1039 = arith.constant 1 : i32
        %sub3A_1040 = arith.subi %div3A_1019, %sub3A_1039 : i32
        %select_n3A_1041 = arith.select %and3A_1038, %sub3A_1040, %div3A_1019 : i32
        %jit3A_1042 = arith.constant 4 : i32
        %eq3A_1043 = arith.constant 0 : i32
        %eq3A_1044 = arith.cmpi eq, %jit3A_1042, %eq3A_1043 : i32
        %jit3A_1045 = arith.constant 1 : i32
        %select_n3A_1046 = arith.select %eq3A_1044, %jit3A_1045, %jit3A_1042 : i32
        %rem3A_1047 = arith.remsi %add3A_240, %select_n3A_1046 : i32
        %ne3A_1048 = arith.constant 0 : i32
        %ne3A_1049 = arith.cmpi ne, %rem3A_1047, %ne3A_1048 : i32
        %lt3A_1050 = arith.constant 0 : i32
        %lt3A_1051 = arith.cmpi slt, %rem3A_1047, %lt3A_1050 : i32
        %lt3A_1052 = arith.constant 0 : i32
        %lt3A_1053 = arith.cmpi slt, %select_n3A_1046, %lt3A_1052 : i32
        %ne3A_1054 = arith.xori %lt3A_1051, %lt3A_1053 : i1
        %and3A_1055 = arith.andi %ne3A_1054, %ne3A_1049 : i1
        %add3A_1056 = arith.addi %rem3A_1047, %select_n3A_1046 : i32
        %select_n3A_1057 = arith.select %and3A_1055, %add3A_1056, %rem3A_1047 : i32
        %jit3A_1058 = arith.constant 4 : i32
        %div3A_1059 = arith.divsi %add3A_258, %jit3A_1058 : i32
        %sign3A_1060 = arith.constant 0 : i32
        %sign3A_1061 = arith.cmpi sgt, %add3A_258, %sign3A_1060 : i32
        %sign3A_1062 = arith.extui %sign3A_1061 : i1 to i32
        %sign3A_1063 = arith.constant 0 : i32
        %sign3A_1064 = arith.cmpi slt, %add3A_258, %sign3A_1063 : i32
        %sign3A_1065 = arith.extui %sign3A_1064 : i1 to i32
        %sign3A_1066 = arith.subi %sign3A_1062, %sign3A_1065 : i32
        %sign3A_1067 = arith.constant 0 : i32
        %sign3A_1068 = arith.cmpi sgt, %jit3A_1058, %sign3A_1067 : i32
        %sign3A_1069 = arith.extui %sign3A_1068 : i1 to i32
        %sign3A_1070 = arith.constant 0 : i32
        %sign3A_1071 = arith.cmpi slt, %jit3A_1058, %sign3A_1070 : i32
        %sign3A_1072 = arith.extui %sign3A_1071 : i1 to i32
        %sign3A_1073 = arith.subi %sign3A_1069, %sign3A_1072 : i32
        %ne3A_1074 = arith.cmpi ne, %sign3A_1066, %sign3A_1073 : i32
        %rem3A_1075 = arith.remsi %add3A_258, %jit3A_1058 : i32
        %ne3A_1076 = arith.constant 0 : i32
        %ne3A_1077 = arith.cmpi ne, %rem3A_1075, %ne3A_1076 : i32
        %and3A_1078 = arith.andi %ne3A_1074, %ne3A_1077 : i1
        %sub3A_1079 = arith.constant 1 : i32
        %sub3A_1080 = arith.subi %div3A_1059, %sub3A_1079 : i32
        %select_n3A_1081 = arith.select %and3A_1078, %sub3A_1080, %div3A_1059 : i32
        %jit3A_1082 = arith.constant 4 : i32
        %eq3A_1083 = arith.constant 0 : i32
        %eq3A_1084 = arith.cmpi eq, %jit3A_1082, %eq3A_1083 : i32
        %jit3A_1085 = arith.constant 1 : i32
        %select_n3A_1086 = arith.select %eq3A_1084, %jit3A_1085, %jit3A_1082 : i32
        %rem3A_1087 = arith.remsi %add3A_258, %select_n3A_1086 : i32
        %ne3A_1088 = arith.constant 0 : i32
        %ne3A_1089 = arith.cmpi ne, %rem3A_1087, %ne3A_1088 : i32
        %lt3A_1090 = arith.constant 0 : i32
        %lt3A_1091 = arith.cmpi slt, %rem3A_1087, %lt3A_1090 : i32
        %lt3A_1092 = arith.constant 0 : i32
        %lt3A_1093 = arith.cmpi slt, %select_n3A_1086, %lt3A_1092 : i32
        %ne3A_1094 = arith.xori %lt3A_1091, %lt3A_1093 : i1
        %and3A_1095 = arith.andi %ne3A_1094, %ne3A_1089 : i1
        %add3A_1096 = arith.addi %rem3A_1087, %select_n3A_1086 : i32
        %select_n3A_1097 = arith.select %and3A_1095, %add3A_1096, %rem3A_1087 : i32
        %ne3A_1098 = arith.cmpi ne, %select_n3A_1041, %select_n3A_1081 : i32
        %ne3A_1099 = arith.cmpi ne, %select_n3A_1057, %select_n3A_1097 : i32
        %or3A_1100 = arith.constant false
        %or3A_1101 = arith.ori %or3A_1100, %ne3A_1098 : i1
        %or3A_1102 = arith.ori %or3A_1101, %ne3A_1099 : i1
        %or3A_1103 = arith.ori %or3A_1102, %eq3A_239 : i1
        %add3A_1104 = arith.constant 1 : i32
        %add3A_1105 = arith.addi %scan3A_232, %add3A_1104 : i32
        %select_n3A_1106 = arith.select %or3A_1103, %add3A_1105, %scan3A_232 : i32
        %add3A_1107 = arith.constant 1 : i32
        %add3A_1108 = arith.addi %scan3A_235, %add3A_1107 : i32
        %select_n3A_1109 = arith.constant true
        %select_n3A_1110 = arith.select %select_n3A_1109, %add3A_1108, %scan3A_235 : i32
        %eq3A_1111 = arith.constant 25 : i32
        %eq3A_1112 = arith.cmpi eq, %select_n3A_1110, %eq3A_1111 : i32
        %select_n3A_1113 = arith.constant 0 : i32
        %select_n3A_1114 = arith.select %eq3A_1112, %select_n3A_1113, %select_n3A_1110 : i32
        scf.yield %select_n3A_360, %select_n3A_1106, %select_n3A_826, %select_n3A_1017, %select_n3A_1114 : i32, i32, i32, i32, i32
      }
      %scan3A_132 = arith.constant 25 : i32
      %sub3A_133 = arith.constant 1 : i32
      %sub3A_134 = arith.subi %scan3A_131#4, %sub3A_133 : i32
      %select_n3A_135 = arith.constant true
      %select_n3A_136 = arith.select %select_n3A_135, %sub3A_134, %scan3A_131#4 : i32
      %eq3A_137 = arith.constant -1 : i32
      %eq3A_138 = arith.cmpi eq, %select_n3A_136, %eq3A_137 : i32
      %select_n3A_139 = arith.constant 24 : i32
      %select_n3A_140 = arith.select %eq3A_138, %select_n3A_139, %select_n3A_136 : i32
      %add3A_141 = arith.addi %select_n3A_140, %mul3A_33 : i32
      %sub3A_142 = arith.constant 1 : i32
      %sub3A_143 = arith.subi %select_n3A_140, %sub3A_142 : i32
      %select_n3A_144 = arith.constant true
      %select_n3A_145 = arith.select %select_n3A_144, %sub3A_143, %select_n3A_140 : i32
      %eq3A_146 = arith.constant -1 : i32
      %eq3A_147 = arith.cmpi eq, %select_n3A_145, %eq3A_146 : i32
      %select_n3A_148 = arith.constant 24 : i32
      %select_n3A_149 = arith.select %eq3A_147, %select_n3A_148, %select_n3A_145 : i32
      %add3A_150 = arith.addi %select_n3A_149, %mul3A_33 : i32
      %add3A_151 = arith.constant 1 : i32
      %add3A_152 = arith.addi %select_n3A_140, %add3A_151 : i32
      %select_n3A_153 = arith.constant true
      %select_n3A_154 = arith.select %select_n3A_153, %add3A_152, %select_n3A_140 : i32
      %eq3A_155 = arith.constant 25 : i32
      %eq3A_156 = arith.cmpi eq, %select_n3A_154, %eq3A_155 : i32
      %select_n3A_157 = arith.constant 0 : i32
      %select_n3A_158 = arith.select %eq3A_156, %select_n3A_157, %select_n3A_154 : i32
      %add3A_159 = arith.addi %select_n3A_158, %mul3A_33 : i32
      %add3A_160 = arith.constant 1 : i32
      %add3A_161 = arith.addi %select_n3A_158, %add3A_160 : i32
      %select_n3A_162 = arith.constant true
      %select_n3A_163 = arith.select %select_n3A_162, %add3A_161, %select_n3A_158 : i32
      %eq3A_164 = arith.constant 25 : i32
      %eq3A_165 = arith.cmpi eq, %select_n3A_163, %eq3A_164 : i32
      %select_n3A_166 = arith.constant 0 : i32
      %select_n3A_167 = arith.select %eq3A_165, %select_n3A_166, %select_n3A_163 : i32
      %add3A_168 = arith.addi %select_n3A_167, %mul3A_33 : i32
      "tpu.trace_start"() <{level = 10 : i32, message = "ep_finalize"}> : () -> ()
      %rem3A_169 = arith.constant 2 : i32
      %rem3A_170 = arith.remui %scan3A_131#3, %rem3A_169 : i32
      %jit3A_171 = arith.constant 4 : i32
      %eq3A_172 = arith.constant 0 : i32
      %eq3A_173 = arith.cmpi eq, %jit3A_171, %eq3A_172 : i32
      %jit3A_174 = arith.constant 1 : i32
      %select_n3A_175 = arith.select %eq3A_173, %jit3A_174, %jit3A_171 : i32
      %rem3A_176 = arith.remsi %add3A_141, %select_n3A_175 : i32
      %ne3A_177 = arith.constant 0 : i32
      %ne3A_178 = arith.cmpi ne, %rem3A_176, %ne3A_177 : i32
      %lt3A_179 = arith.constant 0 : i32
      %lt3A_180 = arith.cmpi slt, %rem3A_176, %lt3A_179 : i32
      %lt3A_181 = arith.constant 0 : i32
      %lt3A_182 = arith.cmpi slt, %select_n3A_175, %lt3A_181 : i32
      %ne3A_183 = arith.xori %lt3A_180, %lt3A_182 : i1
      %and3A_184 = arith.andi %ne3A_183, %ne3A_178 : i1
      %add3A_185 = arith.addi %rem3A_176, %select_n3A_175 : i32
      %select_n3A_186 = arith.select %and3A_184, %add3A_185, %rem3A_176 : i32
      %jit3A_187 = arith.constant 4 : i32
      %div3A_188 = arith.divsi %add3A_141, %jit3A_187 : i32
      %sign3A_189 = arith.constant 0 : i32
      %sign3A_190 = arith.cmpi sgt, %add3A_141, %sign3A_189 : i32
      %sign3A_191 = arith.extui %sign3A_190 : i1 to i32
      %sign3A_192 = arith.constant 0 : i32
      %sign3A_193 = arith.cmpi slt, %add3A_141, %sign3A_192 : i32
      %sign3A_194 = arith.extui %sign3A_193 : i1 to i32
      %sign3A_195 = arith.subi %sign3A_191, %sign3A_194 : i32
      %sign3A_196 = arith.constant 0 : i32
      %sign3A_197 = arith.cmpi sgt, %jit3A_187, %sign3A_196 : i32
      %sign3A_198 = arith.extui %sign3A_197 : i1 to i32
      %sign3A_199 = arith.constant 0 : i32
      %sign3A_200 = arith.cmpi slt, %jit3A_187, %sign3A_199 : i32
      %sign3A_201 = arith.extui %sign3A_200 : i1 to i32
      %sign3A_202 = arith.subi %sign3A_198, %sign3A_201 : i32
      %ne3A_203 = arith.cmpi ne, %sign3A_195, %sign3A_202 : i32
      %rem3A_204 = arith.remsi %add3A_141, %jit3A_187 : i32
      %ne3A_205 = arith.constant 0 : i32
      %ne3A_206 = arith.cmpi ne, %rem3A_204, %ne3A_205 : i32
      %and3A_207 = arith.andi %ne3A_203, %ne3A_206 : i1
      %sub3A_208 = arith.constant 1 : i32
      %sub3A_209 = arith.subi %div3A_188, %sub3A_208 : i32
      %select_n3A_210 = arith.select %and3A_207, %sub3A_209, %div3A_188 : i32
      %mul3A_211 = arith.constant 1024 : i32
      %mul3A_212 = arith.muli %mul3A_211, %select_n3A_186 : i32
      %mul3A_213 = arith.constant 1 : i32
      %mul3A_214 = arith.muli %mul3A_213, %select_n3A_210 : i32
      %dma_wait3A = arith.constant 0 : i32
      %dma_wait3A_215 = arith.constant 0 : i32
      %dma_wait3A_216 = arith.constant 0 : i32
      %dma_wait3A_217 = tpu.memref_slice %run_scoped3A_35[%rem3A_170, %dma_wait3A, %dma_wait3A_215, %dma_wait3A_216] : memref<2x1024x1x32xf32, #tpu.memory_space<vmem>> -> memref<1x1024x1x32xf32, #tpu.memory_space<vmem>>
      %dma_wait3A_218 = tpu.memref_squeeze %dma_wait3A_217 : memref<1x1024x1x32xf32, #tpu.memory_space<vmem>> -> memref<1024x1x32xf32, #tpu.memory_space<vmem>>
      %dma_wait3A_219 = arith.constant 96 : i32
      %dma_wait3A_220 = tpu.memref_slice %arg7[%mul3A_212, %mul3A_214, %dma_wait3A_219] : memref<4096x200x128xf32, #tpu.memory_space<hbm>> -> memref<1024x1x32xf32, #tpu.memory_space<hbm>>
      %dma_wait3A_221 = tpu.memref_slice %run_scoped3A_36[%rem3A_170] : memref<2x!tpu.dma_semaphore, #tpu.memory_space<semaphore_mem>> -> memref<1x!tpu.dma_semaphore, #tpu.memory_space<semaphore_mem>>
      %dma_wait3A_222 = tpu.memref_squeeze %dma_wait3A_221 : memref<1x!tpu.dma_semaphore, #tpu.memory_space<semaphore_mem>> -> memref<!tpu.dma_semaphore, #tpu.memory_space<semaphore_mem>>
      %dma_wait3A_223 = arith.constant 96 : i32
      %dma_wait3A_224 = tpu.memref_slice %arg7[%mul3A_212, %mul3A_214, %dma_wait3A_223] : memref<4096x200x128xf32, #tpu.memory_space<hbm>> -> memref<1024x1x32xf32, #tpu.memory_space<hbm>>
      %dma_wait3A_225 = arith.constant 0 : i32
      %dma_wait3A_226 = arith.constant 0 : i32
      %dma_wait3A_227 = arith.constant 0 : i32
      %dma_wait3A_228 = tpu.memref_slice %run_scoped3A_35[%rem3A_170, %dma_wait3A_225, %dma_wait3A_226, %dma_wait3A_227] : memref<2x1024x1x32xf32, #tpu.memory_space<vmem>> -> memref<1x1024x1x32xf32, #tpu.memory_space<vmem>>
      %dma_wait3A_229 = tpu.memref_squeeze %dma_wait3A_228 : memref<1x1024x1x32xf32, #tpu.memory_space<vmem>> -> memref<1024x1x32xf32, #tpu.memory_space<vmem>>
      tpu.wait_dma2 semaphore(%dma_wait3A_222 : memref<!tpu.dma_semaphore, #tpu.memory_space<semaphore_mem>>) src(%dma_wait3A_229 : memref<1024x1x32xf32, #tpu.memory_space<vmem>>) dst(%dma_wait3A_224 : memref<1024x1x32xf32, #tpu.memory_space<hbm>>)
      "tpu.trace_stop"() : () -> ()
      tpu.yield
    }) : () -> ()
    return
  }
}

</mosaic_0001>

<sc_bundles>
// kernel: kernel.3.cloned.1.call-start
scs
__scs_entry_jumppad:
0x0: {  	(pc) =	sbr.rel $0x88, $3  }
0x1: {  	(tag) =	ssettag $0x0;
	lr =	simm.s32 $0x1  }
0x2: {  	[smem:$0x3F9C] =	sst lr;
	_ =	strace $0xD0000000  }
0x3: {  	_ = 	snop  }
0x4: {  	_ = 	snop  }
0x5: {  	_ = 	snop  }
0x6: {  	_ = 	snop  }
0x7: {  	_ = 	snop  }
__scs_overlays_trampoline_lowered:
0x8: {  	[smem:$0x3FAB] =	sst s0  }
0x9: {  	[smem:$0x3FAC] =	sst s1  }
0xa: {  	[smem:$0x3FAD] =	sst s2  }
0xb: {  	[smem:$0x3FAE] =	sst s3  }
0xc: {  	[smem:$0x3FAF] =	sst s4  }
0xd: {  	[smem:$0x3FB0] =	sst s5  }
0xe: {  	[smem:$0x3FB1] =	sst s6  }
0xf: {  	[smem:$0x3FB2] =	sst s7  }
0x10: {  	[smem:$0x3FB3] =	sst s8  }
0x11: {  	[smem:$0x3FB4] =	sst s9;
	s0 =	simm.s32 @!p0 $0x0  }
0x12: {  	s1 =	sld [smem:$0x3F9A];
	s0 =	simm.s32 @p0 $0x1  }
0x13: {  	[smem:$0x3FB5] =	sst s0;
	s0 =	simm.s32 @!p1 $0x0  }
0x14: {  	s2 =	sld [smem:$0x3F99];
	s0 =	simm.s32 @p1 $0x1  }
0x15: {  	[smem:$0x3FB6] =	sst s0;
	s0 =	simm.s32 @!p2 $0x0  }
0x16: {  	s3 =	sld [smem:$0x3FDB];
	s0 =	simm.s32 @p2 $0x1  }
0x17: {  	s4 =	simm.s32 $0x1BF5;
	[smem:$0x3FB8] =	sst s0  }
0x18: {  	s0 =	sld [smem:$0x3F9B];
	_ =	swait.ge [sflag:s4], $0x0  }
0x19: {  	s7 =	sld [smem:$0x3F9C]  }
0x1a: {  	s8 =	sadd.s32 $0xFFFFE003, lr  }
0x1b: {  	s9 =	sadd.s32 $0xFFFFFEF7, lr;
	s5 =	simm.s32 $0xFFFFFFFF;
	p2 =	slt.u32 s8, $0xFFFFF086  }
0x1c: {  	p1 =	slt.u32 s9, $0xF7A;
	s5 =	simm.s32 @!p2 $0x0  }
0x1d: {  	s5 =	simm.s32 @p1 $0x1;
	p0 =	seq.s32 s7, s2  }
0x1e: {  	s7 =	smul.u32 @!p0 $0xF7A, s2;
	p2 =	seq.s32 @!p0 s5, $0x0  }
0x1f: {  	s9 =	smul.u32 $0xF7A, s1;
	s8 =	simm.s32 @!p0 $0x1BF5;
	p2 =	por !p2, p0  }
0x20: {  	[sflag:s8] =	ssyncset.s32 @!p0 $0xFFFFF086;
	s6 =	sadd.s32 @!p0 s3, s7;
	s7 =	simm.s32 @!p0 $0x108  }
0x21: {  	s3 =	sadd.s32 s3, s9;
	s6 =	sadd.s32 @!p0 $0x88, s6;
	s7 =	simm.s32 @p2 $0x1082  }
0x22: {  	[simem:s7], [sflag:s8] =	dma.local @!p0 [hbm:s6], $0xF7A  }
0x23: {  	s9 =	sor.u32 $0xD0000000, s2;
	s6 =	simm.s32 $0x108;
	_ =	swait.ge @!p0 [sflag:s8], $0x0  }
0x24: {  	s3 =	sadd.s32 $0x88, s3;
	s6 =	simm.s32 @!p1 $0x1082;
	[sflag:s4] =	ssyncset.s32 $0xFFFFF086  }
0x25: {  	[simem:s6], [sflag:s4] =	dma.local [hbm:s3], $0xF7A  }
0x26: {  	[smem:$0x3F9C] =	sst s1;
	(tag) =	ssettag s2;
	_ =	strace s9  }
0x27: {  	s1 =	sld [smem:$0x3FAC]  }
0x28: {  	s2 =	sld [smem:$0x3FAD]  }
0x29: {  	s4 =	sld [smem:$0x3FAF]  }
0x2a: {  	p0 =	seq.s32 s5, $0x0;
	s5 =	sld [smem:$0x3FB0]  }
0x2b: {  	s6 =	sld [smem:$0x3FB1]  }
0x2c: {  	s7 =	sld [smem:$0x3FB2]  }
0x2d: {  	s3 =	simm.s32 $0x108;
	s8 =	sld [smem:$0x3FB3]  }
0x2e: {  	s3 =	simm.s32 @!p0 $0x1082;
	s9 =	sld [smem:$0x3FB4]  }
0x2f: {  	lr =	sadd.s32 s0, s3;
	s0 =	sld [smem:$0x3FAB]  }
0x30: {  	s3 =	sld [smem:$0x3FAE]  }
0x31: {  	[smem:$0x3FB7] =	sst s10  }
0x32: {  	s10 =	sld [smem:$0x3FB5];
	_ =	sdelay $0x3  }
0x33: {  	p0 =	seq.s32 s10, $0x1;
	s10 =	sld [smem:$0x3FB7];
	_ =	sdelay $0x3  }
0x34: {  	[smem:$0x3FB7] =	sst s10  }
0x35: {  	s10 =	sld [smem:$0x3FB6];
	_ =	sdelay $0x3  }
0x36: {  	p1 =	seq.s32 s10, $0x1;
	s10 =	sld [smem:$0x3FB7];
	_ =	sdelay $0x3  }
0x37: {  	[smem:$0x3FB7] =	sst s10  }
0x38: {  	s10 =	sld [smem:$0x3FB8]  }
0x39: {  	_ = 	snop;
	(pc) =	sbr.ind lr, $3  }
0x3a: {  	_ = 	snop  }
0x3b: {  	_ = 	snop  }
0x3c: {  	p2 =	seq.s32 s10, $0x1;
	s10 =	sld [smem:$0x3FB7]  }
0x3d: {  	_ =	shalt  }
0x3e: {  	_ =	shalt  }
0x3f: {  	_ =	shalt  }
0x40: {  	_ =	shalt  }
0x41: {  	_ =	shalt  }
0x42: {  	_ =	shalt  }
0x43: {  	_ =	shalt  }
0x44: {  	_ =	shalt  }
0x45: {  	_ =	shalt  }
0x46: {  	_ =	shalt  }
0x47: {  	_ =	shalt  }
0x48: {  	_ =	shalt  }
0x49: {  	_ =	shalt  }
0x4a: {  	_ =	shalt  }
0x4b: {  	_ =	shalt  }
0x4c: {  	_ =	shalt  }
0x4d: {  	_ =	shalt  }
0x4e: {  	_ =	shalt  }
0x4f: {  	_ =	shalt  }
0x50: {  	_ =	shalt  }
0x51: {  	_ =	shalt  }
0x52: {  	_ =	shalt  }
0x53: {  	_ =	shalt  }
0x54: {  	_ =	shalt  }
0x55: {  	_ =	shalt  }
0x56: {  	_ =	shalt  }
0x57: {  	_ =	shalt  }
0x58: {  	_ =	shalt  }
0x59: {  	_ =	shalt  }
0x5a: {  	_ =	shalt  }
0x5b: {  	_ =	shalt  }
0x5c: {  	_ =	shalt  }
0x5d: {  	_ =	shalt  }
0x5e: {  	_ =	shalt  }
0x5f: {  	_ =	shalt  }
0x60: {  	_ =	shalt  }
0x61: {  	_ =	shalt  }
0x62: {  	_ =	shalt  }
0x63: {  	_ =	shalt  }
0x64: {  	_ =	shalt  }
0x65: {  	_ =	shalt  }
0x66: {  	_ =	shalt  }
0x67: {  	_ =	shalt  }
0x68: {  	_ =	shalt  }
0x69: {  	_ =	shalt  }
0x6a: {  	_ =	shalt  }
0x6b: {  	_ =	shalt  }
0x6c: {  	_ =	shalt  }
0x6d: {  	_ =	shalt  }
0x6e: {  	_ =	shalt  }
0x6f: {  	_ =	shalt  }
0x70: {  	_ =	shalt  }
0x71: {  	_ =	shalt  }
0x72: {  	_ =	shalt  }
0x73: {  	_ =	shalt  }
0x74: {  	_ =	shalt  }
0x75: {  	_ =	shalt  }
0x76: {  	_ =	shalt  }
0x77: {  	_ =	shalt  }
0x78: {  	_ =	shalt  }
0x79: {  	_ =	shalt  }
0x7a: {  	_ =	shalt  }
0x7b: {  	_ =	shalt  }
0x7c: {  	_ =	shalt  }
0x7d: {  	_ =	shalt  }
0x7e: {  	_ =	shalt  }
0x7f: {  	_ =	shalt  }
0x80: {  	_ =	shalt  }
0x81: {  	_ =	shalt  }
0x82: {  	_ =	shalt  }
0x83: {  	_ =	shalt  }
0x84: {  	_ =	shalt  }
0x85: {  	_ =	shalt  }
0x86: {  	_ =	shalt  }
0x87: {  	_ =	shalt  }
.Lfunc_end0:
.L_simem_size_0:
called_computation_lowered:
.L_overlay_start_0:
0x88: {  	s2 =	sld [smem:$0x3FD9]  }
0x89: {  	s3 =	sld [smem:$0x3FFE];
	_ =	sdelay $0x1  }
0x8a: {  	s1 =	srdreg.scid  }
0x8b: {  	s0 =	sand.u32 $0x1, s1  }
0x8c: {  	s17 =	sshll.u32 s0, $0xA;
	s2 =	sadd.s32 s3, s2  }
0x8d: {  	s2 =	sadd.s32 s2, s17  }
0x8e: {  	[smem:$0x3FC3] =	sst s2  }
0x8f: {  	_ = 	snop  }
0x90: {  	s2 =	sld [smem:$0x3FD0];
	(tm) =	ssettm $0x1  }
0x91: {  	s18 =	sld [smem:$0x3FFB];
	_ =	sdelay $0x3  }
0x92: {  	_ =	strace s18  }
0x93: {  	s3 =	sld [smem:$0x3FFC];
	_ =	sdelay $0x3  }
0x94: {  	_ =	strace s3  }
0x95: {  	s3 =	sld [smem:$0x3FFD];
	_ =	sdelay $0x3  }
0x96: {  	_ =	strace s3  }
0x97: {  	_ =	strace $0x8FFFFFFF  }
0x98: {  	s19 =	sld [smem:$0x3FDB];
	_ =	sdelay $0x1  }
0x99: {  	s4 =	simm.s32 $_scs_section_size  }
0x9a: {  	s5 =	simm.s32 $_size__tile_overlayer_lowered;
	s6 =	simm.s32 $_tile_overlayer_lowered  }
0x9b: {  	s22 =	simm.s32 $0x1BFF;
	s21 =	sshll.u32 s6, $0x1;
	s3 =	sadd.s32 s4, s19  }
0x9c: {  	s7 =	simm.s32 $0x0;
	s20 =	sshll.u32 s5, $0x1;
	s5 =	sadd.s32 s21, s3  }
0x9d: {  	[timem:s7], [sflag:s22] =	dma.local [hbm:s5], s20  }
0x9e: {  	_ =	swait.ge [sflag:s22], s20  }
0x9f: {  	s4 =	ssub.s32 $0x0, s20;
	[sflag:s22] =	ssyncset.done $0x0  }
0xa0: {  	[sflag:s22] =	ssyncadd.s32 s4;
	_ =	sdelay $0x1  }
0xa1: {  	s23 =	simm.s32 $0x1B8B  }
0xa2: {  	_ =	swait.ge [sflag:s23], $0x1  }
0xa3: {  	[sflag:s23] =	ssyncset.done $0x0  }
0xa4: {  	s25 =	simm.s32 $0x1B8E;
	s24 =	sld [smem:$0x3FFE];
	[sflag:s23] =	ssyncadd.s32 $0xFFFFFFFF  }
0xa5: {  	s26 =	simm.s32 $execute0_lowered;
	[smem:$0x3FD2] =	sst s25  }
0xa6: {  	s5 =	sshll.u32 s26, $0x1;
	_ =	strace $0x80000046;
	[dreg:$0x1] =	wrdreg $0xFFFFFFFF  }
0xa7: {  	s28 =	simm.s32 $_size_execute0_lowered;
	s3 =	sadd.s32 s3, s5;
	[dreg:$0x0] =	wrdreg $0x0  }
0xa8: {  	s5 =	sshll.u32 s28, $0x1;
	[dreg:$0x2] =	wrdreg s3  }
0xa9: {  	[dreg:$0x3] =	wrdreg s5  }
0xaa: {  	[dreg:$0x4] =	wrdreg $0xC0  }
0xab: {  	_ =	task [dreg:s7], $0x5FFFF  }
0xac: {  	[dreg:$0x1] =	wrdreg $0xFFFFFFFF  }
0xad: {  	[dreg:$0x0] =	wrdreg $0x60  }
0xae: {  	[dreg:$0x2] =	wrdreg s24  }
0xaf: {  	[dreg:$0x3] =	wrdreg s2  }
0xb0: {  	[dreg:$0x4] =	wrdreg $0x9  }
0xb1: {  	_ =	task.clear_ibuf [dreg:s7], $0x5FFFF;
	_ =	strace $0x90000046  }
0xb2: {  	s29 =	simm.s32 $0x9;
	_ =	strace $0x80000064  }
0xb3: {  	_ =	swait.ge [sflag:s29], $0x1  }
0xb4: {  	[sflag:s29] =	ssyncadd.s32 $0xFFFFFFFF  }
0xb5: {  	_ =	strace $0x90000064  }
0xb6: {  	_ =	sfence  }
0xb7: {  	s30 =	sld [smem:$0x0];
	_ =	sdelay $0x2  }
0xb8: {  	s31 =	sshll.u32 s1, $0xD;
	s1 =	sshrl.u32 s1, $0x2  }
0xb9: {  	s3 =	sand.u32 $0x4000, s31;
	s1 =	sadd.s32 s1, s30  }
0xba: {  	s0 =	sor.u32 s3, s0;
	s1 =	sshll.u32 s1, $0x11  }
0xbb: {  	s0 =	sor.u32 s1, s0  }
0xbc: {  	s0 =	sadd.s32 $0x8F2B, s0  }
0xbd: {  	[sflag:s0] =	ssyncadd.remote.s32 $0x1  }
0xbe: {  	_ =	sfence.sel $0xFFFF  }
0xbf: {  	[dreg:$0x0] =	wrdreg $0xFFFFFFFF;
	(pc) =	sbr.abs _section_cstart, $3  }
0xc0: {  	[dreg:$0x1] =	wrdreg $0xFFFFFFFF  }
0xc1: {  	_ =	task.clear_ibuf [dreg:s7], $0x2FFFF;
	_ =	strace $0x9FFFFFFF  }
0xc2: {  	(tm) =	ssettm $0x7FFFFFFF  }
0xc3: {  	_ =	shalt  }
tec
execute0_lowered:
.L_overlay_start_1:
0x0: {  	(tag) =	ssettag $0x1  }
0x1: {  	s8 =	rddreg [dreg:$0x0]  }
0x2: {  	s0 =	srdreg.scid;
	s2 =	rddreg [dreg:$0x1]  }
0x3: {  	s29 =	stileid.u32;
	s1 =	simm.s32 $0x0;
	s18 =	simm.s32 $0x400  }
0x4: {  	s19 =	simm.s32 $0x5;
	s20 =	simm.s32 $0x0;
	s9 =	sand.u32 $0x1, s0  }
0x5: {  	[smem:$0x7FF] =	sst s1;
	s6 =	sshll.u32 s29, $0xA;
	s4 =	sshll.u32 s9, $0x4  }
0x6: {  	s14 =	sadd.s32 $0x8, s2;
	s16 =	sadd.s32 $0xC, s2;
	s10 =	sor.u32 s29, s4  }
0x7: {  	_ =	strace $0x80000047;
	s12 =	ssub.s32 $0x2, s9;
	s5 =	smul.u32 $0x6400, s10  }
0x8: {  	s7 =	sand.u32 $0xC00, s6;
	s6 =	sadd.s32 $0xC9200, s8;
	s31 =	sshrl.u32 s12, $0x1  }
0x9: {  	s4 =	sadd.s32 $0x3600, s8;
	s17 =	ssub.s32 s12, s31;
	s11 =	sand.u32 $0xFF000, s5  }
0xa: {  	s10 =	smul.u32 $0x19, s10;
	s12 =	sadd.s32 $0x4, s2;
	s11 =	sor.u32 s7, s11  }
0xb: {  	s17 =	smax.u32 s17, $0x1;
	s5 =	sadd.s32 $0x67600, s8;
	s30 =	sshrl.u32 s11, $0x3  }
0xc: {  	s7 =	sadd.s32 $0x12AE00, s8;
	s8 =	sadd.s32 $0x18CA00, s8;
	s9 =	sadd.s32 s4, s30  }
0xd: {  	s11 =	sadd.s32 $0x19000, s9;
	s13 =	sadd.s32 $0x32000, s9;
	s15 =	sadd.s32 $0x4B000, s9  }
.LBB2_1:
0xe: {  	_ =	strace $0x80000048;
	s0 =	simm.s32 $0x0;
	s21 =	simm.s32 $0x19  }
0xf: {  	s23 =	simm.s32 $0x0;
	s22 =	simm.s32 $0x0;
	s24 =	simm.s32 $0x0  }
0x10: {  	[tilespmem:s0], [sflag:$0x1] =	stream.linear.gather [hbm4b:s9+s0], $0x400, $0x200038;
	[tilespmem:$0x10800] =	vst v63  }
0x11: {  	s25 =	simm.s32 $0x0;
	s26 =	simm.s32 $0x1;
	_ =	strace $0x90000048  }
.LBB2_2:
0x12: {  	s29 =	sadd.s32 s10, s23  }
0x13: {  	s30 =	sadd.s32 $0xFFFFFFFF, s23;
	p2 =	seq.s32 s23, $0x0;
	s23 =	sadd.s32 $0x1, s23  }
0x14: {  	p0 =	seq.s32 s23, $0x19  }
0x15: {  	s23 =	simm.s32 @p0 $0x0  }
0x16: {  	s28 =	sshra.s32 s29, $0x1F;
	s31 =	sadd.s32 s10, s23  }
0x17: {  	s28 =	sshrl.u32 s28, $0x1E;
	s0 =	sshra.s32 s31, $0x1F  }
0x18: {  	s28 =	sadd.s32 s28, s29;
	s0 =	sshrl.u32 s0, $0x1E  }
0x19: {  	s1 =	sshra.s32 s28, $0x2;
	s28 =	sand.u32 $0xFFFFFFFC, s28;
	s0 =	sadd.s32 s0, s31  }
0x1a: {  	p5 =	slt.s32 s29, $0x1;
	p1 =	sne.s32 s29, s28;
	s3 =	sand.u32 $0xFFFFFFFC, s0  }
0x1b: {  	p6 =	slt.s32 s31, $0x1;
	p0 =	por !p5, !p1;
	p3 =	sne.s32 s31, s3  }
0x1c: {  	s28 =	simm.s32 $0x1;
	p0 =	por !p0, !p0;
	p1 =	por !p6, !p3  }
0x1d: {  	s28 =	simm.s32 @!p0 $0x0;
	s3 =	simm.s32 $0x1;
	p0 =	por !p1, !p1  }
0x1e: {  	s29 =	sand.u32 $0x3, s29;
	s0 =	sshra.s32 s0, $0x2;
	s3 =	simm.s32 @!p0 $0x0  }
0x1f: {  	s28 =	ssub.s32 s1, s28;
	s1 =	sand.u32 $0x3, s31;
	s0 =	ssub.s32 s0, s3  }
0x20: {  	p5 =	sne.s32 s29, s1;
	p4 =	sne.s32 s28, s0  }
0x21: {  	p6 =	sne.s32 s21, $0x1;
	p1 =	por p5, p4  }
0x22: {  	p0 =	por !p6, !p1  }
0x23: {  	p0 =	por !p0, !p0  }
0x24: {  	s30 =	simm.s32 @p2 $0x18;
	s0 =	sshll.u32 @p0 s0, $0xC;
	s1 =	sshll.u32 @p0 s1, $0xA  }
0x25: {  	s3 =	sadd.s32 s10, s30;
	_ =	strace @p0 $0x80000049;
	s0 =	sor.u32 @p0 s1, s0  }
0x26: {  	s31 =	simm.s32 @p0 $0x0;
	s1 =	sand.u32 @p0 $0x1, s26;
	s0 =	sshrl.u32 @p0 s0, $0x3  }
0x27: {  	s30 =	sshll.u32 @p0 s1, $0xA;
	s1 =	sadd.s32 @p0 $0x1, s1;
	s0 =	sadd.s32 @p0 s4, s0  }
0x28: {  	[tilespmem:s30], [sflag:s1] =	stream.linear.gather @p0 [hbm4b:s0+s31], $0x400, $0x200038;
	[tilespmem:$0x10800] =	vst v63  }
0x29: {  	s30 =	sshra.s32 s3, $0x1F  }
0x2a: {  	s0 =	sshrl.u32 s30, $0x1E  }
0x2b: {  	s0 =	sadd.s32 s0, s3  }
0x2c: {  	s31 =	sand.u32 $0xFFFFFFFC, s0  }
0x2d: {  	p3 =	slt.s32 s3, $0x1;
	p4 =	sne.s32 s3, s31  }
0x2e: {  	p2 =	por !p3, !p4  }
0x2f: {  	s1 =	simm.s32 $0x1;
	p2 =	por !p2, !p2  }
0x30: {  	s0 =	sshra.s32 s0, $0x2;
	s1 =	simm.s32 @!p2 $0x0  }
0x31: {  	s3 =	sand.u32 $0x3, s3;
	s0 =	ssub.s32 s0, s1  }
0x32: {  	p6 =	sne.s32 s29, s3;
	p5 =	sne.s32 s28, s0  }
0x33: {  	p4 =	seq.s32 s21, $0x19;
	p2 =	por p6, p5  }
0x34: {  	p3 =	por p4, p2  }
0x35: {  	_ =	strace @p0 $0x90000049;
	s0 =	sand.u32 @p3 $0x1, s25  }
0x36: {  	_ =	strace @p3 $0x8000004A;
	s0 =	sadd.s32 @p3 $0x1, s0  }
0x37: {  	_ =	swait.ge @p3 [sflag:s0], $0x400  }
0x38: {  	s31 =	sshll.u32 s25, $0xA;
	[sflag:s0] =	ssyncset.done @p3 $0x0  }
0x39: {  	s3 =	sand.u32 $0x400, s31;
	[sflag:s0] =	ssyncadd.s32 @p3 $0xFFFFFC00;
	s0 =	sand.u32 $0x1, s24  }
0x3a: {  	p5 =	seq.s32 s21, $0x1;
	_ =	strace @p3 $0x9000004A;
	s30 =	sshll.u32 s0, $0xF  }
0x3b: {  	p1 =	por p5, p1;
	_ =	strace $0x8000004B;
	s1 =	sor.u32 $0x800, s30  }
0x3c: {  	[tilespmem:s1], [sflag:$0x5] =	stream.indirect.gather [hbm4b:s5+s18], $0x20, s3, s18, $0x2000b8;
	[tilespmem:$0x10800] =	vst v63  }
0x3d: {  	p6 =	sne.s32 s21, $0x19;
	s3 =	smul.u32 @p1 $0x1900000, s29;
	_ =	swait.ge [sflag:s19], $0x8000  }
0x3e: {  	s21 =	sadd.s32 $0xFFFFFFFF, s21;
	s28 =	sshll.u32 @p1 s28, $0x7;
	[sflag:s19] =	ssyncset.done $0x0  }
0x3f: {  	s0 =	sadd.s32 @p1 $0x3, s0;
	s3 =	sadd.s32 @p1 s3, s28;
	[sflag:s19] =	ssyncadd.s32 $0xFFFF8000  }
0x40: {  	s29 =	simm.s32 @p1 $0x6400;
	s3 =	sshrl.u32 @p1 s3, $0x3;
	_ =	strace $0x9000004B  }
0x41: {  	s28 =	simm.s32 @p1 $0x20;
	s3 =	sadd.s32 @p1 s2, s3;
	_ =	strace @p1 $0x8000004C  }
0x42: {  	[hbm4b:s3+s28] =	stream.strided.scatter @p1 [tilespmem:s1], [sflag:s0], $0x8000, s29, s28, $0x200038;
	[tilespmem:$0x10800] =	vst v63  }
0x43: {  	p2 =	por !p6, !p2;
	s0 =	simm.s32 $0x1;
	s1 =	simm.s32 $0x1  }
0x44: {  	s0 =	simm.s32 @!p0 $0x0;
	p0 =	por !p2, !p2;
	_ =	strace @p1 $0x9000004C  }
0x45: {  	s1 =	simm.s32 @!p1 $0x0;
	p1 =	sne.s32 s21, $0x0;
	s3 =	sand.u32 @p0 $0x1, s22  }
.Ltmp0:
0x46: {  	_ =	strace @p0 $0x8000004D;
	s3 =	sadd.s32 @p0 $0x3, s3;
	(pc) =	sbr.rel @p1 .LBB2_2-.Ltmp0, $4  }
0x47: {  	_ =	swait.ge @p0 [sflag:s3], $0x8000  }
0x48: {  	s26 =	sadd.s32 s0, s26;
	s0 =	simm.s32 $0x1;
	[sflag:s3] =	ssyncset.done @p0 $0x0  }
0x49: {  	s24 =	sadd.s32 s1, s24;
	s0 =	simm.s32 @!p0 $0x0;
	[sflag:s3] =	ssyncadd.s32 @p0 $0xFFFF8000  }
0x4a: {  	s25 =	sadd.s32 s1, s25;
	s22 =	sadd.s32 s0, s22;
	_ =	strace @p0 $0x9000004D  }
0x4b: {  	s0 =	sand.u32 $0x1, s22  }
0x4c: {  	_ =	strace $0x8000004E;
	s0 =	sadd.s32 $0x3, s0  }
0x4d: {  	_ =	swait.ge [sflag:s0], $0x8000  }
0x4e: {  	[sflag:s0] =	ssyncset.done $0x0  }
0x4f: {  	[sflag:s0] =	ssyncadd.s32 $0xFFFF8000  }
0x50: {  	s21 =	simm.s32 $0x0;
	s22 =	simm.s32 $0x1;
	_ =	strace $0x9000004E  }
0x51: {  	s24 =	simm.s32 $0x19;
	s23 =	simm.s32 $0x0;
	_ =	strace $0x8000004F  }
0x52: {  	[tilespmem:s21], [sflag:$0x1] =	stream.linear.gather [hbm4b:s11+s21], $0x400, $0x200038;
	[tilespmem:$0x10800] =	vst v63  }
0x53: {  	s25 =	simm.s32 $0x0;
	s26 =	simm.s32 $0x0;
	_ =	strace $0x9000004F  }
.LBB2_4:
0x54: {  	s0 =	sadd.s32 s10, s21  }
0x55: {  	s1 =	sadd.s32 $0xFFFFFFFF, s21;
	p2 =	seq.s32 s21, $0x0;
	s21 =	sadd.s32 $0x1, s21  }
0x56: {  	p0 =	seq.s32 s21, $0x19  }
0x57: {  	s21 =	simm.s32 @p0 $0x0  }
0x58: {  	s28 =	sshra.s32 s0, $0x1F;
	s3 =	sadd.s32 s10, s21  }
0x59: {  	s28 =	sshrl.u32 s28, $0x1E;
	s29 =	sshra.s32 s3, $0x1F  }
0x5a: {  	s28 =	sadd.s32 s28, s0;
	s29 =	sshrl.u32 s29, $0x1E  }
0x5b: {  	s30 =	sshra.s32 s28, $0x2;
	s28 =	sand.u32 $0xFFFFFFFC, s28;
	s29 =	sadd.s32 s29, s3  }
0x5c: {  	p5 =	slt.s32 s0, $0x1;
	p1 =	sne.s32 s0, s28;
	s31 =	sand.u32 $0xFFFFFFFC, s29  }
0x5d: {  	p6 =	slt.s32 s3, $0x1;
	p0 =	por !p5, !p1;
	p3 =	sne.s32 s3, s31  }
0x5e: {  	s28 =	simm.s32 $0x1;
	p0 =	por !p0, !p0;
	p1 =	por !p6, !p3  }
0x5f: {  	s28 =	simm.s32 @!p0 $0x0;
	s31 =	simm.s32 $0x1;
	p0 =	por !p1, !p1  }
0x60: {  	s28 =	ssub.s32 s30, s28;
	s30 =	sshra.s32 s29, $0x2;
	s31 =	simm.s32 @!p0 $0x0  }
0x61: {  	s3 =	sand.u32 $0x3, s3;
	s29 =	sand.u32 $0x3, s0;
	s0 =	ssub.s32 s30, s31  }
0x62: {  	p5 =	sne.s32 s29, s3;
	p4 =	sne.s32 s28, s0  }
0x63: {  	p6 =	sne.s32 s24, $0x1;
	p1 =	por p5, p4  }
0x64: {  	p0 =	por !p6, !p1  }
0x65: {  	p0 =	por !p0, !p0  }
0x66: {  	s0 =	sshll.u32 @p0 s0, $0xC;
	s3 =	sshll.u32 @p0 s3, $0xA  }
0x67: {  	s1 =	simm.s32 @p2 $0x18;
	s0 =	sor.u32 @p0 s3, s0  }
0x68: {  	s1 =	sadd.s32 s10, s1;
	_ =	strace @p0 $0x80000050;
	s0 =	sadd.s32 @p0 $0xC8000, s0  }
0x69: {  	s31 =	simm.s32 @p0 $0x0;
	s3 =	sand.u32 @p0 $0x1, s22;
	s0 =	sshrl.u32 @p0 s0, $0x3  }
0x6a: {  	s30 =	sshll.u32 @p0 s3, $0xA;
	s3 =	sadd.s32 @p0 $0x1, s3;
	s0 =	sadd.s32 @p0 s4, s0  }
0x6b: {  	[tilespmem:s30], [sflag:s3] =	stream.linear.gather @p0 [hbm4b:s0+s31], $0x400, $0x200038;
	[tilespmem:$0x10800] =	vst v63  }
0x6c: {  	s30 =	sshra.s32 s1, $0x1F  }
0x6d: {  	s0 =	sshrl.u32 s30, $0x1E  }
0x6e: {  	s0 =	sadd.s32 s0, s1  }
0x6f: {  	s31 =	sand.u32 $0xFFFFFFFC, s0  }
0x70: {  	p3 =	slt.s32 s1, $0x1;
	p4 =	sne.s32 s1, s31  }
0x71: {  	p2 =	por !p3, !p4  }
0x72: {  	s3 =	simm.s32 $0x1;
	p2 =	por !p2, !p2  }
0x73: {  	s0 =	sshra.s32 s0, $0x2;
	s3 =	simm.s32 @!p2 $0x0  }
0x74: {  	s1 =	sand.u32 $0x3, s1;
	s0 =	ssub.s32 s0, s3  }
0x75: {  	p6 =	sne.s32 s29, s1;
	p5 =	sne.s32 s28, s0  }
0x76: {  	p4 =	seq.s32 s24, $0x19;
	p2 =	por p6, p5  }
0x77: {  	p3 =	por p4, p2  }
0x78: {  	_ =	strace @p0 $0x90000050;
	s0 =	sand.u32 @p3 $0x1, s26  }
0x79: {  	_ =	strace @p3 $0x80000051;
	s0 =	sadd.s32 @p3 $0x1, s0  }
0x7a: {  	_ =	swait.ge @p3 [sflag:s0], $0x400  }
0x7b: {  	s31 =	sshll.u32 s26, $0xA;
	[sflag:s0] =	ssyncset.done @p3 $0x0  }
0x7c: {  	s3 =	sand.u32 $0x400, s31;
	[sflag:s0] =	ssyncadd.s32 @p3 $0xFFFFFC00;
	s0 =	sand.u32 $0x1, s25  }
0x7d: {  	p5 =	seq.s32 s24, $0x1;
	_ =	strace @p3 $0x90000051;
	s30 =	sshll.u32 s0, $0xF  }
0x7e: {  	p1 =	por p5, p1;
	_ =	strace $0x80000052;
	s1 =	sor.u32 $0x800, s30  }
0x7f: {  	[tilespmem:s1], [sflag:$0x5] =	stream.indirect.gather [hbm4b:s6+s18], $0x20, s3, s18, $0x2000b8;
	[tilespmem:$0x10800] =	vst v63  }
0x80: {  	p6 =	sne.s32 s24, $0x19;
	s3 =	smul.u32 @p1 $0x1900000, s29;
	_ =	swait.ge [sflag:s19], $0x8000  }
0x81: {  	s24 =	sadd.s32 $0xFFFFFFFF, s24;
	s28 =	sshll.u32 @p1 s28, $0x7;
	[sflag:s19] =	ssyncset.done $0x0  }
0x82: {  	s0 =	sadd.s32 @p1 $0x3, s0;
	s3 =	sadd.s32 @p1 s3, s28;
	[sflag:s19] =	ssyncadd.s32 $0xFFFF8000  }
0x83: {  	s29 =	simm.s32 @p1 $0x6400;
	s3 =	sshrl.u32 @p1 s3, $0x3;
	_ =	strace $0x90000052  }
0x84: {  	s28 =	simm.s32 @p1 $0x20;
	s3 =	sadd.s32 @p1 s3, s12;
	_ =	strace @p1 $0x80000053  }
0x85: {  	[hbm4b:s3+s28] =	stream.strided.scatter @p1 [tilespmem:s1], [sflag:s0], $0x8000, s29, s28, $0x200038;
	[tilespmem:$0x10800] =	vst v63  }
0x86: {  	p2 =	por !p6, !p2;
	s0 =	simm.s32 $0x1;
	s1 =	simm.s32 $0x1  }
0x87: {  	s0 =	simm.s32 @!p0 $0x0;
	p0 =	por !p2, !p2;
	_ =	strace @p1 $0x90000053  }
0x88: {  	s1 =	simm.s32 @!p1 $0x0;
	p1 =	sne.s32 s24, $0x0;
	s3 =	sand.u32 @p0 $0x1, s23  }
.Ltmp1:
0x89: {  	_ =	strace @p0 $0x80000054;
	s3 =	sadd.s32 @p0 $0x3, s3;
	(pc) =	sbr.rel @p1 .LBB2_4-.Ltmp1, $4  }
0x8a: {  	_ =	swait.ge @p0 [sflag:s3], $0x8000  }
0x8b: {  	s22 =	sadd.s32 s0, s22;
	s0 =	simm.s32 $0x1;
	[sflag:s3] =	ssyncset.done @p0 $0x0  }
0x8c: {  	s25 =	sadd.s32 s1, s25;
	s0 =	simm.s32 @!p0 $0x0;
	[sflag:s3] =	ssyncadd.s32 @p0 $0xFFFF8000  }
0x8d: {  	s26 =	sadd.s32 s1, s26;
	s23 =	sadd.s32 s0, s23;
	_ =	strace @p0 $0x90000054  }
0x8e: {  	s0 =	sand.u32 $0x1, s23  }
0x8f: {  	_ =	strace $0x80000055;
	s0 =	sadd.s32 $0x3, s0  }
0x90: {  	_ =	swait.ge [sflag:s0], $0x8000  }
0x91: {  	[sflag:s0] =	ssyncset.done $0x0  }
0x92: {  	[sflag:s0] =	ssyncadd.s32 $0xFFFF8000  }
0x93: {  	s21 =	simm.s32 $0x0;
	s22 =	simm.s32 $0x1;
	_ =	strace $0x90000055  }
0x94: {  	s24 =	simm.s32 $0x19;
	s23 =	simm.s32 $0x0;
	_ =	strace $0x80000056  }
0x95: {  	[tilespmem:s21], [sflag:$0x1] =	stream.linear.gather [hbm4b:s13+s21], $0x400, $0x200038;
	[tilespmem:$0x10800] =	vst v63  }
0x96: {  	s25 =	simm.s32 $0x0;
	s26 =	simm.s32 $0x0;
	_ =	strace $0x90000056  }
.LBB2_6:
0x97: {  	s0 =	sadd.s32 s10, s21  }
0x98: {  	s1 =	sadd.s32 $0xFFFFFFFF, s21;
	p2 =	seq.s32 s21, $0x0;
	s21 =	sadd.s32 $0x1, s21  }
0x99: {  	p0 =	seq.s32 s21, $0x19  }
0x9a: {  	s21 =	simm.s32 @p0 $0x0  }
0x9b: {  	s28 =	sshra.s32 s0, $0x1F;
	s3 =	sadd.s32 s10, s21  }
0x9c: {  	s28 =	sshrl.u32 s28, $0x1E;
	s29 =	sshra.s32 s3, $0x1F  }
0x9d: {  	s28 =	sadd.s32 s28, s0;
	s29 =	sshrl.u32 s29, $0x1E  }
0x9e: {  	s30 =	sshra.s32 s28, $0x2;
	s28 =	sand.u32 $0xFFFFFFFC, s28;
	s29 =	sadd.s32 s29, s3  }
0x9f: {  	p5 =	slt.s32 s0, $0x1;
	p1 =	sne.s32 s0, s28;
	s31 =	sand.u32 $0xFFFFFFFC, s29  }
0xa0: {  	p6 =	slt.s32 s3, $0x1;
	p0 =	por !p5, !p1;
	p3 =	sne.s32 s3, s31  }
0xa1: {  	s28 =	simm.s32 $0x1;
	p0 =	por !p0, !p0;
	p1 =	por !p6, !p3  }
0xa2: {  	s28 =	simm.s32 @!p0 $0x0;
	s31 =	simm.s32 $0x1;
	p0 =	por !p1, !p1  }
0xa3: {  	s28 =	ssub.s32 s30, s28;
	s30 =	sshra.s32 s29, $0x2;
	s31 =	simm.s32 @!p0 $0x0  }
0xa4: {  	s3 =	sand.u32 $0x3, s3;
	s29 =	sand.u32 $0x3, s0;
	s0 =	ssub.s32 s30, s31  }
0xa5: {  	p5 =	sne.s32 s29, s3;
	p4 =	sne.s32 s28, s0  }
0xa6: {  	p6 =	sne.s32 s24, $0x1;
	p1 =	por p5, p4  }
0xa7: {  	p0 =	por !p6, !p1  }
0xa8: {  	p0 =	por !p0, !p0  }
0xa9: {  	s0 =	sshll.u32 @p0 s0, $0xC;
	s3 =	sshll.u32 @p0 s3, $0xA  }
0xaa: {  	s1 =	simm.s32 @p2 $0x18;
	s0 =	sor.u32 @p0 s3, s0  }
0xab: {  	s1 =	sadd.s32 s10, s1;
	_ =	strace @p0 $0x80000057;
	s0 =	sadd.s32 @p0 $0x190000, s0  }
0xac: {  	s31 =	simm.s32 @p0 $0x0;
	s3 =	sand.u32 @p0 $0x1, s22;
	s0 =	sshrl.u32 @p0 s0, $0x3  }
0xad: {  	s30 =	sshll.u32 @p0 s3, $0xA;
	s3 =	sadd.s32 @p0 $0x1, s3;
	s0 =	sadd.s32 @p0 s4, s0  }
0xae: {  	[tilespmem:s30], [sflag:s3] =	stream.linear.gather @p0 [hbm4b:s0+s31], $0x400, $0x200038;
	[tilespmem:$0x10800] =	vst v63  }
0xaf: {  	s30 =	sshra.s32 s1, $0x1F  }
0xb0: {  	s0 =	sshrl.u32 s30, $0x1E  }
0xb1: {  	s0 =	sadd.s32 s0, s1  }
0xb2: {  	s31 =	sand.u32 $0xFFFFFFFC, s0  }
0xb3: {  	p3 =	slt.s32 s1, $0x1;
	p4 =	sne.s32 s1, s31  }
0xb4: {  	p2 =	por !p3, !p4  }
0xb5: {  	s3 =	simm.s32 $0x1;
	p2 =	por !p2, !p2  }
0xb6: {  	s0 =	sshra.s32 s0, $0x2;
	s3 =	simm.s32 @!p2 $0x0  }
0xb7: {  	s1 =	sand.u32 $0x3, s1;
	s0 =	ssub.s32 s0, s3  }
0xb8: {  	p6 =	sne.s32 s29, s1;
	p5 =	sne.s32 s28, s0  }
0xb9: {  	p4 =	seq.s32 s24, $0x19;
	p2 =	por p6, p5  }
0xba: {  	p3 =	por p4, p2  }
0xbb: {  	_ =	strace @p0 $0x90000057;
	s0 =	sand.u32 @p3 $0x1, s26  }
0xbc: {  	_ =	strace @p3 $0x80000058;
	s0 =	sadd.s32 @p3 $0x1, s0  }
0xbd: {  	_ =	swait.ge @p3 [sflag:s0], $0x400  }
0xbe: {  	s31 =	sshll.u32 s26, $0xA;
	[sflag:s0] =	ssyncset.done @p3 $0x0  }
0xbf: {  	s3 =	sand.u32 $0x400, s31;
	[sflag:s0] =	ssyncadd.s32 @p3 $0xFFFFFC00;
	s0 =	sand.u32 $0x1, s25  }
0xc0: {  	p5 =	seq.s32 s24, $0x1;
	_ =	strace @p3 $0x90000058;
	s30 =	sshll.u32 s0, $0xF  }
0xc1: {  	p1 =	por p5, p1;
	_ =	strace $0x80000059;
	s1 =	sor.u32 $0x800, s30  }
0xc2: {  	[tilespmem:s1], [sflag:$0x5] =	stream.indirect.gather [hbm4b:s7+s18], $0x20, s3, s18, $0x2000b8;
	[tilespmem:$0x10800] =	vst v63  }
0xc3: {  	p6 =	sne.s32 s24, $0x19;
	s3 =	smul.u32 @p1 $0x1900000, s29;
	_ =	swait.ge [sflag:s19], $0x8000  }
0xc4: {  	s24 =	sadd.s32 $0xFFFFFFFF, s24;
	s28 =	sshll.u32 @p1 s28, $0x7;
	[sflag:s19] =	ssyncset.done $0x0  }
0xc5: {  	s0 =	sadd.s32 @p1 $0x3, s0;
	s3 =	sadd.s32 @p1 s3, s28;
	[sflag:s19] =	ssyncadd.s32 $0xFFFF8000  }
0xc6: {  	s29 =	simm.s32 @p1 $0x6400;
	s3 =	sshrl.u32 @p1 s3, $0x3;
	_ =	strace $0x90000059  }
0xc7: {  	s28 =	simm.s32 @p1 $0x20;
	s3 =	sadd.s32 @p1 s3, s14;
	_ =	strace @p1 $0x8000005A  }
0xc8: {  	[hbm4b:s3+s28] =	stream.strided.scatter @p1 [tilespmem:s1], [sflag:s0], $0x8000, s29, s28, $0x200038;
	[tilespmem:$0x10800] =	vst v63  }
0xc9: {  	p2 =	por !p6, !p2;
	s0 =	simm.s32 $0x1;
	s1 =	simm.s32 $0x1  }
0xca: {  	s0 =	simm.s32 @!p0 $0x0;
	p0 =	por !p2, !p2;
	_ =	strace @p1 $0x9000005A  }
0xcb: {  	s1 =	simm.s32 @!p1 $0x0;
	p1 =	sne.s32 s24, $0x0;
	s3 =	sand.u32 @p0 $0x1, s23  }
.Ltmp2:
0xcc: {  	_ =	strace @p0 $0x8000005B;
	s3 =	sadd.s32 @p0 $0x3, s3;
	(pc) =	sbr.rel @p1 .LBB2_6-.Ltmp2, $4  }
0xcd: {  	_ =	swait.ge @p0 [sflag:s3], $0x8000  }
0xce: {  	s22 =	sadd.s32 s0, s22;
	s0 =	simm.s32 $0x1;
	[sflag:s3] =	ssyncset.done @p0 $0x0  }
0xcf: {  	s25 =	sadd.s32 s1, s25;
	s0 =	simm.s32 @!p0 $0x0;
	[sflag:s3] =	ssyncadd.s32 @p0 $0xFFFF8000  }
0xd0: {  	s26 =	sadd.s32 s1, s26;
	s23 =	sadd.s32 s0, s23;
	_ =	strace @p0 $0x9000005B  }
0xd1: {  	s0 =	sand.u32 $0x1, s23  }
0xd2: {  	_ =	strace $0x8000005C;
	s0 =	sadd.s32 $0x3, s0  }
0xd3: {  	_ =	swait.ge [sflag:s0], $0x8000  }
0xd4: {  	[sflag:s0] =	ssyncset.done $0x0  }
0xd5: {  	[sflag:s0] =	ssyncadd.s32 $0xFFFF8000  }
0xd6: {  	s21 =	simm.s32 $0x0;
	s22 =	simm.s32 $0x1;
	_ =	strace $0x9000005C  }
0xd7: {  	s24 =	simm.s32 $0x19;
	s23 =	simm.s32 $0x0;
	_ =	strace $0x8000005D  }
0xd8: {  	[tilespmem:s21], [sflag:$0x1] =	stream.linear.gather [hbm4b:s15+s21], $0x400, $0x200038;
	[tilespmem:$0x10800] =	vst v63  }
0xd9: {  	s25 =	simm.s32 $0x0;
	s26 =	simm.s32 $0x0;
	_ =	strace $0x9000005D  }
.LBB2_8:
0xda: {  	s0 =	sadd.s32 s10, s21  }
0xdb: {  	s1 =	sadd.s32 $0xFFFFFFFF, s21;
	p2 =	seq.s32 s21, $0x0;
	s21 =	sadd.s32 $0x1, s21  }
0xdc: {  	p0 =	seq.s32 s21, $0x19  }
0xdd: {  	s21 =	simm.s32 @p0 $0x0  }
0xde: {  	s28 =	sshra.s32 s0, $0x1F;
	s3 =	sadd.s32 s10, s21  }
0xdf: {  	s28 =	sshrl.u32 s28, $0x1E;
	s29 =	sshra.s32 s3, $0x1F  }
0xe0: {  	s28 =	sadd.s32 s28, s0;
	s29 =	sshrl.u32 s29, $0x1E  }
0xe1: {  	s30 =	sshra.s32 s28, $0x2;
	s28 =	sand.u32 $0xFFFFFFFC, s28;
	s29 =	sadd.s32 s29, s3  }
0xe2: {  	p5 =	slt.s32 s0, $0x1;
	p1 =	sne.s32 s0, s28;
	s31 =	sand.u32 $0xFFFFFFFC, s29  }
0xe3: {  	p6 =	slt.s32 s3, $0x1;
	p0 =	por !p5, !p1;
	p3 =	sne.s32 s3, s31  }
0xe4: {  	s28 =	simm.s32 $0x1;
	p0 =	por !p0, !p0;
	p1 =	por !p6, !p3  }
0xe5: {  	s28 =	simm.s32 @!p0 $0x0;
	s31 =	simm.s32 $0x1;
	p0 =	por !p1, !p1  }
0xe6: {  	s28 =	ssub.s32 s30, s28;
	s30 =	sshra.s32 s29, $0x2;
	s31 =	simm.s32 @!p0 $0x0  }
0xe7: {  	s3 =	sand.u32 $0x3, s3;
	s29 =	sand.u32 $0x3, s0;
	s0 =	ssub.s32 s30, s31  }
0xe8: {  	p5 =	sne.s32 s29, s3;
	p4 =	sne.s32 s28, s0  }
0xe9: {  	p6 =	sne.s32 s24, $0x1;
	p1 =	por p5, p4  }
0xea: {  	p0 =	por !p6, !p1  }
0xeb: {  	p0 =	por !p0, !p0  }
0xec: {  	s0 =	sshll.u32 @p0 s0, $0xC;
	s3 =	sshll.u32 @p0 s3, $0xA  }
0xed: {  	s1 =	simm.s32 @p2 $0x18;
	s0 =	sor.u32 @p0 s3, s0  }
0xee: {  	s1 =	sadd.s32 s10, s1;
	_ =	strace @p0 $0x8000005E;
	s0 =	sadd.s32 @p0 $0x258000, s0  }
0xef: {  	s31 =	simm.s32 @p0 $0x0;
	s3 =	sand.u32 @p0 $0x1, s22;
	s0 =	sshrl.u32 @p0 s0, $0x3  }
0xf0: {  	s30 =	sshll.u32 @p0 s3, $0xA;
	s3 =	sadd.s32 @p0 $0x1, s3;
	s0 =	sadd.s32 @p0 s4, s0  }
0xf1: {  	[tilespmem:s30], [sflag:s3] =	stream.linear.gather @p0 [hbm4b:s0+s31], $0x400, $0x200038;
	[tilespmem:$0x10800] =	vst v63  }
0xf2: {  	s30 =	sshra.s32 s1, $0x1F  }
0xf3: {  	s0 =	sshrl.u32 s30, $0x1E  }
0xf4: {  	s0 =	sadd.s32 s0, s1  }
0xf5: {  	s31 =	sand.u32 $0xFFFFFFFC, s0  }
0xf6: {  	p3 =	slt.s32 s1, $0x1;
	p4 =	sne.s32 s1, s31  }
0xf7: {  	p2 =	por !p3, !p4  }
0xf8: {  	s3 =	simm.s32 $0x1;
	p2 =	por !p2, !p2  }
0xf9: {  	s0 =	sshra.s32 s0, $0x2;
	s3 =	simm.s32 @!p2 $0x0  }
0xfa: {  	s1 =	sand.u32 $0x3, s1;
	s0 =	ssub.s32 s0, s3  }
0xfb: {  	p6 =	sne.s32 s29, s1;
	p5 =	sne.s32 s28, s0  }
0xfc: {  	p4 =	seq.s32 s24, $0x19;
	p2 =	por p6, p5  }
0xfd: {  	p3 =	por p4, p2  }
0xfe: {  	_ =	strace @p0 $0x9000005E;
	s0 =	sand.u32 @p3 $0x1, s26  }
0xff: {  	_ =	strace @p3 $0x8000005F;
	s0 =	sadd.s32 @p3 $0x1, s0  }
0x100: {  	_ =	swait.ge @p3 [sflag:s0], $0x400  }
0x101: {  	s31 =	sshll.u32 s26, $0xA;
	[sflag:s0] =	ssyncset.done @p3 $0x0  }
0x102: {  	s3 =	sand.u32 $0x400, s31;
	[sflag:s0] =	ssyncadd.s32 @p3 $0xFFFFFC00;
	s0 =	sand.u32 $0x1, s25  }
0x103: {  	p5 =	seq.s32 s24, $0x1;
	_ =	strace @p3 $0x9000005F;
	s30 =	sshll.u32 s0, $0xF  }
0x104: {  	p1 =	por p5, p1;
	_ =	strace $0x80000060;
	s1 =	sor.u32 $0x800, s30  }
0x105: {  	[tilespmem:s1], [sflag:$0x5] =	stream.indirect.gather [hbm4b:s8+s18], $0x20, s3, s18, $0x2000b8;
	[tilespmem:$0x10800] =	vst v63  }
0x106: {  	p6 =	sne.s32 s24, $0x19;
	s3 =	smul.u32 @p1 $0x1900000, s29;
	_ =	swait.ge [sflag:s19], $0x8000  }
0x107: {  	s24 =	sadd.s32 $0xFFFFFFFF, s24;
	s28 =	sshll.u32 @p1 s28, $0x7;
	[sflag:s19] =	ssyncset.done $0x0  }
0x108: {  	s0 =	sadd.s32 @p1 $0x3, s0;
	s3 =	sadd.s32 @p1 s3, s28;
	[sflag:s19] =	ssyncadd.s32 $0xFFFF8000  }
0x109: {  	s29 =	simm.s32 @p1 $0x6400;
	s3 =	sshrl.u32 @p1 s3, $0x3;
	_ =	strace $0x90000060  }
0x10a: {  	s28 =	simm.s32 @p1 $0x20;
	s3 =	sadd.s32 @p1 s3, s16;
	_ =	strace @p1 $0x80000061  }
0x10b: {  	[hbm4b:s3+s28] =	stream.strided.scatter @p1 [tilespmem:s1], [sflag:s0], $0x8000, s29, s28, $0x200038;
	[tilespmem:$0x10800] =	vst v63  }
0x10c: {  	p2 =	por !p6, !p2;
	s0 =	simm.s32 $0x1;
	s1 =	simm.s32 $0x1  }
0x10d: {  	s0 =	simm.s32 @!p0 $0x0;
	p0 =	por !p2, !p2;
	_ =	strace @p1 $0x90000061  }
0x10e: {  	s1 =	simm.s32 @!p1 $0x0;
	p1 =	sne.s32 s24, $0x0;
	s3 =	sand.u32 @p0 $0x1, s23  }
.Ltmp3:
0x10f: {  	_ =	strace @p0 $0x80000062;
	s3 =	sadd.s32 @p0 $0x3, s3;
	(pc) =	sbr.rel @p1 .LBB2_8-.Ltmp3, $4  }
0x110: {  	_ =	swait.ge @p0 [sflag:s3], $0x8000  }
0x111: {  	s22 =	sadd.s32 s0, s22;
	s0 =	simm.s32 $0x1;
	[sflag:s3] =	ssyncset.done @p0 $0x0  }
0x112: {  	s25 =	sadd.s32 s1, s25;
	s0 =	simm.s32 @!p0 $0x0;
	[sflag:s3] =	ssyncadd.s32 @p0 $0xFFFF8000  }
0x113: {  	s26 =	sadd.s32 s1, s26;
	s23 =	sadd.s32 s0, s23;
	_ =	strace @p0 $0x90000062  }
0x114: {  	s20 =	sadd.s32 $0x1, s20  }
0x115: {  	s0 =	sand.u32 $0x1, s23;
	p0 =	sne.s32 s20, s17  }
.Ltmp4:
0x116: {  	_ =	strace $0x80000063;
	s0 =	sadd.s32 $0x3, s0;
	(pc) =	sbr.rel @p0 .LBB2_1-.Ltmp4, $4  }
0x117: {  	_ =	swait.ge [sflag:s0], $0x8000  }
0x118: {  	[sflag:s0] =	ssyncset.done $0x0  }
0x119: {  	[sflag:s0] =	ssyncadd.s32 $0xFFFF8000  }
0x11a: {  	_ =	strace $0x90000063  }
0x11b: {  	_ =	sfence.sel $0x180000  }
0x11c: {  	[bflag:$0x0] =	sbarrier.arrive $0xFFFF  }
0x11d: {  	_ =	strace $0x90000047  }
0x11e: {  	s0 =	stileid.u32;
	[bflag:$0x2] =	sbarrier.arrive $0xFFFF  }
0x11f: {  	p0 =	sne.s32 s0, $0x0;
	s0 =	rddreg [dreg:$0x2]  }
0x120: {  	s0 =	sadd.s32 @!p0 $0x100000, s0  }
0x121: {  	[sflag:s0] =	ssyncadd.tile.s32 @!p0 $0x1;
	_ =	shalt  }
.Lfunc_end2:
_tile_overlayer_lowered:
.L_overlay_start_2:
0x122: {  	(tag) =	ssettag $0x2  }
0x123: {  	s0 =	rddreg [dreg:$0x0];
	s2 =	stileid.u32  }
0x124: {  	s1 =	rddreg [dreg:$0x1];
	p0 =	sne.s32 s2, $0x0  }
0x125: {  	s3 =	rddreg [dreg:$0x2];
	[bflag:$0x3] =	sbarrier.arrive $0xFFFF;
	s2 =	simm.s32 @!p0 $0x1C01  }
0x126: {  	[timem:s3], [sflag:s2] =	dma.local @!p0 [hbm:s0], s1  }
0x127: {  	s0 =	simm.s32 @!p0 $0x1  }
0x128: {  	_ =	swait.ge @!p0 [sflag:s0], s1  }
0x129: {  	s1 =	ssub.s32 @!p0 $0x0, s1;
	[sflag:s0] =	ssyncset.done @!p0 $0x0  }
0x12a: {  	[sflag:s0] =	ssyncadd.s32 @!p0 s1  }
0x12b: {  	[bflag:$0x3] =	sbarrier.arrive $0xFFFF  }
0x12c: {  	_ =	shalt  }

</sc_bundles>
